<compile_context>
chip_gen: v7x
topology: tpu7x:2x2x1
jax: 0.10.2.dev20260603
libtpu: 0.0.44.dev20260713+nightly
codegen_flags: <defaults>
</compile_context>

<pallas_src>
import functools

import jax
import jax.numpy as jnp
from jax import lax
from jax.experimental import pallas as pl
from jax.experimental.pallas import tpu as pltpu
from jax.experimental.pallas import tpu_sc as plsc

N = 10000
NP = 10240
E = 320000
D = 128

NC = 2
NS = 16
K = 40
EPC = E // NC
EPT = EPC // NS
NCHUNK = EPT // K
RPT = NP // NS

_MESH = plsc.VectorSubcoreMesh(core_axis_name="c", subcore_axis_name="s")


KD = 128
DNB = 6
DNC = EPT // KD
DTAIL = EPT - DNC * KD
DGROUP = DNC // DNB


@functools.partial(
    pl.kernel,
    out_type=jax.ShapeDtypeStruct((NC, 2, NP), jnp.float32),
    mesh=_MESH,
    scratch_types=[
        pltpu.VMEM_SHARED((NP,), jnp.float32),
        pltpu.VMEM_SHARED((NP,), jnp.float32),
        [pltpu.VMEM((KD,), jnp.int32)] * DNB,
        [pltpu.VMEM((KD,), jnp.int32)] * DNB,
        pltpu.VMEM((DTAIL,), jnp.int32),
        pltpu.VMEM((DTAIL,), jnp.int32),
        [pltpu.SemaphoreType.DMA] * DNB,
        pltpu.VMEM((RPT,), jnp.float32),
        pltpu.VMEM((KD,), jnp.float32),
    ],
)
def _deg_kernel(src_hbm, dst_hbm, out_hbm, acc_o, acc_i, sidx, didx,
                tsidx, tdidx, isem, zbuf, ones):
    c = lax.axis_index("c")
    s = lax.axis_index("s")

    def fill_z(j, carry):
        zbuf[pl.ds(j * 16, 16)] = jnp.zeros((16,), jnp.float32)
        return carry

    lax.fori_loop(0, RPT // 16, fill_z, 0)

    def fill_o(j, carry):
        ones[pl.ds(j * 16, 16)] = jnp.full((16,), 1.0, jnp.float32)
        return carry

    lax.fori_loop(0, KD // 16, fill_o, 0)

    pltpu.sync_copy(zbuf, acc_o.at[pl.ds(s * RPT, RPT)])
    pltpu.sync_copy(zbuf, acc_i.at[pl.ds(s * RPT, RPT)])
    plsc.subcore_barrier()

    tile_base = c * EPC + s * EPT

    def load_idx(i, b):
        base = pl.multiple_of(tile_base + i * KD, 8)
        pltpu.async_copy(src_hbm.at[pl.ds(base, KD)], sidx[b], isem[b])
        pltpu.async_copy(dst_hbm.at[pl.ds(base, KD)], didx[b], isem[b])

    def wait_idx(b):
        pltpu.make_async_copy(src_hbm.at[pl.ds(0, KD)], sidx[b], isem[b]).wait()
        pltpu.make_async_copy(dst_hbm.at[pl.ds(0, KD)], didx[b], isem[b]).wait()

    for b in range(DNB):
        load_idx(b, b)

    def group(g, carry):
        for b in range(DNB):
            wait_idx(b)
            pltpu.sync_copy(ones, acc_o.at[sidx[b]], add=True)
            pltpu.sync_copy(ones, acc_i.at[didx[b]], add=True)

            @pl.when(g < DGROUP - 1)
            def _():
                load_idx((g + 1) * DNB + b, b)

        return carry

    lax.fori_loop(0, DGROUP, group, 0)

    tbase = pl.multiple_of(tile_base + DNC * KD, 8)
    pltpu.sync_copy(src_hbm.at[pl.ds(tbase, DTAIL)], tsidx)
    pltpu.sync_copy(dst_hbm.at[pl.ds(tbase, DTAIL)], tdidx)
    pltpu.sync_copy(ones.at[pl.ds(0, DTAIL)], acc_o.at[tsidx], add=True)
    pltpu.sync_copy(ones.at[pl.ds(0, DTAIL)], acc_i.at[tdidx], add=True)

    plsc.subcore_barrier()

    off = pl.multiple_of(s * RPT, 8)
    pltpu.sync_copy(acc_o.at[pl.ds(off, RPT)], out_hbm.at[c, 0, pl.ds(off, RPT)])
    pltpu.sync_copy(acc_i.at[pl.ds(off, RPT)], out_hbm.at[c, 1, pl.ds(off, RPT)])


NBUF = 5
NGROUP = NCHUNK // NBUF


@functools.partial(
    pl.kernel,
    out_type=jax.ShapeDtypeStruct((NC, NP, D), jnp.float32),
    mesh=_MESH,
    scratch_types=[
        pltpu.VMEM_SHARED((NP, D), jnp.float32),
        [[pltpu.VMEM((K,), jnp.int32)] * NBUF] * 2,
        [[pltpu.VMEM((K,), jnp.int32)] * NBUF] * 2,
        [pltpu.VMEM((K, D), jnp.float32)] * NBUF,
        [pltpu.SemaphoreType.DMA] * NBUF,
        [[pltpu.SemaphoreType.DMA] * NBUF] * 2,
    ],
)
def _agg_kernel(y_hbm, src_hbm, dst_hbm, out_hbm, acc, sidx, didx, rowss,
                gsem, isem):
    c = lax.axis_index("c")
    s = lax.axis_index("s")

    def fill_z(r, carry):
        for cb in range(D // 16):
            rowss[0][r, pl.ds(cb * 16, 16)] = jnp.zeros((16,), jnp.float32)
        return carry

    lax.fori_loop(0, K, fill_z, 0)

    def zero_acc(j, carry):
        pltpu.sync_copy(rowss[0], acc.at[pl.ds(s * RPT + j * K, K)])
        return carry

    lax.fori_loop(0, RPT // K, zero_acc, 0)
    plsc.subcore_barrier()

    tile_base = c * EPC + s * EPT

    def load_idx(i, p, b):
        base = pl.multiple_of(tile_base + i * K, 8)
        pltpu.async_copy(src_hbm.at[pl.ds(base, K)], sidx[p][b], isem[p][b])
        pltpu.async_copy(dst_hbm.at[pl.ds(base, K)], didx[p][b], isem[p][b])

    def wait_idx(p, b):
        pltpu.make_async_copy(src_hbm.at[pl.ds(0, K)], sidx[p][b], isem[p][b]).wait()
        pltpu.make_async_copy(dst_hbm.at[pl.ds(0, K)], didx[p][b], isem[p][b]).wait()

    for b in range(NBUF):
        load_idx(b, 0, b)
    for b in range(NBUF):
        wait_idx(0, b)
        pltpu.async_copy(y_hbm.at[sidx[0][b]], rowss[b], gsem[b])
        load_idx(NBUF + b, 1, b)

    def dgroup(gg, carry):
        for p in range(2):
            g = gg * 2 + p
            p1 = 1 - p
            for b in range(NBUF):
                pltpu.make_async_copy(y_hbm.at[sidx[p][b]], rowss[b], gsem[b]).wait()
                pltpu.sync_copy(rowss[b], acc.at[didx[p][b]], add=True)

                @pl.when(g < NGROUP - 1)
                def _():
                    wait_idx(p1, b)
                    pltpu.async_copy(y_hbm.at[sidx[p1][b]], rowss[b], gsem[b])

                @pl.when(g < NGROUP - 2)
                def _():
                    load_idx((g + 2) * NBUF + b, p, b)

        return carry

    lax.fori_loop(0, NGROUP // 2, dgroup, 0)
    plsc.subcore_barrier()

    off = pl.multiple_of(s * RPT, 8)
    pltpu.sync_copy(acc.at[pl.ds(off, RPT)], out_hbm.at[c, pl.ds(off, RPT)])


BN = 2048


def _norms(deg):
    ns = lax.rsqrt(jnp.maximum(deg[0] + deg[2], 1.0))
    nd = lax.rsqrt(jnp.maximum(deg[1] + deg[3], 1.0))
    return ns, nd


def _mm1_body(deg_ref, x_ref, w_ref, o_ref):
    ns, _ = _norms(deg_ref[...])
    o_ref[...] = jnp.dot(
        x_ref[...] * ns[:, None], w_ref[...], preferred_element_type=jnp.float32
    )


def _mid_body(deg_ref, p_ref, b_ref, w_ref, o_ref):
    ns, nd = _norms(deg_ref[...])
    agg = p_ref[0] + p_ref[1]
    h = jnp.maximum(agg * nd[:, None] + b_ref[...], 0.0)
    o_ref[...] = jnp.dot(
        h * ns[:, None], w_ref[...], preferred_element_type=jnp.float32
    )


def _fin_body(deg_ref, q_ref, b_ref, o_ref):
    _, nd = _norms(deg_ref[...])
    o_ref[...] = (q_ref[0] + q_ref[1]) * nd[:, None] + b_ref[...]


_DEG_SPEC = pl.BlockSpec((4, BN), lambda i: (0, i))
_ROW_SPEC = pl.BlockSpec((BN, D), lambda i: (i, 0))
_P_SPEC = pl.BlockSpec((2, BN, D), lambda i: (0, i, 0))
_W_SPEC = pl.BlockSpec((D, D), lambda i: (0, 0))
_B_SPEC = pl.BlockSpec((1, D), lambda i: (0, 0))
_OSHAPE = jax.ShapeDtypeStruct((NP, D), jnp.float32)


def _tc_mm1(deg, x, w):
    return pl.pallas_call(
        _mm1_body,
        grid=(NP // BN,),
        in_specs=[_DEG_SPEC, _ROW_SPEC, _W_SPEC],
        out_specs=_ROW_SPEC,
        out_shape=_OSHAPE,
    )(deg, x, w)


def _tc_mid(deg, p, b, w):
    return pl.pallas_call(
        _mid_body,
        grid=(NP // BN,),
        in_specs=[_DEG_SPEC, _P_SPEC, _B_SPEC, _W_SPEC],
        out_specs=_ROW_SPEC,
        out_shape=_OSHAPE,
    )(deg, p, b, w)


def _tc_fin(deg, q, b):
    return pl.pallas_call(
        _fin_body,
        grid=(NP // BN,),
        in_specs=[_DEG_SPEC, _P_SPEC, _B_SPEC],
        out_specs=_ROW_SPEC,
        out_shape=_OSHAPE,
    )(deg, q, b)


def kernel(x, edge_index, W1, b1, W2, b2):
    src = edge_index[0]
    dst = edge_index[1]

    deg = _deg_kernel(src, dst)
    deg = deg.reshape(2 * 2, NP)

    xp = jnp.zeros((NP, D), jnp.float32).at[:N].set(x)
    b1r = b1.reshape(1, D)
    b2r = b2.reshape(1, D)

    y1 = _tc_mm1(deg, xp, W1)
    p1 = _agg_kernel(y1, src, dst)
    y2 = _tc_mid(deg, p1, b1r, W2)
    p2 = _agg_kernel(y2, src, dst)
    out = _tc_fin(deg, p2, b2r)
    return out[:N]

# --- scband reference (transcript-rebuilt; emitter-appended) ---
"""Pipeline reference for scband-gcnnet-17918603559053 (READ-ONLY COPY).

The authoritative reference and input builder live on the scoring server;
editing this copy changes nothing except your own understanding.
"""

import jax, jax.numpy as jnp
import numpy as np

N = 10000
E = 320000
IN_DIM = 128
HID_DIM = 128
OUT_DIM = 128


def setup_inputs(seed: int = 0) -> dict:
    key = jax.random.key(seed)
    ks = jax.random.split(key, 6)
    x = jax.random.normal(ks[0], (N, IN_DIM), dtype=jnp.float32)
    edge_index = jax.random.randint(ks[1], (2, E), 0, N, dtype=jnp.int32)
    W1 = jax.random.normal(ks[2], (IN_DIM, HID_DIM), dtype=jnp.float32) * (1.0 / np.sqrt(IN_DIM))
    b1 = jnp.zeros((HID_DIM,), dtype=jnp.float32)
    W2 = jax.random.normal(ks[3], (HID_DIM, OUT_DIM), dtype=jnp.float32) * (1.0 / np.sqrt(HID_DIM))
    b2 = jnp.zeros((OUT_DIM,), dtype=jnp.float32)
    return {"x": x, "edge_index": edge_index, "W1": W1, "b1": b1, "W2": W2, "b2": b2}


def _gcn_layer(h, src, dst, W, b, act):
    # DGL GraphConv with norm='both': D_dst^{-1/2} A D_src^{-1/2} X W + b
    deg_out = jnp.bincount(src, length=N).astype(h.dtype)
    deg_in = jnp.bincount(dst, length=N).astype(h.dtype)
    norm_src = jnp.power(jnp.clip(deg_out, 1.0), -0.5)
    norm_dst = jnp.power(jnp.clip(deg_in, 1.0), -0.5)
    h = h * norm_src[:, None]
    h = h @ W
    msg = h[src]
    agg = jax.ops.segment_sum(msg, dst, num_segments=N)
    out = agg * norm_dst[:, None] + b
    if act is not None:
        out = act(out)
    return out


def reference(x, edge_index, W1, b1, W2, b2):
    src = edge_index[0]
    dst = edge_index[1]
    h = _gcn_layer(x, src, dst, W1, b1, jax.nn.relu)
    h = _gcn_layer(h, src, dst, W2, b2, None)
    return h

if __name__ == "__main__":
    import jax
    _d = setup_inputs()
    print(jax.jit(kernel)(*tuple(_d.values())))

</pallas_src>

<mosaic_0001>
#map = affine_map<(d0, d1) -> (0)>
#map1 = affine_map<(d0, d1) -> (0, 0, 0)>
module attributes {stable_mosaic.version = 14 : i64} {
  func.func @_deg_kernel(%arg0: i32, %arg1: i32, %arg2: memref<320000xi32, #tpu.memory_space<hbm>>, %arg3: memref<320000xi32, #tpu.memory_space<hbm>>, %arg4: memref<2x2x10240xf32, #tpu.memory_space<hbm>>, %arg5: memref<10240xf32, #tpu.memory_space<vmem_shared>>, %arg6: memref<10240xf32, #tpu.memory_space<vmem_shared>>, %arg7: memref<128xi32, #tpu.memory_space<vmem>>, %arg8: memref<128xi32, #tpu.memory_space<vmem>>, %arg9: memref<128xi32, #tpu.memory_space<vmem>>, %arg10: memref<128xi32, #tpu.memory_space<vmem>>, %arg11: memref<128xi32, #tpu.memory_space<vmem>>, %arg12: memref<128xi32, #tpu.memory_space<vmem>>, %arg13: memref<128xi32, #tpu.memory_space<vmem>>, %arg14: memref<128xi32, #tpu.memory_space<vmem>>, %arg15: memref<128xi32, #tpu.memory_space<vmem>>, %arg16: memref<128xi32, #tpu.memory_space<vmem>>, %arg17: memref<128xi32, #tpu.memory_space<vmem>>, %arg18: memref<128xi32, #tpu.memory_space<vmem>>, %arg19: memref<16xi32, #tpu.memory_space<vmem>>, %arg20: memref<16xi32, #tpu.memory_space<vmem>>, %arg21: memref<!tpu.dma_semaphore, #tpu.memory_space<semaphore_mem>>, %arg22: memref<!tpu.dma_semaphore, #tpu.memory_space<semaphore_mem>>, %arg23: memref<!tpu.dma_semaphore, #tpu.memory_space<semaphore_mem>>, %arg24: memref<!tpu.dma_semaphore, #tpu.memory_space<semaphore_mem>>, %arg25: memref<!tpu.dma_semaphore, #tpu.memory_space<semaphore_mem>>, %arg26: memref<!tpu.dma_semaphore, #tpu.memory_space<semaphore_mem>>, %arg27: memref<640xf32, #tpu.memory_space<vmem>>, %arg28: memref<128xf32, #tpu.memory_space<vmem>>) attributes {dimension_semantics = [#tpu.dimension_semantics<core_parallel>, #tpu.dimension_semantics<subcore_parallel>], iteration_bounds = array<i64: 2, 16>, scalar_prefetch = 0 : i64, scratch_operands = 24 : i64, tpu.core_type = #tpu.core_type<sc_vector_subcore>, window_params = [{transform_indices = #map}, {transform_indices = #map}, {transform_indices = #map1}]} {
    %scan3A = arith.constant 0 : i32
    %scan3A_0 = arith.constant 0 : i32
    %scan3A_1 = arith.constant 40 : i32
    %scan3A_2 = arith.addi %scan3A_0, %scan3A_1 : i32
    %scan3A_3 = arith.constant 1 : i32
    scf.for %scan3A_72 = %scan3A_0 to %scan3A_2 step %scan3A_3  : i32 {
      %broadcast_in_dim3A = arith.constant 0.000000e+00 : f32
      %broadcast_in_dim3A_73 = vector.broadcast %broadcast_in_dim3A : f32 to vector<16xf32>
      %mul3A_74 = arith.constant 16 : i32
      %mul3A_75 = arith.muli %scan3A_72, %mul3A_74 : i32
      %swap3A = arith.index_cast %mul3A_75 : i32 to index
      %swap3A_76 = tpu.vector_load %arg27[%swap3A] {strides = array<i32>} : memref<640xf32, #tpu.memory_space<vmem>>, vector<16xf32>,
      %swap3A_77 = vector.shape_cast %swap3A_76 : vector<16xf32> to vector<16xf32>
      %swap3A_78 = vector.shape_cast %broadcast_in_dim3A_73 : vector<16xf32> to vector<16xf32>
      tpu.vector_store %arg27[%swap3A], %swap3A_78 {strides = array<i32>} : memref<640xf32, #tpu.memory_space<vmem>>, vector<16xf32>,
    }
    %scan3A_4 = arith.constant 40 : i32
    %scan3A_5 = arith.constant 0 : i32
    %scan3A_6 = arith.constant 0 : i32
    %scan3A_7 = arith.constant 8 : i32
    %scan3A_8 = arith.addi %scan3A_6, %scan3A_7 : i32
    %scan3A_9 = arith.constant 1 : i32
    scf.for %scan3A_72 = %scan3A_6 to %scan3A_8 step %scan3A_9  : i32 {
      %broadcast_in_dim3A = arith.constant 1.000000e+00 : f32
      %broadcast_in_dim3A_73 = vector.broadcast %broadcast_in_dim3A : f32 to vector<16xf32>
      %mul3A_74 = arith.constant 16 : i32
      %mul3A_75 = arith.muli %scan3A_72, %mul3A_74 : i32
      %swap3A = arith.index_cast %mul3A_75 : i32 to index
      %swap3A_76 = tpu.vector_load %arg28[%swap3A] {strides = array<i32>} : memref<128xf32, #tpu.memory_space<vmem>>, vector<16xf32>,
      %swap3A_77 = vector.shape_cast %swap3A_76 : vector<16xf32> to vector<16xf32>
      %swap3A_78 = vector.shape_cast %broadcast_in_dim3A_73 : vector<16xf32> to vector<16xf32>
      tpu.vector_store %arg28[%swap3A], %swap3A_78 {strides = array<i32>} : memref<128xf32, #tpu.memory_space<vmem>>, vector<16xf32>,
    }
    %scan3A_10 = arith.constant 8 : i32
    %mul3A = arith.constant 640 : i32
    %mul3A_11 = arith.muli %arg1, %mul3A : i32
    "tpu.region"() ({
      %run_scoped3A_72 = tpu.sem_alloc : memref<!tpu.dma_semaphore, #tpu.memory_space<semaphore_mem>>
      %dma_start3A_73 = tpu.memref_slice %arg5[%mul3A_11] : memref<10240xf32, #tpu.memory_space<vmem_shared>> -> memref<640xf32, #tpu.memory_space<vmem_shared>>
      %dma_start3A_74 = tpu.memref_slice %arg5[%mul3A_11] : memref<10240xf32, #tpu.memory_space<vmem_shared>> -> memref<640xf32, #tpu.memory_space<vmem_shared>>
      tpu.enqueue_dma source(%arg27 : memref<640xf32, #tpu.memory_space<vmem>>) target(%dma_start3A_74 : memref<640xf32, #tpu.memory_space<vmem_shared>>) target_semaphore(%run_scoped3A_72 : memref<!tpu.dma_semaphore, #tpu.memory_space<semaphore_mem>>)
      %dma_wait3A = tpu.memref_slice %arg5[%mul3A_11] : memref<10240xf32, #tpu.memory_space<vmem_shared>> -> memref<640xf32, #tpu.memory_space<vmem_shared>>
      %dma_wait3A_75 = tpu.memref_slice %arg5[%mul3A_11] : memref<10240xf32, #tpu.memory_space<vmem_shared>> -> memref<640xf32, #tpu.memory_space<vmem_shared>>
      tpu.wait_dma2 semaphore(%run_scoped3A_72 : memref<!tpu.dma_semaphore, #tpu.memory_space<semaphore_mem>>) src(%arg27 : memref<640xf32, #tpu.memory_space<vmem>>) dst(%dma_wait3A_75 : memref<640xf32, #tpu.memory_space<vmem_shared>>)
      tpu.yield
    }) : () -> ()
    %mul3A_12 = arith.constant 640 : i32
    %mul3A_13 = arith.muli %arg1, %mul3A_12 : i32
    "tpu.region"() ({
      %run_scoped3A_72 = tpu.sem_alloc : memref<!tpu.dma_semaphore, #tpu.memory_space<semaphore_mem>>
      %dma_start3A_73 = tpu.memref_slice %arg6[%mul3A_13] : memref<10240xf32, #tpu.memory_space<vmem_shared>> -> memref<640xf32, #tpu.memory_space<vmem_shared>>
      %dma_start3A_74 = tpu.memref_slice %arg6[%mul3A_13] : memref<10240xf32, #tpu.memory_space<vmem_shared>> -> memref<640xf32, #tpu.memory_space<vmem_shared>>
      tpu.enqueue_dma source(%arg27 : memref<640xf32, #tpu.memory_space<vmem>>) target(%dma_start3A_74 : memref<640xf32, #tpu.memory_space<vmem_shared>>) target_semaphore(%run_scoped3A_72 : memref<!tpu.dma_semaphore, #tpu.memory_space<semaphore_mem>>)
      %dma_wait3A = tpu.memref_slice %arg6[%mul3A_13] : memref<10240xf32, #tpu.memory_space<vmem_shared>> -> memref<640xf32, #tpu.memory_space<vmem_shared>>
      %dma_wait3A_75 = tpu.memref_slice %arg6[%mul3A_13] : memref<10240xf32, #tpu.memory_space<vmem_shared>> -> memref<640xf32, #tpu.memory_space<vmem_shared>>
      tpu.wait_dma2 semaphore(%run_scoped3A_72 : memref<!tpu.dma_semaphore, #tpu.memory_space<semaphore_mem>>) src(%arg27 : memref<640xf32, #tpu.memory_space<vmem>>) dst(%dma_wait3A_75 : memref<640xf32, #tpu.memory_space<vmem_shared>>)
      tpu.yield
    }) : () -> ()
    %barrier3A = arith.constant 0 : index
    tpu.barrier barrier_id(%barrier3A)
    %mul3A_14 = arith.constant 160000 : i32
    %mul3A_15 = arith.muli %arg0, %mul3A_14 : i32
    %mul3A_16 = arith.constant 10000 : i32
    %mul3A_17 = arith.muli %arg1, %mul3A_16 : i32
    %add3A = arith.addi %mul3A_15, %mul3A_17 : i32
    %add3A_18 = arith.constant 0 : i32
    %add3A_19 = arith.addi %add3A, %add3A_18 : i32
    %multiple_of3A = tpu.assume_multiple %add3A_19, 8 : i32
    %dma_start3A = tpu.memref_slice %arg2[%multiple_of3A] : memref<320000xi32, #tpu.memory_space<hbm>> -> memref<128xi32, #tpu.memory_space<hbm>>
    %dma_start3A_20 = tpu.memref_slice %arg2[%multiple_of3A] : memref<320000xi32, #tpu.memory_space<hbm>> -> memref<128xi32, #tpu.memory_space<hbm>>
    tpu.enqueue_dma source(%dma_start3A_20 : memref<128xi32, #tpu.memory_space<hbm>>) target(%arg7 : memref<128xi32, #tpu.memory_space<vmem>>) target_semaphore(%arg21 : memref<!tpu.dma_semaphore, #tpu.memory_space<semaphore_mem>>)
    %dma_start3A_21 = tpu.memref_slice %arg3[%multiple_of3A] : memref<320000xi32, #tpu.memory_space<hbm>> -> memref<128xi32, #tpu.memory_space<hbm>>
    %dma_start3A_22 = tpu.memref_slice %arg3[%multiple_of3A] : memref<320000xi32, #tpu.memory_space<hbm>> -> memref<128xi32, #tpu.memory_space<hbm>>
    tpu.enqueue_dma source(%dma_start3A_22 : memref<128xi32, #tpu.memory_space<hbm>>) target(%arg13 : memref<128xi32, #tpu.memory_space<vmem>>) target_semaphore(%arg21 : memref<!tpu.dma_semaphore, #tpu.memory_space<semaphore_mem>>)
    %add3A_23 = arith.constant 128 : i32
    %add3A_24 = arith.addi %add3A, %add3A_23 : i32
    %multiple_of3A_25 = tpu.assume_multiple %add3A_24, 8 : i32
    %dma_start3A_26 = tpu.memref_slice %arg2[%multiple_of3A_25] : memref<320000xi32, #tpu.memory_space<hbm>> -> memref<128xi32, #tpu.memory_space<hbm>>
    %dma_start3A_27 = tpu.memref_slice %arg2[%multiple_of3A_25] : memref<320000xi32, #tpu.memory_space<hbm>> -> memref<128xi32, #tpu.memory_space<hbm>>
    tpu.enqueue_dma source(%dma_start3A_27 : memref<128xi32, #tpu.memory_space<hbm>>) target(%arg8 : memref<128xi32, #tpu.memory_space<vmem>>) target_semaphore(%arg22 : memref<!tpu.dma_semaphore, #tpu.memory_space<semaphore_mem>>)
    %dma_start3A_28 = tpu.memref_slice %arg3[%multiple_of3A_25] : memref<320000xi32, #tpu.memory_space<hbm>> -> memref<128xi32, #tpu.memory_space<hbm>>
    %dma_start3A_29 = tpu.memref_slice %arg3[%multiple_of3A_25] : memref<320000xi32, #tpu.memory_space<hbm>> -> memref<128xi32, #tpu.memory_space<hbm>>
    tpu.enqueue_dma source(%dma_start3A_29 : memref<128xi32, #tpu.memory_space<hbm>>) target(%arg14 : memref<128xi32, #tpu.memory_space<vmem>>) target_semaphore(%arg22 : memref<!tpu.dma_semaphore, #tpu.memory_space<semaphore_mem>>)
    %add3A_30 = arith.constant 256 : i32
    %add3A_31 = arith.addi %add3A, %add3A_30 : i32
    %multiple_of3A_32 = tpu.assume_multiple %add3A_31, 8 : i32
    %dma_start3A_33 = tpu.memref_slice %arg2[%multiple_of3A_32] : memref<320000xi32, #tpu.memory_space<hbm>> -> memref<128xi32, #tpu.memory_space<hbm>>
    %dma_start3A_34 = tpu.memref_slice %arg2[%multiple_of3A_32] : memref<320000xi32, #tpu.memory_space<hbm>> -> memref<128xi32, #tpu.memory_space<hbm>>
    tpu.enqueue_dma source(%dma_start3A_34 : memref<128xi32, #tpu.memory_space<hbm>>) target(%arg9 : memref<128xi32, #tpu.memory_space<vmem>>) target_semaphore(%arg23 : memref<!tpu.dma_semaphore, #tpu.memory_space<semaphore_mem>>)
    %dma_start3A_35 = tpu.memref_slice %arg3[%multiple_of3A_32] : memref<320000xi32, #tpu.memory_space<hbm>> -> memref<128xi32, #tpu.memory_space<hbm>>
    %dma_start3A_36 = tpu.memref_slice %arg3[%multiple_of3A_32] : memref<320000xi32, #tpu.memory_space<hbm>> -> memref<128xi32, #tpu.memory_space<hbm>>
    tpu.enqueue_dma source(%dma_start3A_36 : memref<128xi32, #tpu.memory_space<hbm>>) target(%arg15 : memref<128xi32, #tpu.memory_space<vmem>>) target_semaphore(%arg23 : memref<!tpu.dma_semaphore, #tpu.memory_space<semaphore_mem>>)
    %add3A_37 = arith.constant 384 : i32
    %add3A_38 = arith.addi %add3A, %add3A_37 : i32
    %multiple_of3A_39 = tpu.assume_multiple %add3A_38, 8 : i32
    %dma_start3A_40 = tpu.memref_slice %arg2[%multiple_of3A_39] : memref<320000xi32, #tpu.memory_space<hbm>> -> memref<128xi32, #tpu.memory_space<hbm>>
    %dma_start3A_41 = tpu.memref_slice %arg2[%multiple_of3A_39] : memref<320000xi32, #tpu.memory_space<hbm>> -> memref<128xi32, #tpu.memory_space<hbm>>
    tpu.enqueue_dma source(%dma_start3A_41 : memref<128xi32, #tpu.memory_space<hbm>>) target(%arg10 : memref<128xi32, #tpu.memory_space<vmem>>) target_semaphore(%arg24 : memref<!tpu.dma_semaphore, #tpu.memory_space<semaphore_mem>>)
    %dma_start3A_42 = tpu.memref_slice %arg3[%multiple_of3A_39] : memref<320000xi32, #tpu.memory_space<hbm>> -> memref<128xi32, #tpu.memory_space<hbm>>
    %dma_start3A_43 = tpu.memref_slice %arg3[%multiple_of3A_39] : memref<320000xi32, #tpu.memory_space<hbm>> -> memref<128xi32, #tpu.memory_space<hbm>>
    tpu.enqueue_dma source(%dma_start3A_43 : memref<128xi32, #tpu.memory_space<hbm>>) target(%arg16 : memref<128xi32, #tpu.memory_space<vmem>>) target_semaphore(%arg24 : memref<!tpu.dma_semaphore, #tpu.memory_space<semaphore_mem>>)
    %add3A_44 = arith.constant 512 : i32
    %add3A_45 = arith.addi %add3A, %add3A_44 : i32
    %multiple_of3A_46 = tpu.assume_multiple %add3A_45, 8 : i32
    %dma_start3A_47 = tpu.memref_slice %arg2[%multiple_of3A_46] : memref<320000xi32, #tpu.memory_space<hbm>> -> memref<128xi32, #tpu.memory_space<hbm>>
    %dma_start3A_48 = tpu.memref_slice %arg2[%multiple_of3A_46] : memref<320000xi32, #tpu.memory_space<hbm>> -> memref<128xi32, #tpu.memory_space<hbm>>
    tpu.enqueue_dma source(%dma_start3A_48 : memref<128xi32, #tpu.memory_space<hbm>>) target(%arg11 : memref<128xi32, #tpu.memory_space<vmem>>) target_semaphore(%arg25 : memref<!tpu.dma_semaphore, #tpu.memory_space<semaphore_mem>>)
    %dma_start3A_49 = tpu.memref_slice %arg3[%multiple_of3A_46] : memref<320000xi32, #tpu.memory_space<hbm>> -> memref<128xi32, #tpu.memory_space<hbm>>
    %dma_start3A_50 = tpu.memref_slice %arg3[%multiple_of3A_46] : memref<320000xi32, #tpu.memory_space<hbm>> -> memref<128xi32, #tpu.memory_space<hbm>>
    tpu.enqueue_dma source(%dma_start3A_50 : memref<128xi32, #tpu.memory_space<hbm>>) target(%arg17 : memref<128xi32, #tpu.memory_space<vmem>>) target_semaphore(%arg25 : memref<!tpu.dma_semaphore, #tpu.memory_space<semaphore_mem>>)
    %add3A_51 = arith.constant 640 : i32
    %add3A_52 = arith.addi %add3A, %add3A_51 : i32
    %multiple_of3A_53 = tpu.assume_multiple %add3A_52, 8 : i32
    %dma_start3A_54 = tpu.memref_slice %arg2[%multiple_of3A_53] : memref<320000xi32, #tpu.memory_space<hbm>> -> memref<128xi32, #tpu.memory_space<hbm>>
    %dma_start3A_55 = tpu.memref_slice %arg2[%multiple_of3A_53] : memref<320000xi32, #tpu.memory_space<hbm>> -> memref<128xi32, #tpu.memory_space<hbm>>
    tpu.enqueue_dma source(%dma_start3A_55 : memref<128xi32, #tpu.memory_space<hbm>>) target(%arg12 : memref<128xi32, #tpu.memory_space<vmem>>) target_semaphore(%arg26 : memref<!tpu.dma_semaphore, #tpu.memory_space<semaphore_mem>>)
    %dma_start3A_56 = tpu.memref_slice %arg3[%multiple_of3A_53] : memref<320000xi32, #tpu.memory_space<hbm>> -> memref<128xi32, #tpu.memory_space<hbm>>
    %dma_start3A_57 = tpu.memref_slice %arg3[%multiple_of3A_53] : memref<320000xi32, #tpu.memory_space<hbm>> -> memref<128xi32, #tpu.memory_space<hbm>>
    tpu.enqueue_dma source(%dma_start3A_57 : memref<128xi32, #tpu.memory_space<hbm>>) target(%arg18 : memref<128xi32, #tpu.memory_space<vmem>>) target_semaphore(%arg26 : memref<!tpu.dma_semaphore, #tpu.memory_space<semaphore_mem>>)
    %scan3A_58 = arith.constant 0 : i32
    %scan3A_59 = arith.constant 0 : i32
    %scan3A_60 = arith.constant 13 : i32
    %scan3A_61 = arith.addi %scan3A_59, %scan3A_60 : i32
    %scan3A_62 = arith.constant 1 : i32
    scf.for %scan3A_72 = %scan3A_59 to %scan3A_61 step %scan3A_62  : i32 {
      %dma_wait3A = arith.constant 0 : i32
      %dma_wait3A_73 = tpu.memref_slice %arg2[%dma_wait3A] : memref<320000xi32, #tpu.memory_space<hbm>> -> memref<128xi32, #tpu.memory_space<hbm>>
      %dma_wait3A_74 = arith.constant 0 : i32
      %dma_wait3A_75 = tpu.memref_slice %arg2[%dma_wait3A_74] : memref<320000xi32, #tpu.memory_space<hbm>> -> memref<128xi32, #tpu.memory_space<hbm>>
      tpu.wait_dma2 semaphore(%arg21 : memref<!tpu.dma_semaphore, #tpu.memory_space<semaphore_mem>>) src(%dma_wait3A_75 : memref<128xi32, #tpu.memory_space<hbm>>) dst(%arg7 : memref<128xi32, #tpu.memory_space<vmem>>)
      %dma_wait3A_76 = arith.constant 0 : i32
      %dma_wait3A_77 = tpu.memref_slice %arg3[%dma_wait3A_76] : memref<320000xi32, #tpu.memory_space<hbm>> -> memref<128xi32, #tpu.memory_space<hbm>>
      %dma_wait3A_78 = arith.constant 0 : i32
      %dma_wait3A_79 = tpu.memref_slice %arg3[%dma_wait3A_78] : memref<320000xi32, #tpu.memory_space<hbm>> -> memref<128xi32, #tpu.memory_space<hbm>>
      tpu.wait_dma2 semaphore(%arg21 : memref<!tpu.dma_semaphore, #tpu.memory_space<semaphore_mem>>) src(%dma_wait3A_79 : memref<128xi32, #tpu.memory_space<hbm>>) dst(%arg13 : memref<128xi32, #tpu.memory_space<vmem>>)
      "tpu.region"() ({
        %run_scoped3A_147 = tpu.sem_alloc : memref<!tpu.dma_semaphore, #tpu.memory_space<semaphore_mem>>
        %dma_start3A_148 = arith.constant 0 : i32
        %dma_start3A_149 = tpu.memref_slice %arg5[%dma_start3A_148] : memref<10240xf32, #tpu.memory_space<vmem_shared>> -> memref<10240xf32, #tpu.memory_space<vmem_shared>>
        tpu.enqueue_indirect_dma source(%arg28 : memref<128xf32, #tpu.memory_space<vmem>>) target(%dma_start3A_149 : memref<10240xf32, #tpu.memory_space<vmem_shared>>) offsets(%arg7 : memref<128xi32, #tpu.memory_space<vmem>>) semaphore(%run_scoped3A_147 : memref<!tpu.dma_semaphore, #tpu.memory_space<semaphore_mem>>) {add = true}
        %dma_wait3A_150 = arith.constant 0 : i32
        %dma_wait3A_151 = tpu.memref_slice %arg5[%dma_wait3A_150] : memref<10240xf32, #tpu.memory_space<vmem_shared>> -> memref<10240xf32, #tpu.memory_space<vmem_shared>>
        tpu.wait_indirect_dma semaphore(%run_scoped3A_147 : memref<!tpu.dma_semaphore, #tpu.memory_space<semaphore_mem>>) src(%arg28 : memref<128xf32, #tpu.memory_space<vmem>>) dst(%dma_wait3A_151 : memref<10240xf32, #tpu.memory_space<vmem_shared>>)
        tpu.yield
      }) : () -> ()
      "tpu.region"() ({
        %run_scoped3A_147 = tpu.sem_alloc : memref<!tpu.dma_semaphore, #tpu.memory_space<semaphore_mem>>
        %dma_start3A_148 = arith.constant 0 : i32
        %dma_start3A_149 = tpu.memref_slice %arg6[%dma_start3A_148] : memref<10240xf32, #tpu.memory_space<vmem_shared>> -> memref<10240xf32, #tpu.memory_space<vmem_shared>>
        tpu.enqueue_indirect_dma source(%arg28 : memref<128xf32, #tpu.memory_space<vmem>>) target(%dma_start3A_149 : memref<10240xf32, #tpu.memory_space<vmem_shared>>) offsets(%arg13 : memref<128xi32, #tpu.memory_space<vmem>>) semaphore(%run_scoped3A_147 : memref<!tpu.dma_semaphore, #tpu.memory_space<semaphore_mem>>) {add = true}
        %dma_wait3A_150 = arith.constant 0 : i32
        %dma_wait3A_151 = tpu.memref_slice %arg6[%dma_wait3A_150] : memref<10240xf32, #tpu.memory_space<vmem_shared>> -> memref<10240xf32, #tpu.memory_space<vmem_shared>>
        tpu.wait_indirect_dma semaphore(%run_scoped3A_147 : memref<!tpu.dma_semaphore, #tpu.memory_space<semaphore_mem>>) src(%arg28 : memref<128xf32, #tpu.memory_space<vmem>>) dst(%dma_wait3A_151 : memref<10240xf32, #tpu.memory_space<vmem_shared>>)
        tpu.yield
      }) : () -> ()
      %lt3A = arith.constant 12 : i32
      %lt3A_80 = arith.cmpi slt, %scan3A_72, %lt3A : i32
      %convert_element_type3A = arith.extui %lt3A_80 : i1 to i32
      %cond3A = arith.constant 0 : i32
      %cond3A_81 = arith.cmpi ne, %convert_element_type3A, %cond3A : i32
      scf.if %cond3A_81 {
        %add3A_147 = arith.constant 1 : i32
        %add3A_148 = arith.addi %scan3A_72, %add3A_147 : i32
        %mul3A_149 = arith.constant 6 : i32
        %mul3A_150 = arith.muli %add3A_148, %mul3A_149 : i32
        %add3A_151 = arith.constant 0 : i32
        %add3A_152 = arith.addi %mul3A_150, %add3A_151 : i32
        %mul3A_153 = arith.constant 128 : i32
        %mul3A_154 = arith.muli %add3A_152, %mul3A_153 : i32
        %add3A_155 = arith.addi %add3A, %mul3A_154 : i32
        %multiple_of3A_156 = tpu.assume_multiple %add3A_155, 8 : i32
        %dma_start3A_157 = tpu.memref_slice %arg2[%multiple_of3A_156] : memref<320000xi32, #tpu.memory_space<hbm>> -> memref<128xi32, #tpu.memory_space<hbm>>
        %dma_start3A_158 = tpu.memref_slice %arg2[%multiple_of3A_156] : memref<320000xi32, #tpu.memory_space<hbm>> -> memref<128xi32, #tpu.memory_space<hbm>>
        tpu.enqueue_dma source(%dma_start3A_158 : memref<128xi32, #tpu.memory_space<hbm>>) target(%arg7 : memref<128xi32, #tpu.memory_space<vmem>>) target_semaphore(%arg21 : memref<!tpu.dma_semaphore, #tpu.memory_space<semaphore_mem>>)
        %dma_start3A_159 = tpu.memref_slice %arg3[%multiple_of3A_156] : memref<320000xi32, #tpu.memory_space<hbm>> -> memref<128xi32, #tpu.memory_space<hbm>>
        %dma_start3A_160 = tpu.memref_slice %arg3[%multiple_of3A_156] : memref<320000xi32, #tpu.memory_space<hbm>> -> memref<128xi32, #tpu.memory_space<hbm>>
        tpu.enqueue_dma source(%dma_start3A_160 : memref<128xi32, #tpu.memory_space<hbm>>) target(%arg13 : memref<128xi32, #tpu.memory_space<vmem>>) target_semaphore(%arg21 : memref<!tpu.dma_semaphore, #tpu.memory_space<semaphore_mem>>)
      } else {
      }
      %dma_wait3A_82 = arith.constant 0 : i32
      %dma_wait3A_83 = tpu.memref_slice %arg2[%dma_wait3A_82] : memref<320000xi32, #tpu.memory_space<hbm>> -> memref<128xi32, #tpu.memory_space<hbm>>
      %dma_wait3A_84 = arith.constant 0 : i32
      %dma_wait3A_85 = tpu.memref_slice %arg2[%dma_wait3A_84] : memref<320000xi32, #tpu.memory_space<hbm>> -> memref<128xi32, #tpu.memory_space<hbm>>
      tpu.wait_dma2 semaphore(%arg22 : memref<!tpu.dma_semaphore, #tpu.memory_space<semaphore_mem>>) src(%dma_wait3A_85 : memref<128xi32, #tpu.memory_space<hbm>>) dst(%arg8 : memref<128xi32, #tpu.memory_space<vmem>>)
      %dma_wait3A_86 = arith.constant 0 : i32
      %dma_wait3A_87 = tpu.memref_slice %arg3[%dma_wait3A_86] : memref<320000xi32, #tpu.memory_space<hbm>> -> memref<128xi32, #tpu.memory_space<hbm>>
      %dma_wait3A_88 = arith.constant 0 : i32
      %dma_wait3A_89 = tpu.memref_slice %arg3[%dma_wait3A_88] : memref<320000xi32, #tpu.memory_space<hbm>> -> memref<128xi32, #tpu.memory_space<hbm>>
      tpu.wait_dma2 semaphore(%arg22 : memref<!tpu.dma_semaphore, #tpu.memory_space<semaphore_mem>>) src(%dma_wait3A_89 : memref<128xi32, #tpu.memory_space<hbm>>) dst(%arg14 : memref<128xi32, #tpu.memory_space<vmem>>)
      "tpu.region"() ({
        %run_scoped3A_147 = tpu.sem_alloc : memref<!tpu.dma_semaphore, #tpu.memory_space<semaphore_mem>>
        %dma_start3A_148 = arith.constant 0 : i32
        %dma_start3A_149 = tpu.memref_slice %arg5[%dma_start3A_148] : memref<10240xf32, #tpu.memory_space<vmem_shared>> -> memref<10240xf32, #tpu.memory_space<vmem_shared>>
        tpu.enqueue_indirect_dma source(%arg28 : memref<128xf32, #tpu.memory_space<vmem>>) target(%dma_start3A_149 : memref<10240xf32, #tpu.memory_space<vmem_shared>>) offsets(%arg8 : memref<128xi32, #tpu.memory_space<vmem>>) semaphore(%run_scoped3A_147 : memref<!tpu.dma_semaphore, #tpu.memory_space<semaphore_mem>>) {add = true}
        %dma_wait3A_150 = arith.constant 0 : i32
        %dma_wait3A_151 = tpu.memref_slice %arg5[%dma_wait3A_150] : memref<10240xf32, #tpu.memory_space<vmem_shared>> -> memref<10240xf32, #tpu.memory_space<vmem_shared>>
        tpu.wait_indirect_dma semaphore(%run_scoped3A_147 : memref<!tpu.dma_semaphore, #tpu.memory_space<semaphore_mem>>) src(%arg28 : memref<128xf32, #tpu.memory_space<vmem>>) dst(%dma_wait3A_151 : memref<10240xf32, #tpu.memory_space<vmem_shared>>)
        tpu.yield
      }) : () -> ()
      "tpu.region"() ({
        %run_scoped3A_147 = tpu.sem_alloc : memref<!tpu.dma_semaphore, #tpu.memory_space<semaphore_mem>>
        %dma_start3A_148 = arith.constant 0 : i32
        %dma_start3A_149 = tpu.memref_slice %arg6[%dma_start3A_148] : memref<10240xf32, #tpu.memory_space<vmem_shared>> -> memref<10240xf32, #tpu.memory_space<vmem_shared>>
        tpu.enqueue_indirect_dma source(%arg28 : memref<128xf32, #tpu.memory_space<vmem>>) target(%dma_start3A_149 : memref<10240xf32, #tpu.memory_space<vmem_shared>>) offsets(%arg14 : memref<128xi32, #tpu.memory_space<vmem>>) semaphore(%run_scoped3A_147 : memref<!tpu.dma_semaphore, #tpu.memory_space<semaphore_mem>>) {add = true}
        %dma_wait3A_150 = arith.constant 0 : i32
        %dma_wait3A_151 = tpu.memref_slice %arg6[%dma_wait3A_150] : memref<10240xf32, #tpu.memory_space<vmem_shared>> -> memref<10240xf32, #tpu.memory_space<vmem_shared>>
        tpu.wait_indirect_dma semaphore(%run_scoped3A_147 : memref<!tpu.dma_semaphore, #tpu.memory_space<semaphore_mem>>) src(%arg28 : memref<128xf32, #tpu.memory_space<vmem>>) dst(%dma_wait3A_151 : memref<10240xf32, #tpu.memory_space<vmem_shared>>)
        tpu.yield
      }) : () -> ()
      %lt3A_90 = arith.constant 12 : i32
      %lt3A_91 = arith.cmpi slt, %scan3A_72, %lt3A_90 : i32
      %convert_element_type3A_92 = arith.extui %lt3A_91 : i1 to i32
      %cond3A_93 = arith.constant 0 : i32
      %cond3A_94 = arith.cmpi ne, %convert_element_type3A_92, %cond3A_93 : i32
      scf.if %cond3A_94 {
        %add3A_147 = arith.constant 1 : i32
        %add3A_148 = arith.addi %scan3A_72, %add3A_147 : i32
        %mul3A_149 = arith.constant 6 : i32
        %mul3A_150 = arith.muli %add3A_148, %mul3A_149 : i32
        %add3A_151 = arith.constant 1 : i32
        %add3A_152 = arith.addi %mul3A_150, %add3A_151 : i32
        %mul3A_153 = arith.constant 128 : i32
        %mul3A_154 = arith.muli %add3A_152, %mul3A_153 : i32
        %add3A_155 = arith.addi %add3A, %mul3A_154 : i32
        %multiple_of3A_156 = tpu.assume_multiple %add3A_155, 8 : i32
        %dma_start3A_157 = tpu.memref_slice %arg2[%multiple_of3A_156] : memref<320000xi32, #tpu.memory_space<hbm>> -> memref<128xi32, #tpu.memory_space<hbm>>
        %dma_start3A_158 = tpu.memref_slice %arg2[%multiple_of3A_156] : memref<320000xi32, #tpu.memory_space<hbm>> -> memref<128xi32, #tpu.memory_space<hbm>>
        tpu.enqueue_dma source(%dma_start3A_158 : memref<128xi32, #tpu.memory_space<hbm>>) target(%arg8 : memref<128xi32, #tpu.memory_space<vmem>>) target_semaphore(%arg22 : memref<!tpu.dma_semaphore, #tpu.memory_space<semaphore_mem>>)
        %dma_start3A_159 = tpu.memref_slice %arg3[%multiple_of3A_156] : memref<320000xi32, #tpu.memory_space<hbm>> -> memref<128xi32, #tpu.memory_space<hbm>>
        %dma_start3A_160 = tpu.memref_slice %arg3[%multiple_of3A_156] : memref<320000xi32, #tpu.memory_space<hbm>> -> memref<128xi32, #tpu.memory_space<hbm>>
        tpu.enqueue_dma source(%dma_start3A_160 : memref<128xi32, #tpu.memory_space<hbm>>) target(%arg14 : memref<128xi32, #tpu.memory_space<vmem>>) target_semaphore(%arg22 : memref<!tpu.dma_semaphore, #tpu.memory_space<semaphore_mem>>)
      } else {
      }
      %dma_wait3A_95 = arith.constant 0 : i32
      %dma_wait3A_96 = tpu.memref_slice %arg2[%dma_wait3A_95] : memref<320000xi32, #tpu.memory_space<hbm>> -> memref<128xi32, #tpu.memory_space<hbm>>
      %dma_wait3A_97 = arith.constant 0 : i32
      %dma_wait3A_98 = tpu.memref_slice %arg2[%dma_wait3A_97] : memref<320000xi32, #tpu.memory_space<hbm>> -> memref<128xi32, #tpu.memory_space<hbm>>
      tpu.wait_dma2 semaphore(%arg23 : memref<!tpu.dma_semaphore, #tpu.memory_space<semaphore_mem>>) src(%dma_wait3A_98 : memref<128xi32, #tpu.memory_space<hbm>>) dst(%arg9 : memref<128xi32, #tpu.memory_space<vmem>>)
      %dma_wait3A_99 = arith.constant 0 : i32
      %dma_wait3A_100 = tpu.memref_slice %arg3[%dma_wait3A_99] : memref<320000xi32, #tpu.memory_space<hbm>> -> memref<128xi32, #tpu.memory_space<hbm>>
      %dma_wait3A_101 = arith.constant 0 : i32
      %dma_wait3A_102 = tpu.memref_slice %arg3[%dma_wait3A_101] : memref<320000xi32, #tpu.memory_space<hbm>> -> memref<128xi32, #tpu.memory_space<hbm>>
      tpu.wait_dma2 semaphore(%arg23 : memref<!tpu.dma_semaphore, #tpu.memory_space<semaphore_mem>>) src(%dma_wait3A_102 : memref<128xi32, #tpu.memory_space<hbm>>) dst(%arg15 : memref<128xi32, #tpu.memory_space<vmem>>)
      "tpu.region"() ({
        %run_scoped3A_147 = tpu.sem_alloc : memref<!tpu.dma_semaphore, #tpu.memory_space<semaphore_mem>>
        %dma_start3A_148 = arith.constant 0 : i32
        %dma_start3A_149 = tpu.memref_slice %arg5[%dma_start3A_148] : memref<10240xf32, #tpu.memory_space<vmem_shared>> -> memref<10240xf32, #tpu.memory_space<vmem_shared>>
        tpu.enqueue_indirect_dma source(%arg28 : memref<128xf32, #tpu.memory_space<vmem>>) target(%dma_start3A_149 : memref<10240xf32, #tpu.memory_space<vmem_shared>>) offsets(%arg9 : memref<128xi32, #tpu.memory_space<vmem>>) semaphore(%run_scoped3A_147 : memref<!tpu.dma_semaphore, #tpu.memory_space<semaphore_mem>>) {add = true}
        %dma_wait3A_150 = arith.constant 0 : i32
        %dma_wait3A_151 = tpu.memref_slice %arg5[%dma_wait3A_150] : memref<10240xf32, #tpu.memory_space<vmem_shared>> -> memref<10240xf32, #tpu.memory_space<vmem_shared>>
        tpu.wait_indirect_dma semaphore(%run_scoped3A_147 : memref<!tpu.dma_semaphore, #tpu.memory_space<semaphore_mem>>) src(%arg28 : memref<128xf32, #tpu.memory_space<vmem>>) dst(%dma_wait3A_151 : memref<10240xf32, #tpu.memory_space<vmem_shared>>)
        tpu.yield
      }) : () -> ()
      "tpu.region"() ({
        %run_scoped3A_147 = tpu.sem_alloc : memref<!tpu.dma_semaphore, #tpu.memory_space<semaphore_mem>>
        %dma_start3A_148 = arith.constant 0 : i32
        %dma_start3A_149 = tpu.memref_slice %arg6[%dma_start3A_148] : memref<10240xf32, #tpu.memory_space<vmem_shared>> -> memref<10240xf32, #tpu.memory_space<vmem_shared>>
        tpu.enqueue_indirect_dma source(%arg28 : memref<128xf32, #tpu.memory_space<vmem>>) target(%dma_start3A_149 : memref<10240xf32, #tpu.memory_space<vmem_shared>>) offsets(%arg15 : memref<128xi32, #tpu.memory_space<vmem>>) semaphore(%run_scoped3A_147 : memref<!tpu.dma_semaphore, #tpu.memory_space<semaphore_mem>>) {add = true}
        %dma_wait3A_150 = arith.constant 0 : i32
        %dma_wait3A_151 = tpu.memref_slice %arg6[%dma_wait3A_150] : memref<10240xf32, #tpu.memory_space<vmem_shared>> -> memref<10240xf32, #tpu.memory_space<vmem_shared>>
        tpu.wait_indirect_dma semaphore(%run_scoped3A_147 : memref<!tpu.dma_semaphore, #tpu.memory_space<semaphore_mem>>) src(%arg28 : memref<128xf32, #tpu.memory_space<vmem>>) dst(%dma_wait3A_151 : memref<10240xf32, #tpu.memory_space<vmem_shared>>)
        tpu.yield
      }) : () -> ()
      %lt3A_103 = arith.constant 12 : i32
      %lt3A_104 = arith.cmpi slt, %scan3A_72, %lt3A_103 : i32
      %convert_element_type3A_105 = arith.extui %lt3A_104 : i1 to i32
      %cond3A_106 = arith.constant 0 : i32
      %cond3A_107 = arith.cmpi ne, %convert_element_type3A_105, %cond3A_106 : i32
      scf.if %cond3A_107 {
        %add3A_147 = arith.constant 1 : i32
        %add3A_148 = arith.addi %scan3A_72, %add3A_147 : i32
        %mul3A_149 = arith.constant 6 : i32
        %mul3A_150 = arith.muli %add3A_148, %mul3A_149 : i32
        %add3A_151 = arith.constant 2 : i32
        %add3A_152 = arith.addi %mul3A_150, %add3A_151 : i32
        %mul3A_153 = arith.constant 128 : i32
        %mul3A_154 = arith.muli %add3A_152, %mul3A_153 : i32
        %add3A_155 = arith.addi %add3A, %mul3A_154 : i32
        %multiple_of3A_156 = tpu.assume_multiple %add3A_155, 8 : i32
        %dma_start3A_157 = tpu.memref_slice %arg2[%multiple_of3A_156] : memref<320000xi32, #tpu.memory_space<hbm>> -> memref<128xi32, #tpu.memory_space<hbm>>
        %dma_start3A_158 = tpu.memref_slice %arg2[%multiple_of3A_156] : memref<320000xi32, #tpu.memory_space<hbm>> -> memref<128xi32, #tpu.memory_space<hbm>>
        tpu.enqueue_dma source(%dma_start3A_158 : memref<128xi32, #tpu.memory_space<hbm>>) target(%arg9 : memref<128xi32, #tpu.memory_space<vmem>>) target_semaphore(%arg23 : memref<!tpu.dma_semaphore, #tpu.memory_space<semaphore_mem>>)
        %dma_start3A_159 = tpu.memref_slice %arg3[%multiple_of3A_156] : memref<320000xi32, #tpu.memory_space<hbm>> -> memref<128xi32, #tpu.memory_space<hbm>>
        %dma_start3A_160 = tpu.memref_slice %arg3[%multiple_of3A_156] : memref<320000xi32, #tpu.memory_space<hbm>> -> memref<128xi32, #tpu.memory_space<hbm>>
        tpu.enqueue_dma source(%dma_start3A_160 : memref<128xi32, #tpu.memory_space<hbm>>) target(%arg15 : memref<128xi32, #tpu.memory_space<vmem>>) target_semaphore(%arg23 : memref<!tpu.dma_semaphore, #tpu.memory_space<semaphore_mem>>)
      } else {
      }
      %dma_wait3A_108 = arith.constant 0 : i32
      %dma_wait3A_109 = tpu.memref_slice %arg2[%dma_wait3A_108] : memref<320000xi32, #tpu.memory_space<hbm>> -> memref<128xi32, #tpu.memory_space<hbm>>
      %dma_wait3A_110 = arith.constant 0 : i32
      %dma_wait3A_111 = tpu.memref_slice %arg2[%dma_wait3A_110] : memref<320000xi32, #tpu.memory_space<hbm>> -> memref<128xi32, #tpu.memory_space<hbm>>
      tpu.wait_dma2 semaphore(%arg24 : memref<!tpu.dma_semaphore, #tpu.memory_space<semaphore_mem>>) src(%dma_wait3A_111 : memref<128xi32, #tpu.memory_space<hbm>>) dst(%arg10 : memref<128xi32, #tpu.memory_space<vmem>>)
      %dma_wait3A_112 = arith.constant 0 : i32
      %dma_wait3A_113 = tpu.memref_slice %arg3[%dma_wait3A_112] : memref<320000xi32, #tpu.memory_space<hbm>> -> memref<128xi32, #tpu.memory_space<hbm>>
      %dma_wait3A_114 = arith.constant 0 : i32
      %dma_wait3A_115 = tpu.memref_slice %arg3[%dma_wait3A_114] : memref<320000xi32, #tpu.memory_space<hbm>> -> memref<128xi32, #tpu.memory_space<hbm>>
      tpu.wait_dma2 semaphore(%arg24 : memref<!tpu.dma_semaphore, #tpu.memory_space<semaphore_mem>>) src(%dma_wait3A_115 : memref<128xi32, #tpu.memory_space<hbm>>) dst(%arg16 : memref<128xi32, #tpu.memory_space<vmem>>)
      "tpu.region"() ({
        %run_scoped3A_147 = tpu.sem_alloc : memref<!tpu.dma_semaphore, #tpu.memory_space<semaphore_mem>>
        %dma_start3A_148 = arith.constant 0 : i32
        %dma_start3A_149 = tpu.memref_slice %arg5[%dma_start3A_148] : memref<10240xf32, #tpu.memory_space<vmem_shared>> -> memref<10240xf32, #tpu.memory_space<vmem_shared>>
        tpu.enqueue_indirect_dma source(%arg28 : memref<128xf32, #tpu.memory_space<vmem>>) target(%dma_start3A_149 : memref<10240xf32, #tpu.memory_space<vmem_shared>>) offsets(%arg10 : memref<128xi32, #tpu.memory_space<vmem>>) semaphore(%run_scoped3A_147 : memref<!tpu.dma_semaphore, #tpu.memory_space<semaphore_mem>>) {add = true}
        %dma_wait3A_150 = arith.constant 0 : i32
        %dma_wait3A_151 = tpu.memref_slice %arg5[%dma_wait3A_150] : memref<10240xf32, #tpu.memory_space<vmem_shared>> -> memref<10240xf32, #tpu.memory_space<vmem_shared>>
        tpu.wait_indirect_dma semaphore(%run_scoped3A_147 : memref<!tpu.dma_semaphore, #tpu.memory_space<semaphore_mem>>) src(%arg28 : memref<128xf32, #tpu.memory_space<vmem>>) dst(%dma_wait3A_151 : memref<10240xf32, #tpu.memory_space<vmem_shared>>)
        tpu.yield
      }) : () -> ()
      "tpu.region"() ({
        %run_scoped3A_147 = tpu.sem_alloc : memref<!tpu.dma_semaphore, #tpu.memory_space<semaphore_mem>>
        %dma_start3A_148 = arith.constant 0 : i32
        %dma_start3A_149 = tpu.memref_slice %arg6[%dma_start3A_148] : memref<10240xf32, #tpu.memory_space<vmem_shared>> -> memref<10240xf32, #tpu.memory_space<vmem_shared>>
        tpu.enqueue_indirect_dma source(%arg28 : memref<128xf32, #tpu.memory_space<vmem>>) target(%dma_start3A_149 : memref<10240xf32, #tpu.memory_space<vmem_shared>>) offsets(%arg16 : memref<128xi32, #tpu.memory_space<vmem>>) semaphore(%run_scoped3A_147 : memref<!tpu.dma_semaphore, #tpu.memory_space<semaphore_mem>>) {add = true}
        %dma_wait3A_150 = arith.constant 0 : i32
        %dma_wait3A_151 = tpu.memref_slice %arg6[%dma_wait3A_150] : memref<10240xf32, #tpu.memory_space<vmem_shared>> -> memref<10240xf32, #tpu.memory_space<vmem_shared>>
        tpu.wait_indirect_dma semaphore(%run_scoped3A_147 : memref<!tpu.dma_semaphore, #tpu.memory_space<semaphore_mem>>) src(%arg28 : memref<128xf32, #tpu.memory_space<vmem>>) dst(%dma_wait3A_151 : memref<10240xf32, #tpu.memory_space<vmem_shared>>)
        tpu.yield
      }) : () -> ()
      %lt3A_116 = arith.constant 12 : i32
      %lt3A_117 = arith.cmpi slt, %scan3A_72, %lt3A_116 : i32
      %convert_element_type3A_118 = arith.extui %lt3A_117 : i1 to i32
      %cond3A_119 = arith.constant 0 : i32
      %cond3A_120 = arith.cmpi ne, %convert_element_type3A_118, %cond3A_119 : i32
      scf.if %cond3A_120 {
        %add3A_147 = arith.constant 1 : i32
        %add3A_148 = arith.addi %scan3A_72, %add3A_147 : i32
        %mul3A_149 = arith.constant 6 : i32
        %mul3A_150 = arith.muli %add3A_148, %mul3A_149 : i32
        %add3A_151 = arith.constant 3 : i32
        %add3A_152 = arith.addi %mul3A_150, %add3A_151 : i32
        %mul3A_153 = arith.constant 128 : i32
        %mul3A_154 = arith.muli %add3A_152, %mul3A_153 : i32
        %add3A_155 = arith.addi %add3A, %mul3A_154 : i32
        %multiple_of3A_156 = tpu.assume_multiple %add3A_155, 8 : i32
        %dma_start3A_157 = tpu.memref_slice %arg2[%multiple_of3A_156] : memref<320000xi32, #tpu.memory_space<hbm>> -> memref<128xi32, #tpu.memory_space<hbm>>
        %dma_start3A_158 = tpu.memref_slice %arg2[%multiple_of3A_156] : memref<320000xi32, #tpu.memory_space<hbm>> -> memref<128xi32, #tpu.memory_space<hbm>>
        tpu.enqueue_dma source(%dma_start3A_158 : memref<128xi32, #tpu.memory_space<hbm>>) target(%arg10 : memref<128xi32, #tpu.memory_space<vmem>>) target_semaphore(%arg24 : memref<!tpu.dma_semaphore, #tpu.memory_space<semaphore_mem>>)
        %dma_start3A_159 = tpu.memref_slice %arg3[%multiple_of3A_156] : memref<320000xi32, #tpu.memory_space<hbm>> -> memref<128xi32, #tpu.memory_space<hbm>>
        %dma_start3A_160 = tpu.memref_slice %arg3[%multiple_of3A_156] : memref<320000xi32, #tpu.memory_space<hbm>> -> memref<128xi32, #tpu.memory_space<hbm>>
        tpu.enqueue_dma source(%dma_start3A_160 : memref<128xi32, #tpu.memory_space<hbm>>) target(%arg16 : memref<128xi32, #tpu.memory_space<vmem>>) target_semaphore(%arg24 : memref<!tpu.dma_semaphore, #tpu.memory_space<semaphore_mem>>)
      } else {
      }
      %dma_wait3A_121 = arith.constant 0 : i32
      %dma_wait3A_122 = tpu.memref_slice %arg2[%dma_wait3A_121] : memref<320000xi32, #tpu.memory_space<hbm>> -> memref<128xi32, #tpu.memory_space<hbm>>
      %dma_wait3A_123 = arith.constant 0 : i32
      %dma_wait3A_124 = tpu.memref_slice %arg2[%dma_wait3A_123] : memref<320000xi32, #tpu.memory_space<hbm>> -> memref<128xi32, #tpu.memory_space<hbm>>
      tpu.wait_dma2 semaphore(%arg25 : memref<!tpu.dma_semaphore, #tpu.memory_space<semaphore_mem>>) src(%dma_wait3A_124 : memref<128xi32, #tpu.memory_space<hbm>>) dst(%arg11 : memref<128xi32, #tpu.memory_space<vmem>>)
      %dma_wait3A_125 = arith.constant 0 : i32
      %dma_wait3A_126 = tpu.memref_slice %arg3[%dma_wait3A_125] : memref<320000xi32, #tpu.memory_space<hbm>> -> memref<128xi32, #tpu.memory_space<hbm>>
      %dma_wait3A_127 = arith.constant 0 : i32
      %dma_wait3A_128 = tpu.memref_slice %arg3[%dma_wait3A_127] : memref<320000xi32, #tpu.memory_space<hbm>> -> memref<128xi32, #tpu.memory_space<hbm>>
      tpu.wait_dma2 semaphore(%arg25 : memref<!tpu.dma_semaphore, #tpu.memory_space<semaphore_mem>>) src(%dma_wait3A_128 : memref<128xi32, #tpu.memory_space<hbm>>) dst(%arg17 : memref<128xi32, #tpu.memory_space<vmem>>)
      "tpu.region"() ({
        %run_scoped3A_147 = tpu.sem_alloc : memref<!tpu.dma_semaphore, #tpu.memory_space<semaphore_mem>>
        %dma_start3A_148 = arith.constant 0 : i32
        %dma_start3A_149 = tpu.memref_slice %arg5[%dma_start3A_148] : memref<10240xf32, #tpu.memory_space<vmem_shared>> -> memref<10240xf32, #tpu.memory_space<vmem_shared>>
        tpu.enqueue_indirect_dma source(%arg28 : memref<128xf32, #tpu.memory_space<vmem>>) target(%dma_start3A_149 : memref<10240xf32, #tpu.memory_space<vmem_shared>>) offsets(%arg11 : memref<128xi32, #tpu.memory_space<vmem>>) semaphore(%run_scoped3A_147 : memref<!tpu.dma_semaphore, #tpu.memory_space<semaphore_mem>>) {add = true}
        %dma_wait3A_150 = arith.constant 0 : i32
        %dma_wait3A_151 = tpu.memref_slice %arg5[%dma_wait3A_150] : memref<10240xf32, #tpu.memory_space<vmem_shared>> -> memref<10240xf32, #tpu.memory_space<vmem_shared>>
        tpu.wait_indirect_dma semaphore(%run_scoped3A_147 : memref<!tpu.dma_semaphore, #tpu.memory_space<semaphore_mem>>) src(%arg28 : memref<128xf32, #tpu.memory_space<vmem>>) dst(%dma_wait3A_151 : memref<10240xf32, #tpu.memory_space<vmem_shared>>)
        tpu.yield
      }) : () -> ()
      "tpu.region"() ({
        %run_scoped3A_147 = tpu.sem_alloc : memref<!tpu.dma_semaphore, #tpu.memory_space<semaphore_mem>>
        %dma_start3A_148 = arith.constant 0 : i32
        %dma_start3A_149 = tpu.memref_slice %arg6[%dma_start3A_148] : memref<10240xf32, #tpu.memory_space<vmem_shared>> -> memref<10240xf32, #tpu.memory_space<vmem_shared>>
        tpu.enqueue_indirect_dma source(%arg28 : memref<128xf32, #tpu.memory_space<vmem>>) target(%dma_start3A_149 : memref<10240xf32, #tpu.memory_space<vmem_shared>>) offsets(%arg17 : memref<128xi32, #tpu.memory_space<vmem>>) semaphore(%run_scoped3A_147 : memref<!tpu.dma_semaphore, #tpu.memory_space<semaphore_mem>>) {add = true}
        %dma_wait3A_150 = arith.constant 0 : i32
        %dma_wait3A_151 = tpu.memref_slice %arg6[%dma_wait3A_150] : memref<10240xf32, #tpu.memory_space<vmem_shared>> -> memref<10240xf32, #tpu.memory_space<vmem_shared>>
        tpu.wait_indirect_dma semaphore(%run_scoped3A_147 : memref<!tpu.dma_semaphore, #tpu.memory_space<semaphore_mem>>) src(%arg28 : memref<128xf32, #tpu.memory_space<vmem>>) dst(%dma_wait3A_151 : memref<10240xf32, #tpu.memory_space<vmem_shared>>)
        tpu.yield
      }) : () -> ()
      %lt3A_129 = arith.constant 12 : i32
      %lt3A_130 = arith.cmpi slt, %scan3A_72, %lt3A_129 : i32
      %convert_element_type3A_131 = arith.extui %lt3A_130 : i1 to i32
      %cond3A_132 = arith.constant 0 : i32
      %cond3A_133 = arith.cmpi ne, %convert_element_type3A_131, %cond3A_132 : i32
      scf.if %cond3A_133 {
        %add3A_147 = arith.constant 1 : i32
        %add3A_148 = arith.addi %scan3A_72, %add3A_147 : i32
        %mul3A_149 = arith.constant 6 : i32
        %mul3A_150 = arith.muli %add3A_148, %mul3A_149 : i32
        %add3A_151 = arith.constant 4 : i32
        %add3A_152 = arith.addi %mul3A_150, %add3A_151 : i32
        %mul3A_153 = arith.constant 128 : i32
        %mul3A_154 = arith.muli %add3A_152, %mul3A_153 : i32
        %add3A_155 = arith.addi %add3A, %mul3A_154 : i32
        %multiple_of3A_156 = tpu.assume_multiple %add3A_155, 8 : i32
        %dma_start3A_157 = tpu.memref_slice %arg2[%multiple_of3A_156] : memref<320000xi32, #tpu.memory_space<hbm>> -> memref<128xi32, #tpu.memory_space<hbm>>
        %dma_start3A_158 = tpu.memref_slice %arg2[%multiple_of3A_156] : memref<320000xi32, #tpu.memory_space<hbm>> -> memref<128xi32, #tpu.memory_space<hbm>>
        tpu.enqueue_dma source(%dma_start3A_158 : memref<128xi32, #tpu.memory_space<hbm>>) target(%arg11 : memref<128xi32, #tpu.memory_space<vmem>>) target_semaphore(%arg25 : memref<!tpu.dma_semaphore, #tpu.memory_space<semaphore_mem>>)
        %dma_start3A_159 = tpu.memref_slice %arg3[%multiple_of3A_156] : memref<320000xi32, #tpu.memory_space<hbm>> -> memref<128xi32, #tpu.memory_space<hbm>>
        %dma_start3A_160 = tpu.memref_slice %arg3[%multiple_of3A_156] : memref<320000xi32, #tpu.memory_space<hbm>> -> memref<128xi32, #tpu.memory_space<hbm>>
        tpu.enqueue_dma source(%dma_start3A_160 : memref<128xi32, #tpu.memory_space<hbm>>) target(%arg17 : memref<128xi32, #tpu.memory_space<vmem>>) target_semaphore(%arg25 : memref<!tpu.dma_semaphore, #tpu.memory_space<semaphore_mem>>)
      } else {
      }
      %dma_wait3A_134 = arith.constant 0 : i32
      %dma_wait3A_135 = tpu.memref_slice %arg2[%dma_wait3A_134] : memref<320000xi32, #tpu.memory_space<hbm>> -> memref<128xi32, #tpu.memory_space<hbm>>
      %dma_wait3A_136 = arith.constant 0 : i32
      %dma_wait3A_137 = tpu.memref_slice %arg2[%dma_wait3A_136] : memref<320000xi32, #tpu.memory_space<hbm>> -> memref<128xi32, #tpu.memory_space<hbm>>
      tpu.wait_dma2 semaphore(%arg26 : memref<!tpu.dma_semaphore, #tpu.memory_space<semaphore_mem>>) src(%dma_wait3A_137 : memref<128xi32, #tpu.memory_space<hbm>>) dst(%arg12 : memref<128xi32, #tpu.memory_space<vmem>>)
      %dma_wait3A_138 = arith.constant 0 : i32
      %dma_wait3A_139 = tpu.memref_slice %arg3[%dma_wait3A_138] : memref<320000xi32, #tpu.memory_space<hbm>> -> memref<128xi32, #tpu.memory_space<hbm>>
      %dma_wait3A_140 = arith.constant 0 : i32
      %dma_wait3A_141 = tpu.memref_slice %arg3[%dma_wait3A_140] : memref<320000xi32, #tpu.memory_space<hbm>> -> memref<128xi32, #tpu.memory_space<hbm>>
      tpu.wait_dma2 semaphore(%arg26 : memref<!tpu.dma_semaphore, #tpu.memory_space<semaphore_mem>>) src(%dma_wait3A_141 : memref<128xi32, #tpu.memory_space<hbm>>) dst(%arg18 : memref<128xi32, #tpu.memory_space<vmem>>)
      "tpu.region"() ({
        %run_scoped3A_147 = tpu.sem_alloc : memref<!tpu.dma_semaphore, #tpu.memory_space<semaphore_mem>>
        %dma_start3A_148 = arith.constant 0 : i32
        %dma_start3A_149 = tpu.memref_slice %arg5[%dma_start3A_148] : memref<10240xf32, #tpu.memory_space<vmem_shared>> -> memref<10240xf32, #tpu.memory_space<vmem_shared>>
        tpu.enqueue_indirect_dma source(%arg28 : memref<128xf32, #tpu.memory_space<vmem>>) target(%dma_start3A_149 : memref<10240xf32, #tpu.memory_space<vmem_shared>>) offsets(%arg12 : memref<128xi32, #tpu.memory_space<vmem>>) semaphore(%run_scoped3A_147 : memref<!tpu.dma_semaphore, #tpu.memory_space<semaphore_mem>>) {add = true}
        %dma_wait3A_150 = arith.constant 0 : i32
        %dma_wait3A_151 = tpu.memref_slice %arg5[%dma_wait3A_150] : memref<10240xf32, #tpu.memory_space<vmem_shared>> -> memref<10240xf32, #tpu.memory_space<vmem_shared>>
        tpu.wait_indirect_dma semaphore(%run_scoped3A_147 : memref<!tpu.dma_semaphore, #tpu.memory_space<semaphore_mem>>) src(%arg28 : memref<128xf32, #tpu.memory_space<vmem>>) dst(%dma_wait3A_151 : memref<10240xf32, #tpu.memory_space<vmem_shared>>)
        tpu.yield
      }) : () -> ()
      "tpu.region"() ({
        %run_scoped3A_147 = tpu.sem_alloc : memref<!tpu.dma_semaphore, #tpu.memory_space<semaphore_mem>>
        %dma_start3A_148 = arith.constant 0 : i32
        %dma_start3A_149 = tpu.memref_slice %arg6[%dma_start3A_148] : memref<10240xf32, #tpu.memory_space<vmem_shared>> -> memref<10240xf32, #tpu.memory_space<vmem_shared>>
        tpu.enqueue_indirect_dma source(%arg28 : memref<128xf32, #tpu.memory_space<vmem>>) target(%dma_start3A_149 : memref<10240xf32, #tpu.memory_space<vmem_shared>>) offsets(%arg18 : memref<128xi32, #tpu.memory_space<vmem>>) semaphore(%run_scoped3A_147 : memref<!tpu.dma_semaphore, #tpu.memory_space<semaphore_mem>>) {add = true}
        %dma_wait3A_150 = arith.constant 0 : i32
        %dma_wait3A_151 = tpu.memref_slice %arg6[%dma_wait3A_150] : memref<10240xf32, #tpu.memory_space<vmem_shared>> -> memref<10240xf32, #tpu.memory_space<vmem_shared>>
        tpu.wait_indirect_dma semaphore(%run_scoped3A_147 : memref<!tpu.dma_semaphore, #tpu.memory_space<semaphore_mem>>) src(%arg28 : memref<128xf32, #tpu.memory_space<vmem>>) dst(%dma_wait3A_151 : memref<10240xf32, #tpu.memory_space<vmem_shared>>)
        tpu.yield
      }) : () -> ()
      %lt3A_142 = arith.constant 12 : i32
      %lt3A_143 = arith.cmpi slt, %scan3A_72, %lt3A_142 : i32
      %convert_element_type3A_144 = arith.extui %lt3A_143 : i1 to i32
      %cond3A_145 = arith.constant 0 : i32
      %cond3A_146 = arith.cmpi ne, %convert_element_type3A_144, %cond3A_145 : i32
      scf.if %cond3A_146 {
        %add3A_147 = arith.constant 1 : i32
        %add3A_148 = arith.addi %scan3A_72, %add3A_147 : i32
        %mul3A_149 = arith.constant 6 : i32
        %mul3A_150 = arith.muli %add3A_148, %mul3A_149 : i32
        %add3A_151 = arith.constant 5 : i32
        %add3A_152 = arith.addi %mul3A_150, %add3A_151 : i32
        %mul3A_153 = arith.constant 128 : i32
        %mul3A_154 = arith.muli %add3A_152, %mul3A_153 : i32
        %add3A_155 = arith.addi %add3A, %mul3A_154 : i32
        %multiple_of3A_156 = tpu.assume_multiple %add3A_155, 8 : i32
        %dma_start3A_157 = tpu.memref_slice %arg2[%multiple_of3A_156] : memref<320000xi32, #tpu.memory_space<hbm>> -> memref<128xi32, #tpu.memory_space<hbm>>
        %dma_start3A_158 = tpu.memref_slice %arg2[%multiple_of3A_156] : memref<320000xi32, #tpu.memory_space<hbm>> -> memref<128xi32, #tpu.memory_space<hbm>>
        tpu.enqueue_dma source(%dma_start3A_158 : memref<128xi32, #tpu.memory_space<hbm>>) target(%arg12 : memref<128xi32, #tpu.memory_space<vmem>>) target_semaphore(%arg26 : memref<!tpu.dma_semaphore, #tpu.memory_space<semaphore_mem>>)
        %dma_start3A_159 = tpu.memref_slice %arg3[%multiple_of3A_156] : memref<320000xi32, #tpu.memory_space<hbm>> -> memref<128xi32, #tpu.memory_space<hbm>>
        %dma_start3A_160 = tpu.memref_slice %arg3[%multiple_of3A_156] : memref<320000xi32, #tpu.memory_space<hbm>> -> memref<128xi32, #tpu.memory_space<hbm>>
        tpu.enqueue_dma source(%dma_start3A_160 : memref<128xi32, #tpu.memory_space<hbm>>) target(%arg18 : memref<128xi32, #tpu.memory_space<vmem>>) target_semaphore(%arg26 : memref<!tpu.dma_semaphore, #tpu.memory_space<semaphore_mem>>)
      } else {
      }
    }
    %scan3A_63 = arith.constant 13 : i32
    %add3A_64 = arith.constant 9984 : i32
    %add3A_65 = arith.addi %add3A, %add3A_64 : i32
    %multiple_of3A_66 = tpu.assume_multiple %add3A_65, 8 : i32
    "tpu.region"() ({
      %run_scoped3A_72 = tpu.sem_alloc : memref<!tpu.dma_semaphore, #tpu.memory_space<semaphore_mem>>
      %dma_start3A_73 = tpu.memref_slice %arg2[%multiple_of3A_66] : memref<320000xi32, #tpu.memory_space<hbm>> -> memref<16xi32, #tpu.memory_space<hbm>>
      %dma_start3A_74 = tpu.memref_slice %arg2[%multiple_of3A_66] : memref<320000xi32, #tpu.memory_space<hbm>> -> memref<16xi32, #tpu.memory_space<hbm>>
      tpu.enqueue_dma source(%dma_start3A_74 : memref<16xi32, #tpu.memory_space<hbm>>) target(%arg19 : memref<16xi32, #tpu.memory_space<vmem>>) target_semaphore(%run_scoped3A_72 : memref<!tpu.dma_semaphore, #tpu.memory_space<semaphore_mem>>)
      %dma_wait3A = tpu.memref_slice %arg2[%multiple_of3A_66] : memref<320000xi32, #tpu.memory_space<hbm>> -> memref<16xi32, #tpu.memory_space<hbm>>
      %dma_wait3A_75 = tpu.memref_slice %arg2[%multiple_of3A_66] : memref<320000xi32, #tpu.memory_space<hbm>> -> memref<16xi32, #tpu.memory_space<hbm>>
      tpu.wait_dma2 semaphore(%run_scoped3A_72 : memref<!tpu.dma_semaphore, #tpu.memory_space<semaphore_mem>>) src(%dma_wait3A_75 : memref<16xi32, #tpu.memory_space<hbm>>) dst(%arg19 : memref<16xi32, #tpu.memory_space<vmem>>)
      tpu.yield
    }) : () -> ()
    "tpu.region"() ({
      %run_scoped3A_72 = tpu.sem_alloc : memref<!tpu.dma_semaphore, #tpu.memory_space<semaphore_mem>>
      %dma_start3A_73 = tpu.memref_slice %arg3[%multiple_of3A_66] : memref<320000xi32, #tpu.memory_space<hbm>> -> memref<16xi32, #tpu.memory_space<hbm>>
      %dma_start3A_74 = tpu.memref_slice %arg3[%multiple_of3A_66] : memref<320000xi32, #tpu.memory_space<hbm>> -> memref<16xi32, #tpu.memory_space<hbm>>
      tpu.enqueue_dma source(%dma_start3A_74 : memref<16xi32, #tpu.memory_space<hbm>>) target(%arg20 : memref<16xi32, #tpu.memory_space<vmem>>) target_semaphore(%run_scoped3A_72 : memref<!tpu.dma_semaphore, #tpu.memory_space<semaphore_mem>>)
      %dma_wait3A = tpu.memref_slice %arg3[%multiple_of3A_66] : memref<320000xi32, #tpu.memory_space<hbm>> -> memref<16xi32, #tpu.memory_space<hbm>>
      %dma_wait3A_75 = tpu.memref_slice %arg3[%multiple_of3A_66] : memref<320000xi32, #tpu.memory_space<hbm>> -> memref<16xi32, #tpu.memory_space<hbm>>
      tpu.wait_dma2 semaphore(%run_scoped3A_72 : memref<!tpu.dma_semaphore, #tpu.memory_space<semaphore_mem>>) src(%dma_wait3A_75 : memref<16xi32, #tpu.memory_space<hbm>>) dst(%arg20 : memref<16xi32, #tpu.memory_space<vmem>>)
      tpu.yield
    }) : () -> ()
    "tpu.region"() ({
      %run_scoped3A_72 = tpu.sem_alloc : memref<!tpu.dma_semaphore, #tpu.memory_space<semaphore_mem>>
      %dma_start3A_73 = arith.constant 0 : i32
      %dma_start3A_74 = tpu.memref_slice %arg28[%dma_start3A_73] : memref<128xf32, #tpu.memory_space<vmem>> -> memref<16xf32, #tpu.memory_space<vmem>>
      %dma_start3A_75 = arith.constant 0 : i32
      %dma_start3A_76 = tpu.memref_slice %arg5[%dma_start3A_75] : memref<10240xf32, #tpu.memory_space<vmem_shared>> -> memref<10240xf32, #tpu.memory_space<vmem_shared>>
      tpu.enqueue_indirect_dma source(%dma_start3A_74 : memref<16xf32, #tpu.memory_space<vmem>>) target(%dma_start3A_76 : memref<10240xf32, #tpu.memory_space<vmem_shared>>) offsets(%arg19 : memref<16xi32, #tpu.memory_space<vmem>>) semaphore(%run_scoped3A_72 : memref<!tpu.dma_semaphore, #tpu.memory_space<semaphore_mem>>) {add = true}
      %dma_wait3A = arith.constant 0 : i32
      %dma_wait3A_77 = tpu.memref_slice %arg28[%dma_wait3A] : memref<128xf32, #tpu.memory_space<vmem>> -> memref<16xf32, #tpu.memory_space<vmem>>
      %dma_wait3A_78 = arith.constant 0 : i32
      %dma_wait3A_79 = tpu.memref_slice %arg5[%dma_wait3A_78] : memref<10240xf32, #tpu.memory_space<vmem_shared>> -> memref<10240xf32, #tpu.memory_space<vmem_shared>>
      tpu.wait_indirect_dma semaphore(%run_scoped3A_72 : memref<!tpu.dma_semaphore, #tpu.memory_space<semaphore_mem>>) src(%dma_wait3A_77 : memref<16xf32, #tpu.memory_space<vmem>>) dst(%dma_wait3A_79 : memref<10240xf32, #tpu.memory_space<vmem_shared>>)
      tpu.yield
    }) : () -> ()
    "tpu.region"() ({
      %run_scoped3A_72 = tpu.sem_alloc : memref<!tpu.dma_semaphore, #tpu.memory_space<semaphore_mem>>
      %dma_start3A_73 = arith.constant 0 : i32
      %dma_start3A_74 = tpu.memref_slice %arg28[%dma_start3A_73] : memref<128xf32, #tpu.memory_space<vmem>> -> memref<16xf32, #tpu.memory_space<vmem>>
      %dma_start3A_75 = arith.constant 0 : i32
      %dma_start3A_76 = tpu.memref_slice %arg6[%dma_start3A_75] : memref<10240xf32, #tpu.memory_space<vmem_shared>> -> memref<10240xf32, #tpu.memory_space<vmem_shared>>
      tpu.enqueue_indirect_dma source(%dma_start3A_74 : memref<16xf32, #tpu.memory_space<vmem>>) target(%dma_start3A_76 : memref<10240xf32, #tpu.memory_space<vmem_shared>>) offsets(%arg20 : memref<16xi32, #tpu.memory_space<vmem>>) semaphore(%run_scoped3A_72 : memref<!tpu.dma_semaphore, #tpu.memory_space<semaphore_mem>>) {add = true}
      %dma_wait3A = arith.constant 0 : i32
      %dma_wait3A_77 = tpu.memref_slice %arg28[%dma_wait3A] : memref<128xf32, #tpu.memory_space<vmem>> -> memref<16xf32, #tpu.memory_space<vmem>>
      %dma_wait3A_78 = arith.constant 0 : i32
      %dma_wait3A_79 = tpu.memref_slice %arg6[%dma_wait3A_78] : memref<10240xf32, #tpu.memory_space<vmem_shared>> -> memref<10240xf32, #tpu.memory_space<vmem_shared>>
      tpu.wait_indirect_dma semaphore(%run_scoped3A_72 : memref<!tpu.dma_semaphore, #tpu.memory_space<semaphore_mem>>) src(%dma_wait3A_77 : memref<16xf32, #tpu.memory_space<vmem>>) dst(%dma_wait3A_79 : memref<10240xf32, #tpu.memory_space<vmem_shared>>)
      tpu.yield
    }) : () -> ()
    %barrier3A_67 = arith.constant 0 : index
    tpu.barrier barrier_id(%barrier3A_67)
    %mul3A_68 = arith.constant 640 : i32
    %mul3A_69 = arith.muli %arg1, %mul3A_68 : i32
    %multiple_of3A_70 = tpu.assume_multiple %mul3A_69, 8 : i32
    %run_scoped3A = arith.constant 0 : i32
    "tpu.region"() ({
      %run_scoped3A_72 = tpu.sem_alloc : memref<!tpu.dma_semaphore, #tpu.memory_space<semaphore_mem>>
      %dma_start3A_73 = tpu.memref_slice %arg4[%arg0, %run_scoped3A, %multiple_of3A_70] : memref<2x2x10240xf32, #tpu.memory_space<hbm>> -> memref<1x1x640xf32, #tpu.memory_space<hbm>>
      %dma_start3A_74 = tpu.memref_squeeze %dma_start3A_73 : memref<1x1x640xf32, #tpu.memory_space<hbm>> -> memref<640xf32, #tpu.memory_space<hbm>>
      %dma_start3A_75 = tpu.memref_slice %arg5[%multiple_of3A_70] : memref<10240xf32, #tpu.memory_space<vmem_shared>> -> memref<640xf32, #tpu.memory_space<vmem_shared>>
      tpu.enqueue_dma source(%dma_start3A_75 : memref<640xf32, #tpu.memory_space<vmem_shared>>) target(%dma_start3A_74 : memref<640xf32, #tpu.memory_space<hbm>>) target_semaphore(%run_scoped3A_72 : memref<!tpu.dma_semaphore, #tpu.memory_space<semaphore_mem>>)
      %dma_wait3A = tpu.memref_slice %arg4[%arg0, %run_scoped3A, %multiple_of3A_70] : memref<2x2x10240xf32, #tpu.memory_space<hbm>> -> memref<1x1x640xf32, #tpu.memory_space<hbm>>
      %dma_wait3A_76 = tpu.memref_squeeze %dma_wait3A : memref<1x1x640xf32, #tpu.memory_space<hbm>> -> memref<640xf32, #tpu.memory_space<hbm>>
      %dma_wait3A_77 = tpu.memref_slice %arg5[%multiple_of3A_70] : memref<10240xf32, #tpu.memory_space<vmem_shared>> -> memref<640xf32, #tpu.memory_space<vmem_shared>>
      tpu.wait_dma2 semaphore(%run_scoped3A_72 : memref<!tpu.dma_semaphore, #tpu.memory_space<semaphore_mem>>) src(%dma_wait3A_77 : memref<640xf32, #tpu.memory_space<vmem_shared>>) dst(%dma_wait3A_76 : memref<640xf32, #tpu.memory_space<hbm>>)
      tpu.yield
    }) : () -> ()
    %run_scoped3A_71 = arith.constant 1 : i32
    "tpu.region"() ({
      %run_scoped3A_72 = tpu.sem_alloc : memref<!tpu.dma_semaphore, #tpu.memory_space<semaphore_mem>>
      %dma_start3A_73 = tpu.memref_slice %arg4[%arg0, %run_scoped3A_71, %multiple_of3A_70] : memref<2x2x10240xf32, #tpu.memory_space<hbm>> -> memref<1x1x640xf32, #tpu.memory_space<hbm>>
      %dma_start3A_74 = tpu.memref_squeeze %dma_start3A_73 : memref<1x1x640xf32, #tpu.memory_space<hbm>> -> memref<640xf32, #tpu.memory_space<hbm>>
      %dma_start3A_75 = tpu.memref_slice %arg6[%multiple_of3A_70] : memref<10240xf32, #tpu.memory_space<vmem_shared>> -> memref<640xf32, #tpu.memory_space<vmem_shared>>
      tpu.enqueue_dma source(%dma_start3A_75 : memref<640xf32, #tpu.memory_space<vmem_shared>>) target(%dma_start3A_74 : memref<640xf32, #tpu.memory_space<hbm>>) target_semaphore(%run_scoped3A_72 : memref<!tpu.dma_semaphore, #tpu.memory_space<semaphore_mem>>)
      %dma_wait3A = tpu.memref_slice %arg4[%arg0, %run_scoped3A_71, %multiple_of3A_70] : memref<2x2x10240xf32, #tpu.memory_space<hbm>> -> memref<1x1x640xf32, #tpu.memory_space<hbm>>
      %dma_wait3A_76 = tpu.memref_squeeze %dma_wait3A : memref<1x1x640xf32, #tpu.memory_space<hbm>> -> memref<640xf32, #tpu.memory_space<hbm>>
      %dma_wait3A_77 = tpu.memref_slice %arg6[%multiple_of3A_70] : memref<10240xf32, #tpu.memory_space<vmem_shared>> -> memref<640xf32, #tpu.memory_space<vmem_shared>>
      tpu.wait_dma2 semaphore(%run_scoped3A_72 : memref<!tpu.dma_semaphore, #tpu.memory_space<semaphore_mem>>) src(%dma_wait3A_77 : memref<640xf32, #tpu.memory_space<vmem_shared>>) dst(%dma_wait3A_76 : memref<640xf32, #tpu.memory_space<hbm>>)
      tpu.yield
    }) : () -> ()
    return
  }
}

#map = affine_map<(d0, d1) -> (0, 0)>
#map1 = affine_map<(d0, d1) -> (0)>
#map2 = affine_map<(d0, d1) -> (0, 0, 0)>
module attributes {stable_mosaic.version = 14 : i64} {
  func.func @_agg_kernel(%arg0: i32, %arg1: i32, %arg2: memref<10240x128xf32, #tpu.memory_space<hbm>>, %arg3: memref<320000xi32, #tpu.memory_space<hbm>>, %arg4: memref<320000xi32, #tpu.memory_space<hbm>>, %arg5: memref<2x10240x128xf32, #tpu.memory_space<hbm>>, %arg6: memref<10240x128xf32, #tpu.memory_space<vmem_shared>>, %arg7: memref<40xi32, #tpu.memory_space<vmem>>, %arg8: memref<40xi32, #tpu.memory_space<vmem>>, %arg9: memref<40xi32, #tpu.memory_space<vmem>>, %arg10: memref<40xi32, #tpu.memory_space<vmem>>, %arg11: memref<40xi32, #tpu.memory_space<vmem>>, %arg12: memref<40xi32, #tpu.memory_space<vmem>>, %arg13: memref<40xi32, #tpu.memory_space<vmem>>, %arg14: memref<40xi32, #tpu.memory_space<vmem>>, %arg15: memref<40xi32, #tpu.memory_space<vmem>>, %arg16: memref<40xi32, #tpu.memory_space<vmem>>, %arg17: memref<40xi32, #tpu.memory_space<vmem>>, %arg18: memref<40xi32, #tpu.memory_space<vmem>>, %arg19: memref<40xi32, #tpu.memory_space<vmem>>, %arg20: memref<40xi32, #tpu.memory_space<vmem>>, %arg21: memref<40xi32, #tpu.memory_space<vmem>>, %arg22: memref<40xi32, #tpu.memory_space<vmem>>, %arg23: memref<40xi32, #tpu.memory_space<vmem>>, %arg24: memref<40xi32, #tpu.memory_space<vmem>>, %arg25: memref<40xi32, #tpu.memory_space<vmem>>, %arg26: memref<40xi32, #tpu.memory_space<vmem>>, %arg27: memref<40x128xf32, #tpu.memory_space<vmem>>, %arg28: memref<40x128xf32, #tpu.memory_space<vmem>>, %arg29: memref<40x128xf32, #tpu.memory_space<vmem>>, %arg30: memref<40x128xf32, #tpu.memory_space<vmem>>, %arg31: memref<40x128xf32, #tpu.memory_space<vmem>>, %arg32: memref<!tpu.dma_semaphore, #tpu.memory_space<semaphore_mem>>, %arg33: memref<!tpu.dma_semaphore, #tpu.memory_space<semaphore_mem>>, %arg34: memref<!tpu.dma_semaphore, #tpu.memory_space<semaphore_mem>>, %arg35: memref<!tpu.dma_semaphore, #tpu.memory_space<semaphore_mem>>, %arg36: memref<!tpu.dma_semaphore, #tpu.memory_space<semaphore_mem>>, %arg37: memref<!tpu.dma_semaphore, #tpu.memory_space<semaphore_mem>>, %arg38: memref<!tpu.dma_semaphore, #tpu.memory_space<semaphore_mem>>, %arg39: memref<!tpu.dma_semaphore, #tpu.memory_space<semaphore_mem>>, %arg40: memref<!tpu.dma_semaphore, #tpu.memory_space<semaphore_mem>>, %arg41: memref<!tpu.dma_semaphore, #tpu.memory_space<semaphore_mem>>, %arg42: memref<!tpu.dma_semaphore, #tpu.memory_space<semaphore_mem>>, %arg43: memref<!tpu.dma_semaphore, #tpu.memory_space<semaphore_mem>>, %arg44: memref<!tpu.dma_semaphore, #tpu.memory_space<semaphore_mem>>, %arg45: memref<!tpu.dma_semaphore, #tpu.memory_space<semaphore_mem>>, %arg46: memref<!tpu.dma_semaphore, #tpu.memory_space<semaphore_mem>>) attributes {dimension_semantics = [#tpu.dimension_semantics<core_parallel>, #tpu.dimension_semantics<subcore_parallel>], iteration_bounds = array<i64: 2, 16>, scalar_prefetch = 0 : i64, scratch_operands = 41 : i64, tpu.core_type = #tpu.core_type<sc_vector_subcore>, window_params = [{transform_indices = #map}, {transform_indices = #map1}, {transform_indices = #map1}, {transform_indices = #map2}]} {
    %scan3A = arith.constant 0 : i32
    %scan3A_0 = arith.constant 0 : i32
    %scan3A_1 = arith.constant 40 : i32
    %scan3A_2 = arith.addi %scan3A_0, %scan3A_1 : i32
    %scan3A_3 = arith.constant 1 : i32
    scf.for %scan3A_146 = %scan3A_0 to %scan3A_2 step %scan3A_3  : i32 {
      %broadcast_in_dim3A = arith.constant 0.000000e+00 : f32
      %broadcast_in_dim3A_147 = vector.broadcast %broadcast_in_dim3A : f32 to vector<16xf32>
      %swap3A = arith.index_cast %scan3A_146 : i32 to index
      %swap3A_148 = arith.constant 0 : index
      %swap3A_149 = tpu.vector_load %arg27[%swap3A, %swap3A_148] {strides = array<i32>} : memref<40x128xf32, #tpu.memory_space<vmem>>, vector<1x16xf32>,
      %swap3A_150 = vector.shape_cast %swap3A_149 : vector<1x16xf32> to vector<16xf32>
      %swap3A_151 = vector.shape_cast %broadcast_in_dim3A_147 : vector<16xf32> to vector<1x16xf32>
      tpu.vector_store %arg27[%swap3A, %swap3A_148], %swap3A_151 {strides = array<i32>} : memref<40x128xf32, #tpu.memory_space<vmem>>, vector<1x16xf32>,
      %broadcast_in_dim3A_152 = arith.constant 0.000000e+00 : f32
      %broadcast_in_dim3A_153 = vector.broadcast %broadcast_in_dim3A_152 : f32 to vector<16xf32>
      %swap3A_154 = arith.index_cast %scan3A_146 : i32 to index
      %swap3A_155 = arith.constant 16 : index
      %swap3A_156 = tpu.vector_load %arg27[%swap3A_154, %swap3A_155] {strides = array<i32>} : memref<40x128xf32, #tpu.memory_space<vmem>>, vector<1x16xf32>,
      %swap3A_157 = vector.shape_cast %swap3A_156 : vector<1x16xf32> to vector<16xf32>
      %swap3A_158 = vector.shape_cast %broadcast_in_dim3A_153 : vector<16xf32> to vector<1x16xf32>
      tpu.vector_store %arg27[%swap3A_154, %swap3A_155], %swap3A_158 {strides = array<i32>} : memref<40x128xf32, #tpu.memory_space<vmem>>, vector<1x16xf32>,
      %broadcast_in_dim3A_159 = arith.constant 0.000000e+00 : f32
      %broadcast_in_dim3A_160 = vector.broadcast %broadcast_in_dim3A_159 : f32 to vector<16xf32>
      %swap3A_161 = arith.index_cast %scan3A_146 : i32 to index
      %swap3A_162 = arith.constant 32 : index
      %swap3A_163 = tpu.vector_load %arg27[%swap3A_161, %swap3A_162] {strides = array<i32>} : memref<40x128xf32, #tpu.memory_space<vmem>>, vector<1x16xf32>,
      %swap3A_164 = vector.shape_cast %swap3A_163 : vector<1x16xf32> to vector<16xf32>
      %swap3A_165 = vector.shape_cast %broadcast_in_dim3A_160 : vector<16xf32> to vector<1x16xf32>
      tpu.vector_store %arg27[%swap3A_161, %swap3A_162], %swap3A_165 {strides = array<i32>} : memref<40x128xf32, #tpu.memory_space<vmem>>, vector<1x16xf32>,
      %broadcast_in_dim3A_166 = arith.constant 0.000000e+00 : f32
      %broadcast_in_dim3A_167 = vector.broadcast %broadcast_in_dim3A_166 : f32 to vector<16xf32>
      %swap3A_168 = arith.index_cast %scan3A_146 : i32 to index
      %swap3A_169 = arith.constant 48 : index
      %swap3A_170 = tpu.vector_load %arg27[%swap3A_168, %swap3A_169] {strides = array<i32>} : memref<40x128xf32, #tpu.memory_space<vmem>>, vector<1x16xf32>,
      %swap3A_171 = vector.shape_cast %swap3A_170 : vector<1x16xf32> to vector<16xf32>
      %swap3A_172 = vector.shape_cast %broadcast_in_dim3A_167 : vector<16xf32> to vector<1x16xf32>
      tpu.vector_store %arg27[%swap3A_168, %swap3A_169], %swap3A_172 {strides = array<i32>} : memref<40x128xf32, #tpu.memory_space<vmem>>, vector<1x16xf32>,
      %broadcast_in_dim3A_173 = arith.constant 0.000000e+00 : f32
      %broadcast_in_dim3A_174 = vector.broadcast %broadcast_in_dim3A_173 : f32 to vector<16xf32>
      %swap3A_175 = arith.index_cast %scan3A_146 : i32 to index
      %swap3A_176 = arith.constant 64 : index
      %swap3A_177 = tpu.vector_load %arg27[%swap3A_175, %swap3A_176] {strides = array<i32>} : memref<40x128xf32, #tpu.memory_space<vmem>>, vector<1x16xf32>,
      %swap3A_178 = vector.shape_cast %swap3A_177 : vector<1x16xf32> to vector<16xf32>
      %swap3A_179 = vector.shape_cast %broadcast_in_dim3A_174 : vector<16xf32> to vector<1x16xf32>
      tpu.vector_store %arg27[%swap3A_175, %swap3A_176], %swap3A_179 {strides = array<i32>} : memref<40x128xf32, #tpu.memory_space<vmem>>, vector<1x16xf32>,
      %broadcast_in_dim3A_180 = arith.constant 0.000000e+00 : f32
      %broadcast_in_dim3A_181 = vector.broadcast %broadcast_in_dim3A_180 : f32 to vector<16xf32>
      %swap3A_182 = arith.index_cast %scan3A_146 : i32 to index
      %swap3A_183 = arith.constant 80 : index
      %swap3A_184 = tpu.vector_load %arg27[%swap3A_182, %swap3A_183] {strides = array<i32>} : memref<40x128xf32, #tpu.memory_space<vmem>>, vector<1x16xf32>,
      %swap3A_185 = vector.shape_cast %swap3A_184 : vector<1x16xf32> to vector<16xf32>
      %swap3A_186 = vector.shape_cast %broadcast_in_dim3A_181 : vector<16xf32> to vector<1x16xf32>
      tpu.vector_store %arg27[%swap3A_182, %swap3A_183], %swap3A_186 {strides = array<i32>} : memref<40x128xf32, #tpu.memory_space<vmem>>, vector<1x16xf32>,
      %broadcast_in_dim3A_187 = arith.constant 0.000000e+00 : f32
      %broadcast_in_dim3A_188 = vector.broadcast %broadcast_in_dim3A_187 : f32 to vector<16xf32>
      %swap3A_189 = arith.index_cast %scan3A_146 : i32 to index
      %swap3A_190 = arith.constant 96 : index
      %swap3A_191 = tpu.vector_load %arg27[%swap3A_189, %swap3A_190] {strides = array<i32>} : memref<40x128xf32, #tpu.memory_space<vmem>>, vector<1x16xf32>,
      %swap3A_192 = vector.shape_cast %swap3A_191 : vector<1x16xf32> to vector<16xf32>
      %swap3A_193 = vector.shape_cast %broadcast_in_dim3A_188 : vector<16xf32> to vector<1x16xf32>
      tpu.vector_store %arg27[%swap3A_189, %swap3A_190], %swap3A_193 {strides = array<i32>} : memref<40x128xf32, #tpu.memory_space<vmem>>, vector<1x16xf32>,
      %broadcast_in_dim3A_194 = arith.constant 0.000000e+00 : f32
      %broadcast_in_dim3A_195 = vector.broadcast %broadcast_in_dim3A_194 : f32 to vector<16xf32>
      %swap3A_196 = arith.index_cast %scan3A_146 : i32 to index
      %swap3A_197 = arith.constant 112 : index
      %swap3A_198 = tpu.vector_load %arg27[%swap3A_196, %swap3A_197] {strides = array<i32>} : memref<40x128xf32, #tpu.memory_space<vmem>>, vector<1x16xf32>,
      %swap3A_199 = vector.shape_cast %swap3A_198 : vector<1x16xf32> to vector<16xf32>
      %swap3A_200 = vector.shape_cast %broadcast_in_dim3A_195 : vector<16xf32> to vector<1x16xf32>
      tpu.vector_store %arg27[%swap3A_196, %swap3A_197], %swap3A_200 {strides = array<i32>} : memref<40x128xf32, #tpu.memory_space<vmem>>, vector<1x16xf32>,
    }
    %scan3A_4 = arith.constant 40 : i32
    %scan3A_5 = arith.constant 0 : i32
    %scan3A_6 = arith.constant 0 : i32
    %scan3A_7 = arith.constant 16 : i32
    %scan3A_8 = arith.addi %scan3A_6, %scan3A_7 : i32
    %scan3A_9 = arith.constant 1 : i32
    scf.for %scan3A_146 = %scan3A_6 to %scan3A_8 step %scan3A_9  : i32 {
      %mul3A_147 = arith.constant 640 : i32
      %mul3A_148 = arith.muli %arg1, %mul3A_147 : i32
      %mul3A_149 = arith.constant 40 : i32
      %mul3A_150 = arith.muli %scan3A_146, %mul3A_149 : i32
      %add3A_151 = arith.addi %mul3A_148, %mul3A_150 : i32
      "tpu.region"() ({
        %run_scoped3A = tpu.sem_alloc : memref<!tpu.dma_semaphore, #tpu.memory_space<semaphore_mem>>
        %dma_start3A_152 = arith.constant 0 : i32
        %dma_start3A_153 = tpu.memref_slice %arg6[%add3A_151, %dma_start3A_152] : memref<10240x128xf32, #tpu.memory_space<vmem_shared>> -> memref<40x128xf32, #tpu.memory_space<vmem_shared>>
        %dma_start3A_154 = arith.constant 0 : i32
        %dma_start3A_155 = tpu.memref_slice %arg6[%add3A_151, %dma_start3A_154] : memref<10240x128xf32, #tpu.memory_space<vmem_shared>> -> memref<40x128xf32, #tpu.memory_space<vmem_shared>>
        tpu.enqueue_dma source(%arg27 : memref<40x128xf32, #tpu.memory_space<vmem>>) target(%dma_start3A_155 : memref<40x128xf32, #tpu.memory_space<vmem_shared>>) target_semaphore(%run_scoped3A : memref<!tpu.dma_semaphore, #tpu.memory_space<semaphore_mem>>)
        %dma_wait3A_156 = arith.constant 0 : i32
        %dma_wait3A_157 = tpu.memref_slice %arg6[%add3A_151, %dma_wait3A_156] : memref<10240x128xf32, #tpu.memory_space<vmem_shared>> -> memref<40x128xf32, #tpu.memory_space<vmem_shared>>
        %dma_wait3A_158 = arith.constant 0 : i32
        %dma_wait3A_159 = tpu.memref_slice %arg6[%add3A_151, %dma_wait3A_158] : memref<10240x128xf32, #tpu.memory_space<vmem_shared>> -> memref<40x128xf32, #tpu.memory_space<vmem_shared>>
        tpu.wait_dma2 semaphore(%run_scoped3A : memref<!tpu.dma_semaphore, #tpu.memory_space<semaphore_mem>>) src(%arg27 : memref<40x128xf32, #tpu.memory_space<vmem>>) dst(%dma_wait3A_159 : memref<40x128xf32, #tpu.memory_space<vmem_shared>>)
        tpu.yield
      }) : () -> ()
    }
    %scan3A_10 = arith.constant 16 : i32
    %barrier3A = arith.constant 0 : index
    tpu.barrier barrier_id(%barrier3A)
    %mul3A = arith.constant 160000 : i32
    %mul3A_11 = arith.muli %arg0, %mul3A : i32
    %mul3A_12 = arith.constant 10000 : i32
    %mul3A_13 = arith.muli %arg1, %mul3A_12 : i32
    %add3A = arith.addi %mul3A_11, %mul3A_13 : i32
    %add3A_14 = arith.constant 0 : i32
    %add3A_15 = arith.addi %add3A, %add3A_14 : i32
    %multiple_of3A = tpu.assume_multiple %add3A_15, 8 : i32
    %dma_start3A = tpu.memref_slice %arg3[%multiple_of3A] : memref<320000xi32, #tpu.memory_space<hbm>> -> memref<40xi32, #tpu.memory_space<hbm>>
    %dma_start3A_16 = tpu.memref_slice %arg3[%multiple_of3A] : memref<320000xi32, #tpu.memory_space<hbm>> -> memref<40xi32, #tpu.memory_space<hbm>>
    tpu.enqueue_dma source(%dma_start3A_16 : memref<40xi32, #tpu.memory_space<hbm>>) target(%arg7 : memref<40xi32, #tpu.memory_space<vmem>>) target_semaphore(%arg37 : memref<!tpu.dma_semaphore, #tpu.memory_space<semaphore_mem>>)
    %dma_start3A_17 = tpu.memref_slice %arg4[%multiple_of3A] : memref<320000xi32, #tpu.memory_space<hbm>> -> memref<40xi32, #tpu.memory_space<hbm>>
    %dma_start3A_18 = tpu.memref_slice %arg4[%multiple_of3A] : memref<320000xi32, #tpu.memory_space<hbm>> -> memref<40xi32, #tpu.memory_space<hbm>>
    tpu.enqueue_dma source(%dma_start3A_18 : memref<40xi32, #tpu.memory_space<hbm>>) target(%arg17 : memref<40xi32, #tpu.memory_space<vmem>>) target_semaphore(%arg37 : memref<!tpu.dma_semaphore, #tpu.memory_space<semaphore_mem>>)
    %add3A_19 = arith.constant 40 : i32
    %add3A_20 = arith.addi %add3A, %add3A_19 : i32
    %multiple_of3A_21 = tpu.assume_multiple %add3A_20, 8 : i32
    %dma_start3A_22 = tpu.memref_slice %arg3[%multiple_of3A_21] : memref<320000xi32, #tpu.memory_space<hbm>> -> memref<40xi32, #tpu.memory_space<hbm>>
    %dma_start3A_23 = tpu.memref_slice %arg3[%multiple_of3A_21] : memref<320000xi32, #tpu.memory_space<hbm>> -> memref<40xi32, #tpu.memory_space<hbm>>
    tpu.enqueue_dma source(%dma_start3A_23 : memref<40xi32, #tpu.memory_space<hbm>>) target(%arg8 : memref<40xi32, #tpu.memory_space<vmem>>) target_semaphore(%arg38 : memref<!tpu.dma_semaphore, #tpu.memory_space<semaphore_mem>>)
    %dma_start3A_24 = tpu.memref_slice %arg4[%multiple_of3A_21] : memref<320000xi32, #tpu.memory_space<hbm>> -> memref<40xi32, #tpu.memory_space<hbm>>
    %dma_start3A_25 = tpu.memref_slice %arg4[%multiple_of3A_21] : memref<320000xi32, #tpu.memory_space<hbm>> -> memref<40xi32, #tpu.memory_space<hbm>>
    tpu.enqueue_dma source(%dma_start3A_25 : memref<40xi32, #tpu.memory_space<hbm>>) target(%arg18 : memref<40xi32, #tpu.memory_space<vmem>>) target_semaphore(%arg38 : memref<!tpu.dma_semaphore, #tpu.memory_space<semaphore_mem>>)
    %add3A_26 = arith.constant 80 : i32
    %add3A_27 = arith.addi %add3A, %add3A_26 : i32
    %multiple_of3A_28 = tpu.assume_multiple %add3A_27, 8 : i32
    %dma_start3A_29 = tpu.memref_slice %arg3[%multiple_of3A_28] : memref<320000xi32, #tpu.memory_space<hbm>> -> memref<40xi32, #tpu.memory_space<hbm>>
    %dma_start3A_30 = tpu.memref_slice %arg3[%multiple_of3A_28] : memref<320000xi32, #tpu.memory_space<hbm>> -> memref<40xi32, #tpu.memory_space<hbm>>
    tpu.enqueue_dma source(%dma_start3A_30 : memref<40xi32, #tpu.memory_space<hbm>>) target(%arg9 : memref<40xi32, #tpu.memory_space<vmem>>) target_semaphore(%arg39 : memref<!tpu.dma_semaphore, #tpu.memory_space<semaphore_mem>>)
    %dma_start3A_31 = tpu.memref_slice %arg4[%multiple_of3A_28] : memref<320000xi32, #tpu.memory_space<hbm>> -> memref<40xi32, #tpu.memory_space<hbm>>
    %dma_start3A_32 = tpu.memref_slice %arg4[%multiple_of3A_28] : memref<320000xi32, #tpu.memory_space<hbm>> -> memref<40xi32, #tpu.memory_space<hbm>>
    tpu.enqueue_dma source(%dma_start3A_32 : memref<40xi32, #tpu.memory_space<hbm>>) target(%arg19 : memref<40xi32, #tpu.memory_space<vmem>>) target_semaphore(%arg39 : memref<!tpu.dma_semaphore, #tpu.memory_space<semaphore_mem>>)
    %add3A_33 = arith.constant 120 : i32
    %add3A_34 = arith.addi %add3A, %add3A_33 : i32
    %multiple_of3A_35 = tpu.assume_multiple %add3A_34, 8 : i32
    %dma_start3A_36 = tpu.memref_slice %arg3[%multiple_of3A_35] : memref<320000xi32, #tpu.memory_space<hbm>> -> memref<40xi32, #tpu.memory_space<hbm>>
    %dma_start3A_37 = tpu.memref_slice %arg3[%multiple_of3A_35] : memref<320000xi32, #tpu.memory_space<hbm>> -> memref<40xi32, #tpu.memory_space<hbm>>
    tpu.enqueue_dma source(%dma_start3A_37 : memref<40xi32, #tpu.memory_space<hbm>>) target(%arg10 : memref<40xi32, #tpu.memory_space<vmem>>) target_semaphore(%arg40 : memref<!tpu.dma_semaphore, #tpu.memory_space<semaphore_mem>>)
    %dma_start3A_38 = tpu.memref_slice %arg4[%multiple_of3A_35] : memref<320000xi32, #tpu.memory_space<hbm>> -> memref<40xi32, #tpu.memory_space<hbm>>
    %dma_start3A_39 = tpu.memref_slice %arg4[%multiple_of3A_35] : memref<320000xi32, #tpu.memory_space<hbm>> -> memref<40xi32, #tpu.memory_space<hbm>>
    tpu.enqueue_dma source(%dma_start3A_39 : memref<40xi32, #tpu.memory_space<hbm>>) target(%arg20 : memref<40xi32, #tpu.memory_space<vmem>>) target_semaphore(%arg40 : memref<!tpu.dma_semaphore, #tpu.memory_space<semaphore_mem>>)
    %add3A_40 = arith.constant 160 : i32
    %add3A_41 = arith.addi %add3A, %add3A_40 : i32
    %multiple_of3A_42 = tpu.assume_multiple %add3A_41, 8 : i32
    %dma_start3A_43 = tpu.memref_slice %arg3[%multiple_of3A_42] : memref<320000xi32, #tpu.memory_space<hbm>> -> memref<40xi32, #tpu.memory_space<hbm>>
    %dma_start3A_44 = tpu.memref_slice %arg3[%multiple_of3A_42] : memref<320000xi32, #tpu.memory_space<hbm>> -> memref<40xi32, #tpu.memory_space<hbm>>
    tpu.enqueue_dma source(%dma_start3A_44 : memref<40xi32, #tpu.memory_space<hbm>>) target(%arg11 : memref<40xi32, #tpu.memory_space<vmem>>) target_semaphore(%arg41 : memref<!tpu.dma_semaphore, #tpu.memory_space<semaphore_mem>>)
    %dma_start3A_45 = tpu.memref_slice %arg4[%multiple_of3A_42] : memref<320000xi32, #tpu.memory_space<hbm>> -> memref<40xi32, #tpu.memory_space<hbm>>
    %dma_start3A_46 = tpu.memref_slice %arg4[%multiple_of3A_42] : memref<320000xi32, #tpu.memory_space<hbm>> -> memref<40xi32, #tpu.memory_space<hbm>>
    tpu.enqueue_dma source(%dma_start3A_46 : memref<40xi32, #tpu.memory_space<hbm>>) target(%arg21 : memref<40xi32, #tpu.memory_space<vmem>>) target_semaphore(%arg41 : memref<!tpu.dma_semaphore, #tpu.memory_space<semaphore_mem>>)
    %dma_wait3A = arith.constant 0 : i32
    %dma_wait3A_47 = tpu.memref_slice %arg3[%dma_wait3A] : memref<320000xi32, #tpu.memory_space<hbm>> -> memref<40xi32, #tpu.memory_space<hbm>>
    %dma_wait3A_48 = arith.constant 0 : i32
    %dma_wait3A_49 = tpu.memref_slice %arg3[%dma_wait3A_48] : memref<320000xi32, #tpu.memory_space<hbm>> -> memref<40xi32, #tpu.memory_space<hbm>>
    tpu.wait_dma2 semaphore(%arg37 : memref<!tpu.dma_semaphore, #tpu.memory_space<semaphore_mem>>) src(%dma_wait3A_49 : memref<40xi32, #tpu.memory_space<hbm>>) dst(%arg7 : memref<40xi32, #tpu.memory_space<vmem>>)
    %dma_wait3A_50 = arith.constant 0 : i32
    %dma_wait3A_51 = tpu.memref_slice %arg4[%dma_wait3A_50] : memref<320000xi32, #tpu.memory_space<hbm>> -> memref<40xi32, #tpu.memory_space<hbm>>
    %dma_wait3A_52 = arith.constant 0 : i32
    %dma_wait3A_53 = tpu.memref_slice %arg4[%dma_wait3A_52] : memref<320000xi32, #tpu.memory_space<hbm>> -> memref<40xi32, #tpu.memory_space<hbm>>
    tpu.wait_dma2 semaphore(%arg37 : memref<!tpu.dma_semaphore, #tpu.memory_space<semaphore_mem>>) src(%dma_wait3A_53 : memref<40xi32, #tpu.memory_space<hbm>>) dst(%arg17 : memref<40xi32, #tpu.memory_space<vmem>>)
    %dma_start3A_54 = arith.constant 0 : i32
    %dma_start3A_55 = arith.constant 0 : i32
    %dma_start3A_56 = tpu.memref_slice %arg2[%dma_start3A_54, %dma_start3A_55] : memref<10240x128xf32, #tpu.memory_space<hbm>> -> memref<10240x128xf32, #tpu.memory_space<hbm>>
    tpu.enqueue_indirect_dma source(%dma_start3A_56 : memref<10240x128xf32, #tpu.memory_space<hbm>>) target(%arg27 : memref<40x128xf32, #tpu.memory_space<vmem>>) offsets(%arg7 : memref<40xi32, #tpu.memory_space<vmem>>) semaphore(%arg32 : memref<!tpu.dma_semaphore, #tpu.memory_space<semaphore_mem>>)
    %add3A_57 = arith.constant 200 : i32
    %add3A_58 = arith.addi %add3A, %add3A_57 : i32
    %multiple_of3A_59 = tpu.assume_multiple %add3A_58, 8 : i32
    %dma_start3A_60 = tpu.memref_slice %arg3[%multiple_of3A_59] : memref<320000xi32, #tpu.memory_space<hbm>> -> memref<40xi32, #tpu.memory_space<hbm>>
    %dma_start3A_61 = tpu.memref_slice %arg3[%multiple_of3A_59] : memref<320000xi32, #tpu.memory_space<hbm>> -> memref<40xi32, #tpu.memory_space<hbm>>
    tpu.enqueue_dma source(%dma_start3A_61 : memref<40xi32, #tpu.memory_space<hbm>>) target(%arg12 : memref<40xi32, #tpu.memory_space<vmem>>) target_semaphore(%arg42 : memref<!tpu.dma_semaphore, #tpu.memory_space<semaphore_mem>>)
    %dma_start3A_62 = tpu.memref_slice %arg4[%multiple_of3A_59] : memref<320000xi32, #tpu.memory_space<hbm>> -> memref<40xi32, #tpu.memory_space<hbm>>
    %dma_start3A_63 = tpu.memref_slice %arg4[%multiple_of3A_59] : memref<320000xi32, #tpu.memory_space<hbm>> -> memref<40xi32, #tpu.memory_space<hbm>>
    tpu.enqueue_dma source(%dma_start3A_63 : memref<40xi32, #tpu.memory_space<hbm>>) target(%arg22 : memref<40xi32, #tpu.memory_space<vmem>>) target_semaphore(%arg42 : memref<!tpu.dma_semaphore, #tpu.memory_space<semaphore_mem>>)
    %dma_wait3A_64 = arith.constant 0 : i32
    %dma_wait3A_65 = tpu.memref_slice %arg3[%dma_wait3A_64] : memref<320000xi32, #tpu.memory_space<hbm>> -> memref<40xi32, #tpu.memory_space<hbm>>
    %dma_wait3A_66 = arith.constant 0 : i32
    %dma_wait3A_67 = tpu.memref_slice %arg3[%dma_wait3A_66] : memref<320000xi32, #tpu.memory_space<hbm>> -> memref<40xi32, #tpu.memory_space<hbm>>
    tpu.wait_dma2 semaphore(%arg38 : memref<!tpu.dma_semaphore, #tpu.memory_space<semaphore_mem>>) src(%dma_wait3A_67 : memref<40xi32, #tpu.memory_space<hbm>>) dst(%arg8 : memref<40xi32, #tpu.memory_space<vmem>>)
    %dma_wait3A_68 = arith.constant 0 : i32
    %dma_wait3A_69 = tpu.memref_slice %arg4[%dma_wait3A_68] : memref<320000xi32, #tpu.memory_space<hbm>> -> memref<40xi32, #tpu.memory_space<hbm>>
    %dma_wait3A_70 = arith.constant 0 : i32
    %dma_wait3A_71 = tpu.memref_slice %arg4[%dma_wait3A_70] : memref<320000xi32, #tpu.memory_space<hbm>> -> memref<40xi32, #tpu.memory_space<hbm>>
    tpu.wait_dma2 semaphore(%arg38 : memref<!tpu.dma_semaphore, #tpu.memory_space<semaphore_mem>>) src(%dma_wait3A_71 : memref<40xi32, #tpu.memory_space<hbm>>) dst(%arg18 : memref<40xi32, #tpu.memory_space<vmem>>)
    %dma_start3A_72 = arith.constant 0 : i32
    %dma_start3A_73 = arith.constant 0 : i32
    %dma_start3A_74 = tpu.memref_slice %arg2[%dma_start3A_72, %dma_start3A_73] : memref<10240x128xf32, #tpu.memory_space<hbm>> -> memref<10240x128xf32, #tpu.memory_space<hbm>>
    tpu.enqueue_indirect_dma source(%dma_start3A_74 : memref<10240x128xf32, #tpu.memory_space<hbm>>) target(%arg28 : memref<40x128xf32, #tpu.memory_space<vmem>>) offsets(%arg8 : memref<40xi32, #tpu.memory_space<vmem>>) semaphore(%arg33 : memref<!tpu.dma_semaphore, #tpu.memory_space<semaphore_mem>>)
    %add3A_75 = arith.constant 240 : i32
    %add3A_76 = arith.addi %add3A, %add3A_75 : i32
    %multiple_of3A_77 = tpu.assume_multiple %add3A_76, 8 : i32
    %dma_start3A_78 = tpu.memref_slice %arg3[%multiple_of3A_77] : memref<320000xi32, #tpu.memory_space<hbm>> -> memref<40xi32, #tpu.memory_space<hbm>>
    %dma_start3A_79 = tpu.memref_slice %arg3[%multiple_of3A_77] : memref<320000xi32, #tpu.memory_space<hbm>> -> memref<40xi32, #tpu.memory_space<hbm>>
    tpu.enqueue_dma source(%dma_start3A_79 : memref<40xi32, #tpu.memory_space<hbm>>) target(%arg13 : memref<40xi32, #tpu.memory_space<vmem>>) target_semaphore(%arg43 : memref<!tpu.dma_semaphore, #tpu.memory_space<semaphore_mem>>)
    %dma_start3A_80 = tpu.memref_slice %arg4[%multiple_of3A_77] : memref<320000xi32, #tpu.memory_space<hbm>> -> memref<40xi32, #tpu.memory_space<hbm>>
    %dma_start3A_81 = tpu.memref_slice %arg4[%multiple_of3A_77] : memref<320000xi32, #tpu.memory_space<hbm>> -> memref<40xi32, #tpu.memory_space<hbm>>
    tpu.enqueue_dma source(%dma_start3A_81 : memref<40xi32, #tpu.memory_space<hbm>>) target(%arg23 : memref<40xi32, #tpu.memory_space<vmem>>) target_semaphore(%arg43 : memref<!tpu.dma_semaphore, #tpu.memory_space<semaphore_mem>>)
    %dma_wait3A_82 = arith.constant 0 : i32
    %dma_wait3A_83 = tpu.memref_slice %arg3[%dma_wait3A_82] : memref<320000xi32, #tpu.memory_space<hbm>> -> memref<40xi32, #tpu.memory_space<hbm>>
    %dma_wait3A_84 = arith.constant 0 : i32
    %dma_wait3A_85 = tpu.memref_slice %arg3[%dma_wait3A_84] : memref<320000xi32, #tpu.memory_space<hbm>> -> memref<40xi32, #tpu.memory_space<hbm>>
    tpu.wait_dma2 semaphore(%arg39 : memref<!tpu.dma_semaphore, #tpu.memory_space<semaphore_mem>>) src(%dma_wait3A_85 : memref<40xi32, #tpu.memory_space<hbm>>) dst(%arg9 : memref<40xi32, #tpu.memory_space<vmem>>)
    %dma_wait3A_86 = arith.constant 0 : i32
    %dma_wait3A_87 = tpu.memref_slice %arg4[%dma_wait3A_86] : memref<320000xi32, #tpu.memory_space<hbm>> -> memref<40xi32, #tpu.memory_space<hbm>>
    %dma_wait3A_88 = arith.constant 0 : i32
    %dma_wait3A_89 = tpu.memref_slice %arg4[%dma_wait3A_88] : memref<320000xi32, #tpu.memory_space<hbm>> -> memref<40xi32, #tpu.memory_space<hbm>>
    tpu.wait_dma2 semaphore(%arg39 : memref<!tpu.dma_semaphore, #tpu.memory_space<semaphore_mem>>) src(%dma_wait3A_89 : memref<40xi32, #tpu.memory_space<hbm>>) dst(%arg19 : memref<40xi32, #tpu.memory_space<vmem>>)
    %dma_start3A_90 = arith.constant 0 : i32
    %dma_start3A_91 = arith.constant 0 : i32
    %dma_start3A_92 = tpu.memref_slice %arg2[%dma_start3A_90, %dma_start3A_91] : memref<10240x128xf32, #tpu.memory_space<hbm>> -> memref<10240x128xf32, #tpu.memory_space<hbm>>
    tpu.enqueue_indirect_dma source(%dma_start3A_92 : memref<10240x128xf32, #tpu.memory_space<hbm>>) target(%arg29 : memref<40x128xf32, #tpu.memory_space<vmem>>) offsets(%arg9 : memref<40xi32, #tpu.memory_space<vmem>>) semaphore(%arg34 : memref<!tpu.dma_semaphore, #tpu.memory_space<semaphore_mem>>)
    %add3A_93 = arith.constant 280 : i32
    %add3A_94 = arith.addi %add3A, %add3A_93 : i32
    %multiple_of3A_95 = tpu.assume_multiple %add3A_94, 8 : i32
    %dma_start3A_96 = tpu.memref_slice %arg3[%multiple_of3A_95] : memref<320000xi32, #tpu.memory_space<hbm>> -> memref<40xi32, #tpu.memory_space<hbm>>
    %dma_start3A_97 = tpu.memref_slice %arg3[%multiple_of3A_95] : memref<320000xi32, #tpu.memory_space<hbm>> -> memref<40xi32, #tpu.memory_space<hbm>>
    tpu.enqueue_dma source(%dma_start3A_97 : memref<40xi32, #tpu.memory_space<hbm>>) target(%arg14 : memref<40xi32, #tpu.memory_space<vmem>>) target_semaphore(%arg44 : memref<!tpu.dma_semaphore, #tpu.memory_space<semaphore_mem>>)
    %dma_start3A_98 = tpu.memref_slice %arg4[%multiple_of3A_95] : memref<320000xi32, #tpu.memory_space<hbm>> -> memref<40xi32, #tpu.memory_space<hbm>>
    %dma_start3A_99 = tpu.memref_slice %arg4[%multiple_of3A_95] : memref<320000xi32, #tpu.memory_space<hbm>> -> memref<40xi32, #tpu.memory_space<hbm>>
    tpu.enqueue_dma source(%dma_start3A_99 : memref<40xi32, #tpu.memory_space<hbm>>) target(%arg24 : memref<40xi32, #tpu.memory_space<vmem>>) target_semaphore(%arg44 : memref<!tpu.dma_semaphore, #tpu.memory_space<semaphore_mem>>)
    %dma_wait3A_100 = arith.constant 0 : i32
    %dma_wait3A_101 = tpu.memref_slice %arg3[%dma_wait3A_100] : memref<320000xi32, #tpu.memory_space<hbm>> -> memref<40xi32, #tpu.memory_space<hbm>>
    %dma_wait3A_102 = arith.constant 0 : i32
    %dma_wait3A_103 = tpu.memref_slice %arg3[%dma_wait3A_102] : memref<320000xi32, #tpu.memory_space<hbm>> -> memref<40xi32, #tpu.memory_space<hbm>>
    tpu.wait_dma2 semaphore(%arg40 : memref<!tpu.dma_semaphore, #tpu.memory_space<semaphore_mem>>) src(%dma_wait3A_103 : memref<40xi32, #tpu.memory_space<hbm>>) dst(%arg10 : memref<40xi32, #tpu.memory_space<vmem>>)
    %dma_wait3A_104 = arith.constant 0 : i32
    %dma_wait3A_105 = tpu.memref_slice %arg4[%dma_wait3A_104] : memref<320000xi32, #tpu.memory_space<hbm>> -> memref<40xi32, #tpu.memory_space<hbm>>
    %dma_wait3A_106 = arith.constant 0 : i32
    %dma_wait3A_107 = tpu.memref_slice %arg4[%dma_wait3A_106] : memref<320000xi32, #tpu.memory_space<hbm>> -> memref<40xi32, #tpu.memory_space<hbm>>
    tpu.wait_dma2 semaphore(%arg40 : memref<!tpu.dma_semaphore, #tpu.memory_space<semaphore_mem>>) src(%dma_wait3A_107 : memref<40xi32, #tpu.memory_space<hbm>>) dst(%arg20 : memref<40xi32, #tpu.memory_space<vmem>>)
    %dma_start3A_108 = arith.constant 0 : i32
    %dma_start3A_109 = arith.constant 0 : i32
    %dma_start3A_110 = tpu.memref_slice %arg2[%dma_start3A_108, %dma_start3A_109] : memref<10240x128xf32, #tpu.memory_space<hbm>> -> memref<10240x128xf32, #tpu.memory_space<hbm>>
    tpu.enqueue_indirect_dma source(%dma_start3A_110 : memref<10240x128xf32, #tpu.memory_space<hbm>>) target(%arg30 : memref<40x128xf32, #tpu.memory_space<vmem>>) offsets(%arg10 : memref<40xi32, #tpu.memory_space<vmem>>) semaphore(%arg35 : memref<!tpu.dma_semaphore, #tpu.memory_space<semaphore_mem>>)
    %add3A_111 = arith.constant 320 : i32
    %add3A_112 = arith.addi %add3A, %add3A_111 : i32
    %multiple_of3A_113 = tpu.assume_multiple %add3A_112, 8 : i32
    %dma_start3A_114 = tpu.memref_slice %arg3[%multiple_of3A_113] : memref<320000xi32, #tpu.memory_space<hbm>> -> memref<40xi32, #tpu.memory_space<hbm>>
    %dma_start3A_115 = tpu.memref_slice %arg3[%multiple_of3A_113] : memref<320000xi32, #tpu.memory_space<hbm>> -> memref<40xi32, #tpu.memory_space<hbm>>
    tpu.enqueue_dma source(%dma_start3A_115 : memref<40xi32, #tpu.memory_space<hbm>>) target(%arg15 : memref<40xi32, #tpu.memory_space<vmem>>) target_semaphore(%arg45 : memref<!tpu.dma_semaphore, #tpu.memory_space<semaphore_mem>>)
    %dma_start3A_116 = tpu.memref_slice %arg4[%multiple_of3A_113] : memref<320000xi32, #tpu.memory_space<hbm>> -> memref<40xi32, #tpu.memory_space<hbm>>
    %dma_start3A_117 = tpu.memref_slice %arg4[%multiple_of3A_113] : memref<320000xi32, #tpu.memory_space<hbm>> -> memref<40xi32, #tpu.memory_space<hbm>>
    tpu.enqueue_dma source(%dma_start3A_117 : memref<40xi32, #tpu.memory_space<hbm>>) target(%arg25 : memref<40xi32, #tpu.memory_space<vmem>>) target_semaphore(%arg45 : memref<!tpu.dma_semaphore, #tpu.memory_space<semaphore_mem>>)
    %dma_wait3A_118 = arith.constant 0 : i32
    %dma_wait3A_119 = tpu.memref_slice %arg3[%dma_wait3A_118] : memref<320000xi32, #tpu.memory_space<hbm>> -> memref<40xi32, #tpu.memory_space<hbm>>
    %dma_wait3A_120 = arith.constant 0 : i32
    %dma_wait3A_121 = tpu.memref_slice %arg3[%dma_wait3A_120] : memref<320000xi32, #tpu.memory_space<hbm>> -> memref<40xi32, #tpu.memory_space<hbm>>
    tpu.wait_dma2 semaphore(%arg41 : memref<!tpu.dma_semaphore, #tpu.memory_space<semaphore_mem>>) src(%dma_wait3A_121 : memref<40xi32, #tpu.memory_space<hbm>>) dst(%arg11 : memref<40xi32, #tpu.memory_space<vmem>>)
    %dma_wait3A_122 = arith.constant 0 : i32
    %dma_wait3A_123 = tpu.memref_slice %arg4[%dma_wait3A_122] : memref<320000xi32, #tpu.memory_space<hbm>> -> memref<40xi32, #tpu.memory_space<hbm>>
    %dma_wait3A_124 = arith.constant 0 : i32
    %dma_wait3A_125 = tpu.memref_slice %arg4[%dma_wait3A_124] : memref<320000xi32, #tpu.memory_space<hbm>> -> memref<40xi32, #tpu.memory_space<hbm>>
    tpu.wait_dma2 semaphore(%arg41 : memref<!tpu.dma_semaphore, #tpu.memory_space<semaphore_mem>>) src(%dma_wait3A_125 : memref<40xi32, #tpu.memory_space<hbm>>) dst(%arg21 : memref<40xi32, #tpu.memory_space<vmem>>)
    %dma_start3A_126 = arith.constant 0 : i32
    %dma_start3A_127 = arith.constant 0 : i32
    %dma_start3A_128 = tpu.memref_slice %arg2[%dma_start3A_126, %dma_start3A_127] : memref<10240x128xf32, #tpu.memory_space<hbm>> -> memref<10240x128xf32, #tpu.memory_space<hbm>>
    tpu.enqueue_indirect_dma source(%dma_start3A_128 : memref<10240x128xf32, #tpu.memory_space<hbm>>) target(%arg31 : memref<40x128xf32, #tpu.memory_space<vmem>>) offsets(%arg11 : memref<40xi32, #tpu.memory_space<vmem>>) semaphore(%arg36 : memref<!tpu.dma_semaphore, #tpu.memory_space<semaphore_mem>>)
    %add3A_129 = arith.constant 360 : i32
    %add3A_130 = arith.addi %add3A, %add3A_129 : i32
    %multiple_of3A_131 = tpu.assume_multiple %add3A_130, 8 : i32
    %dma_start3A_132 = tpu.memref_slice %arg3[%multiple_of3A_131] : memref<320000xi32, #tpu.memory_space<hbm>> -> memref<40xi32, #tpu.memory_space<hbm>>
    %dma_start3A_133 = tpu.memref_slice %arg3[%multiple_of3A_131] : memref<320000xi32, #tpu.memory_space<hbm>> -> memref<40xi32, #tpu.memory_space<hbm>>
    tpu.enqueue_dma source(%dma_start3A_133 : memref<40xi32, #tpu.memory_space<hbm>>) target(%arg16 : memref<40xi32, #tpu.memory_space<vmem>>) target_semaphore(%arg46 : memref<!tpu.dma_semaphore, #tpu.memory_space<semaphore_mem>>)
    %dma_start3A_134 = tpu.memref_slice %arg4[%multiple_of3A_131] : memref<320000xi32, #tpu.memory_space<hbm>> -> memref<40xi32, #tpu.memory_space<hbm>>
    %dma_start3A_135 = tpu.memref_slice %arg4[%multiple_of3A_131] : memref<320000xi32, #tpu.memory_space<hbm>> -> memref<40xi32, #tpu.memory_space<hbm>>
    tpu.enqueue_dma source(%dma_start3A_135 : memref<40xi32, #tpu.memory_space<hbm>>) target(%arg26 : memref<40xi32, #tpu.memory_space<vmem>>) target_semaphore(%arg46 : memref<!tpu.dma_semaphore, #tpu.memory_space<semaphore_mem>>)
    %scan3A_136 = arith.constant 0 : i32
    %scan3A_137 = arith.constant 0 : i32
    %scan3A_138 = arith.constant 25 : i32
    %scan3A_139 = arith.addi %scan3A_137, %scan3A_138 : i32
    %scan3A_140 = arith.constant 1 : i32
    scf.for %scan3A_146 = %scan3A_137 to %scan3A_139 step %scan3A_140  : i32 {
      %mul3A_147 = arith.constant 2 : i32
      %mul3A_148 = arith.muli %scan3A_146, %mul3A_147 : i32
      %add3A_149 = arith.constant 0 : i32
      %add3A_150 = arith.addi %mul3A_148, %add3A_149 : i32
      %dma_wait3A_151 = arith.constant 0 : i32
      %dma_wait3A_152 = arith.constant 0 : i32
      %dma_wait3A_153 = tpu.memref_slice %arg2[%dma_wait3A_151, %dma_wait3A_152] : memref<10240x128xf32, #tpu.memory_space<hbm>> -> memref<10240x128xf32, #tpu.memory_space<hbm>>
      tpu.wait_indirect_dma semaphore(%arg32 : memref<!tpu.dma_semaphore, #tpu.memory_space<semaphore_mem>>) src(%dma_wait3A_153 : memref<10240x128xf32, #tpu.memory_space<hbm>>) dst(%arg27 : memref<40x128xf32, #tpu.memory_space<vmem>>)
      "tpu.region"() ({
        %run_scoped3A = tpu.sem_alloc : memref<!tpu.dma_semaphore, #tpu.memory_space<semaphore_mem>>
        %dma_start3A_282 = arith.constant 0 : i32
        %dma_start3A_283 = arith.constant 0 : i32
        %dma_start3A_284 = tpu.memref_slice %arg6[%dma_start3A_282, %dma_start3A_283] : memref<10240x128xf32, #tpu.memory_space<vmem_shared>> -> memref<10240x128xf32, #tpu.memory_space<vmem_shared>>
        tpu.enqueue_indirect_dma source(%arg27 : memref<40x128xf32, #tpu.memory_space<vmem>>) target(%dma_start3A_284 : memref<10240x128xf32, #tpu.memory_space<vmem_shared>>) offsets(%arg17 : memref<40xi32, #tpu.memory_space<vmem>>) semaphore(%run_scoped3A : memref<!tpu.dma_semaphore, #tpu.memory_space<semaphore_mem>>) {add = true}
        %dma_wait3A_285 = arith.constant 0 : i32
        %dma_wait3A_286 = arith.constant 0 : i32
        %dma_wait3A_287 = tpu.memref_slice %arg6[%dma_wait3A_285, %dma_wait3A_286] : memref<10240x128xf32, #tpu.memory_space<vmem_shared>> -> memref<10240x128xf32, #tpu.memory_space<vmem_shared>>
        tpu.wait_indirect_dma semaphore(%run_scoped3A : memref<!tpu.dma_semaphore, #tpu.memory_space<semaphore_mem>>) src(%arg27 : memref<40x128xf32, #tpu.memory_space<vmem>>) dst(%dma_wait3A_287 : memref<10240x128xf32, #tpu.memory_space<vmem_shared>>)
        tpu.yield
      }) : () -> ()
      %lt3A = arith.constant 49 : i32
      %lt3A_154 = arith.cmpi slt, %add3A_150, %lt3A : i32
      %convert_element_type3A = arith.extui %lt3A_154 : i1 to i32
      %cond3A = arith.constant 0 : i32
      %cond3A_155 = arith.cmpi ne, %convert_element_type3A, %cond3A : i32
      scf.if %cond3A_155 {
        %dma_wait3A_282 = arith.constant 0 : i32
        %dma_wait3A_283 = tpu.memref_slice %arg3[%dma_wait3A_282] : memref<320000xi32, #tpu.memory_space<hbm>> -> memref<40xi32, #tpu.memory_space<hbm>>
        %dma_wait3A_284 = arith.constant 0 : i32
        %dma_wait3A_285 = tpu.memref_slice %arg3[%dma_wait3A_284] : memref<320000xi32, #tpu.memory_space<hbm>> -> memref<40xi32, #tpu.memory_space<hbm>>
        tpu.wait_dma2 semaphore(%arg42 : memref<!tpu.dma_semaphore, #tpu.memory_space<semaphore_mem>>) src(%dma_wait3A_285 : memref<40xi32, #tpu.memory_space<hbm>>) dst(%arg12 : memref<40xi32, #tpu.memory_space<vmem>>)
        %dma_wait3A_286 = arith.constant 0 : i32
        %dma_wait3A_287 = tpu.memref_slice %arg4[%dma_wait3A_286] : memref<320000xi32, #tpu.memory_space<hbm>> -> memref<40xi32, #tpu.memory_space<hbm>>
        %dma_wait3A_288 = arith.constant 0 : i32
        %dma_wait3A_289 = tpu.memref_slice %arg4[%dma_wait3A_288] : memref<320000xi32, #tpu.memory_space<hbm>> -> memref<40xi32, #tpu.memory_space<hbm>>
        tpu.wait_dma2 semaphore(%arg42 : memref<!tpu.dma_semaphore, #tpu.memory_space<semaphore_mem>>) src(%dma_wait3A_289 : memref<40xi32, #tpu.memory_space<hbm>>) dst(%arg22 : memref<40xi32, #tpu.memory_space<vmem>>)
        %dma_start3A_290 = arith.constant 0 : i32
        %dma_start3A_291 = arith.constant 0 : i32
        %dma_start3A_292 = tpu.memref_slice %arg2[%dma_start3A_290, %dma_start3A_291] : memref<10240x128xf32, #tpu.memory_space<hbm>> -> memref<10240x128xf32, #tpu.memory_space<hbm>>
        tpu.enqueue_indirect_dma source(%dma_start3A_292 : memref<10240x128xf32, #tpu.memory_space<hbm>>) target(%arg27 : memref<40x128xf32, #tpu.memory_space<vmem>>) offsets(%arg12 : memref<40xi32, #tpu.memory_space<vmem>>) semaphore(%arg32 : memref<!tpu.dma_semaphore, #tpu.memory_space<semaphore_mem>>)
      } else {
      }
      %lt3A_156 = arith.constant 48 : i32
      %lt3A_157 = arith.cmpi slt, %add3A_150, %lt3A_156 : i32
      %convert_element_type3A_158 = arith.extui %lt3A_157 : i1 to i32
      %cond3A_159 = arith.constant 0 : i32
      %cond3A_160 = arith.cmpi ne, %convert_element_type3A_158, %cond3A_159 : i32
      scf.if %cond3A_160 {
        %add3A_282 = arith.constant 2 : i32
        %add3A_283 = arith.addi %add3A_150, %add3A_282 : i32
        %mul3A_284 = arith.constant 5 : i32
        %mul3A_285 = arith.muli %add3A_283, %mul3A_284 : i32
        %add3A_286 = arith.constant 0 : i32
        %add3A_287 = arith.addi %mul3A_285, %add3A_286 : i32
        %mul3A_288 = arith.constant 40 : i32
        %mul3A_289 = arith.muli %add3A_287, %mul3A_288 : i32
        %add3A_290 = arith.addi %add3A, %mul3A_289 : i32
        %multiple_of3A_291 = tpu.assume_multiple %add3A_290, 8 : i32
        %dma_start3A_292 = tpu.memref_slice %arg3[%multiple_of3A_291] : memref<320000xi32, #tpu.memory_space<hbm>> -> memref<40xi32, #tpu.memory_space<hbm>>
        %dma_start3A_293 = tpu.memref_slice %arg3[%multiple_of3A_291] : memref<320000xi32, #tpu.memory_space<hbm>> -> memref<40xi32, #tpu.memory_space<hbm>>
        tpu.enqueue_dma source(%dma_start3A_293 : memref<40xi32, #tpu.memory_space<hbm>>) target(%arg7 : memref<40xi32, #tpu.memory_space<vmem>>) target_semaphore(%arg37 : memref<!tpu.dma_semaphore, #tpu.memory_space<semaphore_mem>>)
        %dma_start3A_294 = tpu.memref_slice %arg4[%multiple_of3A_291] : memref<320000xi32, #tpu.memory_space<hbm>> -> memref<40xi32, #tpu.memory_space<hbm>>
        %dma_start3A_295 = tpu.memref_slice %arg4[%multiple_of3A_291] : memref<320000xi32, #tpu.memory_space<hbm>> -> memref<40xi32, #tpu.memory_space<hbm>>
        tpu.enqueue_dma source(%dma_start3A_295 : memref<40xi32, #tpu.memory_space<hbm>>) target(%arg17 : memref<40xi32, #tpu.memory_space<vmem>>) target_semaphore(%arg37 : memref<!tpu.dma_semaphore, #tpu.memory_space<semaphore_mem>>)
      } else {
      }
      %dma_wait3A_161 = arith.constant 0 : i32
      %dma_wait3A_162 = arith.constant 0 : i32
      %dma_wait3A_163 = tpu.memref_slice %arg2[%dma_wait3A_161, %dma_wait3A_162] : memref<10240x128xf32, #tpu.memory_space<hbm>> -> memref<10240x128xf32, #tpu.memory_space<hbm>>
      tpu.wait_indirect_dma semaphore(%arg33 : memref<!tpu.dma_semaphore, #tpu.memory_space<semaphore_mem>>) src(%dma_wait3A_163 : memref<10240x128xf32, #tpu.memory_space<hbm>>) dst(%arg28 : memref<40x128xf32, #tpu.memory_space<vmem>>)
      "tpu.region"() ({
        %run_scoped3A = tpu.sem_alloc : memref<!tpu.dma_semaphore, #tpu.memory_space<semaphore_mem>>
        %dma_start3A_282 = arith.constant 0 : i32
        %dma_start3A_283 = arith.constant 0 : i32
        %dma_start3A_284 = tpu.memref_slice %arg6[%dma_start3A_282, %dma_start3A_283] : memref<10240x128xf32, #tpu.memory_space<vmem_shared>> -> memref<10240x128xf32, #tpu.memory_space<vmem_shared>>
        tpu.enqueue_indirect_dma source(%arg28 : memref<40x128xf32, #tpu.memory_space<vmem>>) target(%dma_start3A_284 : memref<10240x128xf32, #tpu.memory_space<vmem_shared>>) offsets(%arg18 : memref<40xi32, #tpu.memory_space<vmem>>) semaphore(%run_scoped3A : memref<!tpu.dma_semaphore, #tpu.memory_space<semaphore_mem>>) {add = true}
        %dma_wait3A_285 = arith.constant 0 : i32
        %dma_wait3A_286 = arith.constant 0 : i32
        %dma_wait3A_287 = tpu.memref_slice %arg6[%dma_wait3A_285, %dma_wait3A_286] : memref<10240x128xf32, #tpu.memory_space<vmem_shared>> -> memref<10240x128xf32, #tpu.memory_space<vmem_shared>>
        tpu.wait_indirect_dma semaphore(%run_scoped3A : memref<!tpu.dma_semaphore, #tpu.memory_space<semaphore_mem>>) src(%arg28 : memref<40x128xf32, #tpu.memory_space<vmem>>) dst(%dma_wait3A_287 : memref<10240x128xf32, #tpu.memory_space<vmem_shared>>)
        tpu.yield
      }) : () -> ()
      %lt3A_164 = arith.constant 49 : i32
      %lt3A_165 = arith.cmpi slt, %add3A_150, %lt3A_164 : i32
      %convert_element_type3A_166 = arith.extui %lt3A_165 : i1 to i32
      %cond3A_167 = arith.constant 0 : i32
      %cond3A_168 = arith.cmpi ne, %convert_element_type3A_166, %cond3A_167 : i32
      scf.if %cond3A_168 {
        %dma_wait3A_282 = arith.constant 0 : i32
        %dma_wait3A_283 = tpu.memref_slice %arg3[%dma_wait3A_282] : memref<320000xi32, #tpu.memory_space<hbm>> -> memref<40xi32, #tpu.memory_space<hbm>>
        %dma_wait3A_284 = arith.constant 0 : i32
        %dma_wait3A_285 = tpu.memref_slice %arg3[%dma_wait3A_284] : memref<320000xi32, #tpu.memory_space<hbm>> -> memref<40xi32, #tpu.memory_space<hbm>>
        tpu.wait_dma2 semaphore(%arg43 : memref<!tpu.dma_semaphore, #tpu.memory_space<semaphore_mem>>) src(%dma_wait3A_285 : memref<40xi32, #tpu.memory_space<hbm>>) dst(%arg13 : memref<40xi32, #tpu.memory_space<vmem>>)
        %dma_wait3A_286 = arith.constant 0 : i32
        %dma_wait3A_287 = tpu.memref_slice %arg4[%dma_wait3A_286] : memref<320000xi32, #tpu.memory_space<hbm>> -> memref<40xi32, #tpu.memory_space<hbm>>
        %dma_wait3A_288 = arith.constant 0 : i32
        %dma_wait3A_289 = tpu.memref_slice %arg4[%dma_wait3A_288] : memref<320000xi32, #tpu.memory_space<hbm>> -> memref<40xi32, #tpu.memory_space<hbm>>
        tpu.wait_dma2 semaphore(%arg43 : memref<!tpu.dma_semaphore, #tpu.memory_space<semaphore_mem>>) src(%dma_wait3A_289 : memref<40xi32, #tpu.memory_space<hbm>>) dst(%arg23 : memref<40xi32, #tpu.memory_space<vmem>>)
        %dma_start3A_290 = arith.constant 0 : i32
        %dma_start3A_291 = arith.constant 0 : i32
        %dma_start3A_292 = tpu.memref_slice %arg2[%dma_start3A_290, %dma_start3A_291] : memref<10240x128xf32, #tpu.memory_space<hbm>> -> memref<10240x128xf32, #tpu.memory_space<hbm>>
        tpu.enqueue_indirect_dma source(%dma_start3A_292 : memref<10240x128xf32, #tpu.memory_space<hbm>>) target(%arg28 : memref<40x128xf32, #tpu.memory_space<vmem>>) offsets(%arg13 : memref<40xi32, #tpu.memory_space<vmem>>) semaphore(%arg33 : memref<!tpu.dma_semaphore, #tpu.memory_space<semaphore_mem>>)
      } else {
      }
      %lt3A_169 = arith.constant 48 : i32
      %lt3A_170 = arith.cmpi slt, %add3A_150, %lt3A_169 : i32
      %convert_element_type3A_171 = arith.extui %lt3A_170 : i1 to i32
      %cond3A_172 = arith.constant 0 : i32
      %cond3A_173 = arith.cmpi ne, %convert_element_type3A_171, %cond3A_172 : i32
      scf.if %cond3A_173 {
        %add3A_282 = arith.constant 2 : i32
        %add3A_283 = arith.addi %add3A_150, %add3A_282 : i32
        %mul3A_284 = arith.constant 5 : i32
        %mul3A_285 = arith.muli %add3A_283, %mul3A_284 : i32
        %add3A_286 = arith.constant 1 : i32
        %add3A_287 = arith.addi %mul3A_285, %add3A_286 : i32
        %mul3A_288 = arith.constant 40 : i32
        %mul3A_289 = arith.muli %add3A_287, %mul3A_288 : i32
        %add3A_290 = arith.addi %add3A, %mul3A_289 : i32
        %multiple_of3A_291 = tpu.assume_multiple %add3A_290, 8 : i32
        %dma_start3A_292 = tpu.memref_slice %arg3[%multiple_of3A_291] : memref<320000xi32, #tpu.memory_space<hbm>> -> memref<40xi32, #tpu.memory_space<hbm>>
        %dma_start3A_293 = tpu.memref_slice %arg3[%multiple_of3A_291] : memref<320000xi32, #tpu.memory_space<hbm>> -> memref<40xi32, #tpu.memory_space<hbm>>
        tpu.enqueue_dma source(%dma_start3A_293 : memref<40xi32, #tpu.memory_space<hbm>>) target(%arg8 : memref<40xi32, #tpu.memory_space<vmem>>) target_semaphore(%arg38 : memref<!tpu.dma_semaphore, #tpu.memory_space<semaphore_mem>>)
        %dma_start3A_294 = tpu.memref_slice %arg4[%multiple_of3A_291] : memref<320000xi32, #tpu.memory_space<hbm>> -> memref<40xi32, #tpu.memory_space<hbm>>
        %dma_start3A_295 = tpu.memref_slice %arg4[%multiple_of3A_291] : memref<320000xi32, #tpu.memory_space<hbm>> -> memref<40xi32, #tpu.memory_space<hbm>>
        tpu.enqueue_dma source(%dma_start3A_295 : memref<40xi32, #tpu.memory_space<hbm>>) target(%arg18 : memref<40xi32, #tpu.memory_space<vmem>>) target_semaphore(%arg38 : memref<!tpu.dma_semaphore, #tpu.memory_space<semaphore_mem>>)
      } else {
      }
      %dma_wait3A_174 = arith.constant 0 : i32
      %dma_wait3A_175 = arith.constant 0 : i32
      %dma_wait3A_176 = tpu.memref_slice %arg2[%dma_wait3A_174, %dma_wait3A_175] : memref<10240x128xf32, #tpu.memory_space<hbm>> -> memref<10240x128xf32, #tpu.memory_space<hbm>>
      tpu.wait_indirect_dma semaphore(%arg34 : memref<!tpu.dma_semaphore, #tpu.memory_space<semaphore_mem>>) src(%dma_wait3A_176 : memref<10240x128xf32, #tpu.memory_space<hbm>>) dst(%arg29 : memref<40x128xf32, #tpu.memory_space<vmem>>)
      "tpu.region"() ({
        %run_scoped3A = tpu.sem_alloc : memref<!tpu.dma_semaphore, #tpu.memory_space<semaphore_mem>>
        %dma_start3A_282 = arith.constant 0 : i32
        %dma_start3A_283 = arith.constant 0 : i32
        %dma_start3A_284 = tpu.memref_slice %arg6[%dma_start3A_282, %dma_start3A_283] : memref<10240x128xf32, #tpu.memory_space<vmem_shared>> -> memref<10240x128xf32, #tpu.memory_space<vmem_shared>>
        tpu.enqueue_indirect_dma source(%arg29 : memref<40x128xf32, #tpu.memory_space<vmem>>) target(%dma_start3A_284 : memref<10240x128xf32, #tpu.memory_space<vmem_shared>>) offsets(%arg19 : memref<40xi32, #tpu.memory_space<vmem>>) semaphore(%run_scoped3A : memref<!tpu.dma_semaphore, #tpu.memory_space<semaphore_mem>>) {add = true}
        %dma_wait3A_285 = arith.constant 0 : i32
        %dma_wait3A_286 = arith.constant 0 : i32
        %dma_wait3A_287 = tpu.memref_slice %arg6[%dma_wait3A_285, %dma_wait3A_286] : memref<10240x128xf32, #tpu.memory_space<vmem_shared>> -> memref<10240x128xf32, #tpu.memory_space<vmem_shared>>
        tpu.wait_indirect_dma semaphore(%run_scoped3A : memref<!tpu.dma_semaphore, #tpu.memory_space<semaphore_mem>>) src(%arg29 : memref<40x128xf32, #tpu.memory_space<vmem>>) dst(%dma_wait3A_287 : memref<10240x128xf32, #tpu.memory_space<vmem_shared>>)
        tpu.yield
      }) : () -> ()
      %lt3A_177 = arith.constant 49 : i32
      %lt3A_178 = arith.cmpi slt, %add3A_150, %lt3A_177 : i32
      %convert_element_type3A_179 = arith.extui %lt3A_178 : i1 to i32
      %cond3A_180 = arith.constant 0 : i32
      %cond3A_181 = arith.cmpi ne, %convert_element_type3A_179, %cond3A_180 : i32
      scf.if %cond3A_181 {
        %dma_wait3A_282 = arith.constant 0 : i32
        %dma_wait3A_283 = tpu.memref_slice %arg3[%dma_wait3A_282] : memref<320000xi32, #tpu.memory_space<hbm>> -> memref<40xi32, #tpu.memory_space<hbm>>
        %dma_wait3A_284 = arith.constant 0 : i32
        %dma_wait3A_285 = tpu.memref_slice %arg3[%dma_wait3A_284] : memref<320000xi32, #tpu.memory_space<hbm>> -> memref<40xi32, #tpu.memory_space<hbm>>
        tpu.wait_dma2 semaphore(%arg44 : memref<!tpu.dma_semaphore, #tpu.memory_space<semaphore_mem>>) src(%dma_wait3A_285 : memref<40xi32, #tpu.memory_space<hbm>>) dst(%arg14 : memref<40xi32, #tpu.memory_space<vmem>>)
        %dma_wait3A_286 = arith.constant 0 : i32
        %dma_wait3A_287 = tpu.memref_slice %arg4[%dma_wait3A_286] : memref<320000xi32, #tpu.memory_space<hbm>> -> memref<40xi32, #tpu.memory_space<hbm>>
        %dma_wait3A_288 = arith.constant 0 : i32
        %dma_wait3A_289 = tpu.memref_slice %arg4[%dma_wait3A_288] : memref<320000xi32, #tpu.memory_space<hbm>> -> memref<40xi32, #tpu.memory_space<hbm>>
        tpu.wait_dma2 semaphore(%arg44 : memref<!tpu.dma_semaphore, #tpu.memory_space<semaphore_mem>>) src(%dma_wait3A_289 : memref<40xi32, #tpu.memory_space<hbm>>) dst(%arg24 : memref<40xi32, #tpu.memory_space<vmem>>)
        %dma_start3A_290 = arith.constant 0 : i32
        %dma_start3A_291 = arith.constant 0 : i32
        %dma_start3A_292 = tpu.memref_slice %arg2[%dma_start3A_290, %dma_start3A_291] : memref<10240x128xf32, #tpu.memory_space<hbm>> -> memref<10240x128xf32, #tpu.memory_space<hbm>>
        tpu.enqueue_indirect_dma source(%dma_start3A_292 : memref<10240x128xf32, #tpu.memory_space<hbm>>) target(%arg29 : memref<40x128xf32, #tpu.memory_space<vmem>>) offsets(%arg14 : memref<40xi32, #tpu.memory_space<vmem>>) semaphore(%arg34 : memref<!tpu.dma_semaphore, #tpu.memory_space<semaphore_mem>>)
      } else {
      }
      %lt3A_182 = arith.constant 48 : i32
      %lt3A_183 = arith.cmpi slt, %add3A_150, %lt3A_182 : i32
      %convert_element_type3A_184 = arith.extui %lt3A_183 : i1 to i32
      %cond3A_185 = arith.constant 0 : i32
      %cond3A_186 = arith.cmpi ne, %convert_element_type3A_184, %cond3A_185 : i32
      scf.if %cond3A_186 {
        %add3A_282 = arith.constant 2 : i32
        %add3A_283 = arith.addi %add3A_150, %add3A_282 : i32
        %mul3A_284 = arith.constant 5 : i32
        %mul3A_285 = arith.muli %add3A_283, %mul3A_284 : i32
        %add3A_286 = arith.constant 2 : i32
        %add3A_287 = arith.addi %mul3A_285, %add3A_286 : i32
        %mul3A_288 = arith.constant 40 : i32
        %mul3A_289 = arith.muli %add3A_287, %mul3A_288 : i32
        %add3A_290 = arith.addi %add3A, %mul3A_289 : i32
        %multiple_of3A_291 = tpu.assume_multiple %add3A_290, 8 : i32
        %dma_start3A_292 = tpu.memref_slice %arg3[%multiple_of3A_291] : memref<320000xi32, #tpu.memory_space<hbm>> -> memref<40xi32, #tpu.memory_space<hbm>>
        %dma_start3A_293 = tpu.memref_slice %arg3[%multiple_of3A_291] : memref<320000xi32, #tpu.memory_space<hbm>> -> memref<40xi32, #tpu.memory_space<hbm>>
        tpu.enqueue_dma source(%dma_start3A_293 : memref<40xi32, #tpu.memory_space<hbm>>) target(%arg9 : memref<40xi32, #tpu.memory_space<vmem>>) target_semaphore(%arg39 : memref<!tpu.dma_semaphore, #tpu.memory_space<semaphore_mem>>)
        %dma_start3A_294 = tpu.memref_slice %arg4[%multiple_of3A_291] : memref<320000xi32, #tpu.memory_space<hbm>> -> memref<40xi32, #tpu.memory_space<hbm>>
        %dma_start3A_295 = tpu.memref_slice %arg4[%multiple_of3A_291] : memref<320000xi32, #tpu.memory_space<hbm>> -> memref<40xi32, #tpu.memory_space<hbm>>
        tpu.enqueue_dma source(%dma_start3A_295 : memref<40xi32, #tpu.memory_space<hbm>>) target(%arg19 : memref<40xi32, #tpu.memory_space<vmem>>) target_semaphore(%arg39 : memref<!tpu.dma_semaphore, #tpu.memory_space<semaphore_mem>>)
      } else {
      }
      %dma_wait3A_187 = arith.constant 0 : i32
      %dma_wait3A_188 = arith.constant 0 : i32
      %dma_wait3A_189 = tpu.memref_slice %arg2[%dma_wait3A_187, %dma_wait3A_188] : memref<10240x128xf32, #tpu.memory_space<hbm>> -> memref<10240x128xf32, #tpu.memory_space<hbm>>
      tpu.wait_indirect_dma semaphore(%arg35 : memref<!tpu.dma_semaphore, #tpu.memory_space<semaphore_mem>>) src(%dma_wait3A_189 : memref<10240x128xf32, #tpu.memory_space<hbm>>) dst(%arg30 : memref<40x128xf32, #tpu.memory_space<vmem>>)
      "tpu.region"() ({
        %run_scoped3A = tpu.sem_alloc : memref<!tpu.dma_semaphore, #tpu.memory_space<semaphore_mem>>
        %dma_start3A_282 = arith.constant 0 : i32
        %dma_start3A_283 = arith.constant 0 : i32
        %dma_start3A_284 = tpu.memref_slice %arg6[%dma_start3A_282, %dma_start3A_283] : memref<10240x128xf32, #tpu.memory_space<vmem_shared>> -> memref<10240x128xf32, #tpu.memory_space<vmem_shared>>
        tpu.enqueue_indirect_dma source(%arg30 : memref<40x128xf32, #tpu.memory_space<vmem>>) target(%dma_start3A_284 : memref<10240x128xf32, #tpu.memory_space<vmem_shared>>) offsets(%arg20 : memref<40xi32, #tpu.memory_space<vmem>>) semaphore(%run_scoped3A : memref<!tpu.dma_semaphore, #tpu.memory_space<semaphore_mem>>) {add = true}
        %dma_wait3A_285 = arith.constant 0 : i32
        %dma_wait3A_286 = arith.constant 0 : i32
        %dma_wait3A_287 = tpu.memref_slice %arg6[%dma_wait3A_285, %dma_wait3A_286] : memref<10240x128xf32, #tpu.memory_space<vmem_shared>> -> memref<10240x128xf32, #tpu.memory_space<vmem_shared>>
        tpu.wait_indirect_dma semaphore(%run_scoped3A : memref<!tpu.dma_semaphore, #tpu.memory_space<semaphore_mem>>) src(%arg30 : memref<40x128xf32, #tpu.memory_space<vmem>>) dst(%dma_wait3A_287 : memref<10240x128xf32, #tpu.memory_space<vmem_shared>>)
        tpu.yield
      }) : () -> ()
      %lt3A_190 = arith.constant 49 : i32
      %lt3A_191 = arith.cmpi slt, %add3A_150, %lt3A_190 : i32
      %convert_element_type3A_192 = arith.extui %lt3A_191 : i1 to i32
      %cond3A_193 = arith.constant 0 : i32
      %cond3A_194 = arith.cmpi ne, %convert_element_type3A_192, %cond3A_193 : i32
      scf.if %cond3A_194 {
        %dma_wait3A_282 = arith.constant 0 : i32
        %dma_wait3A_283 = tpu.memref_slice %arg3[%dma_wait3A_282] : memref<320000xi32, #tpu.memory_space<hbm>> -> memref<40xi32, #tpu.memory_space<hbm>>
        %dma_wait3A_284 = arith.constant 0 : i32
        %dma_wait3A_285 = tpu.memref_slice %arg3[%dma_wait3A_284] : memref<320000xi32, #tpu.memory_space<hbm>> -> memref<40xi32, #tpu.memory_space<hbm>>
        tpu.wait_dma2 semaphore(%arg45 : memref<!tpu.dma_semaphore, #tpu.memory_space<semaphore_mem>>) src(%dma_wait3A_285 : memref<40xi32, #tpu.memory_space<hbm>>) dst(%arg15 : memref<40xi32, #tpu.memory_space<vmem>>)
        %dma_wait3A_286 = arith.constant 0 : i32
        %dma_wait3A_287 = tpu.memref_slice %arg4[%dma_wait3A_286] : memref<320000xi32, #tpu.memory_space<hbm>> -> memref<40xi32, #tpu.memory_space<hbm>>
        %dma_wait3A_288 = arith.constant 0 : i32
        %dma_wait3A_289 = tpu.memref_slice %arg4[%dma_wait3A_288] : memref<320000xi32, #tpu.memory_space<hbm>> -> memref<40xi32, #tpu.memory_space<hbm>>
        tpu.wait_dma2 semaphore(%arg45 : memref<!tpu.dma_semaphore, #tpu.memory_space<semaphore_mem>>) src(%dma_wait3A_289 : memref<40xi32, #tpu.memory_space<hbm>>) dst(%arg25 : memref<40xi32, #tpu.memory_space<vmem>>)
        %dma_start3A_290 = arith.constant 0 : i32
        %dma_start3A_291 = arith.constant 0 : i32
        %dma_start3A_292 = tpu.memref_slice %arg2[%dma_start3A_290, %dma_start3A_291] : memref<10240x128xf32, #tpu.memory_space<hbm>> -> memref<10240x128xf32, #tpu.memory_space<hbm>>
        tpu.enqueue_indirect_dma source(%dma_start3A_292 : memref<10240x128xf32, #tpu.memory_space<hbm>>) target(%arg30 : memref<40x128xf32, #tpu.memory_space<vmem>>) offsets(%arg15 : memref<40xi32, #tpu.memory_space<vmem>>) semaphore(%arg35 : memref<!tpu.dma_semaphore, #tpu.memory_space<semaphore_mem>>)
      } else {
      }
      %lt3A_195 = arith.constant 48 : i32
      %lt3A_196 = arith.cmpi slt, %add3A_150, %lt3A_195 : i32
      %convert_element_type3A_197 = arith.extui %lt3A_196 : i1 to i32
      %cond3A_198 = arith.constant 0 : i32
      %cond3A_199 = arith.cmpi ne, %convert_element_type3A_197, %cond3A_198 : i32
      scf.if %cond3A_199 {
        %add3A_282 = arith.constant 2 : i32
        %add3A_283 = arith.addi %add3A_150, %add3A_282 : i32
        %mul3A_284 = arith.constant 5 : i32
        %mul3A_285 = arith.muli %add3A_283, %mul3A_284 : i32
        %add3A_286 = arith.constant 3 : i32
        %add3A_287 = arith.addi %mul3A_285, %add3A_286 : i32
        %mul3A_288 = arith.constant 40 : i32
        %mul3A_289 = arith.muli %add3A_287, %mul3A_288 : i32
        %add3A_290 = arith.addi %add3A, %mul3A_289 : i32
        %multiple_of3A_291 = tpu.assume_multiple %add3A_290, 8 : i32
        %dma_start3A_292 = tpu.memref_slice %arg3[%multiple_of3A_291] : memref<320000xi32, #tpu.memory_space<hbm>> -> memref<40xi32, #tpu.memory_space<hbm>>
        %dma_start3A_293 = tpu.memref_slice %arg3[%multiple_of3A_291] : memref<320000xi32, #tpu.memory_space<hbm>> -> memref<40xi32, #tpu.memory_space<hbm>>
        tpu.enqueue_dma source(%dma_start3A_293 : memref<40xi32, #tpu.memory_space<hbm>>) target(%arg10 : memref<40xi32, #tpu.memory_space<vmem>>) target_semaphore(%arg40 : memref<!tpu.dma_semaphore, #tpu.memory_space<semaphore_mem>>)
        %dma_start3A_294 = tpu.memref_slice %arg4[%multiple_of3A_291] : memref<320000xi32, #tpu.memory_space<hbm>> -> memref<40xi32, #tpu.memory_space<hbm>>
        %dma_start3A_295 = tpu.memref_slice %arg4[%multiple_of3A_291] : memref<320000xi32, #tpu.memory_space<hbm>> -> memref<40xi32, #tpu.memory_space<hbm>>
        tpu.enqueue_dma source(%dma_start3A_295 : memref<40xi32, #tpu.memory_space<hbm>>) target(%arg20 : memref<40xi32, #tpu.memory_space<vmem>>) target_semaphore(%arg40 : memref<!tpu.dma_semaphore, #tpu.memory_space<semaphore_mem>>)
      } else {
      }
      %dma_wait3A_200 = arith.constant 0 : i32
      %dma_wait3A_201 = arith.constant 0 : i32
      %dma_wait3A_202 = tpu.memref_slice %arg2[%dma_wait3A_200, %dma_wait3A_201] : memref<10240x128xf32, #tpu.memory_space<hbm>> -> memref<10240x128xf32, #tpu.memory_space<hbm>>
      tpu.wait_indirect_dma semaphore(%arg36 : memref<!tpu.dma_semaphore, #tpu.memory_space<semaphore_mem>>) src(%dma_wait3A_202 : memref<10240x128xf32, #tpu.memory_space<hbm>>) dst(%arg31 : memref<40x128xf32, #tpu.memory_space<vmem>>)
      "tpu.region"() ({
        %run_scoped3A = tpu.sem_alloc : memref<!tpu.dma_semaphore, #tpu.memory_space<semaphore_mem>>
        %dma_start3A_282 = arith.constant 0 : i32
        %dma_start3A_283 = arith.constant 0 : i32
        %dma_start3A_284 = tpu.memref_slice %arg6[%dma_start3A_282, %dma_start3A_283] : memref<10240x128xf32, #tpu.memory_space<vmem_shared>> -> memref<10240x128xf32, #tpu.memory_space<vmem_shared>>
        tpu.enqueue_indirect_dma source(%arg31 : memref<40x128xf32, #tpu.memory_space<vmem>>) target(%dma_start3A_284 : memref<10240x128xf32, #tpu.memory_space<vmem_shared>>) offsets(%arg21 : memref<40xi32, #tpu.memory_space<vmem>>) semaphore(%run_scoped3A : memref<!tpu.dma_semaphore, #tpu.memory_space<semaphore_mem>>) {add = true}
        %dma_wait3A_285 = arith.constant 0 : i32
        %dma_wait3A_286 = arith.constant 0 : i32
        %dma_wait3A_287 = tpu.memref_slice %arg6[%dma_wait3A_285, %dma_wait3A_286] : memref<10240x128xf32, #tpu.memory_space<vmem_shared>> -> memref<10240x128xf32, #tpu.memory_space<vmem_shared>>
        tpu.wait_indirect_dma semaphore(%run_scoped3A : memref<!tpu.dma_semaphore, #tpu.memory_space<semaphore_mem>>) src(%arg31 : memref<40x128xf32, #tpu.memory_space<vmem>>) dst(%dma_wait3A_287 : memref<10240x128xf32, #tpu.memory_space<vmem_shared>>)
        tpu.yield
      }) : () -> ()
      %lt3A_203 = arith.constant 49 : i32
      %lt3A_204 = arith.cmpi slt, %add3A_150, %lt3A_203 : i32
      %convert_element_type3A_205 = arith.extui %lt3A_204 : i1 to i32
      %cond3A_206 = arith.constant 0 : i32
      %cond3A_207 = arith.cmpi ne, %convert_element_type3A_205, %cond3A_206 : i32
      scf.if %cond3A_207 {
        %dma_wait3A_282 = arith.constant 0 : i32
        %dma_wait3A_283 = tpu.memref_slice %arg3[%dma_wait3A_282] : memref<320000xi32, #tpu.memory_space<hbm>> -> memref<40xi32, #tpu.memory_space<hbm>>
        %dma_wait3A_284 = arith.constant 0 : i32
        %dma_wait3A_285 = tpu.memref_slice %arg3[%dma_wait3A_284] : memref<320000xi32, #tpu.memory_space<hbm>> -> memref<40xi32, #tpu.memory_space<hbm>>
        tpu.wait_dma2 semaphore(%arg46 : memref<!tpu.dma_semaphore, #tpu.memory_space<semaphore_mem>>) src(%dma_wait3A_285 : memref<40xi32, #tpu.memory_space<hbm>>) dst(%arg16 : memref<40xi32, #tpu.memory_space<vmem>>)
        %dma_wait3A_286 = arith.constant 0 : i32
        %dma_wait3A_287 = tpu.memref_slice %arg4[%dma_wait3A_286] : memref<320000xi32, #tpu.memory_space<hbm>> -> memref<40xi32, #tpu.memory_space<hbm>>
        %dma_wait3A_288 = arith.constant 0 : i32
        %dma_wait3A_289 = tpu.memref_slice %arg4[%dma_wait3A_288] : memref<320000xi32, #tpu.memory_space<hbm>> -> memref<40xi32, #tpu.memory_space<hbm>>
        tpu.wait_dma2 semaphore(%arg46 : memref<!tpu.dma_semaphore, #tpu.memory_space<semaphore_mem>>) src(%dma_wait3A_289 : memref<40xi32, #tpu.memory_space<hbm>>) dst(%arg26 : memref<40xi32, #tpu.memory_space<vmem>>)
        %dma_start3A_290 = arith.constant 0 : i32
        %dma_start3A_291 = arith.constant 0 : i32
        %dma_start3A_292 = tpu.memref_slice %arg2[%dma_start3A_290, %dma_start3A_291] : memref<10240x128xf32, #tpu.memory_space<hbm>> -> memref<10240x128xf32, #tpu.memory_space<hbm>>
        tpu.enqueue_indirect_dma source(%dma_start3A_292 : memref<10240x128xf32, #tpu.memory_space<hbm>>) target(%arg31 : memref<40x128xf32, #tpu.memory_space<vmem>>) offsets(%arg16 : memref<40xi32, #tpu.memory_space<vmem>>) semaphore(%arg36 : memref<!tpu.dma_semaphore, #tpu.memory_space<semaphore_mem>>)
      } else {
      }
      %lt3A_208 = arith.constant 48 : i32
      %lt3A_209 = arith.cmpi slt, %add3A_150, %lt3A_208 : i32
      %convert_element_type3A_210 = arith.extui %lt3A_209 : i1 to i32
      %cond3A_211 = arith.constant 0 : i32
      %cond3A_212 = arith.cmpi ne, %convert_element_type3A_210, %cond3A_211 : i32
      scf.if %cond3A_212 {
        %add3A_282 = arith.constant 2 : i32
        %add3A_283 = arith.addi %add3A_150, %add3A_282 : i32
        %mul3A_284 = arith.constant 5 : i32
        %mul3A_285 = arith.muli %add3A_283, %mul3A_284 : i32
        %add3A_286 = arith.constant 4 : i32
        %add3A_287 = arith.addi %mul3A_285, %add3A_286 : i32
        %mul3A_288 = arith.constant 40 : i32
        %mul3A_289 = arith.muli %add3A_287, %mul3A_288 : i32
        %add3A_290 = arith.addi %add3A, %mul3A_289 : i32
        %multiple_of3A_291 = tpu.assume_multiple %add3A_290, 8 : i32
        %dma_start3A_292 = tpu.memref_slice %arg3[%multiple_of3A_291] : memref<320000xi32, #tpu.memory_space<hbm>> -> memref<40xi32, #tpu.memory_space<hbm>>
        %dma_start3A_293 = tpu.memref_slice %arg3[%multiple_of3A_291] : memref<320000xi32, #tpu.memory_space<hbm>> -> memref<40xi32, #tpu.memory_space<hbm>>
        tpu.enqueue_dma source(%dma_start3A_293 : memref<40xi32, #tpu.memory_space<hbm>>) target(%arg11 : memref<40xi32, #tpu.memory_space<vmem>>) target_semaphore(%arg41 : memref<!tpu.dma_semaphore, #tpu.memory_space<semaphore_mem>>)
        %dma_start3A_294 = tpu.memref_slice %arg4[%multiple_of3A_291] : memref<320000xi32, #tpu.memory_space<hbm>> -> memref<40xi32, #tpu.memory_space<hbm>>
        %dma_start3A_295 = tpu.memref_slice %arg4[%multiple_of3A_291] : memref<320000xi32, #tpu.memory_space<hbm>> -> memref<40xi32, #tpu.memory_space<hbm>>
        tpu.enqueue_dma source(%dma_start3A_295 : memref<40xi32, #tpu.memory_space<hbm>>) target(%arg21 : memref<40xi32, #tpu.memory_space<vmem>>) target_semaphore(%arg41 : memref<!tpu.dma_semaphore, #tpu.memory_space<semaphore_mem>>)
      } else {
      }
      %mul3A_213 = arith.constant 2 : i32
      %mul3A_214 = arith.muli %scan3A_146, %mul3A_213 : i32
      %add3A_215 = arith.constant 1 : i32
      %add3A_216 = arith.addi %mul3A_214, %add3A_215 : i32
      %dma_wait3A_217 = arith.constant 0 : i32
      %dma_wait3A_218 = arith.constant 0 : i32
      %dma_wait3A_219 = tpu.memref_slice %arg2[%dma_wait3A_217, %dma_wait3A_218] : memref<10240x128xf32, #tpu.memory_space<hbm>> -> memref<10240x128xf32, #tpu.memory_space<hbm>>
      tpu.wait_indirect_dma semaphore(%arg32 : memref<!tpu.dma_semaphore, #tpu.memory_space<semaphore_mem>>) src(%dma_wait3A_219 : memref<10240x128xf32, #tpu.memory_space<hbm>>) dst(%arg27 : memref<40x128xf32, #tpu.memory_space<vmem>>)
      "tpu.region"() ({
        %run_scoped3A = tpu.sem_alloc : memref<!tpu.dma_semaphore, #tpu.memory_space<semaphore_mem>>
        %dma_start3A_282 = arith.constant 0 : i32
        %dma_start3A_283 = arith.constant 0 : i32
        %dma_start3A_284 = tpu.memref_slice %arg6[%dma_start3A_282, %dma_start3A_283] : memref<10240x128xf32, #tpu.memory_space<vmem_shared>> -> memref<10240x128xf32, #tpu.memory_space<vmem_shared>>
        tpu.enqueue_indirect_dma source(%arg27 : memref<40x128xf32, #tpu.memory_space<vmem>>) target(%dma_start3A_284 : memref<10240x128xf32, #tpu.memory_space<vmem_shared>>) offsets(%arg22 : memref<40xi32, #tpu.memory_space<vmem>>) semaphore(%run_scoped3A : memref<!tpu.dma_semaphore, #tpu.memory_space<semaphore_mem>>) {add = true}
        %dma_wait3A_285 = arith.constant 0 : i32
        %dma_wait3A_286 = arith.constant 0 : i32
        %dma_wait3A_287 = tpu.memref_slice %arg6[%dma_wait3A_285, %dma_wait3A_286] : memref<10240x128xf32, #tpu.memory_space<vmem_shared>> -> memref<10240x128xf32, #tpu.memory_space<vmem_shared>>
        tpu.wait_indirect_dma semaphore(%run_scoped3A : memref<!tpu.dma_semaphore, #tpu.memory_space<semaphore_mem>>) src(%arg27 : memref<40x128xf32, #tpu.memory_space<vmem>>) dst(%dma_wait3A_287 : memref<10240x128xf32, #tpu.memory_space<vmem_shared>>)
        tpu.yield
      }) : () -> ()
      %lt3A_220 = arith.constant 49 : i32
      %lt3A_221 = arith.cmpi slt, %add3A_216, %lt3A_220 : i32
      %convert_element_type3A_222 = arith.extui %lt3A_221 : i1 to i32
      %cond3A_223 = arith.constant 0 : i32
      %cond3A_224 = arith.cmpi ne, %convert_element_type3A_222, %cond3A_223 : i32
      scf.if %cond3A_224 {
        %dma_wait3A_282 = arith.constant 0 : i32
        %dma_wait3A_283 = tpu.memref_slice %arg3[%dma_wait3A_282] : memref<320000xi32, #tpu.memory_space<hbm>> -> memref<40xi32, #tpu.memory_space<hbm>>
        %dma_wait3A_284 = arith.constant 0 : i32
        %dma_wait3A_285 = tpu.memref_slice %arg3[%dma_wait3A_284] : memref<320000xi32, #tpu.memory_space<hbm>> -> memref<40xi32, #tpu.memory_space<hbm>>
        tpu.wait_dma2 semaphore(%arg37 : memref<!tpu.dma_semaphore, #tpu.memory_space<semaphore_mem>>) src(%dma_wait3A_285 : memref<40xi32, #tpu.memory_space<hbm>>) dst(%arg7 : memref<40xi32, #tpu.memory_space<vmem>>)
        %dma_wait3A_286 = arith.constant 0 : i32
        %dma_wait3A_287 = tpu.memref_slice %arg4[%dma_wait3A_286] : memref<320000xi32, #tpu.memory_space<hbm>> -> memref<40xi32, #tpu.memory_space<hbm>>
        %dma_wait3A_288 = arith.constant 0 : i32
        %dma_wait3A_289 = tpu.memref_slice %arg4[%dma_wait3A_288] : memref<320000xi32, #tpu.memory_space<hbm>> -> memref<40xi32, #tpu.memory_space<hbm>>
        tpu.wait_dma2 semaphore(%arg37 : memref<!tpu.dma_semaphore, #tpu.memory_space<semaphore_mem>>) src(%dma_wait3A_289 : memref<40xi32, #tpu.memory_space<hbm>>) dst(%arg17 : memref<40xi32, #tpu.memory_space<vmem>>)
        %dma_start3A_290 = arith.constant 0 : i32
        %dma_start3A_291 = arith.constant 0 : i32
        %dma_start3A_292 = tpu.memref_slice %arg2[%dma_start3A_290, %dma_start3A_291] : memref<10240x128xf32, #tpu.memory_space<hbm>> -> memref<10240x128xf32, #tpu.memory_space<hbm>>
        tpu.enqueue_indirect_dma source(%dma_start3A_292 : memref<10240x128xf32, #tpu.memory_space<hbm>>) target(%arg27 : memref<40x128xf32, #tpu.memory_space<vmem>>) offsets(%arg7 : memref<40xi32, #tpu.memory_space<vmem>>) semaphore(%arg32 : memref<!tpu.dma_semaphore, #tpu.memory_space<semaphore_mem>>)
      } else {
      }
      %lt3A_225 = arith.constant 48 : i32
      %lt3A_226 = arith.cmpi slt, %add3A_216, %lt3A_225 : i32
      %convert_element_type3A_227 = arith.extui %lt3A_226 : i1 to i32
      %cond3A_228 = arith.constant 0 : i32
      %cond3A_229 = arith.cmpi ne, %convert_element_type3A_227, %cond3A_228 : i32
      scf.if %cond3A_229 {
        %add3A_282 = arith.constant 2 : i32
        %add3A_283 = arith.addi %add3A_216, %add3A_282 : i32
        %mul3A_284 = arith.constant 5 : i32
        %mul3A_285 = arith.muli %add3A_283, %mul3A_284 : i32
        %add3A_286 = arith.constant 0 : i32
        %add3A_287 = arith.addi %mul3A_285, %add3A_286 : i32
        %mul3A_288 = arith.constant 40 : i32
        %mul3A_289 = arith.muli %add3A_287, %mul3A_288 : i32
        %add3A_290 = arith.addi %add3A, %mul3A_289 : i32
        %multiple_of3A_291 = tpu.assume_multiple %add3A_290, 8 : i32
        %dma_start3A_292 = tpu.memref_slice %arg3[%multiple_of3A_291] : memref<320000xi32, #tpu.memory_space<hbm>> -> memref<40xi32, #tpu.memory_space<hbm>>
        %dma_start3A_293 = tpu.memref_slice %arg3[%multiple_of3A_291] : memref<320000xi32, #tpu.memory_space<hbm>> -> memref<40xi32, #tpu.memory_space<hbm>>
        tpu.enqueue_dma source(%dma_start3A_293 : memref<40xi32, #tpu.memory_space<hbm>>) target(%arg12 : memref<40xi32, #tpu.memory_space<vmem>>) target_semaphore(%arg42 : memref<!tpu.dma_semaphore, #tpu.memory_space<semaphore_mem>>)
        %dma_start3A_294 = tpu.memref_slice %arg4[%multiple_of3A_291] : memref<320000xi32, #tpu.memory_space<hbm>> -> memref<40xi32, #tpu.memory_space<hbm>>
        %dma_start3A_295 = tpu.memref_slice %arg4[%multiple_of3A_291] : memref<320000xi32, #tpu.memory_space<hbm>> -> memref<40xi32, #tpu.memory_space<hbm>>
        tpu.enqueue_dma source(%dma_start3A_295 : memref<40xi32, #tpu.memory_space<hbm>>) target(%arg22 : memref<40xi32, #tpu.memory_space<vmem>>) target_semaphore(%arg42 : memref<!tpu.dma_semaphore, #tpu.memory_space<semaphore_mem>>)
      } else {
      }
      %dma_wait3A_230 = arith.constant 0 : i32
      %dma_wait3A_231 = arith.constant 0 : i32
      %dma_wait3A_232 = tpu.memref_slice %arg2[%dma_wait3A_230, %dma_wait3A_231] : memref<10240x128xf32, #tpu.memory_space<hbm>> -> memref<10240x128xf32, #tpu.memory_space<hbm>>
      tpu.wait_indirect_dma semaphore(%arg33 : memref<!tpu.dma_semaphore, #tpu.memory_space<semaphore_mem>>) src(%dma_wait3A_232 : memref<10240x128xf32, #tpu.memory_space<hbm>>) dst(%arg28 : memref<40x128xf32, #tpu.memory_space<vmem>>)
      "tpu.region"() ({
        %run_scoped3A = tpu.sem_alloc : memref<!tpu.dma_semaphore, #tpu.memory_space<semaphore_mem>>
        %dma_start3A_282 = arith.constant 0 : i32
        %dma_start3A_283 = arith.constant 0 : i32
        %dma_start3A_284 = tpu.memref_slice %arg6[%dma_start3A_282, %dma_start3A_283] : memref<10240x128xf32, #tpu.memory_space<vmem_shared>> -> memref<10240x128xf32, #tpu.memory_space<vmem_shared>>
        tpu.enqueue_indirect_dma source(%arg28 : memref<40x128xf32, #tpu.memory_space<vmem>>) target(%dma_start3A_284 : memref<10240x128xf32, #tpu.memory_space<vmem_shared>>) offsets(%arg23 : memref<40xi32, #tpu.memory_space<vmem>>) semaphore(%run_scoped3A : memref<!tpu.dma_semaphore, #tpu.memory_space<semaphore_mem>>) {add = true}
        %dma_wait3A_285 = arith.constant 0 : i32
        %dma_wait3A_286 = arith.constant 0 : i32
        %dma_wait3A_287 = tpu.memref_slice %arg6[%dma_wait3A_285, %dma_wait3A_286] : memref<10240x128xf32, #tpu.memory_space<vmem_shared>> -> memref<10240x128xf32, #tpu.memory_space<vmem_shared>>
        tpu.wait_indirect_dma semaphore(%run_scoped3A : memref<!tpu.dma_semaphore, #tpu.memory_space<semaphore_mem>>) src(%arg28 : memref<40x128xf32, #tpu.memory_space<vmem>>) dst(%dma_wait3A_287 : memref<10240x128xf32, #tpu.memory_space<vmem_shared>>)
        tpu.yield
      }) : () -> ()
      %lt3A_233 = arith.constant 49 : i32
      %lt3A_234 = arith.cmpi slt, %add3A_216, %lt3A_233 : i32
      %convert_element_type3A_235 = arith.extui %lt3A_234 : i1 to i32
      %cond3A_236 = arith.constant 0 : i32
      %cond3A_237 = arith.cmpi ne, %convert_element_type3A_235, %cond3A_236 : i32
      scf.if %cond3A_237 {
        %dma_wait3A_282 = arith.constant 0 : i32
        %dma_wait3A_283 = tpu.memref_slice %arg3[%dma_wait3A_282] : memref<320000xi32, #tpu.memory_space<hbm>> -> memref<40xi32, #tpu.memory_space<hbm>>
        %dma_wait3A_284 = arith.constant 0 : i32
        %dma_wait3A_285 = tpu.memref_slice %arg3[%dma_wait3A_284] : memref<320000xi32, #tpu.memory_space<hbm>> -> memref<40xi32, #tpu.memory_space<hbm>>
        tpu.wait_dma2 semaphore(%arg38 : memref<!tpu.dma_semaphore, #tpu.memory_space<semaphore_mem>>) src(%dma_wait3A_285 : memref<40xi32, #tpu.memory_space<hbm>>) dst(%arg8 : memref<40xi32, #tpu.memory_space<vmem>>)
        %dma_wait3A_286 = arith.constant 0 : i32
        %dma_wait3A_287 = tpu.memref_slice %arg4[%dma_wait3A_286] : memref<320000xi32, #tpu.memory_space<hbm>> -> memref<40xi32, #tpu.memory_space<hbm>>
        %dma_wait3A_288 = arith.constant 0 : i32
        %dma_wait3A_289 = tpu.memref_slice %arg4[%dma_wait3A_288] : memref<320000xi32, #tpu.memory_space<hbm>> -> memref<40xi32, #tpu.memory_space<hbm>>
        tpu.wait_dma2 semaphore(%arg38 : memref<!tpu.dma_semaphore, #tpu.memory_space<semaphore_mem>>) src(%dma_wait3A_289 : memref<40xi32, #tpu.memory_space<hbm>>) dst(%arg18 : memref<40xi32, #tpu.memory_space<vmem>>)
        %dma_start3A_290 = arith.constant 0 : i32
        %dma_start3A_291 = arith.constant 0 : i32
        %dma_start3A_292 = tpu.memref_slice %arg2[%dma_start3A_290, %dma_start3A_291] : memref<10240x128xf32, #tpu.memory_space<hbm>> -> memref<10240x128xf32, #tpu.memory_space<hbm>>
        tpu.enqueue_indirect_dma source(%dma_start3A_292 : memref<10240x128xf32, #tpu.memory_space<hbm>>) target(%arg28 : memref<40x128xf32, #tpu.memory_space<vmem>>) offsets(%arg8 : memref<40xi32, #tpu.memory_space<vmem>>) semaphore(%arg33 : memref<!tpu.dma_semaphore, #tpu.memory_space<semaphore_mem>>)
      } else {
      }
      %lt3A_238 = arith.constant 48 : i32
      %lt3A_239 = arith.cmpi slt, %add3A_216, %lt3A_238 : i32
      %convert_element_type3A_240 = arith.extui %lt3A_239 : i1 to i32
      %cond3A_241 = arith.constant 0 : i32
      %cond3A_242 = arith.cmpi ne, %convert_element_type3A_240, %cond3A_241 : i32
      scf.if %cond3A_242 {
        %add3A_282 = arith.constant 2 : i32
        %add3A_283 = arith.addi %add3A_216, %add3A_282 : i32
        %mul3A_284 = arith.constant 5 : i32
        %mul3A_285 = arith.muli %add3A_283, %mul3A_284 : i32
        %add3A_286 = arith.constant 1 : i32
        %add3A_287 = arith.addi %mul3A_285, %add3A_286 : i32
        %mul3A_288 = arith.constant 40 : i32
        %mul3A_289 = arith.muli %add3A_287, %mul3A_288 : i32
        %add3A_290 = arith.addi %add3A, %mul3A_289 : i32
        %multiple_of3A_291 = tpu.assume_multiple %add3A_290, 8 : i32
        %dma_start3A_292 = tpu.memref_slice %arg3[%multiple_of3A_291] : memref<320000xi32, #tpu.memory_space<hbm>> -> memref<40xi32, #tpu.memory_space<hbm>>
        %dma_start3A_293 = tpu.memref_slice %arg3[%multiple_of3A_291] : memref<320000xi32, #tpu.memory_space<hbm>> -> memref<40xi32, #tpu.memory_space<hbm>>
        tpu.enqueue_dma source(%dma_start3A_293 : memref<40xi32, #tpu.memory_space<hbm>>) target(%arg13 : memref<40xi32, #tpu.memory_space<vmem>>) target_semaphore(%arg43 : memref<!tpu.dma_semaphore, #tpu.memory_space<semaphore_mem>>)
        %dma_start3A_294 = tpu.memref_slice %arg4[%multiple_of3A_291] : memref<320000xi32, #tpu.memory_space<hbm>> -> memref<40xi32, #tpu.memory_space<hbm>>
        %dma_start3A_295 = tpu.memref_slice %arg4[%multiple_of3A_291] : memref<320000xi32, #tpu.memory_space<hbm>> -> memref<40xi32, #tpu.memory_space<hbm>>
        tpu.enqueue_dma source(%dma_start3A_295 : memref<40xi32, #tpu.memory_space<hbm>>) target(%arg23 : memref<40xi32, #tpu.memory_space<vmem>>) target_semaphore(%arg43 : memref<!tpu.dma_semaphore, #tpu.memory_space<semaphore_mem>>)
      } else {
      }
      %dma_wait3A_243 = arith.constant 0 : i32
      %dma_wait3A_244 = arith.constant 0 : i32
      %dma_wait3A_245 = tpu.memref_slice %arg2[%dma_wait3A_243, %dma_wait3A_244] : memref<10240x128xf32, #tpu.memory_space<hbm>> -> memref<10240x128xf32, #tpu.memory_space<hbm>>
      tpu.wait_indirect_dma semaphore(%arg34 : memref<!tpu.dma_semaphore, #tpu.memory_space<semaphore_mem>>) src(%dma_wait3A_245 : memref<10240x128xf32, #tpu.memory_space<hbm>>) dst(%arg29 : memref<40x128xf32, #tpu.memory_space<vmem>>)
      "tpu.region"() ({
        %run_scoped3A = tpu.sem_alloc : memref<!tpu.dma_semaphore, #tpu.memory_space<semaphore_mem>>
        %dma_start3A_282 = arith.constant 0 : i32
        %dma_start3A_283 = arith.constant 0 : i32
        %dma_start3A_284 = tpu.memref_slice %arg6[%dma_start3A_282, %dma_start3A_283] : memref<10240x128xf32, #tpu.memory_space<vmem_shared>> -> memref<10240x128xf32, #tpu.memory_space<vmem_shared>>
        tpu.enqueue_indirect_dma source(%arg29 : memref<40x128xf32, #tpu.memory_space<vmem>>) target(%dma_start3A_284 : memref<10240x128xf32, #tpu.memory_space<vmem_shared>>) offsets(%arg24 : memref<40xi32, #tpu.memory_space<vmem>>) semaphore(%run_scoped3A : memref<!tpu.dma_semaphore, #tpu.memory_space<semaphore_mem>>) {add = true}
        %dma_wait3A_285 = arith.constant 0 : i32
        %dma_wait3A_286 = arith.constant 0 : i32
        %dma_wait3A_287 = tpu.memref_slice %arg6[%dma_wait3A_285, %dma_wait3A_286] : memref<10240x128xf32, #tpu.memory_space<vmem_shared>> -> memref<10240x128xf32, #tpu.memory_space<vmem_shared>>
        tpu.wait_indirect_dma semaphore(%run_scoped3A : memref<!tpu.dma_semaphore, #tpu.memory_space<semaphore_mem>>) src(%arg29 : memref<40x128xf32, #tpu.memory_space<vmem>>) dst(%dma_wait3A_287 : memref<10240x128xf32, #tpu.memory_space<vmem_shared>>)
        tpu.yield
      }) : () -> ()
      %lt3A_246 = arith.constant 49 : i32
      %lt3A_247 = arith.cmpi slt, %add3A_216, %lt3A_246 : i32
      %convert_element_type3A_248 = arith.extui %lt3A_247 : i1 to i32
      %cond3A_249 = arith.constant 0 : i32
      %cond3A_250 = arith.cmpi ne, %convert_element_type3A_248, %cond3A_249 : i32
      scf.if %cond3A_250 {
        %dma_wait3A_282 = arith.constant 0 : i32
        %dma_wait3A_283 = tpu.memref_slice %arg3[%dma_wait3A_282] : memref<320000xi32, #tpu.memory_space<hbm>> -> memref<40xi32, #tpu.memory_space<hbm>>
        %dma_wait3A_284 = arith.constant 0 : i32
        %dma_wait3A_285 = tpu.memref_slice %arg3[%dma_wait3A_284] : memref<320000xi32, #tpu.memory_space<hbm>> -> memref<40xi32, #tpu.memory_space<hbm>>
        tpu.wait_dma2 semaphore(%arg39 : memref<!tpu.dma_semaphore, #tpu.memory_space<semaphore_mem>>) src(%dma_wait3A_285 : memref<40xi32, #tpu.memory_space<hbm>>) dst(%arg9 : memref<40xi32, #tpu.memory_space<vmem>>)
        %dma_wait3A_286 = arith.constant 0 : i32
        %dma_wait3A_287 = tpu.memref_slice %arg4[%dma_wait3A_286] : memref<320000xi32, #tpu.memory_space<hbm>> -> memref<40xi32, #tpu.memory_space<hbm>>
        %dma_wait3A_288 = arith.constant 0 : i32
        %dma_wait3A_289 = tpu.memref_slice %arg4[%dma_wait3A_288] : memref<320000xi32, #tpu.memory_space<hbm>> -> memref<40xi32, #tpu.memory_space<hbm>>
        tpu.wait_dma2 semaphore(%arg39 : memref<!tpu.dma_semaphore, #tpu.memory_space<semaphore_mem>>) src(%dma_wait3A_289 : memref<40xi32, #tpu.memory_space<hbm>>) dst(%arg19 : memref<40xi32, #tpu.memory_space<vmem>>)
        %dma_start3A_290 = arith.constant 0 : i32
        %dma_start3A_291 = arith.constant 0 : i32
        %dma_start3A_292 = tpu.memref_slice %arg2[%dma_start3A_290, %dma_start3A_291] : memref<10240x128xf32, #tpu.memory_space<hbm>> -> memref<10240x128xf32, #tpu.memory_space<hbm>>
        tpu.enqueue_indirect_dma source(%dma_start3A_292 : memref<10240x128xf32, #tpu.memory_space<hbm>>) target(%arg29 : memref<40x128xf32, #tpu.memory_space<vmem>>) offsets(%arg9 : memref<40xi32, #tpu.memory_space<vmem>>) semaphore(%arg34 : memref<!tpu.dma_semaphore, #tpu.memory_space<semaphore_mem>>)
      } else {
      }
      %lt3A_251 = arith.constant 48 : i32
      %lt3A_252 = arith.cmpi slt, %add3A_216, %lt3A_251 : i32
      %convert_element_type3A_253 = arith.extui %lt3A_252 : i1 to i32
      %cond3A_254 = arith.constant 0 : i32
      %cond3A_255 = arith.cmpi ne, %convert_element_type3A_253, %cond3A_254 : i32
      scf.if %cond3A_255 {
        %add3A_282 = arith.constant 2 : i32
        %add3A_283 = arith.addi %add3A_216, %add3A_282 : i32
        %mul3A_284 = arith.constant 5 : i32
        %mul3A_285 = arith.muli %add3A_283, %mul3A_284 : i32
        %add3A_286 = arith.constant 2 : i32
        %add3A_287 = arith.addi %mul3A_285, %add3A_286 : i32
        %mul3A_288 = arith.constant 40 : i32
        %mul3A_289 = arith.muli %add3A_287, %mul3A_288 : i32
        %add3A_290 = arith.addi %add3A, %mul3A_289 : i32
        %multiple_of3A_291 = tpu.assume_multiple %add3A_290, 8 : i32
        %dma_start3A_292 = tpu.memref_slice %arg3[%multiple_of3A_291] : memref<320000xi32, #tpu.memory_space<hbm>> -> memref<40xi32, #tpu.memory_space<hbm>>
        %dma_start3A_293 = tpu.memref_slice %arg3[%multiple_of3A_291] : memref<320000xi32, #tpu.memory_space<hbm>> -> memref<40xi32, #tpu.memory_space<hbm>>
        tpu.enqueue_dma source(%dma_start3A_293 : memref<40xi32, #tpu.memory_space<hbm>>) target(%arg14 : memref<40xi32, #tpu.memory_space<vmem>>) target_semaphore(%arg44 : memref<!tpu.dma_semaphore, #tpu.memory_space<semaphore_mem>>)
        %dma_start3A_294 = tpu.memref_slice %arg4[%multiple_of3A_291] : memref<320000xi32, #tpu.memory_space<hbm>> -> memref<40xi32, #tpu.memory_space<hbm>>
        %dma_start3A_295 = tpu.memref_slice %arg4[%multiple_of3A_291] : memref<320000xi32, #tpu.memory_space<hbm>> -> memref<40xi32, #tpu.memory_space<hbm>>
        tpu.enqueue_dma source(%dma_start3A_295 : memref<40xi32, #tpu.memory_space<hbm>>) target(%arg24 : memref<40xi32, #tpu.memory_space<vmem>>) target_semaphore(%arg44 : memref<!tpu.dma_semaphore, #tpu.memory_space<semaphore_mem>>)
      } else {
      }
      %dma_wait3A_256 = arith.constant 0 : i32
      %dma_wait3A_257 = arith.constant 0 : i32
      %dma_wait3A_258 = tpu.memref_slice %arg2[%dma_wait3A_256, %dma_wait3A_257] : memref<10240x128xf32, #tpu.memory_space<hbm>> -> memref<10240x128xf32, #tpu.memory_space<hbm>>
      tpu.wait_indirect_dma semaphore(%arg35 : memref<!tpu.dma_semaphore, #tpu.memory_space<semaphore_mem>>) src(%dma_wait3A_258 : memref<10240x128xf32, #tpu.memory_space<hbm>>) dst(%arg30 : memref<40x128xf32, #tpu.memory_space<vmem>>)
      "tpu.region"() ({
        %run_scoped3A = tpu.sem_alloc : memref<!tpu.dma_semaphore, #tpu.memory_space<semaphore_mem>>
        %dma_start3A_282 = arith.constant 0 : i32
        %dma_start3A_283 = arith.constant 0 : i32
        %dma_start3A_284 = tpu.memref_slice %arg6[%dma_start3A_282, %dma_start3A_283] : memref<10240x128xf32, #tpu.memory_space<vmem_shared>> -> memref<10240x128xf32, #tpu.memory_space<vmem_shared>>
        tpu.enqueue_indirect_dma source(%arg30 : memref<40x128xf32, #tpu.memory_space<vmem>>) target(%dma_start3A_284 : memref<10240x128xf32, #tpu.memory_space<vmem_shared>>) offsets(%arg25 : memref<40xi32, #tpu.memory_space<vmem>>) semaphore(%run_scoped3A : memref<!tpu.dma_semaphore, #tpu.memory_space<semaphore_mem>>) {add = true}
        %dma_wait3A_285 = arith.constant 0 : i32
        %dma_wait3A_286 = arith.constant 0 : i32
        %dma_wait3A_287 = tpu.memref_slice %arg6[%dma_wait3A_285, %dma_wait3A_286] : memref<10240x128xf32, #tpu.memory_space<vmem_shared>> -> memref<10240x128xf32, #tpu.memory_space<vmem_shared>>
        tpu.wait_indirect_dma semaphore(%run_scoped3A : memref<!tpu.dma_semaphore, #tpu.memory_space<semaphore_mem>>) src(%arg30 : memref<40x128xf32, #tpu.memory_space<vmem>>) dst(%dma_wait3A_287 : memref<10240x128xf32, #tpu.memory_space<vmem_shared>>)
        tpu.yield
      }) : () -> ()
      %lt3A_259 = arith.constant 49 : i32
      %lt3A_260 = arith.cmpi slt, %add3A_216, %lt3A_259 : i32
      %convert_element_type3A_261 = arith.extui %lt3A_260 : i1 to i32
      %cond3A_262 = arith.constant 0 : i32
      %cond3A_263 = arith.cmpi ne, %convert_element_type3A_261, %cond3A_262 : i32
      scf.if %cond3A_263 {
        %dma_wait3A_282 = arith.constant 0 : i32
        %dma_wait3A_283 = tpu.memref_slice %arg3[%dma_wait3A_282] : memref<320000xi32, #tpu.memory_space<hbm>> -> memref<40xi32, #tpu.memory_space<hbm>>
        %dma_wait3A_284 = arith.constant 0 : i32
        %dma_wait3A_285 = tpu.memref_slice %arg3[%dma_wait3A_284] : memref<320000xi32, #tpu.memory_space<hbm>> -> memref<40xi32, #tpu.memory_space<hbm>>
        tpu.wait_dma2 semaphore(%arg40 : memref<!tpu.dma_semaphore, #tpu.memory_space<semaphore_mem>>) src(%dma_wait3A_285 : memref<40xi32, #tpu.memory_space<hbm>>) dst(%arg10 : memref<40xi32, #tpu.memory_space<vmem>>)
        %dma_wait3A_286 = arith.constant 0 : i32
        %dma_wait3A_287 = tpu.memref_slice %arg4[%dma_wait3A_286] : memref<320000xi32, #tpu.memory_space<hbm>> -> memref<40xi32, #tpu.memory_space<hbm>>
        %dma_wait3A_288 = arith.constant 0 : i32
        %dma_wait3A_289 = tpu.memref_slice %arg4[%dma_wait3A_288] : memref<320000xi32, #tpu.memory_space<hbm>> -> memref<40xi32, #tpu.memory_space<hbm>>
        tpu.wait_dma2 semaphore(%arg40 : memref<!tpu.dma_semaphore, #tpu.memory_space<semaphore_mem>>) src(%dma_wait3A_289 : memref<40xi32, #tpu.memory_space<hbm>>) dst(%arg20 : memref<40xi32, #tpu.memory_space<vmem>>)
        %dma_start3A_290 = arith.constant 0 : i32
        %dma_start3A_291 = arith.constant 0 : i32
        %dma_start3A_292 = tpu.memref_slice %arg2[%dma_start3A_290, %dma_start3A_291] : memref<10240x128xf32, #tpu.memory_space<hbm>> -> memref<10240x128xf32, #tpu.memory_space<hbm>>
        tpu.enqueue_indirect_dma source(%dma_start3A_292 : memref<10240x128xf32, #tpu.memory_space<hbm>>) target(%arg30 : memref<40x128xf32, #tpu.memory_space<vmem>>) offsets(%arg10 : memref<40xi32, #tpu.memory_space<vmem>>) semaphore(%arg35 : memref<!tpu.dma_semaphore, #tpu.memory_space<semaphore_mem>>)
      } else {
      }
      %lt3A_264 = arith.constant 48 : i32
      %lt3A_265 = arith.cmpi slt, %add3A_216, %lt3A_264 : i32
      %convert_element_type3A_266 = arith.extui %lt3A_265 : i1 to i32
      %cond3A_267 = arith.constant 0 : i32
      %cond3A_268 = arith.cmpi ne, %convert_element_type3A_266, %cond3A_267 : i32
      scf.if %cond3A_268 {
        %add3A_282 = arith.constant 2 : i32
        %add3A_283 = arith.addi %add3A_216, %add3A_282 : i32
        %mul3A_284 = arith.constant 5 : i32
        %mul3A_285 = arith.muli %add3A_283, %mul3A_284 : i32
        %add3A_286 = arith.constant 3 : i32
        %add3A_287 = arith.addi %mul3A_285, %add3A_286 : i32
        %mul3A_288 = arith.constant 40 : i32
        %mul3A_289 = arith.muli %add3A_287, %mul3A_288 : i32
        %add3A_290 = arith.addi %add3A, %mul3A_289 : i32
        %multiple_of3A_291 = tpu.assume_multiple %add3A_290, 8 : i32
        %dma_start3A_292 = tpu.memref_slice %arg3[%multiple_of3A_291] : memref<320000xi32, #tpu.memory_space<hbm>> -> memref<40xi32, #tpu.memory_space<hbm>>
        %dma_start3A_293 = tpu.memref_slice %arg3[%multiple_of3A_291] : memref<320000xi32, #tpu.memory_space<hbm>> -> memref<40xi32, #tpu.memory_space<hbm>>
        tpu.enqueue_dma source(%dma_start3A_293 : memref<40xi32, #tpu.memory_space<hbm>>) target(%arg15 : memref<40xi32, #tpu.memory_space<vmem>>) target_semaphore(%arg45 : memref<!tpu.dma_semaphore, #tpu.memory_space<semaphore_mem>>)
        %dma_start3A_294 = tpu.memref_slice %arg4[%multiple_of3A_291] : memref<320000xi32, #tpu.memory_space<hbm>> -> memref<40xi32, #tpu.memory_space<hbm>>
        %dma_start3A_295 = tpu.memref_slice %arg4[%multiple_of3A_291] : memref<320000xi32, #tpu.memory_space<hbm>> -> memref<40xi32, #tpu.memory_space<hbm>>
        tpu.enqueue_dma source(%dma_start3A_295 : memref<40xi32, #tpu.memory_space<hbm>>) target(%arg25 : memref<40xi32, #tpu.memory_space<vmem>>) target_semaphore(%arg45 : memref<!tpu.dma_semaphore, #tpu.memory_space<semaphore_mem>>)
      } else {
      }
      %dma_wait3A_269 = arith.constant 0 : i32
      %dma_wait3A_270 = arith.constant 0 : i32
      %dma_wait3A_271 = tpu.memref_slice %arg2[%dma_wait3A_269, %dma_wait3A_270] : memref<10240x128xf32, #tpu.memory_space<hbm>> -> memref<10240x128xf32, #tpu.memory_space<hbm>>
      tpu.wait_indirect_dma semaphore(%arg36 : memref<!tpu.dma_semaphore, #tpu.memory_space<semaphore_mem>>) src(%dma_wait3A_271 : memref<10240x128xf32, #tpu.memory_space<hbm>>) dst(%arg31 : memref<40x128xf32, #tpu.memory_space<vmem>>)
      "tpu.region"() ({
        %run_scoped3A = tpu.sem_alloc : memref<!tpu.dma_semaphore, #tpu.memory_space<semaphore_mem>>
        %dma_start3A_282 = arith.constant 0 : i32
        %dma_start3A_283 = arith.constant 0 : i32
        %dma_start3A_284 = tpu.memref_slice %arg6[%dma_start3A_282, %dma_start3A_283] : memref<10240x128xf32, #tpu.memory_space<vmem_shared>> -> memref<10240x128xf32, #tpu.memory_space<vmem_shared>>
        tpu.enqueue_indirect_dma source(%arg31 : memref<40x128xf32, #tpu.memory_space<vmem>>) target(%dma_start3A_284 : memref<10240x128xf32, #tpu.memory_space<vmem_shared>>) offsets(%arg26 : memref<40xi32, #tpu.memory_space<vmem>>) semaphore(%run_scoped3A : memref<!tpu.dma_semaphore, #tpu.memory_space<semaphore_mem>>) {add = true}
        %dma_wait3A_285 = arith.constant 0 : i32
        %dma_wait3A_286 = arith.constant 0 : i32
        %dma_wait3A_287 = tpu.memref_slice %arg6[%dma_wait3A_285, %dma_wait3A_286] : memref<10240x128xf32, #tpu.memory_space<vmem_shared>> -> memref<10240x128xf32, #tpu.memory_space<vmem_shared>>
        tpu.wait_indirect_dma semaphore(%run_scoped3A : memref<!tpu.dma_semaphore, #tpu.memory_space<semaphore_mem>>) src(%arg31 : memref<40x128xf32, #tpu.memory_space<vmem>>) dst(%dma_wait3A_287 : memref<10240x128xf32, #tpu.memory_space<vmem_shared>>)
        tpu.yield
      }) : () -> ()
      %lt3A_272 = arith.constant 49 : i32
      %lt3A_273 = arith.cmpi slt, %add3A_216, %lt3A_272 : i32
      %convert_element_type3A_274 = arith.extui %lt3A_273 : i1 to i32
      %cond3A_275 = arith.constant 0 : i32
      %cond3A_276 = arith.cmpi ne, %convert_element_type3A_274, %cond3A_275 : i32
      scf.if %cond3A_276 {
        %dma_wait3A_282 = arith.constant 0 : i32
        %dma_wait3A_283 = tpu.memref_slice %arg3[%dma_wait3A_282] : memref<320000xi32, #tpu.memory_space<hbm>> -> memref<40xi32, #tpu.memory_space<hbm>>
        %dma_wait3A_284 = arith.constant 0 : i32
        %dma_wait3A_285 = tpu.memref_slice %arg3[%dma_wait3A_284] : memref<320000xi32, #tpu.memory_space<hbm>> -> memref<40xi32, #tpu.memory_space<hbm>>
        tpu.wait_dma2 semaphore(%arg41 : memref<!tpu.dma_semaphore, #tpu.memory_space<semaphore_mem>>) src(%dma_wait3A_285 : memref<40xi32, #tpu.memory_space<hbm>>) dst(%arg11 : memref<40xi32, #tpu.memory_space<vmem>>)
        %dma_wait3A_286 = arith.constant 0 : i32
        %dma_wait3A_287 = tpu.memref_slice %arg4[%dma_wait3A_286] : memref<320000xi32, #tpu.memory_space<hbm>> -> memref<40xi32, #tpu.memory_space<hbm>>
        %dma_wait3A_288 = arith.constant 0 : i32
        %dma_wait3A_289 = tpu.memref_slice %arg4[%dma_wait3A_288] : memref<320000xi32, #tpu.memory_space<hbm>> -> memref<40xi32, #tpu.memory_space<hbm>>
        tpu.wait_dma2 semaphore(%arg41 : memref<!tpu.dma_semaphore, #tpu.memory_space<semaphore_mem>>) src(%dma_wait3A_289 : memref<40xi32, #tpu.memory_space<hbm>>) dst(%arg21 : memref<40xi32, #tpu.memory_space<vmem>>)
        %dma_start3A_290 = arith.constant 0 : i32
        %dma_start3A_291 = arith.constant 0 : i32
        %dma_start3A_292 = tpu.memref_slice %arg2[%dma_start3A_290, %dma_start3A_291] : memref<10240x128xf32, #tpu.memory_space<hbm>> -> memref<10240x128xf32, #tpu.memory_space<hbm>>
        tpu.enqueue_indirect_dma source(%dma_start3A_292 : memref<10240x128xf32, #tpu.memory_space<hbm>>) target(%arg31 : memref<40x128xf32, #tpu.memory_space<vmem>>) offsets(%arg11 : memref<40xi32, #tpu.memory_space<vmem>>) semaphore(%arg36 : memref<!tpu.dma_semaphore, #tpu.memory_space<semaphore_mem>>)
      } else {
      }
      %lt3A_277 = arith.constant 48 : i32
      %lt3A_278 = arith.cmpi slt, %add3A_216, %lt3A_277 : i32
      %convert_element_type3A_279 = arith.extui %lt3A_278 : i1 to i32
      %cond3A_280 = arith.constant 0 : i32
      %cond3A_281 = arith.cmpi ne, %convert_element_type3A_279, %cond3A_280 : i32
      scf.if %cond3A_281 {
        %add3A_282 = arith.constant 2 : i32
        %add3A_283 = arith.addi %add3A_216, %add3A_282 : i32
        %mul3A_284 = arith.constant 5 : i32
        %mul3A_285 = arith.muli %add3A_283, %mul3A_284 : i32
        %add3A_286 = arith.constant 4 : i32
        %add3A_287 = arith.addi %mul3A_285, %add3A_286 : i32
        %mul3A_288 = arith.constant 40 : i32
        %mul3A_289 = arith.muli %add3A_287, %mul3A_288 : i32
        %add3A_290 = arith.addi %add3A, %mul3A_289 : i32
        %multiple_of3A_291 = tpu.assume_multiple %add3A_290, 8 : i32
        %dma_start3A_292 = tpu.memref_slice %arg3[%multiple_of3A_291] : memref<320000xi32, #tpu.memory_space<hbm>> -> memref<40xi32, #tpu.memory_space<hbm>>
        %dma_start3A_293 = tpu.memref_slice %arg3[%multiple_of3A_291] : memref<320000xi32, #tpu.memory_space<hbm>> -> memref<40xi32, #tpu.memory_space<hbm>>
        tpu.enqueue_dma source(%dma_start3A_293 : memref<40xi32, #tpu.memory_space<hbm>>) target(%arg16 : memref<40xi32, #tpu.memory_space<vmem>>) target_semaphore(%arg46 : memref<!tpu.dma_semaphore, #tpu.memory_space<semaphore_mem>>)
        %dma_start3A_294 = tpu.memref_slice %arg4[%multiple_of3A_291] : memref<320000xi32, #tpu.memory_space<hbm>> -> memref<40xi32, #tpu.memory_space<hbm>>
        %dma_start3A_295 = tpu.memref_slice %arg4[%multiple_of3A_291] : memref<320000xi32, #tpu.memory_space<hbm>> -> memref<40xi32, #tpu.memory_space<hbm>>
        tpu.enqueue_dma source(%dma_start3A_295 : memref<40xi32, #tpu.memory_space<hbm>>) target(%arg26 : memref<40xi32, #tpu.memory_space<vmem>>) target_semaphore(%arg46 : memref<!tpu.dma_semaphore, #tpu.memory_space<semaphore_mem>>)
      } else {
      }
    }
    %scan3A_141 = arith.constant 25 : i32
    %barrier3A_142 = arith.constant 0 : index
    tpu.barrier barrier_id(%barrier3A_142)
    %mul3A_143 = arith.constant 640 : i32
    %mul3A_144 = arith.muli %arg1, %mul3A_143 : i32
    %multiple_of3A_145 = tpu.assume_multiple %mul3A_144, 8 : i32
    "tpu.region"() ({
      %run_scoped3A = tpu.sem_alloc : memref<!tpu.dma_semaphore, #tpu.memory_space<semaphore_mem>>
      %dma_start3A_146 = arith.constant 0 : i32
      %dma_start3A_147 = tpu.memref_slice %arg5[%arg0, %multiple_of3A_145, %dma_start3A_146] : memref<2x10240x128xf32, #tpu.memory_space<hbm>> -> memref<1x640x128xf32, #tpu.memory_space<hbm>>
      %dma_start3A_148 = tpu.memref_squeeze %dma_start3A_147 : memref<1x640x128xf32, #tpu.memory_space<hbm>> -> memref<640x128xf32, #tpu.memory_space<hbm>>
      %dma_start3A_149 = arith.constant 0 : i32
      %dma_start3A_150 = tpu.memref_slice %arg6[%multiple_of3A_145, %dma_start3A_149] : memref<10240x128xf32, #tpu.memory_space<vmem_shared>> -> memref<640x128xf32, #tpu.memory_space<vmem_shared>>
      tpu.enqueue_dma source(%dma_start3A_150 : memref<640x128xf32, #tpu.memory_space<vmem_shared>>) target(%dma_start3A_148 : memref<640x128xf32, #tpu.memory_space<hbm>>) target_semaphore(%run_scoped3A : memref<!tpu.dma_semaphore, #tpu.memory_space<semaphore_mem>>)
      %dma_wait3A_151 = arith.constant 0 : i32
      %dma_wait3A_152 = tpu.memref_slice %arg5[%arg0, %multiple_of3A_145, %dma_wait3A_151] : memref<2x10240x128xf32, #tpu.memory_space<hbm>> -> memref<1x640x128xf32, #tpu.memory_space<hbm>>
      %dma_wait3A_153 = tpu.memref_squeeze %dma_wait3A_152 : memref<1x640x128xf32, #tpu.memory_space<hbm>> -> memref<640x128xf32, #tpu.memory_space<hbm>>
      %dma_wait3A_154 = arith.constant 0 : i32
      %dma_wait3A_155 = tpu.memref_slice %arg6[%multiple_of3A_145, %dma_wait3A_154] : memref<10240x128xf32, #tpu.memory_space<vmem_shared>> -> memref<640x128xf32, #tpu.memory_space<vmem_shared>>
      tpu.wait_dma2 semaphore(%run_scoped3A : memref<!tpu.dma_semaphore, #tpu.memory_space<semaphore_mem>>) src(%dma_wait3A_155 : memref<640x128xf32, #tpu.memory_space<vmem_shared>>) dst(%dma_wait3A_153 : memref<640x128xf32, #tpu.memory_space<hbm>>)
      tpu.yield
    }) : () -> ()
    return
  }
}

#map = affine_map<(d0, d1) -> (0, 0)>
#map1 = affine_map<(d0, d1) -> (0)>
#map2 = affine_map<(d0, d1) -> (0, 0, 0)>
module attributes {stable_mosaic.version = 14 : i64} {
  func.func @_agg_kernel(%arg0: i32, %arg1: i32, %arg2: memref<10240x128xf32, #tpu.memory_space<hbm>>, %arg3: memref<320000xi32, #tpu.memory_space<hbm>>, %arg4: memref<320000xi32, #tpu.memory_space<hbm>>, %arg5: memref<2x10240x128xf32, #tpu.memory_space<hbm>>, %arg6: memref<10240x128xf32, #tpu.memory_space<vmem_shared>>, %arg7: memref<40xi32, #tpu.memory_space<vmem>>, %arg8: memref<40xi32, #tpu.memory_space<vmem>>, %arg9: memref<40xi32, #tpu.memory_space<vmem>>, %arg10: memref<40xi32, #tpu.memory_space<vmem>>, %arg11: memref<40xi32, #tpu.memory_space<vmem>>, %arg12: memref<40xi32, #tpu.memory_space<vmem>>, %arg13: memref<40xi32, #tpu.memory_space<vmem>>, %arg14: memref<40xi32, #tpu.memory_space<vmem>>, %arg15: memref<40xi32, #tpu.memory_space<vmem>>, %arg16: memref<40xi32, #tpu.memory_space<vmem>>, %arg17: memref<40xi32, #tpu.memory_space<vmem>>, %arg18: memref<40xi32, #tpu.memory_space<vmem>>, %arg19: memref<40xi32, #tpu.memory_space<vmem>>, %arg20: memref<40xi32, #tpu.memory_space<vmem>>, %arg21: memref<40xi32, #tpu.memory_space<vmem>>, %arg22: memref<40xi32, #tpu.memory_space<vmem>>, %arg23: memref<40xi32, #tpu.memory_space<vmem>>, %arg24: memref<40xi32, #tpu.memory_space<vmem>>, %arg25: memref<40xi32, #tpu.memory_space<vmem>>, %arg26: memref<40xi32, #tpu.memory_space<vmem>>, %arg27: memref<40x128xf32, #tpu.memory_space<vmem>>, %arg28: memref<40x128xf32, #tpu.memory_space<vmem>>, %arg29: memref<40x128xf32, #tpu.memory_space<vmem>>, %arg30: memref<40x128xf32, #tpu.memory_space<vmem>>, %arg31: memref<40x128xf32, #tpu.memory_space<vmem>>, %arg32: memref<!tpu.dma_semaphore, #tpu.memory_space<semaphore_mem>>, %arg33: memref<!tpu.dma_semaphore, #tpu.memory_space<semaphore_mem>>, %arg34: memref<!tpu.dma_semaphore, #tpu.memory_space<semaphore_mem>>, %arg35: memref<!tpu.dma_semaphore, #tpu.memory_space<semaphore_mem>>, %arg36: memref<!tpu.dma_semaphore, #tpu.memory_space<semaphore_mem>>, %arg37: memref<!tpu.dma_semaphore, #tpu.memory_space<semaphore_mem>>, %arg38: memref<!tpu.dma_semaphore, #tpu.memory_space<semaphore_mem>>, %arg39: memref<!tpu.dma_semaphore, #tpu.memory_space<semaphore_mem>>, %arg40: memref<!tpu.dma_semaphore, #tpu.memory_space<semaphore_mem>>, %arg41: memref<!tpu.dma_semaphore, #tpu.memory_space<semaphore_mem>>, %arg42: memref<!tpu.dma_semaphore, #tpu.memory_space<semaphore_mem>>, %arg43: memref<!tpu.dma_semaphore, #tpu.memory_space<semaphore_mem>>, %arg44: memref<!tpu.dma_semaphore, #tpu.memory_space<semaphore_mem>>, %arg45: memref<!tpu.dma_semaphore, #tpu.memory_space<semaphore_mem>>, %arg46: memref<!tpu.dma_semaphore, #tpu.memory_space<semaphore_mem>>) attributes {dimension_semantics = [#tpu.dimension_semantics<core_parallel>, #tpu.dimension_semantics<subcore_parallel>], iteration_bounds = array<i64: 2, 16>, scalar_prefetch = 0 : i64, scratch_operands = 41 : i64, tpu.core_type = #tpu.core_type<sc_vector_subcore>, window_params = [{transform_indices = #map}, {transform_indices = #map1}, {transform_indices = #map1}, {transform_indices = #map2}]} {
    %scan3A = arith.constant 0 : i32
    %scan3A_0 = arith.constant 0 : i32
    %scan3A_1 = arith.constant 40 : i32
    %scan3A_2 = arith.addi %scan3A_0, %scan3A_1 : i32
    %scan3A_3 = arith.constant 1 : i32
    scf.for %scan3A_146 = %scan3A_0 to %scan3A_2 step %scan3A_3  : i32 {
      %broadcast_in_dim3A = arith.constant 0.000000e+00 : f32
      %broadcast_in_dim3A_147 = vector.broadcast %broadcast_in_dim3A : f32 to vector<16xf32>
      %swap3A = arith.index_cast %scan3A_146 : i32 to index
      %swap3A_148 = arith.constant 0 : index
      %swap3A_149 = tpu.vector_load %arg27[%swap3A, %swap3A_148] {strides = array<i32>} : memref<40x128xf32, #tpu.memory_space<vmem>>, vector<1x16xf32>,
      %swap3A_150 = vector.shape_cast %swap3A_149 : vector<1x16xf32> to vector<16xf32>
      %swap3A_151 = vector.shape_cast %broadcast_in_dim3A_147 : vector<16xf32> to vector<1x16xf32>
      tpu.vector_store %arg27[%swap3A, %swap3A_148], %swap3A_151 {strides = array<i32>} : memref<40x128xf32, #tpu.memory_space<vmem>>, vector<1x16xf32>,
      %broadcast_in_dim3A_152 = arith.constant 0.000000e+00 : f32
      %broadcast_in_dim3A_153 = vector.broadcast %broadcast_in_dim3A_152 : f32 to vector<16xf32>
      %swap3A_154 = arith.index_cast %scan3A_146 : i32 to index
      %swap3A_155 = arith.constant 16 : index
      %swap3A_156 = tpu.vector_load %arg27[%swap3A_154, %swap3A_155] {strides = array<i32>} : memref<40x128xf32, #tpu.memory_space<vmem>>, vector<1x16xf32>,
      %swap3A_157 = vector.shape_cast %swap3A_156 : vector<1x16xf32> to vector<16xf32>
      %swap3A_158 = vector.shape_cast %broadcast_in_dim3A_153 : vector<16xf32> to vector<1x16xf32>
      tpu.vector_store %arg27[%swap3A_154, %swap3A_155], %swap3A_158 {strides = array<i32>} : memref<40x128xf32, #tpu.memory_space<vmem>>, vector<1x16xf32>,
      %broadcast_in_dim3A_159 = arith.constant 0.000000e+00 : f32
      %broadcast_in_dim3A_160 = vector.broadcast %broadcast_in_dim3A_159 : f32 to vector<16xf32>
      %swap3A_161 = arith.index_cast %scan3A_146 : i32 to index
      %swap3A_162 = arith.constant 32 : index
      %swap3A_163 = tpu.vector_load %arg27[%swap3A_161, %swap3A_162] {strides = array<i32>} : memref<40x128xf32, #tpu.memory_space<vmem>>, vector<1x16xf32>,
      %swap3A_164 = vector.shape_cast %swap3A_163 : vector<1x16xf32> to vector<16xf32>
      %swap3A_165 = vector.shape_cast %broadcast_in_dim3A_160 : vector<16xf32> to vector<1x16xf32>
      tpu.vector_store %arg27[%swap3A_161, %swap3A_162], %swap3A_165 {strides = array<i32>} : memref<40x128xf32, #tpu.memory_space<vmem>>, vector<1x16xf32>,
      %broadcast_in_dim3A_166 = arith.constant 0.000000e+00 : f32
      %broadcast_in_dim3A_167 = vector.broadcast %broadcast_in_dim3A_166 : f32 to vector<16xf32>
      %swap3A_168 = arith.index_cast %scan3A_146 : i32 to index
      %swap3A_169 = arith.constant 48 : index
      %swap3A_170 = tpu.vector_load %arg27[%swap3A_168, %swap3A_169] {strides = array<i32>} : memref<40x128xf32, #tpu.memory_space<vmem>>, vector<1x16xf32>,
      %swap3A_171 = vector.shape_cast %swap3A_170 : vector<1x16xf32> to vector<16xf32>
      %swap3A_172 = vector.shape_cast %broadcast_in_dim3A_167 : vector<16xf32> to vector<1x16xf32>
      tpu.vector_store %arg27[%swap3A_168, %swap3A_169], %swap3A_172 {strides = array<i32>} : memref<40x128xf32, #tpu.memory_space<vmem>>, vector<1x16xf32>,
      %broadcast_in_dim3A_173 = arith.constant 0.000000e+00 : f32
      %broadcast_in_dim3A_174 = vector.broadcast %broadcast_in_dim3A_173 : f32 to vector<16xf32>
      %swap3A_175 = arith.index_cast %scan3A_146 : i32 to index
      %swap3A_176 = arith.constant 64 : index
      %swap3A_177 = tpu.vector_load %arg27[%swap3A_175, %swap3A_176] {strides = array<i32>} : memref<40x128xf32, #tpu.memory_space<vmem>>, vector<1x16xf32>,
      %swap3A_178 = vector.shape_cast %swap3A_177 : vector<1x16xf32> to vector<16xf32>
      %swap3A_179 = vector.shape_cast %broadcast_in_dim3A_174 : vector<16xf32> to vector<1x16xf32>
      tpu.vector_store %arg27[%swap3A_175, %swap3A_176], %swap3A_179 {strides = array<i32>} : memref<40x128xf32, #tpu.memory_space<vmem>>, vector<1x16xf32>,
      %broadcast_in_dim3A_180 = arith.constant 0.000000e+00 : f32
      %broadcast_in_dim3A_181 = vector.broadcast %broadcast_in_dim3A_180 : f32 to vector<16xf32>
      %swap3A_182 = arith.index_cast %scan3A_146 : i32 to index
      %swap3A_183 = arith.constant 80 : index
      %swap3A_184 = tpu.vector_load %arg27[%swap3A_182, %swap3A_183] {strides = array<i32>} : memref<40x128xf32, #tpu.memory_space<vmem>>, vector<1x16xf32>,
      %swap3A_185 = vector.shape_cast %swap3A_184 : vector<1x16xf32> to vector<16xf32>
      %swap3A_186 = vector.shape_cast %broadcast_in_dim3A_181 : vector<16xf32> to vector<1x16xf32>
      tpu.vector_store %arg27[%swap3A_182, %swap3A_183], %swap3A_186 {strides = array<i32>} : memref<40x128xf32, #tpu.memory_space<vmem>>, vector<1x16xf32>,
      %broadcast_in_dim3A_187 = arith.constant 0.000000e+00 : f32
      %broadcast_in_dim3A_188 = vector.broadcast %broadcast_in_dim3A_187 : f32 to vector<16xf32>
      %swap3A_189 = arith.index_cast %scan3A_146 : i32 to index
      %swap3A_190 = arith.constant 96 : index
      %swap3A_191 = tpu.vector_load %arg27[%swap3A_189, %swap3A_190] {strides = array<i32>} : memref<40x128xf32, #tpu.memory_space<vmem>>, vector<1x16xf32>,
      %swap3A_192 = vector.shape_cast %swap3A_191 : vector<1x16xf32> to vector<16xf32>
      %swap3A_193 = vector.shape_cast %broadcast_in_dim3A_188 : vector<16xf32> to vector<1x16xf32>
      tpu.vector_store %arg27[%swap3A_189, %swap3A_190], %swap3A_193 {strides = array<i32>} : memref<40x128xf32, #tpu.memory_space<vmem>>, vector<1x16xf32>,
      %broadcast_in_dim3A_194 = arith.constant 0.000000e+00 : f32
      %broadcast_in_dim3A_195 = vector.broadcast %broadcast_in_dim3A_194 : f32 to vector<16xf32>
      %swap3A_196 = arith.index_cast %scan3A_146 : i32 to index
      %swap3A_197 = arith.constant 112 : index
      %swap3A_198 = tpu.vector_load %arg27[%swap3A_196, %swap3A_197] {strides = array<i32>} : memref<40x128xf32, #tpu.memory_space<vmem>>, vector<1x16xf32>,
      %swap3A_199 = vector.shape_cast %swap3A_198 : vector<1x16xf32> to vector<16xf32>
      %swap3A_200 = vector.shape_cast %broadcast_in_dim3A_195 : vector<16xf32> to vector<1x16xf32>
      tpu.vector_store %arg27[%swap3A_196, %swap3A_197], %swap3A_200 {strides = array<i32>} : memref<40x128xf32, #tpu.memory_space<vmem>>, vector<1x16xf32>,
    }
    %scan3A_4 = arith.constant 40 : i32
    %scan3A_5 = arith.constant 0 : i32
    %scan3A_6 = arith.constant 0 : i32
    %scan3A_7 = arith.constant 16 : i32
    %scan3A_8 = arith.addi %scan3A_6, %scan3A_7 : i32
    %scan3A_9 = arith.constant 1 : i32
    scf.for %scan3A_146 = %scan3A_6 to %scan3A_8 step %scan3A_9  : i32 {
      %mul3A_147 = arith.constant 640 : i32
      %mul3A_148 = arith.muli %arg1, %mul3A_147 : i32
      %mul3A_149 = arith.constant 40 : i32
      %mul3A_150 = arith.muli %scan3A_146, %mul3A_149 : i32
      %add3A_151 = arith.addi %mul3A_148, %mul3A_150 : i32
      "tpu.region"() ({
        %run_scoped3A = tpu.sem_alloc : memref<!tpu.dma_semaphore, #tpu.memory_space<semaphore_mem>>
        %dma_start3A_152 = arith.constant 0 : i32
        %dma_start3A_153 = tpu.memref_slice %arg6[%add3A_151, %dma_start3A_152] : memref<10240x128xf32, #tpu.memory_space<vmem_shared>> -> memref<40x128xf32, #tpu.memory_space<vmem_shared>>
        %dma_start3A_154 = arith.constant 0 : i32
        %dma_start3A_155 = tpu.memref_slice %arg6[%add3A_151, %dma_start3A_154] : memref<10240x128xf32, #tpu.memory_space<vmem_shared>> -> memref<40x128xf32, #tpu.memory_space<vmem_shared>>
        tpu.enqueue_dma source(%arg27 : memref<40x128xf32, #tpu.memory_space<vmem>>) target(%dma_start3A_155 : memref<40x128xf32, #tpu.memory_space<vmem_shared>>) target_semaphore(%run_scoped3A : memref<!tpu.dma_semaphore, #tpu.memory_space<semaphore_mem>>)
        %dma_wait3A_156 = arith.constant 0 : i32
        %dma_wait3A_157 = tpu.memref_slice %arg6[%add3A_151, %dma_wait3A_156] : memref<10240x128xf32, #tpu.memory_space<vmem_shared>> -> memref<40x128xf32, #tpu.memory_space<vmem_shared>>
        %dma_wait3A_158 = arith.constant 0 : i32
        %dma_wait3A_159 = tpu.memref_slice %arg6[%add3A_151, %dma_wait3A_158] : memref<10240x128xf32, #tpu.memory_space<vmem_shared>> -> memref<40x128xf32, #tpu.memory_space<vmem_shared>>
        tpu.wait_dma2 semaphore(%run_scoped3A : memref<!tpu.dma_semaphore, #tpu.memory_space<semaphore_mem>>) src(%arg27 : memref<40x128xf32, #tpu.memory_space<vmem>>) dst(%dma_wait3A_159 : memref<40x128xf32, #tpu.memory_space<vmem_shared>>)
        tpu.yield
      }) : () -> ()
    }
    %scan3A_10 = arith.constant 16 : i32
    %barrier3A = arith.constant 0 : index
    tpu.barrier barrier_id(%barrier3A)
    %mul3A = arith.constant 160000 : i32
    %mul3A_11 = arith.muli %arg0, %mul3A : i32
    %mul3A_12 = arith.constant 10000 : i32
    %mul3A_13 = arith.muli %arg1, %mul3A_12 : i32
    %add3A = arith.addi %mul3A_11, %mul3A_13 : i32
    %add3A_14 = arith.constant 0 : i32
    %add3A_15 = arith.addi %add3A, %add3A_14 : i32
    %multiple_of3A = tpu.assume_multiple %add3A_15, 8 : i32
    %dma_start3A = tpu.memref_slice %arg3[%multiple_of3A] : memref<320000xi32, #tpu.memory_space<hbm>> -> memref<40xi32, #tpu.memory_space<hbm>>
    %dma_start3A_16 = tpu.memref_slice %arg3[%multiple_of3A] : memref<320000xi32, #tpu.memory_space<hbm>> -> memref<40xi32, #tpu.memory_space<hbm>>
    tpu.enqueue_dma source(%dma_start3A_16 : memref<40xi32, #tpu.memory_space<hbm>>) target(%arg7 : memref<40xi32, #tpu.memory_space<vmem>>) target_semaphore(%arg37 : memref<!tpu.dma_semaphore, #tpu.memory_space<semaphore_mem>>)
    %dma_start3A_17 = tpu.memref_slice %arg4[%multiple_of3A] : memref<320000xi32, #tpu.memory_space<hbm>> -> memref<40xi32, #tpu.memory_space<hbm>>
    %dma_start3A_18 = tpu.memref_slice %arg4[%multiple_of3A] : memref<320000xi32, #tpu.memory_space<hbm>> -> memref<40xi32, #tpu.memory_space<hbm>>
    tpu.enqueue_dma source(%dma_start3A_18 : memref<40xi32, #tpu.memory_space<hbm>>) target(%arg17 : memref<40xi32, #tpu.memory_space<vmem>>) target_semaphore(%arg37 : memref<!tpu.dma_semaphore, #tpu.memory_space<semaphore_mem>>)
    %add3A_19 = arith.constant 40 : i32
    %add3A_20 = arith.addi %add3A, %add3A_19 : i32
    %multiple_of3A_21 = tpu.assume_multiple %add3A_20, 8 : i32
    %dma_start3A_22 = tpu.memref_slice %arg3[%multiple_of3A_21] : memref<320000xi32, #tpu.memory_space<hbm>> -> memref<40xi32, #tpu.memory_space<hbm>>
    %dma_start3A_23 = tpu.memref_slice %arg3[%multiple_of3A_21] : memref<320000xi32, #tpu.memory_space<hbm>> -> memref<40xi32, #tpu.memory_space<hbm>>
    tpu.enqueue_dma source(%dma_start3A_23 : memref<40xi32, #tpu.memory_space<hbm>>) target(%arg8 : memref<40xi32, #tpu.memory_space<vmem>>) target_semaphore(%arg38 : memref<!tpu.dma_semaphore, #tpu.memory_space<semaphore_mem>>)
    %dma_start3A_24 = tpu.memref_slice %arg4[%multiple_of3A_21] : memref<320000xi32, #tpu.memory_space<hbm>> -> memref<40xi32, #tpu.memory_space<hbm>>
    %dma_start3A_25 = tpu.memref_slice %arg4[%multiple_of3A_21] : memref<320000xi32, #tpu.memory_space<hbm>> -> memref<40xi32, #tpu.memory_space<hbm>>
    tpu.enqueue_dma source(%dma_start3A_25 : memref<40xi32, #tpu.memory_space<hbm>>) target(%arg18 : memref<40xi32, #tpu.memory_space<vmem>>) target_semaphore(%arg38 : memref<!tpu.dma_semaphore, #tpu.memory_space<semaphore_mem>>)
    %add3A_26 = arith.constant 80 : i32
    %add3A_27 = arith.addi %add3A, %add3A_26 : i32
    %multiple_of3A_28 = tpu.assume_multiple %add3A_27, 8 : i32
    %dma_start3A_29 = tpu.memref_slice %arg3[%multiple_of3A_28] : memref<320000xi32, #tpu.memory_space<hbm>> -> memref<40xi32, #tpu.memory_space<hbm>>
    %dma_start3A_30 = tpu.memref_slice %arg3[%multiple_of3A_28] : memref<320000xi32, #tpu.memory_space<hbm>> -> memref<40xi32, #tpu.memory_space<hbm>>
    tpu.enqueue_dma source(%dma_start3A_30 : memref<40xi32, #tpu.memory_space<hbm>>) target(%arg9 : memref<40xi32, #tpu.memory_space<vmem>>) target_semaphore(%arg39 : memref<!tpu.dma_semaphore, #tpu.memory_space<semaphore_mem>>)
    %dma_start3A_31 = tpu.memref_slice %arg4[%multiple_of3A_28] : memref<320000xi32, #tpu.memory_space<hbm>> -> memref<40xi32, #tpu.memory_space<hbm>>
    %dma_start3A_32 = tpu.memref_slice %arg4[%multiple_of3A_28] : memref<320000xi32, #tpu.memory_space<hbm>> -> memref<40xi32, #tpu.memory_space<hbm>>
    tpu.enqueue_dma source(%dma_start3A_32 : memref<40xi32, #tpu.memory_space<hbm>>) target(%arg19 : memref<40xi32, #tpu.memory_space<vmem>>) target_semaphore(%arg39 : memref<!tpu.dma_semaphore, #tpu.memory_space<semaphore_mem>>)
    %add3A_33 = arith.constant 120 : i32
    %add3A_34 = arith.addi %add3A, %add3A_33 : i32
    %multiple_of3A_35 = tpu.assume_multiple %add3A_34, 8 : i32
    %dma_start3A_36 = tpu.memref_slice %arg3[%multiple_of3A_35] : memref<320000xi32, #tpu.memory_space<hbm>> -> memref<40xi32, #tpu.memory_space<hbm>>
    %dma_start3A_37 = tpu.memref_slice %arg3[%multiple_of3A_35] : memref<320000xi32, #tpu.memory_space<hbm>> -> memref<40xi32, #tpu.memory_space<hbm>>
    tpu.enqueue_dma source(%dma_start3A_37 : memref<40xi32, #tpu.memory_space<hbm>>) target(%arg10 : memref<40xi32, #tpu.memory_space<vmem>>) target_semaphore(%arg40 : memref<!tpu.dma_semaphore, #tpu.memory_space<semaphore_mem>>)
    %dma_start3A_38 = tpu.memref_slice %arg4[%multiple_of3A_35] : memref<320000xi32, #tpu.memory_space<hbm>> -> memref<40xi32, #tpu.memory_space<hbm>>
    %dma_start3A_39 = tpu.memref_slice %arg4[%multiple_of3A_35] : memref<320000xi32, #tpu.memory_space<hbm>> -> memref<40xi32, #tpu.memory_space<hbm>>
    tpu.enqueue_dma source(%dma_start3A_39 : memref<40xi32, #tpu.memory_space<hbm>>) target(%arg20 : memref<40xi32, #tpu.memory_space<vmem>>) target_semaphore(%arg40 : memref<!tpu.dma_semaphore, #tpu.memory_space<semaphore_mem>>)
    %add3A_40 = arith.constant 160 : i32
    %add3A_41 = arith.addi %add3A, %add3A_40 : i32
    %multiple_of3A_42 = tpu.assume_multiple %add3A_41, 8 : i32
    %dma_start3A_43 = tpu.memref_slice %arg3[%multiple_of3A_42] : memref<320000xi32, #tpu.memory_space<hbm>> -> memref<40xi32, #tpu.memory_space<hbm>>
    %dma_start3A_44 = tpu.memref_slice %arg3[%multiple_of3A_42] : memref<320000xi32, #tpu.memory_space<hbm>> -> memref<40xi32, #tpu.memory_space<hbm>>
    tpu.enqueue_dma source(%dma_start3A_44 : memref<40xi32, #tpu.memory_space<hbm>>) target(%arg11 : memref<40xi32, #tpu.memory_space<vmem>>) target_semaphore(%arg41 : memref<!tpu.dma_semaphore, #tpu.memory_space<semaphore_mem>>)
    %dma_start3A_45 = tpu.memref_slice %arg4[%multiple_of3A_42] : memref<320000xi32, #tpu.memory_space<hbm>> -> memref<40xi32, #tpu.memory_space<hbm>>
    %dma_start3A_46 = tpu.memref_slice %arg4[%multiple_of3A_42] : memref<320000xi32, #tpu.memory_space<hbm>> -> memref<40xi32, #tpu.memory_space<hbm>>
    tpu.enqueue_dma source(%dma_start3A_46 : memref<40xi32, #tpu.memory_space<hbm>>) target(%arg21 : memref<40xi32, #tpu.memory_space<vmem>>) target_semaphore(%arg41 : memref<!tpu.dma_semaphore, #tpu.memory_space<semaphore_mem>>)
    %dma_wait3A = arith.constant 0 : i32
    %dma_wait3A_47 = tpu.memref_slice %arg3[%dma_wait3A] : memref<320000xi32, #tpu.memory_space<hbm>> -> memref<40xi32, #tpu.memory_space<hbm>>
    %dma_wait3A_48 = arith.constant 0 : i32
    %dma_wait3A_49 = tpu.memref_slice %arg3[%dma_wait3A_48] : memref<320000xi32, #tpu.memory_space<hbm>> -> memref<40xi32, #tpu.memory_space<hbm>>
    tpu.wait_dma2 semaphore(%arg37 : memref<!tpu.dma_semaphore, #tpu.memory_space<semaphore_mem>>) src(%dma_wait3A_49 : memref<40xi32, #tpu.memory_space<hbm>>) dst(%arg7 : memref<40xi32, #tpu.memory_space<vmem>>)
    %dma_wait3A_50 = arith.constant 0 : i32
    %dma_wait3A_51 = tpu.memref_slice %arg4[%dma_wait3A_50] : memref<320000xi32, #tpu.memory_space<hbm>> -> memref<40xi32, #tpu.memory_space<hbm>>
    %dma_wait3A_52 = arith.constant 0 : i32
    %dma_wait3A_53 = tpu.memref_slice %arg4[%dma_wait3A_52] : memref<320000xi32, #tpu.memory_space<hbm>> -> memref<40xi32, #tpu.memory_space<hbm>>
    tpu.wait_dma2 semaphore(%arg37 : memref<!tpu.dma_semaphore, #tpu.memory_space<semaphore_mem>>) src(%dma_wait3A_53 : memref<40xi32, #tpu.memory_space<hbm>>) dst(%arg17 : memref<40xi32, #tpu.memory_space<vmem>>)
    %dma_start3A_54 = arith.constant 0 : i32
    %dma_start3A_55 = arith.constant 0 : i32
    %dma_start3A_56 = tpu.memref_slice %arg2[%dma_start3A_54, %dma_start3A_55] : memref<10240x128xf32, #tpu.memory_space<hbm>> -> memref<10240x128xf32, #tpu.memory_space<hbm>>
    tpu.enqueue_indirect_dma source(%dma_start3A_56 : memref<10240x128xf32, #tpu.memory_space<hbm>>) target(%arg27 : memref<40x128xf32, #tpu.memory_space<vmem>>) offsets(%arg7 : memref<40xi32, #tpu.memory_space<vmem>>) semaphore(%arg32 : memref<!tpu.dma_semaphore, #tpu.memory_space<semaphore_mem>>)
    %add3A_57 = arith.constant 200 : i32
    %add3A_58 = arith.addi %add3A, %add3A_57 : i32
    %multiple_of3A_59 = tpu.assume_multiple %add3A_58, 8 : i32
    %dma_start3A_60 = tpu.memref_slice %arg3[%multiple_of3A_59] : memref<320000xi32, #tpu.memory_space<hbm>> -> memref<40xi32, #tpu.memory_space<hbm>>
    %dma_start3A_61 = tpu.memref_slice %arg3[%multiple_of3A_59] : memref<320000xi32, #tpu.memory_space<hbm>> -> memref<40xi32, #tpu.memory_space<hbm>>
    tpu.enqueue_dma source(%dma_start3A_61 : memref<40xi32, #tpu.memory_space<hbm>>) target(%arg12 : memref<40xi32, #tpu.memory_space<vmem>>) target_semaphore(%arg42 : memref<!tpu.dma_semaphore, #tpu.memory_space<semaphore_mem>>)
    %dma_start3A_62 = tpu.memref_slice %arg4[%multiple_of3A_59] : memref<320000xi32, #tpu.memory_space<hbm>> -> memref<40xi32, #tpu.memory_space<hbm>>
    %dma_start3A_63 = tpu.memref_slice %arg4[%multiple_of3A_59] : memref<320000xi32, #tpu.memory_space<hbm>> -> memref<40xi32, #tpu.memory_space<hbm>>
    tpu.enqueue_dma source(%dma_start3A_63 : memref<40xi32, #tpu.memory_space<hbm>>) target(%arg22 : memref<40xi32, #tpu.memory_space<vmem>>) target_semaphore(%arg42 : memref<!tpu.dma_semaphore, #tpu.memory_space<semaphore_mem>>)
    %dma_wait3A_64 = arith.constant 0 : i32
    %dma_wait3A_65 = tpu.memref_slice %arg3[%dma_wait3A_64] : memref<320000xi32, #tpu.memory_space<hbm>> -> memref<40xi32, #tpu.memory_space<hbm>>
    %dma_wait3A_66 = arith.constant 0 : i32
    %dma_wait3A_67 = tpu.memref_slice %arg3[%dma_wait3A_66] : memref<320000xi32, #tpu.memory_space<hbm>> -> memref<40xi32, #tpu.memory_space<hbm>>
    tpu.wait_dma2 semaphore(%arg38 : memref<!tpu.dma_semaphore, #tpu.memory_space<semaphore_mem>>) src(%dma_wait3A_67 : memref<40xi32, #tpu.memory_space<hbm>>) dst(%arg8 : memref<40xi32, #tpu.memory_space<vmem>>)
    %dma_wait3A_68 = arith.constant 0 : i32
    %dma_wait3A_69 = tpu.memref_slice %arg4[%dma_wait3A_68] : memref<320000xi32, #tpu.memory_space<hbm>> -> memref<40xi32, #tpu.memory_space<hbm>>
    %dma_wait3A_70 = arith.constant 0 : i32
    %dma_wait3A_71 = tpu.memref_slice %arg4[%dma_wait3A_70] : memref<320000xi32, #tpu.memory_space<hbm>> -> memref<40xi32, #tpu.memory_space<hbm>>
    tpu.wait_dma2 semaphore(%arg38 : memref<!tpu.dma_semaphore, #tpu.memory_space<semaphore_mem>>) src(%dma_wait3A_71 : memref<40xi32, #tpu.memory_space<hbm>>) dst(%arg18 : memref<40xi32, #tpu.memory_space<vmem>>)
    %dma_start3A_72 = arith.constant 0 : i32
    %dma_start3A_73 = arith.constant 0 : i32
    %dma_start3A_74 = tpu.memref_slice %arg2[%dma_start3A_72, %dma_start3A_73] : memref<10240x128xf32, #tpu.memory_space<hbm>> -> memref<10240x128xf32, #tpu.memory_space<hbm>>
    tpu.enqueue_indirect_dma source(%dma_start3A_74 : memref<10240x128xf32, #tpu.memory_space<hbm>>) target(%arg28 : memref<40x128xf32, #tpu.memory_space<vmem>>) offsets(%arg8 : memref<40xi32, #tpu.memory_space<vmem>>) semaphore(%arg33 : memref<!tpu.dma_semaphore, #tpu.memory_space<semaphore_mem>>)
    %add3A_75 = arith.constant 240 : i32
    %add3A_76 = arith.addi %add3A, %add3A_75 : i32
    %multiple_of3A_77 = tpu.assume_multiple %add3A_76, 8 : i32
    %dma_start3A_78 = tpu.memref_slice %arg3[%multiple_of3A_77] : memref<320000xi32, #tpu.memory_space<hbm>> -> memref<40xi32, #tpu.memory_space<hbm>>
    %dma_start3A_79 = tpu.memref_slice %arg3[%multiple_of3A_77] : memref<320000xi32, #tpu.memory_space<hbm>> -> memref<40xi32, #tpu.memory_space<hbm>>
    tpu.enqueue_dma source(%dma_start3A_79 : memref<40xi32, #tpu.memory_space<hbm>>) target(%arg13 : memref<40xi32, #tpu.memory_space<vmem>>) target_semaphore(%arg43 : memref<!tpu.dma_semaphore, #tpu.memory_space<semaphore_mem>>)
    %dma_start3A_80 = tpu.memref_slice %arg4[%multiple_of3A_77] : memref<320000xi32, #tpu.memory_space<hbm>> -> memref<40xi32, #tpu.memory_space<hbm>>
    %dma_start3A_81 = tpu.memref_slice %arg4[%multiple_of3A_77] : memref<320000xi32, #tpu.memory_space<hbm>> -> memref<40xi32, #tpu.memory_space<hbm>>
    tpu.enqueue_dma source(%dma_start3A_81 : memref<40xi32, #tpu.memory_space<hbm>>) target(%arg23 : memref<40xi32, #tpu.memory_space<vmem>>) target_semaphore(%arg43 : memref<!tpu.dma_semaphore, #tpu.memory_space<semaphore_mem>>)
    %dma_wait3A_82 = arith.constant 0 : i32
    %dma_wait3A_83 = tpu.memref_slice %arg3[%dma_wait3A_82] : memref<320000xi32, #tpu.memory_space<hbm>> -> memref<40xi32, #tpu.memory_space<hbm>>
    %dma_wait3A_84 = arith.constant 0 : i32
    %dma_wait3A_85 = tpu.memref_slice %arg3[%dma_wait3A_84] : memref<320000xi32, #tpu.memory_space<hbm>> -> memref<40xi32, #tpu.memory_space<hbm>>
    tpu.wait_dma2 semaphore(%arg39 : memref<!tpu.dma_semaphore, #tpu.memory_space<semaphore_mem>>) src(%dma_wait3A_85 : memref<40xi32, #tpu.memory_space<hbm>>) dst(%arg9 : memref<40xi32, #tpu.memory_space<vmem>>)
    %dma_wait3A_86 = arith.constant 0 : i32
    %dma_wait3A_87 = tpu.memref_slice %arg4[%dma_wait3A_86] : memref<320000xi32, #tpu.memory_space<hbm>> -> memref<40xi32, #tpu.memory_space<hbm>>
    %dma_wait3A_88 = arith.constant 0 : i32
    %dma_wait3A_89 = tpu.memref_slice %arg4[%dma_wait3A_88] : memref<320000xi32, #tpu.memory_space<hbm>> -> memref<40xi32, #tpu.memory_space<hbm>>
    tpu.wait_dma2 semaphore(%arg39 : memref<!tpu.dma_semaphore, #tpu.memory_space<semaphore_mem>>) src(%dma_wait3A_89 : memref<40xi32, #tpu.memory_space<hbm>>) dst(%arg19 : memref<40xi32, #tpu.memory_space<vmem>>)
    %dma_start3A_90 = arith.constant 0 : i32
    %dma_start3A_91 = arith.constant 0 : i32
    %dma_start3A_92 = tpu.memref_slice %arg2[%dma_start3A_90, %dma_start3A_91] : memref<10240x128xf32, #tpu.memory_space<hbm>> -> memref<10240x128xf32, #tpu.memory_space<hbm>>
    tpu.enqueue_indirect_dma source(%dma_start3A_92 : memref<10240x128xf32, #tpu.memory_space<hbm>>) target(%arg29 : memref<40x128xf32, #tpu.memory_space<vmem>>) offsets(%arg9 : memref<40xi32, #tpu.memory_space<vmem>>) semaphore(%arg34 : memref<!tpu.dma_semaphore, #tpu.memory_space<semaphore_mem>>)
    %add3A_93 = arith.constant 280 : i32
    %add3A_94 = arith.addi %add3A, %add3A_93 : i32
    %multiple_of3A_95 = tpu.assume_multiple %add3A_94, 8 : i32
    %dma_start3A_96 = tpu.memref_slice %arg3[%multiple_of3A_95] : memref<320000xi32, #tpu.memory_space<hbm>> -> memref<40xi32, #tpu.memory_space<hbm>>
    %dma_start3A_97 = tpu.memref_slice %arg3[%multiple_of3A_95] : memref<320000xi32, #tpu.memory_space<hbm>> -> memref<40xi32, #tpu.memory_space<hbm>>
    tpu.enqueue_dma source(%dma_start3A_97 : memref<40xi32, #tpu.memory_space<hbm>>) target(%arg14 : memref<40xi32, #tpu.memory_space<vmem>>) target_semaphore(%arg44 : memref<!tpu.dma_semaphore, #tpu.memory_space<semaphore_mem>>)
    %dma_start3A_98 = tpu.memref_slice %arg4[%multiple_of3A_95] : memref<320000xi32, #tpu.memory_space<hbm>> -> memref<40xi32, #tpu.memory_space<hbm>>
    %dma_start3A_99 = tpu.memref_slice %arg4[%multiple_of3A_95] : memref<320000xi32, #tpu.memory_space<hbm>> -> memref<40xi32, #tpu.memory_space<hbm>>
    tpu.enqueue_dma source(%dma_start3A_99 : memref<40xi32, #tpu.memory_space<hbm>>) target(%arg24 : memref<40xi32, #tpu.memory_space<vmem>>) target_semaphore(%arg44 : memref<!tpu.dma_semaphore, #tpu.memory_space<semaphore_mem>>)
    %dma_wait3A_100 = arith.constant 0 : i32
    %dma_wait3A_101 = tpu.memref_slice %arg3[%dma_wait3A_100] : memref<320000xi32, #tpu.memory_space<hbm>> -> memref<40xi32, #tpu.memory_space<hbm>>
    %dma_wait3A_102 = arith.constant 0 : i32
    %dma_wait3A_103 = tpu.memref_slice %arg3[%dma_wait3A_102] : memref<320000xi32, #tpu.memory_space<hbm>> -> memref<40xi32, #tpu.memory_space<hbm>>
    tpu.wait_dma2 semaphore(%arg40 : memref<!tpu.dma_semaphore, #tpu.memory_space<semaphore_mem>>) src(%dma_wait3A_103 : memref<40xi32, #tpu.memory_space<hbm>>) dst(%arg10 : memref<40xi32, #tpu.memory_space<vmem>>)
    %dma_wait3A_104 = arith.constant 0 : i32
    %dma_wait3A_105 = tpu.memref_slice %arg4[%dma_wait3A_104] : memref<320000xi32, #tpu.memory_space<hbm>> -> memref<40xi32, #tpu.memory_space<hbm>>
    %dma_wait3A_106 = arith.constant 0 : i32
    %dma_wait3A_107 = tpu.memref_slice %arg4[%dma_wait3A_106] : memref<320000xi32, #tpu.memory_space<hbm>> -> memref<40xi32, #tpu.memory_space<hbm>>
    tpu.wait_dma2 semaphore(%arg40 : memref<!tpu.dma_semaphore, #tpu.memory_space<semaphore_mem>>) src(%dma_wait3A_107 : memref<40xi32, #tpu.memory_space<hbm>>) dst(%arg20 : memref<40xi32, #tpu.memory_space<vmem>>)
    %dma_start3A_108 = arith.constant 0 : i32
    %dma_start3A_109 = arith.constant 0 : i32
    %dma_start3A_110 = tpu.memref_slice %arg2[%dma_start3A_108, %dma_start3A_109] : memref<10240x128xf32, #tpu.memory_space<hbm>> -> memref<10240x128xf32, #tpu.memory_space<hbm>>
    tpu.enqueue_indirect_dma source(%dma_start3A_110 : memref<10240x128xf32, #tpu.memory_space<hbm>>) target(%arg30 : memref<40x128xf32, #tpu.memory_space<vmem>>) offsets(%arg10 : memref<40xi32, #tpu.memory_space<vmem>>) semaphore(%arg35 : memref<!tpu.dma_semaphore, #tpu.memory_space<semaphore_mem>>)
    %add3A_111 = arith.constant 320 : i32
    %add3A_112 = arith.addi %add3A, %add3A_111 : i32
    %multiple_of3A_113 = tpu.assume_multiple %add3A_112, 8 : i32
    %dma_start3A_114 = tpu.memref_slice %arg3[%multiple_of3A_113] : memref<320000xi32, #tpu.memory_space<hbm>> -> memref<40xi32, #tpu.memory_space<hbm>>
    %dma_start3A_115 = tpu.memref_slice %arg3[%multiple_of3A_113] : memref<320000xi32, #tpu.memory_space<hbm>> -> memref<40xi32, #tpu.memory_space<hbm>>
    tpu.enqueue_dma source(%dma_start3A_115 : memref<40xi32, #tpu.memory_space<hbm>>) target(%arg15 : memref<40xi32, #tpu.memory_space<vmem>>) target_semaphore(%arg45 : memref<!tpu.dma_semaphore, #tpu.memory_space<semaphore_mem>>)
    %dma_start3A_116 = tpu.memref_slice %arg4[%multiple_of3A_113] : memref<320000xi32, #tpu.memory_space<hbm>> -> memref<40xi32, #tpu.memory_space<hbm>>
    %dma_start3A_117 = tpu.memref_slice %arg4[%multiple_of3A_113] : memref<320000xi32, #tpu.memory_space<hbm>> -> memref<40xi32, #tpu.memory_space<hbm>>
    tpu.enqueue_dma source(%dma_start3A_117 : memref<40xi32, #tpu.memory_space<hbm>>) target(%arg25 : memref<40xi32, #tpu.memory_space<vmem>>) target_semaphore(%arg45 : memref<!tpu.dma_semaphore, #tpu.memory_space<semaphore_mem>>)
    %dma_wait3A_118 = arith.constant 0 : i32
    %dma_wait3A_119 = tpu.memref_slice %arg3[%dma_wait3A_118] : memref<320000xi32, #tpu.memory_space<hbm>> -> memref<40xi32, #tpu.memory_space<hbm>>
    %dma_wait3A_120 = arith.constant 0 : i32
    %dma_wait3A_121 = tpu.memref_slice %arg3[%dma_wait3A_120] : memref<320000xi32, #tpu.memory_space<hbm>> -> memref<40xi32, #tpu.memory_space<hbm>>
    tpu.wait_dma2 semaphore(%arg41 : memref<!tpu.dma_semaphore, #tpu.memory_space<semaphore_mem>>) src(%dma_wait3A_121 : memref<40xi32, #tpu.memory_space<hbm>>) dst(%arg11 : memref<40xi32, #tpu.memory_space<vmem>>)
    %dma_wait3A_122 = arith.constant 0 : i32
    %dma_wait3A_123 = tpu.memref_slice %arg4[%dma_wait3A_122] : memref<320000xi32, #tpu.memory_space<hbm>> -> memref<40xi32, #tpu.memory_space<hbm>>
    %dma_wait3A_124 = arith.constant 0 : i32
    %dma_wait3A_125 = tpu.memref_slice %arg4[%dma_wait3A_124] : memref<320000xi32, #tpu.memory_space<hbm>> -> memref<40xi32, #tpu.memory_space<hbm>>
    tpu.wait_dma2 semaphore(%arg41 : memref<!tpu.dma_semaphore, #tpu.memory_space<semaphore_mem>>) src(%dma_wait3A_125 : memref<40xi32, #tpu.memory_space<hbm>>) dst(%arg21 : memref<40xi32, #tpu.memory_space<vmem>>)
    %dma_start3A_126 = arith.constant 0 : i32
    %dma_start3A_127 = arith.constant 0 : i32
    %dma_start3A_128 = tpu.memref_slice %arg2[%dma_start3A_126, %dma_start3A_127] : memref<10240x128xf32, #tpu.memory_space<hbm>> -> memref<10240x128xf32, #tpu.memory_space<hbm>>
    tpu.enqueue_indirect_dma source(%dma_start3A_128 : memref<10240x128xf32, #tpu.memory_space<hbm>>) target(%arg31 : memref<40x128xf32, #tpu.memory_space<vmem>>) offsets(%arg11 : memref<40xi32, #tpu.memory_space<vmem>>) semaphore(%arg36 : memref<!tpu.dma_semaphore, #tpu.memory_space<semaphore_mem>>)
    %add3A_129 = arith.constant 360 : i32
    %add3A_130 = arith.addi %add3A, %add3A_129 : i32
    %multiple_of3A_131 = tpu.assume_multiple %add3A_130, 8 : i32
    %dma_start3A_132 = tpu.memref_slice %arg3[%multiple_of3A_131] : memref<320000xi32, #tpu.memory_space<hbm>> -> memref<40xi32, #tpu.memory_space<hbm>>
    %dma_start3A_133 = tpu.memref_slice %arg3[%multiple_of3A_131] : memref<320000xi32, #tpu.memory_space<hbm>> -> memref<40xi32, #tpu.memory_space<hbm>>
    tpu.enqueue_dma source(%dma_start3A_133 : memref<40xi32, #tpu.memory_space<hbm>>) target(%arg16 : memref<40xi32, #tpu.memory_space<vmem>>) target_semaphore(%arg46 : memref<!tpu.dma_semaphore, #tpu.memory_space<semaphore_mem>>)
    %dma_start3A_134 = tpu.memref_slice %arg4[%multiple_of3A_131] : memref<320000xi32, #tpu.memory_space<hbm>> -> memref<40xi32, #tpu.memory_space<hbm>>
    %dma_start3A_135 = tpu.memref_slice %arg4[%multiple_of3A_131] : memref<320000xi32, #tpu.memory_space<hbm>> -> memref<40xi32, #tpu.memory_space<hbm>>
    tpu.enqueue_dma source(%dma_start3A_135 : memref<40xi32, #tpu.memory_space<hbm>>) target(%arg26 : memref<40xi32, #tpu.memory_space<vmem>>) target_semaphore(%arg46 : memref<!tpu.dma_semaphore, #tpu.memory_space<semaphore_mem>>)
    %scan3A_136 = arith.constant 0 : i32
    %scan3A_137 = arith.constant 0 : i32
    %scan3A_138 = arith.constant 25 : i32
    %scan3A_139 = arith.addi %scan3A_137, %scan3A_138 : i32
    %scan3A_140 = arith.constant 1 : i32
    scf.for %scan3A_146 = %scan3A_137 to %scan3A_139 step %scan3A_140  : i32 {
      %mul3A_147 = arith.constant 2 : i32
      %mul3A_148 = arith.muli %scan3A_146, %mul3A_147 : i32
      %add3A_149 = arith.constant 0 : i32
      %add3A_150 = arith.addi %mul3A_148, %add3A_149 : i32
      %dma_wait3A_151 = arith.constant 0 : i32
      %dma_wait3A_152 = arith.constant 0 : i32
      %dma_wait3A_153 = tpu.memref_slice %arg2[%dma_wait3A_151, %dma_wait3A_152] : memref<10240x128xf32, #tpu.memory_space<hbm>> -> memref<10240x128xf32, #tpu.memory_space<hbm>>
      tpu.wait_indirect_dma semaphore(%arg32 : memref<!tpu.dma_semaphore, #tpu.memory_space<semaphore_mem>>) src(%dma_wait3A_153 : memref<10240x128xf32, #tpu.memory_space<hbm>>) dst(%arg27 : memref<40x128xf32, #tpu.memory_space<vmem>>)
      "tpu.region"() ({
        %run_scoped3A = tpu.sem_alloc : memref<!tpu.dma_semaphore, #tpu.memory_space<semaphore_mem>>
        %dma_start3A_282 = arith.constant 0 : i32
        %dma_start3A_283 = arith.constant 0 : i32
        %dma_start3A_284 = tpu.memref_slice %arg6[%dma_start3A_282, %dma_start3A_283] : memref<10240x128xf32, #tpu.memory_space<vmem_shared>> -> memref<10240x128xf32, #tpu.memory_space<vmem_shared>>
        tpu.enqueue_indirect_dma source(%arg27 : memref<40x128xf32, #tpu.memory_space<vmem>>) target(%dma_start3A_284 : memref<10240x128xf32, #tpu.memory_space<vmem_shared>>) offsets(%arg17 : memref<40xi32, #tpu.memory_space<vmem>>) semaphore(%run_scoped3A : memref<!tpu.dma_semaphore, #tpu.memory_space<semaphore_mem>>) {add = true}
        %dma_wait3A_285 = arith.constant 0 : i32
        %dma_wait3A_286 = arith.constant 0 : i32
        %dma_wait3A_287 = tpu.memref_slice %arg6[%dma_wait3A_285, %dma_wait3A_286] : memref<10240x128xf32, #tpu.memory_space<vmem_shared>> -> memref<10240x128xf32, #tpu.memory_space<vmem_shared>>
        tpu.wait_indirect_dma semaphore(%run_scoped3A : memref<!tpu.dma_semaphore, #tpu.memory_space<semaphore_mem>>) src(%arg27 : memref<40x128xf32, #tpu.memory_space<vmem>>) dst(%dma_wait3A_287 : memref<10240x128xf32, #tpu.memory_space<vmem_shared>>)
        tpu.yield
      }) : () -> ()
      %lt3A = arith.constant 49 : i32
      %lt3A_154 = arith.cmpi slt, %add3A_150, %lt3A : i32
      %convert_element_type3A = arith.extui %lt3A_154 : i1 to i32
      %cond3A = arith.constant 0 : i32
      %cond3A_155 = arith.cmpi ne, %convert_element_type3A, %cond3A : i32
      scf.if %cond3A_155 {
        %dma_wait3A_282 = arith.constant 0 : i32
        %dma_wait3A_283 = tpu.memref_slice %arg3[%dma_wait3A_282] : memref<320000xi32, #tpu.memory_space<hbm>> -> memref<40xi32, #tpu.memory_space<hbm>>
        %dma_wait3A_284 = arith.constant 0 : i32
        %dma_wait3A_285 = tpu.memref_slice %arg3[%dma_wait3A_284] : memref<320000xi32, #tpu.memory_space<hbm>> -> memref<40xi32, #tpu.memory_space<hbm>>
        tpu.wait_dma2 semaphore(%arg42 : memref<!tpu.dma_semaphore, #tpu.memory_space<semaphore_mem>>) src(%dma_wait3A_285 : memref<40xi32, #tpu.memory_space<hbm>>) dst(%arg12 : memref<40xi32, #tpu.memory_space<vmem>>)
        %dma_wait3A_286 = arith.constant 0 : i32
        %dma_wait3A_287 = tpu.memref_slice %arg4[%dma_wait3A_286] : memref<320000xi32, #tpu.memory_space<hbm>> -> memref<40xi32, #tpu.memory_space<hbm>>
        %dma_wait3A_288 = arith.constant 0 : i32
        %dma_wait3A_289 = tpu.memref_slice %arg4[%dma_wait3A_288] : memref<320000xi32, #tpu.memory_space<hbm>> -> memref<40xi32, #tpu.memory_space<hbm>>
        tpu.wait_dma2 semaphore(%arg42 : memref<!tpu.dma_semaphore, #tpu.memory_space<semaphore_mem>>) src(%dma_wait3A_289 : memref<40xi32, #tpu.memory_space<hbm>>) dst(%arg22 : memref<40xi32, #tpu.memory_space<vmem>>)
        %dma_start3A_290 = arith.constant 0 : i32
        %dma_start3A_291 = arith.constant 0 : i32
        %dma_start3A_292 = tpu.memref_slice %arg2[%dma_start3A_290, %dma_start3A_291] : memref<10240x128xf32, #tpu.memory_space<hbm>> -> memref<10240x128xf32, #tpu.memory_space<hbm>>
        tpu.enqueue_indirect_dma source(%dma_start3A_292 : memref<10240x128xf32, #tpu.memory_space<hbm>>) target(%arg27 : memref<40x128xf32, #tpu.memory_space<vmem>>) offsets(%arg12 : memref<40xi32, #tpu.memory_space<vmem>>) semaphore(%arg32 : memref<!tpu.dma_semaphore, #tpu.memory_space<semaphore_mem>>)
      } else {
      }
      %lt3A_156 = arith.constant 48 : i32
      %lt3A_157 = arith.cmpi slt, %add3A_150, %lt3A_156 : i32
      %convert_element_type3A_158 = arith.extui %lt3A_157 : i1 to i32
      %cond3A_159 = arith.constant 0 : i32
      %cond3A_160 = arith.cmpi ne, %convert_element_type3A_158, %cond3A_159 : i32
      scf.if %cond3A_160 {
        %add3A_282 = arith.constant 2 : i32
        %add3A_283 = arith.addi %add3A_150, %add3A_282 : i32
        %mul3A_284 = arith.constant 5 : i32
        %mul3A_285 = arith.muli %add3A_283, %mul3A_284 : i32
        %add3A_286 = arith.constant 0 : i32
        %add3A_287 = arith.addi %mul3A_285, %add3A_286 : i32
        %mul3A_288 = arith.constant 40 : i32
        %mul3A_289 = arith.muli %add3A_287, %mul3A_288 : i32
        %add3A_290 = arith.addi %add3A, %mul3A_289 : i32
        %multiple_of3A_291 = tpu.assume_multiple %add3A_290, 8 : i32
        %dma_start3A_292 = tpu.memref_slice %arg3[%multiple_of3A_291] : memref<320000xi32, #tpu.memory_space<hbm>> -> memref<40xi32, #tpu.memory_space<hbm>>
        %dma_start3A_293 = tpu.memref_slice %arg3[%multiple_of3A_291] : memref<320000xi32, #tpu.memory_space<hbm>> -> memref<40xi32, #tpu.memory_space<hbm>>
        tpu.enqueue_dma source(%dma_start3A_293 : memref<40xi32, #tpu.memory_space<hbm>>) target(%arg7 : memref<40xi32, #tpu.memory_space<vmem>>) target_semaphore(%arg37 : memref<!tpu.dma_semaphore, #tpu.memory_space<semaphore_mem>>)
        %dma_start3A_294 = tpu.memref_slice %arg4[%multiple_of3A_291] : memref<320000xi32, #tpu.memory_space<hbm>> -> memref<40xi32, #tpu.memory_space<hbm>>
        %dma_start3A_295 = tpu.memref_slice %arg4[%multiple_of3A_291] : memref<320000xi32, #tpu.memory_space<hbm>> -> memref<40xi32, #tpu.memory_space<hbm>>
        tpu.enqueue_dma source(%dma_start3A_295 : memref<40xi32, #tpu.memory_space<hbm>>) target(%arg17 : memref<40xi32, #tpu.memory_space<vmem>>) target_semaphore(%arg37 : memref<!tpu.dma_semaphore, #tpu.memory_space<semaphore_mem>>)
      } else {
      }
      %dma_wait3A_161 = arith.constant 0 : i32
      %dma_wait3A_162 = arith.constant 0 : i32
      %dma_wait3A_163 = tpu.memref_slice %arg2[%dma_wait3A_161, %dma_wait3A_162] : memref<10240x128xf32, #tpu.memory_space<hbm>> -> memref<10240x128xf32, #tpu.memory_space<hbm>>
      tpu.wait_indirect_dma semaphore(%arg33 : memref<!tpu.dma_semaphore, #tpu.memory_space<semaphore_mem>>) src(%dma_wait3A_163 : memref<10240x128xf32, #tpu.memory_space<hbm>>) dst(%arg28 : memref<40x128xf32, #tpu.memory_space<vmem>>)
      "tpu.region"() ({
        %run_scoped3A = tpu.sem_alloc : memref<!tpu.dma_semaphore, #tpu.memory_space<semaphore_mem>>
        %dma_start3A_282 = arith.constant 0 : i32
        %dma_start3A_283 = arith.constant 0 : i32
        %dma_start3A_284 = tpu.memref_slice %arg6[%dma_start3A_282, %dma_start3A_283] : memref<10240x128xf32, #tpu.memory_space<vmem_shared>> -> memref<10240x128xf32, #tpu.memory_space<vmem_shared>>
        tpu.enqueue_indirect_dma source(%arg28 : memref<40x128xf32, #tpu.memory_space<vmem>>) target(%dma_start3A_284 : memref<10240x128xf32, #tpu.memory_space<vmem_shared>>) offsets(%arg18 : memref<40xi32, #tpu.memory_space<vmem>>) semaphore(%run_scoped3A : memref<!tpu.dma_semaphore, #tpu.memory_space<semaphore_mem>>) {add = true}
        %dma_wait3A_285 = arith.constant 0 : i32
        %dma_wait3A_286 = arith.constant 0 : i32
        %dma_wait3A_287 = tpu.memref_slice %arg6[%dma_wait3A_285, %dma_wait3A_286] : memref<10240x128xf32, #tpu.memory_space<vmem_shared>> -> memref<10240x128xf32, #tpu.memory_space<vmem_shared>>
        tpu.wait_indirect_dma semaphore(%run_scoped3A : memref<!tpu.dma_semaphore, #tpu.memory_space<semaphore_mem>>) src(%arg28 : memref<40x128xf32, #tpu.memory_space<vmem>>) dst(%dma_wait3A_287 : memref<10240x128xf32, #tpu.memory_space<vmem_shared>>)
        tpu.yield
      }) : () -> ()
      %lt3A_164 = arith.constant 49 : i32
      %lt3A_165 = arith.cmpi slt, %add3A_150, %lt3A_164 : i32
      %convert_element_type3A_166 = arith.extui %lt3A_165 : i1 to i32
      %cond3A_167 = arith.constant 0 : i32
      %cond3A_168 = arith.cmpi ne, %convert_element_type3A_166, %cond3A_167 : i32
      scf.if %cond3A_168 {
        %dma_wait3A_282 = arith.constant 0 : i32
        %dma_wait3A_283 = tpu.memref_slice %arg3[%dma_wait3A_282] : memref<320000xi32, #tpu.memory_space<hbm>> -> memref<40xi32, #tpu.memory_space<hbm>>
        %dma_wait3A_284 = arith.constant 0 : i32
        %dma_wait3A_285 = tpu.memref_slice %arg3[%dma_wait3A_284] : memref<320000xi32, #tpu.memory_space<hbm>> -> memref<40xi32, #tpu.memory_space<hbm>>
        tpu.wait_dma2 semaphore(%arg43 : memref<!tpu.dma_semaphore, #tpu.memory_space<semaphore_mem>>) src(%dma_wait3A_285 : memref<40xi32, #tpu.memory_space<hbm>>) dst(%arg13 : memref<40xi32, #tpu.memory_space<vmem>>)
        %dma_wait3A_286 = arith.constant 0 : i32
        %dma_wait3A_287 = tpu.memref_slice %arg4[%dma_wait3A_286] : memref<320000xi32, #tpu.memory_space<hbm>> -> memref<40xi32, #tpu.memory_space<hbm>>
        %dma_wait3A_288 = arith.constant 0 : i32
        %dma_wait3A_289 = tpu.memref_slice %arg4[%dma_wait3A_288] : memref<320000xi32, #tpu.memory_space<hbm>> -> memref<40xi32, #tpu.memory_space<hbm>>
        tpu.wait_dma2 semaphore(%arg43 : memref<!tpu.dma_semaphore, #tpu.memory_space<semaphore_mem>>) src(%dma_wait3A_289 : memref<40xi32, #tpu.memory_space<hbm>>) dst(%arg23 : memref<40xi32, #tpu.memory_space<vmem>>)
        %dma_start3A_290 = arith.constant 0 : i32
        %dma_start3A_291 = arith.constant 0 : i32
        %dma_start3A_292 = tpu.memref_slice %arg2[%dma_start3A_290, %dma_start3A_291] : memref<10240x128xf32, #tpu.memory_space<hbm>> -> memref<10240x128xf32, #tpu.memory_space<hbm>>
        tpu.enqueue_indirect_dma source(%dma_start3A_292 : memref<10240x128xf32, #tpu.memory_space<hbm>>) target(%arg28 : memref<40x128xf32, #tpu.memory_space<vmem>>) offsets(%arg13 : memref<40xi32, #tpu.memory_space<vmem>>) semaphore(%arg33 : memref<!tpu.dma_semaphore, #tpu.memory_space<semaphore_mem>>)
      } else {
      }
      %lt3A_169 = arith.constant 48 : i32
      %lt3A_170 = arith.cmpi slt, %add3A_150, %lt3A_169 : i32
      %convert_element_type3A_171 = arith.extui %lt3A_170 : i1 to i32
      %cond3A_172 = arith.constant 0 : i32
      %cond3A_173 = arith.cmpi ne, %convert_element_type3A_171, %cond3A_172 : i32
      scf.if %cond3A_173 {
        %add3A_282 = arith.constant 2 : i32
        %add3A_283 = arith.addi %add3A_150, %add3A_282 : i32
        %mul3A_284 = arith.constant 5 : i32
        %mul3A_285 = arith.muli %add3A_283, %mul3A_284 : i32
        %add3A_286 = arith.constant 1 : i32
        %add3A_287 = arith.addi %mul3A_285, %add3A_286 : i32
        %mul3A_288 = arith.constant 40 : i32
        %mul3A_289 = arith.muli %add3A_287, %mul3A_288 : i32
        %add3A_290 = arith.addi %add3A, %mul3A_289 : i32
        %multiple_of3A_291 = tpu.assume_multiple %add3A_290, 8 : i32
        %dma_start3A_292 = tpu.memref_slice %arg3[%multiple_of3A_291] : memref<320000xi32, #tpu.memory_space<hbm>> -> memref<40xi32, #tpu.memory_space<hbm>>
        %dma_start3A_293 = tpu.memref_slice %arg3[%multiple_of3A_291] : memref<320000xi32, #tpu.memory_space<hbm>> -> memref<40xi32, #tpu.memory_space<hbm>>
        tpu.enqueue_dma source(%dma_start3A_293 : memref<40xi32, #tpu.memory_space<hbm>>) target(%arg8 : memref<40xi32, #tpu.memory_space<vmem>>) target_semaphore(%arg38 : memref<!tpu.dma_semaphore, #tpu.memory_space<semaphore_mem>>)
        %dma_start3A_294 = tpu.memref_slice %arg4[%multiple_of3A_291] : memref<320000xi32, #tpu.memory_space<hbm>> -> memref<40xi32, #tpu.memory_space<hbm>>
        %dma_start3A_295 = tpu.memref_slice %arg4[%multiple_of3A_291] : memref<320000xi32, #tpu.memory_space<hbm>> -> memref<40xi32, #tpu.memory_space<hbm>>
        tpu.enqueue_dma source(%dma_start3A_295 : memref<40xi32, #tpu.memory_space<hbm>>) target(%arg18 : memref<40xi32, #tpu.memory_space<vmem>>) target_semaphore(%arg38 : memref<!tpu.dma_semaphore, #tpu.memory_space<semaphore_mem>>)
      } else {
      }
      %dma_wait3A_174 = arith.constant 0 : i32
      %dma_wait3A_175 = arith.constant 0 : i32
      %dma_wait3A_176 = tpu.memref_slice %arg2[%dma_wait3A_174, %dma_wait3A_175] : memref<10240x128xf32, #tpu.memory_space<hbm>> -> memref<10240x128xf32, #tpu.memory_space<hbm>>
      tpu.wait_indirect_dma semaphore(%arg34 : memref<!tpu.dma_semaphore, #tpu.memory_space<semaphore_mem>>) src(%dma_wait3A_176 : memref<10240x128xf32, #tpu.memory_space<hbm>>) dst(%arg29 : memref<40x128xf32, #tpu.memory_space<vmem>>)
      "tpu.region"() ({
        %run_scoped3A = tpu.sem_alloc : memref<!tpu.dma_semaphore, #tpu.memory_space<semaphore_mem>>
        %dma_start3A_282 = arith.constant 0 : i32
        %dma_start3A_283 = arith.constant 0 : i32
        %dma_start3A_284 = tpu.memref_slice %arg6[%dma_start3A_282, %dma_start3A_283] : memref<10240x128xf32, #tpu.memory_space<vmem_shared>> -> memref<10240x128xf32, #tpu.memory_space<vmem_shared>>
        tpu.enqueue_indirect_dma source(%arg29 : memref<40x128xf32, #tpu.memory_space<vmem>>) target(%dma_start3A_284 : memref<10240x128xf32, #tpu.memory_space<vmem_shared>>) offsets(%arg19 : memref<40xi32, #tpu.memory_space<vmem>>) semaphore(%run_scoped3A : memref<!tpu.dma_semaphore, #tpu.memory_space<semaphore_mem>>) {add = true}
        %dma_wait3A_285 = arith.constant 0 : i32
        %dma_wait3A_286 = arith.constant 0 : i32
        %dma_wait3A_287 = tpu.memref_slice %arg6[%dma_wait3A_285, %dma_wait3A_286] : memref<10240x128xf32, #tpu.memory_space<vmem_shared>> -> memref<10240x128xf32, #tpu.memory_space<vmem_shared>>
        tpu.wait_indirect_dma semaphore(%run_scoped3A : memref<!tpu.dma_semaphore, #tpu.memory_space<semaphore_mem>>) src(%arg29 : memref<40x128xf32, #tpu.memory_space<vmem>>) dst(%dma_wait3A_287 : memref<10240x128xf32, #tpu.memory_space<vmem_shared>>)
        tpu.yield
      }) : () -> ()
      %lt3A_177 = arith.constant 49 : i32
      %lt3A_178 = arith.cmpi slt, %add3A_150, %lt3A_177 : i32
      %convert_element_type3A_179 = arith.extui %lt3A_178 : i1 to i32
      %cond3A_180 = arith.constant 0 : i32
      %cond3A_181 = arith.cmpi ne, %convert_element_type3A_179, %cond3A_180 : i32
      scf.if %cond3A_181 {
        %dma_wait3A_282 = arith.constant 0 : i32
        %dma_wait3A_283 = tpu.memref_slice %arg3[%dma_wait3A_282] : memref<320000xi32, #tpu.memory_space<hbm>> -> memref<40xi32, #tpu.memory_space<hbm>>
        %dma_wait3A_284 = arith.constant 0 : i32
        %dma_wait3A_285 = tpu.memref_slice %arg3[%dma_wait3A_284] : memref<320000xi32, #tpu.memory_space<hbm>> -> memref<40xi32, #tpu.memory_space<hbm>>
        tpu.wait_dma2 semaphore(%arg44 : memref<!tpu.dma_semaphore, #tpu.memory_space<semaphore_mem>>) src(%dma_wait3A_285 : memref<40xi32, #tpu.memory_space<hbm>>) dst(%arg14 : memref<40xi32, #tpu.memory_space<vmem>>)
        %dma_wait3A_286 = arith.constant 0 : i32
        %dma_wait3A_287 = tpu.memref_slice %arg4[%dma_wait3A_286] : memref<320000xi32, #tpu.memory_space<hbm>> -> memref<40xi32, #tpu.memory_space<hbm>>
        %dma_wait3A_288 = arith.constant 0 : i32
        %dma_wait3A_289 = tpu.memref_slice %arg4[%dma_wait3A_288] : memref<320000xi32, #tpu.memory_space<hbm>> -> memref<40xi32, #tpu.memory_space<hbm>>
        tpu.wait_dma2 semaphore(%arg44 : memref<!tpu.dma_semaphore, #tpu.memory_space<semaphore_mem>>) src(%dma_wait3A_289 : memref<40xi32, #tpu.memory_space<hbm>>) dst(%arg24 : memref<40xi32, #tpu.memory_space<vmem>>)
        %dma_start3A_290 = arith.constant 0 : i32
        %dma_start3A_291 = arith.constant 0 : i32
        %dma_start3A_292 = tpu.memref_slice %arg2[%dma_start3A_290, %dma_start3A_291] : memref<10240x128xf32, #tpu.memory_space<hbm>> -> memref<10240x128xf32, #tpu.memory_space<hbm>>
        tpu.enqueue_indirect_dma source(%dma_start3A_292 : memref<10240x128xf32, #tpu.memory_space<hbm>>) target(%arg29 : memref<40x128xf32, #tpu.memory_space<vmem>>) offsets(%arg14 : memref<40xi32, #tpu.memory_space<vmem>>) semaphore(%arg34 : memref<!tpu.dma_semaphore, #tpu.memory_space<semaphore_mem>>)
      } else {
      }
      %lt3A_182 = arith.constant 48 : i32
      %lt3A_183 = arith.cmpi slt, %add3A_150, %lt3A_182 : i32
      %convert_element_type3A_184 = arith.extui %lt3A_183 : i1 to i32
      %cond3A_185 = arith.constant 0 : i32
      %cond3A_186 = arith.cmpi ne, %convert_element_type3A_184, %cond3A_185 : i32
      scf.if %cond3A_186 {
        %add3A_282 = arith.constant 2 : i32
        %add3A_283 = arith.addi %add3A_150, %add3A_282 : i32
        %mul3A_284 = arith.constant 5 : i32
        %mul3A_285 = arith.muli %add3A_283, %mul3A_284 : i32
        %add3A_286 = arith.constant 2 : i32
        %add3A_287 = arith.addi %mul3A_285, %add3A_286 : i32
        %mul3A_288 = arith.constant 40 : i32
        %mul3A_289 = arith.muli %add3A_287, %mul3A_288 : i32
        %add3A_290 = arith.addi %add3A, %mul3A_289 : i32
        %multiple_of3A_291 = tpu.assume_multiple %add3A_290, 8 : i32
        %dma_start3A_292 = tpu.memref_slice %arg3[%multiple_of3A_291] : memref<320000xi32, #tpu.memory_space<hbm>> -> memref<40xi32, #tpu.memory_space<hbm>>
        %dma_start3A_293 = tpu.memref_slice %arg3[%multiple_of3A_291] : memref<320000xi32, #tpu.memory_space<hbm>> -> memref<40xi32, #tpu.memory_space<hbm>>
        tpu.enqueue_dma source(%dma_start3A_293 : memref<40xi32, #tpu.memory_space<hbm>>) target(%arg9 : memref<40xi32, #tpu.memory_space<vmem>>) target_semaphore(%arg39 : memref<!tpu.dma_semaphore, #tpu.memory_space<semaphore_mem>>)
        %dma_start3A_294 = tpu.memref_slice %arg4[%multiple_of3A_291] : memref<320000xi32, #tpu.memory_space<hbm>> -> memref<40xi32, #tpu.memory_space<hbm>>
        %dma_start3A_295 = tpu.memref_slice %arg4[%multiple_of3A_291] : memref<320000xi32, #tpu.memory_space<hbm>> -> memref<40xi32, #tpu.memory_space<hbm>>
        tpu.enqueue_dma source(%dma_start3A_295 : memref<40xi32, #tpu.memory_space<hbm>>) target(%arg19 : memref<40xi32, #tpu.memory_space<vmem>>) target_semaphore(%arg39 : memref<!tpu.dma_semaphore, #tpu.memory_space<semaphore_mem>>)
      } else {
      }
      %dma_wait3A_187 = arith.constant 0 : i32
      %dma_wait3A_188 = arith.constant 0 : i32
      %dma_wait3A_189 = tpu.memref_slice %arg2[%dma_wait3A_187, %dma_wait3A_188] : memref<10240x128xf32, #tpu.memory_space<hbm>> -> memref<10240x128xf32, #tpu.memory_space<hbm>>
      tpu.wait_indirect_dma semaphore(%arg35 : memref<!tpu.dma_semaphore, #tpu.memory_space<semaphore_mem>>) src(%dma_wait3A_189 : memref<10240x128xf32, #tpu.memory_space<hbm>>) dst(%arg30 : memref<40x128xf32, #tpu.memory_space<vmem>>)
      "tpu.region"() ({
        %run_scoped3A = tpu.sem_alloc : memref<!tpu.dma_semaphore, #tpu.memory_space<semaphore_mem>>
        %dma_start3A_282 = arith.constant 0 : i32
        %dma_start3A_283 = arith.constant 0 : i32
        %dma_start3A_284 = tpu.memref_slice %arg6[%dma_start3A_282, %dma_start3A_283] : memref<10240x128xf32, #tpu.memory_space<vmem_shared>> -> memref<10240x128xf32, #tpu.memory_space<vmem_shared>>
        tpu.enqueue_indirect_dma source(%arg30 : memref<40x128xf32, #tpu.memory_space<vmem>>) target(%dma_start3A_284 : memref<10240x128xf32, #tpu.memory_space<vmem_shared>>) offsets(%arg20 : memref<40xi32, #tpu.memory_space<vmem>>) semaphore(%run_scoped3A : memref<!tpu.dma_semaphore, #tpu.memory_space<semaphore_mem>>) {add = true}
        %dma_wait3A_285 = arith.constant 0 : i32
        %dma_wait3A_286 = arith.constant 0 : i32
        %dma_wait3A_287 = tpu.memref_slice %arg6[%dma_wait3A_285, %dma_wait3A_286] : memref<10240x128xf32, #tpu.memory_space<vmem_shared>> -> memref<10240x128xf32, #tpu.memory_space<vmem_shared>>
        tpu.wait_indirect_dma semaphore(%run_scoped3A : memref<!tpu.dma_semaphore, #tpu.memory_space<semaphore_mem>>) src(%arg30 : memref<40x128xf32, #tpu.memory_space<vmem>>) dst(%dma_wait3A_287 : memref<10240x128xf32, #tpu.memory_space<vmem_shared>>)
        tpu.yield
      }) : () -> ()
      %lt3A_190 = arith.constant 49 : i32
      %lt3A_191 = arith.cmpi slt, %add3A_150, %lt3A_190 : i32
      %convert_element_type3A_192 = arith.extui %lt3A_191 : i1 to i32
      %cond3A_193 = arith.constant 0 : i32
      %cond3A_194 = arith.cmpi ne, %convert_element_type3A_192, %cond3A_193 : i32
      scf.if %cond3A_194 {
        %dma_wait3A_282 = arith.constant 0 : i32
        %dma_wait3A_283 = tpu.memref_slice %arg3[%dma_wait3A_282] : memref<320000xi32, #tpu.memory_space<hbm>> -> memref<40xi32, #tpu.memory_space<hbm>>
        %dma_wait3A_284 = arith.constant 0 : i32
        %dma_wait3A_285 = tpu.memref_slice %arg3[%dma_wait3A_284] : memref<320000xi32, #tpu.memory_space<hbm>> -> memref<40xi32, #tpu.memory_space<hbm>>
        tpu.wait_dma2 semaphore(%arg45 : memref<!tpu.dma_semaphore, #tpu.memory_space<semaphore_mem>>) src(%dma_wait3A_285 : memref<40xi32, #tpu.memory_space<hbm>>) dst(%arg15 : memref<40xi32, #tpu.memory_space<vmem>>)
        %dma_wait3A_286 = arith.constant 0 : i32
        %dma_wait3A_287 = tpu.memref_slice %arg4[%dma_wait3A_286] : memref<320000xi32, #tpu.memory_space<hbm>> -> memref<40xi32, #tpu.memory_space<hbm>>
        %dma_wait3A_288 = arith.constant 0 : i32
        %dma_wait3A_289 = tpu.memref_slice %arg4[%dma_wait3A_288] : memref<320000xi32, #tpu.memory_space<hbm>> -> memref<40xi32, #tpu.memory_space<hbm>>
        tpu.wait_dma2 semaphore(%arg45 : memref<!tpu.dma_semaphore, #tpu.memory_space<semaphore_mem>>) src(%dma_wait3A_289 : memref<40xi32, #tpu.memory_space<hbm>>) dst(%arg25 : memref<40xi32, #tpu.memory_space<vmem>>)
        %dma_start3A_290 = arith.constant 0 : i32
        %dma_start3A_291 = arith.constant 0 : i32
        %dma_start3A_292 = tpu.memref_slice %arg2[%dma_start3A_290, %dma_start3A_291] : memref<10240x128xf32, #tpu.memory_space<hbm>> -> memref<10240x128xf32, #tpu.memory_space<hbm>>
        tpu.enqueue_indirect_dma source(%dma_start3A_292 : memref<10240x128xf32, #tpu.memory_space<hbm>>) target(%arg30 : memref<40x128xf32, #tpu.memory_space<vmem>>) offsets(%arg15 : memref<40xi32, #tpu.memory_space<vmem>>) semaphore(%arg35 : memref<!tpu.dma_semaphore, #tpu.memory_space<semaphore_mem>>)
      } else {
      }
      %lt3A_195 = arith.constant 48 : i32
      %lt3A_196 = arith.cmpi slt, %add3A_150, %lt3A_195 : i32
      %convert_element_type3A_197 = arith.extui %lt3A_196 : i1 to i32
      %cond3A_198 = arith.constant 0 : i32
      %cond3A_199 = arith.cmpi ne, %convert_element_type3A_197, %cond3A_198 : i32
      scf.if %cond3A_199 {
        %add3A_282 = arith.constant 2 : i32
        %add3A_283 = arith.addi %add3A_150, %add3A_282 : i32
        %mul3A_284 = arith.constant 5 : i32
        %mul3A_285 = arith.muli %add3A_283, %mul3A_284 : i32
        %add3A_286 = arith.constant 3 : i32
        %add3A_287 = arith.addi %mul3A_285, %add3A_286 : i32
        %mul3A_288 = arith.constant 40 : i32
        %mul3A_289 = arith.muli %add3A_287, %mul3A_288 : i32
        %add3A_290 = arith.addi %add3A, %mul3A_289 : i32
        %multiple_of3A_291 = tpu.assume_multiple %add3A_290, 8 : i32
        %dma_start3A_292 = tpu.memref_slice %arg3[%multiple_of3A_291] : memref<320000xi32, #tpu.memory_space<hbm>> -> memref<40xi32, #tpu.memory_space<hbm>>
        %dma_start3A_293 = tpu.memref_slice %arg3[%multiple_of3A_291] : memref<320000xi32, #tpu.memory_space<hbm>> -> memref<40xi32, #tpu.memory_space<hbm>>
        tpu.enqueue_dma source(%dma_start3A_293 : memref<40xi32, #tpu.memory_space<hbm>>) target(%arg10 : memref<40xi32, #tpu.memory_space<vmem>>) target_semaphore(%arg40 : memref<!tpu.dma_semaphore, #tpu.memory_space<semaphore_mem>>)
        %dma_start3A_294 = tpu.memref_slice %arg4[%multiple_of3A_291] : memref<320000xi32, #tpu.memory_space<hbm>> -> memref<40xi32, #tpu.memory_space<hbm>>
        %dma_start3A_295 = tpu.memref_slice %arg4[%multiple_of3A_291] : memref<320000xi32, #tpu.memory_space<hbm>> -> memref<40xi32, #tpu.memory_space<hbm>>
        tpu.enqueue_dma source(%dma_start3A_295 : memref<40xi32, #tpu.memory_space<hbm>>) target(%arg20 : memref<40xi32, #tpu.memory_space<vmem>>) target_semaphore(%arg40 : memref<!tpu.dma_semaphore, #tpu.memory_space<semaphore_mem>>)
      } else {
      }
      %dma_wait3A_200 = arith.constant 0 : i32
      %dma_wait3A_201 = arith.constant 0 : i32
      %dma_wait3A_202 = tpu.memref_slice %arg2[%dma_wait3A_200, %dma_wait3A_201] : memref<10240x128xf32, #tpu.memory_space<hbm>> -> memref<10240x128xf32, #tpu.memory_space<hbm>>
      tpu.wait_indirect_dma semaphore(%arg36 : memref<!tpu.dma_semaphore, #tpu.memory_space<semaphore_mem>>) src(%dma_wait3A_202 : memref<10240x128xf32, #tpu.memory_space<hbm>>) dst(%arg31 : memref<40x128xf32, #tpu.memory_space<vmem>>)
      "tpu.region"() ({
        %run_scoped3A = tpu.sem_alloc : memref<!tpu.dma_semaphore, #tpu.memory_space<semaphore_mem>>
        %dma_start3A_282 = arith.constant 0 : i32
        %dma_start3A_283 = arith.constant 0 : i32
        %dma_start3A_284 = tpu.memref_slice %arg6[%dma_start3A_282, %dma_start3A_283] : memref<10240x128xf32, #tpu.memory_space<vmem_shared>> -> memref<10240x128xf32, #tpu.memory_space<vmem_shared>>
        tpu.enqueue_indirect_dma source(%arg31 : memref<40x128xf32, #tpu.memory_space<vmem>>) target(%dma_start3A_284 : memref<10240x128xf32, #tpu.memory_space<vmem_shared>>) offsets(%arg21 : memref<40xi32, #tpu.memory_space<vmem>>) semaphore(%run_scoped3A : memref<!tpu.dma_semaphore, #tpu.memory_space<semaphore_mem>>) {add = true}
        %dma_wait3A_285 = arith.constant 0 : i32
        %dma_wait3A_286 = arith.constant 0 : i32
        %dma_wait3A_287 = tpu.memref_slice %arg6[%dma_wait3A_285, %dma_wait3A_286] : memref<10240x128xf32, #tpu.memory_space<vmem_shared>> -> memref<10240x128xf32, #tpu.memory_space<vmem_shared>>
        tpu.wait_indirect_dma semaphore(%run_scoped3A : memref<!tpu.dma_semaphore, #tpu.memory_space<semaphore_mem>>) src(%arg31 : memref<40x128xf32, #tpu.memory_space<vmem>>) dst(%dma_wait3A_287 : memref<10240x128xf32, #tpu.memory_space<vmem_shared>>)
        tpu.yield
      }) : () -> ()
      %lt3A_203 = arith.constant 49 : i32
      %lt3A_204 = arith.cmpi slt, %add3A_150, %lt3A_203 : i32
      %convert_element_type3A_205 = arith.extui %lt3A_204 : i1 to i32
      %cond3A_206 = arith.constant 0 : i32
      %cond3A_207 = arith.cmpi ne, %convert_element_type3A_205, %cond3A_206 : i32
      scf.if %cond3A_207 {
        %dma_wait3A_282 = arith.constant 0 : i32
        %dma_wait3A_283 = tpu.memref_slice %arg3[%dma_wait3A_282] : memref<320000xi32, #tpu.memory_space<hbm>> -> memref<40xi32, #tpu.memory_space<hbm>>
        %dma_wait3A_284 = arith.constant 0 : i32
        %dma_wait3A_285 = tpu.memref_slice %arg3[%dma_wait3A_284] : memref<320000xi32, #tpu.memory_space<hbm>> -> memref<40xi32, #tpu.memory_space<hbm>>
        tpu.wait_dma2 semaphore(%arg46 : memref<!tpu.dma_semaphore, #tpu.memory_space<semaphore_mem>>) src(%dma_wait3A_285 : memref<40xi32, #tpu.memory_space<hbm>>) dst(%arg16 : memref<40xi32, #tpu.memory_space<vmem>>)
        %dma_wait3A_286 = arith.constant 0 : i32
        %dma_wait3A_287 = tpu.memref_slice %arg4[%dma_wait3A_286] : memref<320000xi32, #tpu.memory_space<hbm>> -> memref<40xi32, #tpu.memory_space<hbm>>
        %dma_wait3A_288 = arith.constant 0 : i32
        %dma_wait3A_289 = tpu.memref_slice %arg4[%dma_wait3A_288] : memref<320000xi32, #tpu.memory_space<hbm>> -> memref<40xi32, #tpu.memory_space<hbm>>
        tpu.wait_dma2 semaphore(%arg46 : memref<!tpu.dma_semaphore, #tpu.memory_space<semaphore_mem>>) src(%dma_wait3A_289 : memref<40xi32, #tpu.memory_space<hbm>>) dst(%arg26 : memref<40xi32, #tpu.memory_space<vmem>>)
        %dma_start3A_290 = arith.constant 0 : i32
        %dma_start3A_291 = arith.constant 0 : i32
        %dma_start3A_292 = tpu.memref_slice %arg2[%dma_start3A_290, %dma_start3A_291] : memref<10240x128xf32, #tpu.memory_space<hbm>> -> memref<10240x128xf32, #tpu.memory_space<hbm>>
        tpu.enqueue_indirect_dma source(%dma_start3A_292 : memref<10240x128xf32, #tpu.memory_space<hbm>>) target(%arg31 : memref<40x128xf32, #tpu.memory_space<vmem>>) offsets(%arg16 : memref<40xi32, #tpu.memory_space<vmem>>) semaphore(%arg36 : memref<!tpu.dma_semaphore, #tpu.memory_space<semaphore_mem>>)
      } else {
      }
      %lt3A_208 = arith.constant 48 : i32
      %lt3A_209 = arith.cmpi slt, %add3A_150, %lt3A_208 : i32
      %convert_element_type3A_210 = arith.extui %lt3A_209 : i1 to i32
      %cond3A_211 = arith.constant 0 : i32
      %cond3A_212 = arith.cmpi ne, %convert_element_type3A_210, %cond3A_211 : i32
      scf.if %cond3A_212 {
        %add3A_282 = arith.constant 2 : i32
        %add3A_283 = arith.addi %add3A_150, %add3A_282 : i32
        %mul3A_284 = arith.constant 5 : i32
        %mul3A_285 = arith.muli %add3A_283, %mul3A_284 : i32
        %add3A_286 = arith.constant 4 : i32
        %add3A_287 = arith.addi %mul3A_285, %add3A_286 : i32
        %mul3A_288 = arith.constant 40 : i32
        %mul3A_289 = arith.muli %add3A_287, %mul3A_288 : i32
        %add3A_290 = arith.addi %add3A, %mul3A_289 : i32
        %multiple_of3A_291 = tpu.assume_multiple %add3A_290, 8 : i32
        %dma_start3A_292 = tpu.memref_slice %arg3[%multiple_of3A_291] : memref<320000xi32, #tpu.memory_space<hbm>> -> memref<40xi32, #tpu.memory_space<hbm>>
        %dma_start3A_293 = tpu.memref_slice %arg3[%multiple_of3A_291] : memref<320000xi32, #tpu.memory_space<hbm>> -> memref<40xi32, #tpu.memory_space<hbm>>
        tpu.enqueue_dma source(%dma_start3A_293 : memref<40xi32, #tpu.memory_space<hbm>>) target(%arg11 : memref<40xi32, #tpu.memory_space<vmem>>) target_semaphore(%arg41 : memref<!tpu.dma_semaphore, #tpu.memory_space<semaphore_mem>>)
        %dma_start3A_294 = tpu.memref_slice %arg4[%multiple_of3A_291] : memref<320000xi32, #tpu.memory_space<hbm>> -> memref<40xi32, #tpu.memory_space<hbm>>
        %dma_start3A_295 = tpu.memref_slice %arg4[%multiple_of3A_291] : memref<320000xi32, #tpu.memory_space<hbm>> -> memref<40xi32, #tpu.memory_space<hbm>>
        tpu.enqueue_dma source(%dma_start3A_295 : memref<40xi32, #tpu.memory_space<hbm>>) target(%arg21 : memref<40xi32, #tpu.memory_space<vmem>>) target_semaphore(%arg41 : memref<!tpu.dma_semaphore, #tpu.memory_space<semaphore_mem>>)
      } else {
      }
      %mul3A_213 = arith.constant 2 : i32
      %mul3A_214 = arith.muli %scan3A_146, %mul3A_213 : i32
      %add3A_215 = arith.constant 1 : i32
      %add3A_216 = arith.addi %mul3A_214, %add3A_215 : i32
      %dma_wait3A_217 = arith.constant 0 : i32
      %dma_wait3A_218 = arith.constant 0 : i32
      %dma_wait3A_219 = tpu.memref_slice %arg2[%dma_wait3A_217, %dma_wait3A_218] : memref<10240x128xf32, #tpu.memory_space<hbm>> -> memref<10240x128xf32, #tpu.memory_space<hbm>>
      tpu.wait_indirect_dma semaphore(%arg32 : memref<!tpu.dma_semaphore, #tpu.memory_space<semaphore_mem>>) src(%dma_wait3A_219 : memref<10240x128xf32, #tpu.memory_space<hbm>>) dst(%arg27 : memref<40x128xf32, #tpu.memory_space<vmem>>)
      "tpu.region"() ({
        %run_scoped3A = tpu.sem_alloc : memref<!tpu.dma_semaphore, #tpu.memory_space<semaphore_mem>>
        %dma_start3A_282 = arith.constant 0 : i32
        %dma_start3A_283 = arith.constant 0 : i32
        %dma_start3A_284 = tpu.memref_slice %arg6[%dma_start3A_282, %dma_start3A_283] : memref<10240x128xf32, #tpu.memory_space<vmem_shared>> -> memref<10240x128xf32, #tpu.memory_space<vmem_shared>>
        tpu.enqueue_indirect_dma source(%arg27 : memref<40x128xf32, #tpu.memory_space<vmem>>) target(%dma_start3A_284 : memref<10240x128xf32, #tpu.memory_space<vmem_shared>>) offsets(%arg22 : memref<40xi32, #tpu.memory_space<vmem>>) semaphore(%run_scoped3A : memref<!tpu.dma_semaphore, #tpu.memory_space<semaphore_mem>>) {add = true}
        %dma_wait3A_285 = arith.constant 0 : i32
        %dma_wait3A_286 = arith.constant 0 : i32
        %dma_wait3A_287 = tpu.memref_slice %arg6[%dma_wait3A_285, %dma_wait3A_286] : memref<10240x128xf32, #tpu.memory_space<vmem_shared>> -> memref<10240x128xf32, #tpu.memory_space<vmem_shared>>
        tpu.wait_indirect_dma semaphore(%run_scoped3A : memref<!tpu.dma_semaphore, #tpu.memory_space<semaphore_mem>>) src(%arg27 : memref<40x128xf32, #tpu.memory_space<vmem>>) dst(%dma_wait3A_287 : memref<10240x128xf32, #tpu.memory_space<vmem_shared>>)
        tpu.yield
      }) : () -> ()
      %lt3A_220 = arith.constant 49 : i32
      %lt3A_221 = arith.cmpi slt, %add3A_216, %lt3A_220 : i32
      %convert_element_type3A_222 = arith.extui %lt3A_221 : i1 to i32
      %cond3A_223 = arith.constant 0 : i32
      %cond3A_224 = arith.cmpi ne, %convert_element_type3A_222, %cond3A_223 : i32
      scf.if %cond3A_224 {
        %dma_wait3A_282 = arith.constant 0 : i32
        %dma_wait3A_283 = tpu.memref_slice %arg3[%dma_wait3A_282] : memref<320000xi32, #tpu.memory_space<hbm>> -> memref<40xi32, #tpu.memory_space<hbm>>
        %dma_wait3A_284 = arith.constant 0 : i32
        %dma_wait3A_285 = tpu.memref_slice %arg3[%dma_wait3A_284] : memref<320000xi32, #tpu.memory_space<hbm>> -> memref<40xi32, #tpu.memory_space<hbm>>
        tpu.wait_dma2 semaphore(%arg37 : memref<!tpu.dma_semaphore, #tpu.memory_space<semaphore_mem>>) src(%dma_wait3A_285 : memref<40xi32, #tpu.memory_space<hbm>>) dst(%arg7 : memref<40xi32, #tpu.memory_space<vmem>>)
        %dma_wait3A_286 = arith.constant 0 : i32
        %dma_wait3A_287 = tpu.memref_slice %arg4[%dma_wait3A_286] : memref<320000xi32, #tpu.memory_space<hbm>> -> memref<40xi32, #tpu.memory_space<hbm>>
        %dma_wait3A_288 = arith.constant 0 : i32
        %dma_wait3A_289 = tpu.memref_slice %arg4[%dma_wait3A_288] : memref<320000xi32, #tpu.memory_space<hbm>> -> memref<40xi32, #tpu.memory_space<hbm>>
        tpu.wait_dma2 semaphore(%arg37 : memref<!tpu.dma_semaphore, #tpu.memory_space<semaphore_mem>>) src(%dma_wait3A_289 : memref<40xi32, #tpu.memory_space<hbm>>) dst(%arg17 : memref<40xi32, #tpu.memory_space<vmem>>)
        %dma_start3A_290 = arith.constant 0 : i32
        %dma_start3A_291 = arith.constant 0 : i32
        %dma_start3A_292 = tpu.memref_slice %arg2[%dma_start3A_290, %dma_start3A_291] : memref<10240x128xf32, #tpu.memory_space<hbm>> -> memref<10240x128xf32, #tpu.memory_space<hbm>>
        tpu.enqueue_indirect_dma source(%dma_start3A_292 : memref<10240x128xf32, #tpu.memory_space<hbm>>) target(%arg27 : memref<40x128xf32, #tpu.memory_space<vmem>>) offsets(%arg7 : memref<40xi32, #tpu.memory_space<vmem>>) semaphore(%arg32 : memref<!tpu.dma_semaphore, #tpu.memory_space<semaphore_mem>>)
      } else {
      }
      %lt3A_225 = arith.constant 48 : i32
      %lt3A_226 = arith.cmpi slt, %add3A_216, %lt3A_225 : i32
      %convert_element_type3A_227 = arith.extui %lt3A_226 : i1 to i32
      %cond3A_228 = arith.constant 0 : i32
      %cond3A_229 = arith.cmpi ne, %convert_element_type3A_227, %cond3A_228 : i32
      scf.if %cond3A_229 {
        %add3A_282 = arith.constant 2 : i32
        %add3A_283 = arith.addi %add3A_216, %add3A_282 : i32
        %mul3A_284 = arith.constant 5 : i32
        %mul3A_285 = arith.muli %add3A_283, %mul3A_284 : i32
        %add3A_286 = arith.constant 0 : i32
        %add3A_287 = arith.addi %mul3A_285, %add3A_286 : i32
        %mul3A_288 = arith.constant 40 : i32
        %mul3A_289 = arith.muli %add3A_287, %mul3A_288 : i32
        %add3A_290 = arith.addi %add3A, %mul3A_289 : i32
        %multiple_of3A_291 = tpu.assume_multiple %add3A_290, 8 : i32
        %dma_start3A_292 = tpu.memref_slice %arg3[%multiple_of3A_291] : memref<320000xi32, #tpu.memory_space<hbm>> -> memref<40xi32, #tpu.memory_space<hbm>>
        %dma_start3A_293 = tpu.memref_slice %arg3[%multiple_of3A_291] : memref<320000xi32, #tpu.memory_space<hbm>> -> memref<40xi32, #tpu.memory_space<hbm>>
        tpu.enqueue_dma source(%dma_start3A_293 : memref<40xi32, #tpu.memory_space<hbm>>) target(%arg12 : memref<40xi32, #tpu.memory_space<vmem>>) target_semaphore(%arg42 : memref<!tpu.dma_semaphore, #tpu.memory_space<semaphore_mem>>)
        %dma_start3A_294 = tpu.memref_slice %arg4[%multiple_of3A_291] : memref<320000xi32, #tpu.memory_space<hbm>> -> memref<40xi32, #tpu.memory_space<hbm>>
        %dma_start3A_295 = tpu.memref_slice %arg4[%multiple_of3A_291] : memref<320000xi32, #tpu.memory_space<hbm>> -> memref<40xi32, #tpu.memory_space<hbm>>
        tpu.enqueue_dma source(%dma_start3A_295 : memref<40xi32, #tpu.memory_space<hbm>>) target(%arg22 : memref<40xi32, #tpu.memory_space<vmem>>) target_semaphore(%arg42 : memref<!tpu.dma_semaphore, #tpu.memory_space<semaphore_mem>>)
      } else {
      }
      %dma_wait3A_230 = arith.constant 0 : i32
      %dma_wait3A_231 = arith.constant 0 : i32
      %dma_wait3A_232 = tpu.memref_slice %arg2[%dma_wait3A_230, %dma_wait3A_231] : memref<10240x128xf32, #tpu.memory_space<hbm>> -> memref<10240x128xf32, #tpu.memory_space<hbm>>
      tpu.wait_indirect_dma semaphore(%arg33 : memref<!tpu.dma_semaphore, #tpu.memory_space<semaphore_mem>>) src(%dma_wait3A_232 : memref<10240x128xf32, #tpu.memory_space<hbm>>) dst(%arg28 : memref<40x128xf32, #tpu.memory_space<vmem>>)
      "tpu.region"() ({
        %run_scoped3A = tpu.sem_alloc : memref<!tpu.dma_semaphore, #tpu.memory_space<semaphore_mem>>
        %dma_start3A_282 = arith.constant 0 : i32
        %dma_start3A_283 = arith.constant 0 : i32
        %dma_start3A_284 = tpu.memref_slice %arg6[%dma_start3A_282, %dma_start3A_283] : memref<10240x128xf32, #tpu.memory_space<vmem_shared>> -> memref<10240x128xf32, #tpu.memory_space<vmem_shared>>
        tpu.enqueue_indirect_dma source(%arg28 : memref<40x128xf32, #tpu.memory_space<vmem>>) target(%dma_start3A_284 : memref<10240x128xf32, #tpu.memory_space<vmem_shared>>) offsets(%arg23 : memref<40xi32, #tpu.memory_space<vmem>>) semaphore(%run_scoped3A : memref<!tpu.dma_semaphore, #tpu.memory_space<semaphore_mem>>) {add = true}
        %dma_wait3A_285 = arith.constant 0 : i32
        %dma_wait3A_286 = arith.constant 0 : i32
        %dma_wait3A_287 = tpu.memref_slice %arg6[%dma_wait3A_285, %dma_wait3A_286] : memref<10240x128xf32, #tpu.memory_space<vmem_shared>> -> memref<10240x128xf32, #tpu.memory_space<vmem_shared>>
        tpu.wait_indirect_dma semaphore(%run_scoped3A : memref<!tpu.dma_semaphore, #tpu.memory_space<semaphore_mem>>) src(%arg28 : memref<40x128xf32, #tpu.memory_space<vmem>>) dst(%dma_wait3A_287 : memref<10240x128xf32, #tpu.memory_space<vmem_shared>>)
        tpu.yield
      }) : () -> ()
      %lt3A_233 = arith.constant 49 : i32
      %lt3A_234 = arith.cmpi slt, %add3A_216, %lt3A_233 : i32
      %convert_element_type3A_235 = arith.extui %lt3A_234 : i1 to i32
      %cond3A_236 = arith.constant 0 : i32
      %cond3A_237 = arith.cmpi ne, %convert_element_type3A_235, %cond3A_236 : i32
      scf.if %cond3A_237 {
        %dma_wait3A_282 = arith.constant 0 : i32
        %dma_wait3A_283 = tpu.memref_slice %arg3[%dma_wait3A_282] : memref<320000xi32, #tpu.memory_space<hbm>> -> memref<40xi32, #tpu.memory_space<hbm>>
        %dma_wait3A_284 = arith.constant 0 : i32
        %dma_wait3A_285 = tpu.memref_slice %arg3[%dma_wait3A_284] : memref<320000xi32, #tpu.memory_space<hbm>> -> memref<40xi32, #tpu.memory_space<hbm>>
        tpu.wait_dma2 semaphore(%arg38 : memref<!tpu.dma_semaphore, #tpu.memory_space<semaphore_mem>>) src(%dma_wait3A_285 : memref<40xi32, #tpu.memory_space<hbm>>) dst(%arg8 : memref<40xi32, #tpu.memory_space<vmem>>)
        %dma_wait3A_286 = arith.constant 0 : i32
        %dma_wait3A_287 = tpu.memref_slice %arg4[%dma_wait3A_286] : memref<320000xi32, #tpu.memory_space<hbm>> -> memref<40xi32, #tpu.memory_space<hbm>>
        %dma_wait3A_288 = arith.constant 0 : i32
        %dma_wait3A_289 = tpu.memref_slice %arg4[%dma_wait3A_288] : memref<320000xi32, #tpu.memory_space<hbm>> -> memref<40xi32, #tpu.memory_space<hbm>>
        tpu.wait_dma2 semaphore(%arg38 : memref<!tpu.dma_semaphore, #tpu.memory_space<semaphore_mem>>) src(%dma_wait3A_289 : memref<40xi32, #tpu.memory_space<hbm>>) dst(%arg18 : memref<40xi32, #tpu.memory_space<vmem>>)
        %dma_start3A_290 = arith.constant 0 : i32
        %dma_start3A_291 = arith.constant 0 : i32
        %dma_start3A_292 = tpu.memref_slice %arg2[%dma_start3A_290, %dma_start3A_291] : memref<10240x128xf32, #tpu.memory_space<hbm>> -> memref<10240x128xf32, #tpu.memory_space<hbm>>
        tpu.enqueue_indirect_dma source(%dma_start3A_292 : memref<10240x128xf32, #tpu.memory_space<hbm>>) target(%arg28 : memref<40x128xf32, #tpu.memory_space<vmem>>) offsets(%arg8 : memref<40xi32, #tpu.memory_space<vmem>>) semaphore(%arg33 : memref<!tpu.dma_semaphore, #tpu.memory_space<semaphore_mem>>)
      } else {
      }
      %lt3A_238 = arith.constant 48 : i32
      %lt3A_239 = arith.cmpi slt, %add3A_216, %lt3A_238 : i32
      %convert_element_type3A_240 = arith.extui %lt3A_239 : i1 to i32
      %cond3A_241 = arith.constant 0 : i32
      %cond3A_242 = arith.cmpi ne, %convert_element_type3A_240, %cond3A_241 : i32
      scf.if %cond3A_242 {
        %add3A_282 = arith.constant 2 : i32
        %add3A_283 = arith.addi %add3A_216, %add3A_282 : i32
        %mul3A_284 = arith.constant 5 : i32
        %mul3A_285 = arith.muli %add3A_283, %mul3A_284 : i32
        %add3A_286 = arith.constant 1 : i32
        %add3A_287 = arith.addi %mul3A_285, %add3A_286 : i32
        %mul3A_288 = arith.constant 40 : i32
        %mul3A_289 = arith.muli %add3A_287, %mul3A_288 : i32
        %add3A_290 = arith.addi %add3A, %mul3A_289 : i32
        %multiple_of3A_291 = tpu.assume_multiple %add3A_290, 8 : i32
        %dma_start3A_292 = tpu.memref_slice %arg3[%multiple_of3A_291] : memref<320000xi32, #tpu.memory_space<hbm>> -> memref<40xi32, #tpu.memory_space<hbm>>
        %dma_start3A_293 = tpu.memref_slice %arg3[%multiple_of3A_291] : memref<320000xi32, #tpu.memory_space<hbm>> -> memref<40xi32, #tpu.memory_space<hbm>>
        tpu.enqueue_dma source(%dma_start3A_293 : memref<40xi32, #tpu.memory_space<hbm>>) target(%arg13 : memref<40xi32, #tpu.memory_space<vmem>>) target_semaphore(%arg43 : memref<!tpu.dma_semaphore, #tpu.memory_space<semaphore_mem>>)
        %dma_start3A_294 = tpu.memref_slice %arg4[%multiple_of3A_291] : memref<320000xi32, #tpu.memory_space<hbm>> -> memref<40xi32, #tpu.memory_space<hbm>>
        %dma_start3A_295 = tpu.memref_slice %arg4[%multiple_of3A_291] : memref<320000xi32, #tpu.memory_space<hbm>> -> memref<40xi32, #tpu.memory_space<hbm>>
        tpu.enqueue_dma source(%dma_start3A_295 : memref<40xi32, #tpu.memory_space<hbm>>) target(%arg23 : memref<40xi32, #tpu.memory_space<vmem>>) target_semaphore(%arg43 : memref<!tpu.dma_semaphore, #tpu.memory_space<semaphore_mem>>)
      } else {
      }
      %dma_wait3A_243 = arith.constant 0 : i32
      %dma_wait3A_244 = arith.constant 0 : i32
      %dma_wait3A_245 = tpu.memref_slice %arg2[%dma_wait3A_243, %dma_wait3A_244] : memref<10240x128xf32, #tpu.memory_space<hbm>> -> memref<10240x128xf32, #tpu.memory_space<hbm>>
      tpu.wait_indirect_dma semaphore(%arg34 : memref<!tpu.dma_semaphore, #tpu.memory_space<semaphore_mem>>) src(%dma_wait3A_245 : memref<10240x128xf32, #tpu.memory_space<hbm>>) dst(%arg29 : memref<40x128xf32, #tpu.memory_space<vmem>>)
      "tpu.region"() ({
        %run_scoped3A = tpu.sem_alloc : memref<!tpu.dma_semaphore, #tpu.memory_space<semaphore_mem>>
        %dma_start3A_282 = arith.constant 0 : i32
        %dma_start3A_283 = arith.constant 0 : i32
        %dma_start3A_284 = tpu.memref_slice %arg6[%dma_start3A_282, %dma_start3A_283] : memref<10240x128xf32, #tpu.memory_space<vmem_shared>> -> memref<10240x128xf32, #tpu.memory_space<vmem_shared>>
        tpu.enqueue_indirect_dma source(%arg29 : memref<40x128xf32, #tpu.memory_space<vmem>>) target(%dma_start3A_284 : memref<10240x128xf32, #tpu.memory_space<vmem_shared>>) offsets(%arg24 : memref<40xi32, #tpu.memory_space<vmem>>) semaphore(%run_scoped3A : memref<!tpu.dma_semaphore, #tpu.memory_space<semaphore_mem>>) {add = true}
        %dma_wait3A_285 = arith.constant 0 : i32
        %dma_wait3A_286 = arith.constant 0 : i32
        %dma_wait3A_287 = tpu.memref_slice %arg6[%dma_wait3A_285, %dma_wait3A_286] : memref<10240x128xf32, #tpu.memory_space<vmem_shared>> -> memref<10240x128xf32, #tpu.memory_space<vmem_shared>>
        tpu.wait_indirect_dma semaphore(%run_scoped3A : memref<!tpu.dma_semaphore, #tpu.memory_space<semaphore_mem>>) src(%arg29 : memref<40x128xf32, #tpu.memory_space<vmem>>) dst(%dma_wait3A_287 : memref<10240x128xf32, #tpu.memory_space<vmem_shared>>)
        tpu.yield
      }) : () -> ()
      %lt3A_246 = arith.constant 49 : i32
      %lt3A_247 = arith.cmpi slt, %add3A_216, %lt3A_246 : i32
      %convert_element_type3A_248 = arith.extui %lt3A_247 : i1 to i32
      %cond3A_249 = arith.constant 0 : i32
      %cond3A_250 = arith.cmpi ne, %convert_element_type3A_248, %cond3A_249 : i32
      scf.if %cond3A_250 {
        %dma_wait3A_282 = arith.constant 0 : i32
        %dma_wait3A_283 = tpu.memref_slice %arg3[%dma_wait3A_282] : memref<320000xi32, #tpu.memory_space<hbm>> -> memref<40xi32, #tpu.memory_space<hbm>>
        %dma_wait3A_284 = arith.constant 0 : i32
        %dma_wait3A_285 = tpu.memref_slice %arg3[%dma_wait3A_284] : memref<320000xi32, #tpu.memory_space<hbm>> -> memref<40xi32, #tpu.memory_space<hbm>>
        tpu.wait_dma2 semaphore(%arg39 : memref<!tpu.dma_semaphore, #tpu.memory_space<semaphore_mem>>) src(%dma_wait3A_285 : memref<40xi32, #tpu.memory_space<hbm>>) dst(%arg9 : memref<40xi32, #tpu.memory_space<vmem>>)
        %dma_wait3A_286 = arith.constant 0 : i32
        %dma_wait3A_287 = tpu.memref_slice %arg4[%dma_wait3A_286] : memref<320000xi32, #tpu.memory_space<hbm>> -> memref<40xi32, #tpu.memory_space<hbm>>
        %dma_wait3A_288 = arith.constant 0 : i32
        %dma_wait3A_289 = tpu.memref_slice %arg4[%dma_wait3A_288] : memref<320000xi32, #tpu.memory_space<hbm>> -> memref<40xi32, #tpu.memory_space<hbm>>
        tpu.wait_dma2 semaphore(%arg39 : memref<!tpu.dma_semaphore, #tpu.memory_space<semaphore_mem>>) src(%dma_wait3A_289 : memref<40xi32, #tpu.memory_space<hbm>>) dst(%arg19 : memref<40xi32, #tpu.memory_space<vmem>>)
        %dma_start3A_290 = arith.constant 0 : i32
        %dma_start3A_291 = arith.constant 0 : i32
        %dma_start3A_292 = tpu.memref_slice %arg2[%dma_start3A_290, %dma_start3A_291] : memref<10240x128xf32, #tpu.memory_space<hbm>> -> memref<10240x128xf32, #tpu.memory_space<hbm>>
        tpu.enqueue_indirect_dma source(%dma_start3A_292 : memref<10240x128xf32, #tpu.memory_space<hbm>>) target(%arg29 : memref<40x128xf32, #tpu.memory_space<vmem>>) offsets(%arg9 : memref<40xi32, #tpu.memory_space<vmem>>) semaphore(%arg34 : memref<!tpu.dma_semaphore, #tpu.memory_space<semaphore_mem>>)
      } else {
      }
      %lt3A_251 = arith.constant 48 : i32
      %lt3A_252 = arith.cmpi slt, %add3A_216, %lt3A_251 : i32
      %convert_element_type3A_253 = arith.extui %lt3A_252 : i1 to i32
      %cond3A_254 = arith.constant 0 : i32
      %cond3A_255 = arith.cmpi ne, %convert_element_type3A_253, %cond3A_254 : i32
      scf.if %cond3A_255 {
        %add3A_282 = arith.constant 2 : i32
        %add3A_283 = arith.addi %add3A_216, %add3A_282 : i32
        %mul3A_284 = arith.constant 5 : i32
        %mul3A_285 = arith.muli %add3A_283, %mul3A_284 : i32
        %add3A_286 = arith.constant 2 : i32
        %add3A_287 = arith.addi %mul3A_285, %add3A_286 : i32
        %mul3A_288 = arith.constant 40 : i32
        %mul3A_289 = arith.muli %add3A_287, %mul3A_288 : i32
        %add3A_290 = arith.addi %add3A, %mul3A_289 : i32
        %multiple_of3A_291 = tpu.assume_multiple %add3A_290, 8 : i32
        %dma_start3A_292 = tpu.memref_slice %arg3[%multiple_of3A_291] : memref<320000xi32, #tpu.memory_space<hbm>> -> memref<40xi32, #tpu.memory_space<hbm>>
        %dma_start3A_293 = tpu.memref_slice %arg3[%multiple_of3A_291] : memref<320000xi32, #tpu.memory_space<hbm>> -> memref<40xi32, #tpu.memory_space<hbm>>
        tpu.enqueue_dma source(%dma_start3A_293 : memref<40xi32, #tpu.memory_space<hbm>>) target(%arg14 : memref<40xi32, #tpu.memory_space<vmem>>) target_semaphore(%arg44 : memref<!tpu.dma_semaphore, #tpu.memory_space<semaphore_mem>>)
        %dma_start3A_294 = tpu.memref_slice %arg4[%multiple_of3A_291] : memref<320000xi32, #tpu.memory_space<hbm>> -> memref<40xi32, #tpu.memory_space<hbm>>
        %dma_start3A_295 = tpu.memref_slice %arg4[%multiple_of3A_291] : memref<320000xi32, #tpu.memory_space<hbm>> -> memref<40xi32, #tpu.memory_space<hbm>>
        tpu.enqueue_dma source(%dma_start3A_295 : memref<40xi32, #tpu.memory_space<hbm>>) target(%arg24 : memref<40xi32, #tpu.memory_space<vmem>>) target_semaphore(%arg44 : memref<!tpu.dma_semaphore, #tpu.memory_space<semaphore_mem>>)
      } else {
      }
      %dma_wait3A_256 = arith.constant 0 : i32
      %dma_wait3A_257 = arith.constant 0 : i32
      %dma_wait3A_258 = tpu.memref_slice %arg2[%dma_wait3A_256, %dma_wait3A_257] : memref<10240x128xf32, #tpu.memory_space<hbm>> -> memref<10240x128xf32, #tpu.memory_space<hbm>>
      tpu.wait_indirect_dma semaphore(%arg35 : memref<!tpu.dma_semaphore, #tpu.memory_space<semaphore_mem>>) src(%dma_wait3A_258 : memref<10240x128xf32, #tpu.memory_space<hbm>>) dst(%arg30 : memref<40x128xf32, #tpu.memory_space<vmem>>)
      "tpu.region"() ({
        %run_scoped3A = tpu.sem_alloc : memref<!tpu.dma_semaphore, #tpu.memory_space<semaphore_mem>>
        %dma_start3A_282 = arith.constant 0 : i32
        %dma_start3A_283 = arith.constant 0 : i32
        %dma_start3A_284 = tpu.memref_slice %arg6[%dma_start3A_282, %dma_start3A_283] : memref<10240x128xf32, #tpu.memory_space<vmem_shared>> -> memref<10240x128xf32, #tpu.memory_space<vmem_shared>>
        tpu.enqueue_indirect_dma source(%arg30 : memref<40x128xf32, #tpu.memory_space<vmem>>) target(%dma_start3A_284 : memref<10240x128xf32, #tpu.memory_space<vmem_shared>>) offsets(%arg25 : memref<40xi32, #tpu.memory_space<vmem>>) semaphore(%run_scoped3A : memref<!tpu.dma_semaphore, #tpu.memory_space<semaphore_mem>>) {add = true}
        %dma_wait3A_285 = arith.constant 0 : i32
        %dma_wait3A_286 = arith.constant 0 : i32
        %dma_wait3A_287 = tpu.memref_slice %arg6[%dma_wait3A_285, %dma_wait3A_286] : memref<10240x128xf32, #tpu.memory_space<vmem_shared>> -> memref<10240x128xf32, #tpu.memory_space<vmem_shared>>
        tpu.wait_indirect_dma semaphore(%run_scoped3A : memref<!tpu.dma_semaphore, #tpu.memory_space<semaphore_mem>>) src(%arg30 : memref<40x128xf32, #tpu.memory_space<vmem>>) dst(%dma_wait3A_287 : memref<10240x128xf32, #tpu.memory_space<vmem_shared>>)
        tpu.yield
      }) : () -> ()
      %lt3A_259 = arith.constant 49 : i32
      %lt3A_260 = arith.cmpi slt, %add3A_216, %lt3A_259 : i32
      %convert_element_type3A_261 = arith.extui %lt3A_260 : i1 to i32
      %cond3A_262 = arith.constant 0 : i32
      %cond3A_263 = arith.cmpi ne, %convert_element_type3A_261, %cond3A_262 : i32
      scf.if %cond3A_263 {
        %dma_wait3A_282 = arith.constant 0 : i32
        %dma_wait3A_283 = tpu.memref_slice %arg3[%dma_wait3A_282] : memref<320000xi32, #tpu.memory_space<hbm>> -> memref<40xi32, #tpu.memory_space<hbm>>
        %dma_wait3A_284 = arith.constant 0 : i32
        %dma_wait3A_285 = tpu.memref_slice %arg3[%dma_wait3A_284] : memref<320000xi32, #tpu.memory_space<hbm>> -> memref<40xi32, #tpu.memory_space<hbm>>
        tpu.wait_dma2 semaphore(%arg40 : memref<!tpu.dma_semaphore, #tpu.memory_space<semaphore_mem>>) src(%dma_wait3A_285 : memref<40xi32, #tpu.memory_space<hbm>>) dst(%arg10 : memref<40xi32, #tpu.memory_space<vmem>>)
        %dma_wait3A_286 = arith.constant 0 : i32
        %dma_wait3A_287 = tpu.memref_slice %arg4[%dma_wait3A_286] : memref<320000xi32, #tpu.memory_space<hbm>> -> memref<40xi32, #tpu.memory_space<hbm>>
        %dma_wait3A_288 = arith.constant 0 : i32
        %dma_wait3A_289 = tpu.memref_slice %arg4[%dma_wait3A_288] : memref<320000xi32, #tpu.memory_space<hbm>> -> memref<40xi32, #tpu.memory_space<hbm>>
        tpu.wait_dma2 semaphore(%arg40 : memref<!tpu.dma_semaphore, #tpu.memory_space<semaphore_mem>>) src(%dma_wait3A_289 : memref<40xi32, #tpu.memory_space<hbm>>) dst(%arg20 : memref<40xi32, #tpu.memory_space<vmem>>)
        %dma_start3A_290 = arith.constant 0 : i32
        %dma_start3A_291 = arith.constant 0 : i32
        %dma_start3A_292 = tpu.memref_slice %arg2[%dma_start3A_290, %dma_start3A_291] : memref<10240x128xf32, #tpu.memory_space<hbm>> -> memref<10240x128xf32, #tpu.memory_space<hbm>>
        tpu.enqueue_indirect_dma source(%dma_start3A_292 : memref<10240x128xf32, #tpu.memory_space<hbm>>) target(%arg30 : memref<40x128xf32, #tpu.memory_space<vmem>>) offsets(%arg10 : memref<40xi32, #tpu.memory_space<vmem>>) semaphore(%arg35 : memref<!tpu.dma_semaphore, #tpu.memory_space<semaphore_mem>>)
      } else {
      }
      %lt3A_264 = arith.constant 48 : i32
      %lt3A_265 = arith.cmpi slt, %add3A_216, %lt3A_264 : i32
      %convert_element_type3A_266 = arith.extui %lt3A_265 : i1 to i32
      %cond3A_267 = arith.constant 0 : i32
      %cond3A_268 = arith.cmpi ne, %convert_element_type3A_266, %cond3A_267 : i32
      scf.if %cond3A_268 {
        %add3A_282 = arith.constant 2 : i32
        %add3A_283 = arith.addi %add3A_216, %add3A_282 : i32
        %mul3A_284 = arith.constant 5 : i32
        %mul3A_285 = arith.muli %add3A_283, %mul3A_284 : i32
        %add3A_286 = arith.constant 3 : i32
        %add3A_287 = arith.addi %mul3A_285, %add3A_286 : i32
        %mul3A_288 = arith.constant 40 : i32
        %mul3A_289 = arith.muli %add3A_287, %mul3A_288 : i32
        %add3A_290 = arith.addi %add3A, %mul3A_289 : i32
        %multiple_of3A_291 = tpu.assume_multiple %add3A_290, 8 : i32
        %dma_start3A_292 = tpu.memref_slice %arg3[%multiple_of3A_291] : memref<320000xi32, #tpu.memory_space<hbm>> -> memref<40xi32, #tpu.memory_space<hbm>>
        %dma_start3A_293 = tpu.memref_slice %arg3[%multiple_of3A_291] : memref<320000xi32, #tpu.memory_space<hbm>> -> memref<40xi32, #tpu.memory_space<hbm>>
        tpu.enqueue_dma source(%dma_start3A_293 : memref<40xi32, #tpu.memory_space<hbm>>) target(%arg15 : memref<40xi32, #tpu.memory_space<vmem>>) target_semaphore(%arg45 : memref<!tpu.dma_semaphore, #tpu.memory_space<semaphore_mem>>)
        %dma_start3A_294 = tpu.memref_slice %arg4[%multiple_of3A_291] : memref<320000xi32, #tpu.memory_space<hbm>> -> memref<40xi32, #tpu.memory_space<hbm>>
        %dma_start3A_295 = tpu.memref_slice %arg4[%multiple_of3A_291] : memref<320000xi32, #tpu.memory_space<hbm>> -> memref<40xi32, #tpu.memory_space<hbm>>
        tpu.enqueue_dma source(%dma_start3A_295 : memref<40xi32, #tpu.memory_space<hbm>>) target(%arg25 : memref<40xi32, #tpu.memory_space<vmem>>) target_semaphore(%arg45 : memref<!tpu.dma_semaphore, #tpu.memory_space<semaphore_mem>>)
      } else {
      }
      %dma_wait3A_269 = arith.constant 0 : i32
      %dma_wait3A_270 = arith.constant 0 : i32
      %dma_wait3A_271 = tpu.memref_slice %arg2[%dma_wait3A_269, %dma_wait3A_270] : memref<10240x128xf32, #tpu.memory_space<hbm>> -> memref<10240x128xf32, #tpu.memory_space<hbm>>
      tpu.wait_indirect_dma semaphore(%arg36 : memref<!tpu.dma_semaphore, #tpu.memory_space<semaphore_mem>>) src(%dma_wait3A_271 : memref<10240x128xf32, #tpu.memory_space<hbm>>) dst(%arg31 : memref<40x128xf32, #tpu.memory_space<vmem>>)
      "tpu.region"() ({
        %run_scoped3A = tpu.sem_alloc : memref<!tpu.dma_semaphore, #tpu.memory_space<semaphore_mem>>
        %dma_start3A_282 = arith.constant 0 : i32
        %dma_start3A_283 = arith.constant 0 : i32
        %dma_start3A_284 = tpu.memref_slice %arg6[%dma_start3A_282, %dma_start3A_283] : memref<10240x128xf32, #tpu.memory_space<vmem_shared>> -> memref<10240x128xf32, #tpu.memory_space<vmem_shared>>
        tpu.enqueue_indirect_dma source(%arg31 : memref<40x128xf32, #tpu.memory_space<vmem>>) target(%dma_start3A_284 : memref<10240x128xf32, #tpu.memory_space<vmem_shared>>) offsets(%arg26 : memref<40xi32, #tpu.memory_space<vmem>>) semaphore(%run_scoped3A : memref<!tpu.dma_semaphore, #tpu.memory_space<semaphore_mem>>) {add = true}
        %dma_wait3A_285 = arith.constant 0 : i32
        %dma_wait3A_286 = arith.constant 0 : i32
        %dma_wait3A_287 = tpu.memref_slice %arg6[%dma_wait3A_285, %dma_wait3A_286] : memref<10240x128xf32, #tpu.memory_space<vmem_shared>> -> memref<10240x128xf32, #tpu.memory_space<vmem_shared>>
        tpu.wait_indirect_dma semaphore(%run_scoped3A : memref<!tpu.dma_semaphore, #tpu.memory_space<semaphore_mem>>) src(%arg31 : memref<40x128xf32, #tpu.memory_space<vmem>>) dst(%dma_wait3A_287 : memref<10240x128xf32, #tpu.memory_space<vmem_shared>>)
        tpu.yield
      }) : () -> ()
      %lt3A_272 = arith.constant 49 : i32
      %lt3A_273 = arith.cmpi slt, %add3A_216, %lt3A_272 : i32
      %convert_element_type3A_274 = arith.extui %lt3A_273 : i1 to i32
      %cond3A_275 = arith.constant 0 : i32
      %cond3A_276 = arith.cmpi ne, %convert_element_type3A_274, %cond3A_275 : i32
      scf.if %cond3A_276 {
        %dma_wait3A_282 = arith.constant 0 : i32
        %dma_wait3A_283 = tpu.memref_slice %arg3[%dma_wait3A_282] : memref<320000xi32, #tpu.memory_space<hbm>> -> memref<40xi32, #tpu.memory_space<hbm>>
        %dma_wait3A_284 = arith.constant 0 : i32
        %dma_wait3A_285 = tpu.memref_slice %arg3[%dma_wait3A_284] : memref<320000xi32, #tpu.memory_space<hbm>> -> memref<40xi32, #tpu.memory_space<hbm>>
        tpu.wait_dma2 semaphore(%arg41 : memref<!tpu.dma_semaphore, #tpu.memory_space<semaphore_mem>>) src(%dma_wait3A_285 : memref<40xi32, #tpu.memory_space<hbm>>) dst(%arg11 : memref<40xi32, #tpu.memory_space<vmem>>)
        %dma_wait3A_286 = arith.constant 0 : i32
        %dma_wait3A_287 = tpu.memref_slice %arg4[%dma_wait3A_286] : memref<320000xi32, #tpu.memory_space<hbm>> -> memref<40xi32, #tpu.memory_space<hbm>>
        %dma_wait3A_288 = arith.constant 0 : i32
        %dma_wait3A_289 = tpu.memref_slice %arg4[%dma_wait3A_288] : memref<320000xi32, #tpu.memory_space<hbm>> -> memref<40xi32, #tpu.memory_space<hbm>>
        tpu.wait_dma2 semaphore(%arg41 : memref<!tpu.dma_semaphore, #tpu.memory_space<semaphore_mem>>) src(%dma_wait3A_289 : memref<40xi32, #tpu.memory_space<hbm>>) dst(%arg21 : memref<40xi32, #tpu.memory_space<vmem>>)
        %dma_start3A_290 = arith.constant 0 : i32
        %dma_start3A_291 = arith.constant 0 : i32
        %dma_start3A_292 = tpu.memref_slice %arg2[%dma_start3A_290, %dma_start3A_291] : memref<10240x128xf32, #tpu.memory_space<hbm>> -> memref<10240x128xf32, #tpu.memory_space<hbm>>
        tpu.enqueue_indirect_dma source(%dma_start3A_292 : memref<10240x128xf32, #tpu.memory_space<hbm>>) target(%arg31 : memref<40x128xf32, #tpu.memory_space<vmem>>) offsets(%arg11 : memref<40xi32, #tpu.memory_space<vmem>>) semaphore(%arg36 : memref<!tpu.dma_semaphore, #tpu.memory_space<semaphore_mem>>)
      } else {
      }
      %lt3A_277 = arith.constant 48 : i32
      %lt3A_278 = arith.cmpi slt, %add3A_216, %lt3A_277 : i32
      %convert_element_type3A_279 = arith.extui %lt3A_278 : i1 to i32
      %cond3A_280 = arith.constant 0 : i32
      %cond3A_281 = arith.cmpi ne, %convert_element_type3A_279, %cond3A_280 : i32
      scf.if %cond3A_281 {
        %add3A_282 = arith.constant 2 : i32
        %add3A_283 = arith.addi %add3A_216, %add3A_282 : i32
        %mul3A_284 = arith.constant 5 : i32
        %mul3A_285 = arith.muli %add3A_283, %mul3A_284 : i32
        %add3A_286 = arith.constant 4 : i32
        %add3A_287 = arith.addi %mul3A_285, %add3A_286 : i32
        %mul3A_288 = arith.constant 40 : i32
        %mul3A_289 = arith.muli %add3A_287, %mul3A_288 : i32
        %add3A_290 = arith.addi %add3A, %mul3A_289 : i32
        %multiple_of3A_291 = tpu.assume_multiple %add3A_290, 8 : i32
        %dma_start3A_292 = tpu.memref_slice %arg3[%multiple_of3A_291] : memref<320000xi32, #tpu.memory_space<hbm>> -> memref<40xi32, #tpu.memory_space<hbm>>
        %dma_start3A_293 = tpu.memref_slice %arg3[%multiple_of3A_291] : memref<320000xi32, #tpu.memory_space<hbm>> -> memref<40xi32, #tpu.memory_space<hbm>>
        tpu.enqueue_dma source(%dma_start3A_293 : memref<40xi32, #tpu.memory_space<hbm>>) target(%arg16 : memref<40xi32, #tpu.memory_space<vmem>>) target_semaphore(%arg46 : memref<!tpu.dma_semaphore, #tpu.memory_space<semaphore_mem>>)
        %dma_start3A_294 = tpu.memref_slice %arg4[%multiple_of3A_291] : memref<320000xi32, #tpu.memory_space<hbm>> -> memref<40xi32, #tpu.memory_space<hbm>>
        %dma_start3A_295 = tpu.memref_slice %arg4[%multiple_of3A_291] : memref<320000xi32, #tpu.memory_space<hbm>> -> memref<40xi32, #tpu.memory_space<hbm>>
        tpu.enqueue_dma source(%dma_start3A_295 : memref<40xi32, #tpu.memory_space<hbm>>) target(%arg26 : memref<40xi32, #tpu.memory_space<vmem>>) target_semaphore(%arg46 : memref<!tpu.dma_semaphore, #tpu.memory_space<semaphore_mem>>)
      } else {
      }
    }
    %scan3A_141 = arith.constant 25 : i32
    %barrier3A_142 = arith.constant 0 : index
    tpu.barrier barrier_id(%barrier3A_142)
    %mul3A_143 = arith.constant 640 : i32
    %mul3A_144 = arith.muli %arg1, %mul3A_143 : i32
    %multiple_of3A_145 = tpu.assume_multiple %mul3A_144, 8 : i32
    "tpu.region"() ({
      %run_scoped3A = tpu.sem_alloc : memref<!tpu.dma_semaphore, #tpu.memory_space<semaphore_mem>>
      %dma_start3A_146 = arith.constant 0 : i32
      %dma_start3A_147 = tpu.memref_slice %arg5[%arg0, %multiple_of3A_145, %dma_start3A_146] : memref<2x10240x128xf32, #tpu.memory_space<hbm>> -> memref<1x640x128xf32, #tpu.memory_space<hbm>>
      %dma_start3A_148 = tpu.memref_squeeze %dma_start3A_147 : memref<1x640x128xf32, #tpu.memory_space<hbm>> -> memref<640x128xf32, #tpu.memory_space<hbm>>
      %dma_start3A_149 = arith.constant 0 : i32
      %dma_start3A_150 = tpu.memref_slice %arg6[%multiple_of3A_145, %dma_start3A_149] : memref<10240x128xf32, #tpu.memory_space<vmem_shared>> -> memref<640x128xf32, #tpu.memory_space<vmem_shared>>
      tpu.enqueue_dma source(%dma_start3A_150 : memref<640x128xf32, #tpu.memory_space<vmem_shared>>) target(%dma_start3A_148 : memref<640x128xf32, #tpu.memory_space<hbm>>) target_semaphore(%run_scoped3A : memref<!tpu.dma_semaphore, #tpu.memory_space<semaphore_mem>>)
      %dma_wait3A_151 = arith.constant 0 : i32
      %dma_wait3A_152 = tpu.memref_slice %arg5[%arg0, %multiple_of3A_145, %dma_wait3A_151] : memref<2x10240x128xf32, #tpu.memory_space<hbm>> -> memref<1x640x128xf32, #tpu.memory_space<hbm>>
      %dma_wait3A_153 = tpu.memref_squeeze %dma_wait3A_152 : memref<1x640x128xf32, #tpu.memory_space<hbm>> -> memref<640x128xf32, #tpu.memory_space<hbm>>
      %dma_wait3A_154 = arith.constant 0 : i32
      %dma_wait3A_155 = tpu.memref_slice %arg6[%multiple_of3A_145, %dma_wait3A_154] : memref<10240x128xf32, #tpu.memory_space<vmem_shared>> -> memref<640x128xf32, #tpu.memory_space<vmem_shared>>
      tpu.wait_dma2 semaphore(%run_scoped3A : memref<!tpu.dma_semaphore, #tpu.memory_space<semaphore_mem>>) src(%dma_wait3A_155 : memref<640x128xf32, #tpu.memory_space<vmem_shared>>) dst(%dma_wait3A_153 : memref<640x128xf32, #tpu.memory_space<hbm>>)
      tpu.yield
    }) : () -> ()
    return
  }
}

module attributes {stable_mosaic.version = 14 : i64} {
  func.func @_mm1_body(%arg0: i32, %arg1: memref<4x2048xf32, #tpu.memory_space<vmem>>, %arg2: memref<2048x128xf32, #tpu.memory_space<vmem>>, %arg3: memref<128x128xf32, #tpu.memory_space<vmem>>, %arg4: memref<2048x128xf32, #tpu.memory_space<vmem>>) attributes {dimension_semantics = [#tpu.dimension_semantics<arbitrary>], iteration_bounds = array<i64: 5>, scalar_prefetch = 0 : i64, scratch_operands = 0 : i64, tpu.core_type = #tpu.core_type<tc>, window_params = [{transform_indices = @transform_0, window_bounds = array<i64: 4, 2048>}, {transform_indices = @transform_1, window_bounds = array<i64: 2048, 128>}, {pipeline_mode = #tpu.pipeline_mode<synchronous>, transform_indices = @transform_2, window_bounds = array<i64: 128, 128>}, {transform_indices = @transform_3, window_bounds = array<i64: 2048, 128>}]} {
    %get3A = arith.constant 0 : index
    %get3A_0 = arith.constant 0 : index
    %get3A_1 = vector.load %arg1[%get3A, %get3A_0] : memref<4x2048xf32, #tpu.memory_space<vmem>>, vector<4x2048xf32>
    %slice3A = vector.extract_strided_slice %get3A_1 {offsets = [0, 0], sizes = [1, 2048], strides = [1, 1]} : vector<4x2048xf32> to vector<1x2048xf32>
    %squeeze3A = vector.shape_cast %slice3A : vector<1x2048xf32> to vector<2048xf32>
    %slice3A_2 = vector.extract_strided_slice %get3A_1 {offsets = [2, 0], sizes = [1, 2048], strides = [1, 1]} : vector<4x2048xf32> to vector<1x2048xf32>
    %squeeze3A_3 = vector.shape_cast %slice3A_2 : vector<1x2048xf32> to vector<2048xf32>
    %add3A = arith.addf %squeeze3A, %squeeze3A_3 : vector<2048xf32>
    %max3A = arith.constant 1.000000e+00 : f32
    %max3A_4 = vector.broadcast %max3A : f32 to vector<2048xf32>
    %max3A_5 = arith.maximumf %add3A, %max3A_4 : vector<2048xf32>
    %rsqrt3A = math.rsqrt %max3A_5 : vector<2048xf32>
    %get3A_6 = arith.constant 0 : index
    %get3A_7 = arith.constant 0 : index
    %get3A_8 = vector.load %arg2[%get3A_6, %get3A_7] : memref<2048x128xf32, #tpu.memory_space<vmem>>, vector<2048x128xf32>
    %broadcast_in_dim3A = vector.shape_cast %rsqrt3A : vector<2048xf32> to vector<2048x1xf32>
    %mul3A = vector.broadcast %broadcast_in_dim3A : vector<2048x1xf32> to vector<2048x128xf32>
    %mul3A_9 = arith.mulf %get3A_8, %mul3A : vector<2048x128xf32>
    %get3A_10 = arith.constant 0 : index
    %get3A_11 = arith.constant 0 : index
    %get3A_12 = vector.load %arg3[%get3A_10, %get3A_11] : memref<128x128xf32, #tpu.memory_space<vmem>>, vector<128x128xf32>
    %dot_general3A = arith.constant dense<0.000000e+00> : vector<2048x128xf32>
    %dot_general3A_13 = tpu.matmul %mul3A_9, %get3A_12, %dot_general3A {dimension_numbers = #tpu.dot_dimension_numbers<[1], [0], [0], [1], [0, 0, 1, 1], [], []>, transpose_lhs_hint = false} : vector<2048x128xf32>, vector<128x128xf32>, vector<2048x128xf32> -> vector<2048x128xf32>
    %swap3A = arith.constant 0 : index
    %swap3A_14 = arith.constant 0 : index
    %swap3A_15 = vector.load %arg4[%swap3A, %swap3A_14] : memref<2048x128xf32, #tpu.memory_space<vmem>>, vector<2048x128xf32>
    tpu.vector_store %arg4[%swap3A, %swap3A_14], %dot_general3A_13 {strides = array<i32>} : memref<2048x128xf32, #tpu.memory_space<vmem>>, vector<2048x128xf32>,
    return
  }
  func.func @transform_0(%arg0: i32) -> (i32, i32) {
    %c0_i32 = arith.constant 0 : i32
    %c0_i32_0 = arith.constant 0 : i32
    return %c0_i32, %arg0 : i32, i32
  }
  func.func @transform_1(%arg0: i32) -> (i32, i32) {
    %c0_i32 = arith.constant 0 : i32
    %c0_i32_0 = arith.constant 0 : i32
    return %arg0, %c0_i32 : i32, i32
  }
  func.func @transform_2(%arg0: i32) -> (i32, i32) {
    %c0_i32 = arith.constant 0 : i32
    %c0_i32_0 = arith.constant 0 : i32
    %c0_i32_1 = arith.constant 0 : i32
    return %c0_i32, %c0_i32_0 : i32, i32
  }
  func.func @transform_3(%arg0: i32) -> (i32, i32) {
    %c0_i32 = arith.constant 0 : i32
    %c0_i32_0 = arith.constant 0 : i32
    return %arg0, %c0_i32 : i32, i32
  }
}

module attributes {stable_mosaic.version = 14 : i64} {
  func.func @_mid_body(%arg0: i32, %arg1: memref<4x2048xf32, #tpu.memory_space<vmem>>, %arg2: memref<2x2048x128xf32, #tpu.memory_space<vmem>>, %arg3: memref<1x128xf32, #tpu.memory_space<vmem>>, %arg4: memref<128x128xf32, #tpu.memory_space<vmem>>, %arg5: memref<2048x128xf32, #tpu.memory_space<vmem>>) attributes {dimension_semantics = [#tpu.dimension_semantics<arbitrary>], iteration_bounds = array<i64: 5>, scalar_prefetch = 0 : i64, scratch_operands = 0 : i64, tpu.core_type = #tpu.core_type<tc>, window_params = [{transform_indices = @transform_0, window_bounds = array<i64: 4, 2048>}, {transform_indices = @transform_1, window_bounds = array<i64: 2, 2048, 128>}, {pipeline_mode = #tpu.pipeline_mode<synchronous>, transform_indices = @transform_2, window_bounds = array<i64: 1, 128>}, {pipeline_mode = #tpu.pipeline_mode<synchronous>, transform_indices = @transform_3, window_bounds = array<i64: 128, 128>}, {transform_indices = @transform_4, window_bounds = array<i64: 2048, 128>}]} {
    %get3A = arith.constant 0 : index
    %get3A_0 = arith.constant 0 : index
    %get3A_1 = vector.load %arg1[%get3A, %get3A_0] : memref<4x2048xf32, #tpu.memory_space<vmem>>, vector<4x2048xf32>
    %slice3A = vector.extract_strided_slice %get3A_1 {offsets = [0, 0], sizes = [1, 2048], strides = [1, 1]} : vector<4x2048xf32> to vector<1x2048xf32>
    %squeeze3A = vector.shape_cast %slice3A : vector<1x2048xf32> to vector<2048xf32>
    %slice3A_2 = vector.extract_strided_slice %get3A_1 {offsets = [2, 0], sizes = [1, 2048], strides = [1, 1]} : vector<4x2048xf32> to vector<1x2048xf32>
    %squeeze3A_3 = vector.shape_cast %slice3A_2 : vector<1x2048xf32> to vector<2048xf32>
    %add3A = arith.addf %squeeze3A, %squeeze3A_3 : vector<2048xf32>
    %max3A = arith.constant 1.000000e+00 : f32
    %max3A_4 = vector.broadcast %max3A : f32 to vector<2048xf32>
    %max3A_5 = arith.maximumf %add3A, %max3A_4 : vector<2048xf32>
    %rsqrt3A = math.rsqrt %max3A_5 : vector<2048xf32>
    %slice3A_6 = vector.extract_strided_slice %get3A_1 {offsets = [1, 0], sizes = [1, 2048], strides = [1, 1]} : vector<4x2048xf32> to vector<1x2048xf32>
    %squeeze3A_7 = vector.shape_cast %slice3A_6 : vector<1x2048xf32> to vector<2048xf32>
    %slice3A_8 = vector.extract_strided_slice %get3A_1 {offsets = [3, 0], sizes = [1, 2048], strides = [1, 1]} : vector<4x2048xf32> to vector<1x2048xf32>
    %squeeze3A_9 = vector.shape_cast %slice3A_8 : vector<1x2048xf32> to vector<2048xf32>
    %add3A_10 = arith.addf %squeeze3A_7, %squeeze3A_9 : vector<2048xf32>
    %max3A_11 = arith.constant 1.000000e+00 : f32
    %max3A_12 = vector.broadcast %max3A_11 : f32 to vector<2048xf32>
    %max3A_13 = arith.maximumf %add3A_10, %max3A_12 : vector<2048xf32>
    %rsqrt3A_14 = math.rsqrt %max3A_13 : vector<2048xf32>
    %get3A_15 = arith.constant 0 : index
    %get3A_16 = arith.constant 0 : index
    %get3A_17 = arith.constant 0 : index
    %get3A_18 = vector.load %arg2[%get3A_15, %get3A_16, %get3A_17] : memref<2x2048x128xf32, #tpu.memory_space<vmem>>, vector<1x2048x128xf32>
    %get3A_19 = vector.shape_cast %get3A_18 : vector<1x2048x128xf32> to vector<2048x128xf32>
    %get3A_20 = arith.constant 1 : index
    %get3A_21 = arith.constant 0 : index
    %get3A_22 = arith.constant 0 : index
    %get3A_23 = vector.load %arg2[%get3A_20, %get3A_21, %get3A_22] : memref<2x2048x128xf32, #tpu.memory_space<vmem>>, vector<1x2048x128xf32>
    %get3A_24 = vector.shape_cast %get3A_23 : vector<1x2048x128xf32> to vector<2048x128xf32>
    %add3A_25 = arith.addf %get3A_19, %get3A_24 : vector<2048x128xf32>
    %broadcast_in_dim3A = vector.shape_cast %rsqrt3A_14 : vector<2048xf32> to vector<2048x1xf32>
    %mul3A = vector.broadcast %broadcast_in_dim3A : vector<2048x1xf32> to vector<2048x128xf32>
    %mul3A_26 = arith.mulf %add3A_25, %mul3A : vector<2048x128xf32>
    %get3A_27 = arith.constant 0 : index
    %get3A_28 = arith.constant 0 : index
    %get3A_29 = vector.load %arg3[%get3A_27, %get3A_28] : memref<1x128xf32, #tpu.memory_space<vmem>>, vector<1x128xf32>
    %add3A_30 = vector.broadcast %get3A_29 : vector<1x128xf32> to vector<2048x128xf32>
    %add3A_31 = arith.addf %mul3A_26, %add3A_30 : vector<2048x128xf32>
    %max3A_32 = arith.constant 0.000000e+00 : f32
    %max3A_33 = vector.broadcast %max3A_32 : f32 to vector<2048x128xf32>
    %max3A_34 = arith.maximumf %add3A_31, %max3A_33 : vector<2048x128xf32>
    %broadcast_in_dim3A_35 = vector.shape_cast %rsqrt3A : vector<2048xf32> to vector<2048x1xf32>
    %mul3A_36 = vector.broadcast %broadcast_in_dim3A_35 : vector<2048x1xf32> to vector<2048x128xf32>
    %mul3A_37 = arith.mulf %max3A_34, %mul3A_36 : vector<2048x128xf32>
    %get3A_38 = arith.constant 0 : index
    %get3A_39 = arith.constant 0 : index
    %get3A_40 = vector.load %arg4[%get3A_38, %get3A_39] : memref<128x128xf32, #tpu.memory_space<vmem>>, vector<128x128xf32>
    %dot_general3A = arith.constant dense<0.000000e+00> : vector<2048x128xf32>
    %dot_general3A_41 = tpu.matmul %mul3A_37, %get3A_40, %dot_general3A {dimension_numbers = #tpu.dot_dimension_numbers<[1], [0], [0], [1], [0, 0, 1, 1], [], []>, transpose_lhs_hint = false} : vector<2048x128xf32>, vector<128x128xf32>, vector<2048x128xf32> -> vector<2048x128xf32>
    %swap3A = arith.constant 0 : index
    %swap3A_42 = arith.constant 0 : index
    %swap3A_43 = vector.load %arg5[%swap3A, %swap3A_42] : memref<2048x128xf32, #tpu.memory_space<vmem>>, vector<2048x128xf32>
    tpu.vector_store %arg5[%swap3A, %swap3A_42], %dot_general3A_41 {strides = array<i32>} : memref<2048x128xf32, #tpu.memory_space<vmem>>, vector<2048x128xf32>,
    return
  }
  func.func @transform_0(%arg0: i32) -> (i32, i32) {
    %c0_i32 = arith.constant 0 : i32
    %c0_i32_0 = arith.constant 0 : i32
    return %c0_i32, %arg0 : i32, i32
  }
  func.func @transform_1(%arg0: i32) -> (i32, i32, i32) {
    %c0_i32 = arith.constant 0 : i32
    %c0_i32_0 = arith.constant 0 : i32
    %c0_i32_1 = arith.constant 0 : i32
    return %c0_i32, %arg0, %c0_i32_0 : i32, i32, i32
  }
  func.func @transform_2(%arg0: i32) -> (i32, i32) {
    %c0_i32 = arith.constant 0 : i32
    %c0_i32_0 = arith.constant 0 : i32
    %c0_i32_1 = arith.constant 0 : i32
    return %c0_i32, %c0_i32_0 : i32, i32
  }
  func.func @transform_3(%arg0: i32) -> (i32, i32) {
    %c0_i32 = arith.constant 0 : i32
    %c0_i32_0 = arith.constant 0 : i32
    %c0_i32_1 = arith.constant 0 : i32
    return %c0_i32, %c0_i32_0 : i32, i32
  }
  func.func @transform_4(%arg0: i32) -> (i32, i32) {
    %c0_i32 = arith.constant 0 : i32
    %c0_i32_0 = arith.constant 0 : i32
    return %arg0, %c0_i32 : i32, i32
  }
}

module attributes {stable_mosaic.version = 14 : i64} {
  func.func @_fin_body(%arg0: i32, %arg1: memref<4x2048xf32, #tpu.memory_space<vmem>>, %arg2: memref<2x2048x128xf32, #tpu.memory_space<vmem>>, %arg3: memref<1x128xf32, #tpu.memory_space<vmem>>, %arg4: memref<2048x128xf32, #tpu.memory_space<vmem>>) attributes {dimension_semantics = [#tpu.dimension_semantics<arbitrary>], iteration_bounds = array<i64: 5>, scalar_prefetch = 0 : i64, scratch_operands = 0 : i64, tpu.core_type = #tpu.core_type<tc>, window_params = [{transform_indices = @transform_0, window_bounds = array<i64: 4, 2048>}, {transform_indices = @transform_1, window_bounds = array<i64: 2, 2048, 128>}, {pipeline_mode = #tpu.pipeline_mode<synchronous>, transform_indices = @transform_2, window_bounds = array<i64: 1, 128>}, {transform_indices = @transform_3, window_bounds = array<i64: 2048, 128>}]} {
    %get3A = arith.constant 0 : index
    %get3A_0 = arith.constant 0 : index
    %get3A_1 = vector.load %arg1[%get3A, %get3A_0] : memref<4x2048xf32, #tpu.memory_space<vmem>>, vector<4x2048xf32>
    %slice3A = vector.extract_strided_slice %get3A_1 {offsets = [1, 0], sizes = [1, 2048], strides = [1, 1]} : vector<4x2048xf32> to vector<1x2048xf32>
    %squeeze3A = vector.shape_cast %slice3A : vector<1x2048xf32> to vector<2048xf32>
    %slice3A_2 = vector.extract_strided_slice %get3A_1 {offsets = [3, 0], sizes = [1, 2048], strides = [1, 1]} : vector<4x2048xf32> to vector<1x2048xf32>
    %squeeze3A_3 = vector.shape_cast %slice3A_2 : vector<1x2048xf32> to vector<2048xf32>
    %add3A = arith.addf %squeeze3A, %squeeze3A_3 : vector<2048xf32>
    %max3A = arith.constant 1.000000e+00 : f32
    %max3A_4 = vector.broadcast %max3A : f32 to vector<2048xf32>
    %max3A_5 = arith.maximumf %add3A, %max3A_4 : vector<2048xf32>
    %rsqrt3A = math.rsqrt %max3A_5 : vector<2048xf32>
    %get3A_6 = arith.constant 0 : index
    %get3A_7 = arith.constant 0 : index
    %get3A_8 = arith.constant 0 : index
    %get3A_9 = vector.load %arg2[%get3A_6, %get3A_7, %get3A_8] : memref<2x2048x128xf32, #tpu.memory_space<vmem>>, vector<1x2048x128xf32>
    %get3A_10 = vector.shape_cast %get3A_9 : vector<1x2048x128xf32> to vector<2048x128xf32>
    %get3A_11 = arith.constant 1 : index
    %get3A_12 = arith.constant 0 : index
    %get3A_13 = arith.constant 0 : index
    %get3A_14 = vector.load %arg2[%get3A_11, %get3A_12, %get3A_13] : memref<2x2048x128xf32, #tpu.memory_space<vmem>>, vector<1x2048x128xf32>
    %get3A_15 = vector.shape_cast %get3A_14 : vector<1x2048x128xf32> to vector<2048x128xf32>
    %add3A_16 = arith.addf %get3A_10, %get3A_15 : vector<2048x128xf32>
    %broadcast_in_dim3A = vector.shape_cast %rsqrt3A : vector<2048xf32> to vector<2048x1xf32>
    %mul3A = vector.broadcast %broadcast_in_dim3A : vector<2048x1xf32> to vector<2048x128xf32>
    %mul3A_17 = arith.mulf %add3A_16, %mul3A : vector<2048x128xf32>
    %get3A_18 = arith.constant 0 : index
    %get3A_19 = arith.constant 0 : index
    %get3A_20 = vector.load %arg3[%get3A_18, %get3A_19] : memref<1x128xf32, #tpu.memory_space<vmem>>, vector<1x128xf32>
    %add3A_21 = vector.broadcast %get3A_20 : vector<1x128xf32> to vector<2048x128xf32>
    %add3A_22 = arith.addf %mul3A_17, %add3A_21 : vector<2048x128xf32>
    %swap3A = arith.constant 0 : index
    %swap3A_23 = arith.constant 0 : index
    %swap3A_24 = vector.load %arg4[%swap3A, %swap3A_23] : memref<2048x128xf32, #tpu.memory_space<vmem>>, vector<2048x128xf32>
    tpu.vector_store %arg4[%swap3A, %swap3A_23], %add3A_22 {strides = array<i32>} : memref<2048x128xf32, #tpu.memory_space<vmem>>, vector<2048x128xf32>,
    return
  }
  func.func @transform_0(%arg0: i32) -> (i32, i32) {
    %c0_i32 = arith.constant 0 : i32
    %c0_i32_0 = arith.constant 0 : i32
    return %c0_i32, %arg0 : i32, i32
  }
  func.func @transform_1(%arg0: i32) -> (i32, i32, i32) {
    %c0_i32 = arith.constant 0 : i32
    %c0_i32_0 = arith.constant 0 : i32
    %c0_i32_1 = arith.constant 0 : i32
    return %c0_i32, %arg0, %c0_i32_0 : i32, i32, i32
  }
  func.func @transform_2(%arg0: i32) -> (i32, i32) {
    %c0_i32 = arith.constant 0 : i32
    %c0_i32_0 = arith.constant 0 : i32
    %c0_i32_1 = arith.constant 0 : i32
    return %c0_i32, %c0_i32_0 : i32, i32
  }
  func.func @transform_3(%arg0: i32) -> (i32, i32) {
    %c0_i32 = arith.constant 0 : i32
    %c0_i32_0 = arith.constant 0 : i32
    return %arg0, %c0_i32 : i32, i32
  }
}

</mosaic_0001>

<sc_bundles>
// kernel: kernel.11.cloned.1.call-start
scs
__scs_entry_jumppad:
0x0: {  	(pc) =	sbr.rel $0x88, $3  }
0x1: {  	(tag) =	ssettag $0x0;
	lr =	simm.s32 $0x1  }
0x2: {  	[smem:$0x3F9B] =	sst lr;
	_ =	strace $0xD0000000  }
0x3: {  	_ = 	snop  }
0x4: {  	_ = 	snop  }
0x5: {  	_ = 	snop  }
0x6: {  	_ = 	snop  }
0x7: {  	_ = 	snop  }
__scs_overlays_trampoline_lowered:
0x8: {  	[smem:$0x3FAA] =	sst s0  }
0x9: {  	[smem:$0x3FAB] =	sst s1  }
0xa: {  	[smem:$0x3FAC] =	sst s2  }
0xb: {  	[smem:$0x3FAD] =	sst s3  }
0xc: {  	[smem:$0x3FAE] =	sst s4  }
0xd: {  	[smem:$0x3FAF] =	sst s5  }
0xe: {  	[smem:$0x3FB0] =	sst s6  }
0xf: {  	[smem:$0x3FB1] =	sst s7  }
0x10: {  	[smem:$0x3FB2] =	sst s8  }
0x11: {  	[smem:$0x3FB3] =	sst s9;
	s0 =	simm.s32 @!p0 $0x0  }
0x12: {  	s1 =	sld [smem:$0x3F99];
	s0 =	simm.s32 @p0 $0x1  }
0x13: {  	[smem:$0x3FB4] =	sst s0;
	s0 =	simm.s32 @!p1 $0x0  }
0x14: {  	s2 =	sld [smem:$0x3F98];
	s0 =	simm.s32 @p1 $0x1  }
0x15: {  	[smem:$0x3FB5] =	sst s0;
	s0 =	simm.s32 @!p2 $0x0  }
0x16: {  	s3 =	sld [smem:$0x3FDB];
	s0 =	simm.s32 @p2 $0x1  }
0x17: {  	s4 =	simm.s32 $0x1BF5;
	[smem:$0x3FB7] =	sst s0  }
0x18: {  	s0 =	sld [smem:$0x3F9A];
	_ =	swait.ge [sflag:s4], $0x0  }
0x19: {  	s7 =	sld [smem:$0x3F9B]  }
0x1a: {  	s8 =	sadd.s32 $0xFFFFE003, lr  }
0x1b: {  	s9 =	sadd.s32 $0xFFFFFEF7, lr;
	s5 =	simm.s32 $0xFFFFFFFF;
	p2 =	slt.u32 s8, $0xFFFFF086  }
0x1c: {  	p1 =	slt.u32 s9, $0xF7A;
	s5 =	simm.s32 @!p2 $0x0  }
0x1d: {  	s5 =	simm.s32 @p1 $0x1;
	p0 =	seq.s32 s7, s2  }
0x1e: {  	s7 =	smul.u32 @!p0 $0xF7A, s2;
	p2 =	seq.s32 @!p0 s5, $0x0  }
0x1f: {  	s9 =	smul.u32 $0xF7A, s1;
	s8 =	simm.s32 @!p0 $0x1BF5;
	p2 =	por !p2, p0  }
0x20: {  	[sflag:s8] =	ssyncset.s32 @!p0 $0xFFFFF086;
	s6 =	sadd.s32 @!p0 s3, s7;
	s7 =	simm.s32 @!p0 $0x108  }
0x21: {  	s3 =	sadd.s32 s3, s9;
	s6 =	sadd.s32 @!p0 $0x88, s6;
	s7 =	simm.s32 @p2 $0x1082  }
0x22: {  	[simem:s7], [sflag:s8] =	dma.local @!p0 [hbm:s6], $0xF7A  }
0x23: {  	s9 =	sor.u32 $0xD0000000, s2;
	s6 =	simm.s32 $0x108;
	_ =	swait.ge @!p0 [sflag:s8], $0x0  }
0x24: {  	s3 =	sadd.s32 $0x88, s3;
	s6 =	simm.s32 @!p1 $0x1082;
	[sflag:s4] =	ssyncset.s32 $0xFFFFF086  }
0x25: {  	[simem:s6], [sflag:s4] =	dma.local [hbm:s3], $0xF7A  }
0x26: {  	[smem:$0x3F9B] =	sst s1;
	(tag) =	ssettag s2;
	_ =	strace s9  }
0x27: {  	s1 =	sld [smem:$0x3FAB]  }
0x28: {  	s2 =	sld [smem:$0x3FAC]  }
0x29: {  	s4 =	sld [smem:$0x3FAE]  }
0x2a: {  	p0 =	seq.s32 s5, $0x0;
	s5 =	sld [smem:$0x3FAF]  }
0x2b: {  	s6 =	sld [smem:$0x3FB0]  }
0x2c: {  	s7 =	sld [smem:$0x3FB1]  }
0x2d: {  	s3 =	simm.s32 $0x108;
	s8 =	sld [smem:$0x3FB2]  }
0x2e: {  	s3 =	simm.s32 @!p0 $0x1082;
	s9 =	sld [smem:$0x3FB3]  }
0x2f: {  	lr =	sadd.s32 s0, s3;
	s0 =	sld [smem:$0x3FAA]  }
0x30: {  	s3 =	sld [smem:$0x3FAD]  }
0x31: {  	[smem:$0x3FB6] =	sst s10  }
0x32: {  	s10 =	sld [smem:$0x3FB4];
	_ =	sdelay $0x3  }
0x33: {  	p0 =	seq.s32 s10, $0x1;
	s10 =	sld [smem:$0x3FB6];
	_ =	sdelay $0x3  }
0x34: {  	[smem:$0x3FB6] =	sst s10  }
0x35: {  	s10 =	sld [smem:$0x3FB5];
	_ =	sdelay $0x3  }
0x36: {  	p1 =	seq.s32 s10, $0x1;
	s10 =	sld [smem:$0x3FB6];
	_ =	sdelay $0x3  }
0x37: {  	[smem:$0x3FB6] =	sst s10  }
0x38: {  	s10 =	sld [smem:$0x3FB7]  }
0x39: {  	_ = 	snop;
	(pc) =	sbr.ind lr, $3  }
0x3a: {  	_ = 	snop  }
0x3b: {  	_ = 	snop  }
0x3c: {  	p2 =	seq.s32 s10, $0x1;
	s10 =	sld [smem:$0x3FB6]  }
0x3d: {  	_ =	shalt  }
0x3e: {  	_ =	shalt  }
0x3f: {  	_ =	shalt  }
0x40: {  	_ =	shalt  }
0x41: {  	_ =	shalt  }
0x42: {  	_ =	shalt  }
0x43: {  	_ =	shalt  }
0x44: {  	_ =	shalt  }
0x45: {  	_ =	shalt  }
0x46: {  	_ =	shalt  }
0x47: {  	_ =	shalt  }
0x48: {  	_ =	shalt  }
0x49: {  	_ =	shalt  }
0x4a: {  	_ =	shalt  }
0x4b: {  	_ =	shalt  }
0x4c: {  	_ =	shalt  }
0x4d: {  	_ =	shalt  }
0x4e: {  	_ =	shalt  }
0x4f: {  	_ =	shalt  }
0x50: {  	_ =	shalt  }
0x51: {  	_ =	shalt  }
0x52: {  	_ =	shalt  }
0x53: {  	_ =	shalt  }
0x54: {  	_ =	shalt  }
0x55: {  	_ =	shalt  }
0x56: {  	_ =	shalt  }
0x57: {  	_ =	shalt  }
0x58: {  	_ =	shalt  }
0x59: {  	_ =	shalt  }
0x5a: {  	_ =	shalt  }
0x5b: {  	_ =	shalt  }
0x5c: {  	_ =	shalt  }
0x5d: {  	_ =	shalt  }
0x5e: {  	_ =	shalt  }
0x5f: {  	_ =	shalt  }
0x60: {  	_ =	shalt  }
0x61: {  	_ =	shalt  }
0x62: {  	_ =	shalt  }
0x63: {  	_ =	shalt  }
0x64: {  	_ =	shalt  }
0x65: {  	_ =	shalt  }
0x66: {  	_ =	shalt  }
0x67: {  	_ =	shalt  }
0x68: {  	_ =	shalt  }
0x69: {  	_ =	shalt  }
0x6a: {  	_ =	shalt  }
0x6b: {  	_ =	shalt  }
0x6c: {  	_ =	shalt  }
0x6d: {  	_ =	shalt  }
0x6e: {  	_ =	shalt  }
0x6f: {  	_ =	shalt  }
0x70: {  	_ =	shalt  }
0x71: {  	_ =	shalt  }
0x72: {  	_ =	shalt  }
0x73: {  	_ =	shalt  }
0x74: {  	_ =	shalt  }
0x75: {  	_ =	shalt  }
0x76: {  	_ =	shalt  }
0x77: {  	_ =	shalt  }
0x78: {  	_ =	shalt  }
0x79: {  	_ =	shalt  }
0x7a: {  	_ =	shalt  }
0x7b: {  	_ =	shalt  }
0x7c: {  	_ =	shalt  }
0x7d: {  	_ =	shalt  }
0x7e: {  	_ =	shalt  }
0x7f: {  	_ =	shalt  }
0x80: {  	_ =	shalt  }
0x81: {  	_ =	shalt  }
0x82: {  	_ =	shalt  }
0x83: {  	_ =	shalt  }
0x84: {  	_ =	shalt  }
0x85: {  	_ =	shalt  }
0x86: {  	_ =	shalt  }
0x87: {  	_ =	shalt  }
.Lfunc_end0:
.L_simem_size_0:
called_computation.1_lowered:
.L_overlay_start_0:
0x88: {  	s2 =	sld [smem:$0x3FD9]  }
0x89: {  	s3 =	sld [smem:$0x3FFE];
	_ =	sdelay $0x1  }
0x8a: {  	s1 =	srdreg.scid  }
0x8b: {  	s0 =	sand.u32 $0x1, s1  }
0x8c: {  	s17 =	sshll.u32 s0, $0xA;
	s2 =	sadd.s32 s3, s2  }
0x8d: {  	s2 =	sadd.s32 s2, s17  }
0x8e: {  	[smem:$0x3FC2] =	sst s2  }
0x8f: {  	_ = 	snop  }
0x90: {  	s2 =	sld [smem:$0x3FD0];
	(tm) =	ssettm $0x1  }
0x91: {  	s18 =	sld [smem:$0x3FFB];
	_ =	sdelay $0x3  }
0x92: {  	_ =	strace s18  }
0x93: {  	s3 =	sld [smem:$0x3FFC];
	_ =	sdelay $0x3  }
0x94: {  	_ =	strace s3  }
0x95: {  	s3 =	sld [smem:$0x3FFD];
	_ =	sdelay $0x3  }
0x96: {  	_ =	strace s3  }
0x97: {  	_ =	strace $0x8FFFFFFF  }
0x98: {  	s19 =	sld [smem:$0x3FDB];
	_ =	sdelay $0x1  }
0x99: {  	s4 =	simm.s32 $_scs_section_size  }
0x9a: {  	s5 =	simm.s32 $_size__tile_overlayer_lowered;
	s6 =	simm.s32 $_tile_overlayer_lowered  }
0x9b: {  	s22 =	simm.s32 $0x1BFF;
	s21 =	sshll.u32 s6, $0x1;
	s3 =	sadd.s32 s4, s19  }
0x9c: {  	s7 =	simm.s32 $0x0;
	s20 =	sshll.u32 s5, $0x1;
	s5 =	sadd.s32 s21, s3  }
0x9d: {  	[timem:s7], [sflag:s22] =	dma.local [hbm:s5], s20  }
0x9e: {  	_ =	swait.ge [sflag:s22], s20  }
0x9f: {  	s4 =	ssub.s32 $0x0, s20;
	[sflag:s22] =	ssyncset.done $0x0  }
0xa0: {  	[sflag:s22] =	ssyncadd.s32 s4;
	_ =	sdelay $0x1  }
0xa1: {  	s23 =	simm.s32 $0x1B8B  }
0xa2: {  	_ =	swait.ge [sflag:s23], $0x1  }
0xa3: {  	[sflag:s23] =	ssyncset.done $0x0  }
0xa4: {  	s25 =	simm.s32 $0x1B8E;
	s24 =	sld [smem:$0x3FFE];
	[sflag:s23] =	ssyncadd.s32 $0xFFFFFFFF  }
0xa5: {  	s26 =	simm.s32 $execute0_lowered;
	[smem:$0x3FD2] =	sst s25  }
0xa6: {  	s5 =	sshll.u32 s26, $0x1;
	_ =	strace $0x80000049;
	[dreg:$0x1] =	wrdreg $0xFFFFFFFF  }
0xa7: {  	s28 =	simm.s32 $_size_execute0_lowered;
	s3 =	sadd.s32 s3, s5;
	[dreg:$0x0] =	wrdreg $0x0  }
0xa8: {  	s5 =	sshll.u32 s28, $0x1;
	[dreg:$0x2] =	wrdreg s3  }
0xa9: {  	[dreg:$0x3] =	wrdreg s5  }
0xaa: {  	[dreg:$0x4] =	wrdreg $0xC0  }
0xab: {  	_ =	task [dreg:s7], $0x5FFFF  }
0xac: {  	[dreg:$0x1] =	wrdreg $0xFFFFFFFF  }
0xad: {  	[dreg:$0x0] =	wrdreg $0x60  }
0xae: {  	[dreg:$0x2] =	wrdreg s24  }
0xaf: {  	[dreg:$0x3] =	wrdreg s2  }
0xb0: {  	[dreg:$0x4] =	wrdreg $0x0  }
0xb1: {  	[dreg:$0x5] =	wrdreg $0x9  }
0xb2: {  	_ =	task.clear_ibuf [dreg:s7], $0x6FFFF;
	_ =	strace $0x90000049  }
0xb3: {  	s29 =	simm.s32 $0x9;
	_ =	strace $0x8000004B  }
0xb4: {  	_ =	swait.ge [sflag:s29], $0x1  }
0xb5: {  	[sflag:s29] =	ssyncadd.s32 $0xFFFFFFFF  }
0xb6: {  	_ =	strace $0x9000004B  }
0xb7: {  	_ =	sfence  }
0xb8: {  	s30 =	sld [smem:$0x0];
	_ =	sdelay $0x2  }
0xb9: {  	s31 =	sshll.u32 s1, $0xD;
	s1 =	sshrl.u32 s1, $0x2  }
0xba: {  	s3 =	sand.u32 $0x4000, s31;
	s1 =	sadd.s32 s1, s30  }
0xbb: {  	s0 =	sor.u32 s3, s0;
	s1 =	sshll.u32 s1, $0x11  }
0xbc: {  	s0 =	sor.u32 s1, s0  }
0xbd: {  	s0 =	sadd.s32 $0x8F2B, s0  }
0xbe: {  	[sflag:s0] =	ssyncadd.remote.s32 $0x1  }
0xbf: {  	_ =	sfence.sel $0xFFFF  }
0xc0: {  	[dreg:$0x0] =	wrdreg $0xFFFFFFFF;
	(pc) =	sbr.abs _section_cstart, $3  }
0xc1: {  	[dreg:$0x1] =	wrdreg $0xFFFFFFFF  }
0xc2: {  	_ =	task.clear_ibuf [dreg:s7], $0x2FFFF;
	_ =	strace $0x9FFFFFFF  }
0xc3: {  	(tm) =	ssettm $0x7FFFFFFF  }
tec
execute0_lowered:
.L_overlay_start_1:
0x0: {  	(tag) =	ssettag $0x1  }
0x1: {  	s12 =	stileid.u32  }
0x2: {  	s1 =	srdreg.scid;
	s8 =	smul.u32 $0x14000, s12  }
0x3: {  	s0 =	rddreg [dreg:$0x0];
	s1 =	sand.u32 $0x1, s1;
	s10 =	smul.u32 $0x2710, s12  }
0x4: {  	s2 =	rddreg [dreg:$0x1];
	s7 =	smul.u32 $0x140000, s1  }
0x5: {  	s3 =	rddreg [dreg:$0x2];
	s4 =	simm.s32 $0x0;
	s9 =	smul.u32 $0x27100, s1  }
0x6: {  	[smem:$0x7FF] =	sst s4;
	s5 =	sadd.s32 $0xBA00, s0;
	s7 =	sadd.s32 s8, s7  }
0x7: {  	s6 =	sadd.s32 $0x1C00, s0;
	s8 =	sadd.s32 s10, s9;
	s7 =	sshrl.u32 s7, $0x3  }
0x8: {  	_ =	strace $0x8000004A;
	s0 =	sadd.s32 s7, s0;
	s7 =	sshrl.u32 s8, $0x3  }
0x9: {  	s9 =	sadd.s32 $0x28, s8;
	s24 =	sadd.s32 $0x78, s8;
	s20 =	sadd.s32 s6, s7  }
0xa: {  	s9 =	sshrl.u32 s9, $0x3;
	s21 =	sadd.s32 s2, s7;
	[dreg:$0x4] =	wrdreg s20  }
0xb: {  	s13 =	sadd.s32 $0xC8, s8;
	s22 =	sadd.s32 s6, s9;
	[dreg:$0x5] =	wrdreg s21  }
0xc: {  	s25 =	sshrl.u32 s24, $0x3;
	s9 =	sadd.s32 s2, s9;
	[dreg:$0x6] =	wrdreg s22  }
0xd: {  	s15 =	sshrl.u32 s13, $0x3;
	s10 =	sadd.s32 s6, s25;
	[dreg:$0x7] =	wrdreg s9  }
0xe: {  	s16 =	sadd.s32 s6, s15;
	[dreg:$0xa] =	wrdreg s10  }
0xf: {  	s23 =	sadd.s32 $0xA, s7;
	s0 =	sadd.s32 $0x33A00, s0;
	[dreg:$0xe] =	wrdreg s16  }
0x10: {  	s11 =	sadd.s32 s6, s23;
	[dreg:$0x18] =	wrdreg s0  }
0x11: {  	s26 =	sadd.s32 $0x14, s7;
	s9 =	sadd.s32 s2, s23;
	[dreg:$0x8] =	wrdreg s11  }
0x12: {  	s14 =	sadd.s32 s6, s26;
	[dreg:$0x9] =	wrdreg s9  }
0x13: {  	s17 =	sadd.s32 $0x1E, s7;
	s10 =	sadd.s32 s2, s26;
	[dreg:$0xc] =	wrdreg s14  }
0x14: {  	s7 =	sadd.s32 $0x28, s7;
	s18 =	sadd.s32 s6, s17;
	[dreg:$0xd] =	wrdreg s10  }
0x15: {  	s1 =	ssub.s32 $0x2, s1;
	s24 =	sadd.s32 s6, s7;
	[dreg:$0x10] =	wrdreg s18  }
0x16: {  	s19 =	sshrl.u32 s1, $0x1;
	s7 =	sadd.s32 s2, s7;
	[dreg:$0x14] =	wrdreg s24  }
0x17: {  	s1 =	ssub.s32 s1, s19;
	s9 =	sadd.s32 s2, s25;
	[dreg:$0x15] =	wrdreg s7  }
0x18: {  	s21 =	sadd.s32 $0x168, s8;
	s10 =	sadd.s32 s2, s17;
	[dreg:$0xb] =	wrdreg s9  }
0x19: {  	s23 =	sshrl.u32 s21, $0x3;
	s9 =	sadd.s32 s2, s15;
	[dreg:$0x11] =	wrdreg s10  }
0x1a: {  	s19 =	sadd.s32 $0x118, s8;
	s26 =	sadd.s32 s6, s23;
	[dreg:$0xf] =	wrdreg s9  }
0x1b: {  	s10 =	sadd.s32 $0x2F8, s8;
	s9 =	sshrl.u32 s19, $0x3;
	[dreg:$0x16] =	wrdreg s26  }
0x1c: {  	s22 =	smul.u32 $0x50000, s12;
	[dreg:$0x1b] =	wrdreg s10;
	s20 =	sadd.s32 s6, s9  }
0x1d: {  	s9 =	sadd.s32 s2, s9;
	[dreg:$0x12] =	wrdreg s20  }
0x1e: {  	s25 =	sshrl.u32 s22, $0x2;
	[dreg:$0x13] =	wrdreg s9;
	s9 =	sadd.s32 s2, s23  }
0x1f: {  	s23 =	sadd.s32 s25, s3;
	[dreg:$0x17] =	wrdreg s9  }
0x20: {  	s9 =	smax.u32 s1, $0x1;
	[dreg:$0x19] =	wrdreg s23  }
0x21: {  	s11 =	sadd.s32 $0x1400, s23;
	[dreg:$0x1a] =	wrdreg s9  }
0x22: {  	s12 =	sadd.s32 $0x2800, s23;
	[dreg:$0x1c] =	wrdreg s11  }
0x23: {  	s13 =	sadd.s32 $0x3C00, s23;
	[dreg:$0x1d] =	wrdreg s12  }
0x24: {  	s14 =	sadd.s32 $0x5000, s23;
	[dreg:$0x1e] =	wrdreg s13  }
0x25: {  	s15 =	sadd.s32 $0x6400, s23;
	[dreg:$0x1f] =	wrdreg s14  }
0x26: {  	s16 =	sadd.s32 $0x7800, s23;
	[smem:$0x7F3] =	sst s15  }
0x27: {  	s17 =	sadd.s32 $0x8C00, s23;
	[smem:$0x7F4] =	sst s16  }
0x28: {  	s18 =	sadd.s32 $0xA000, s23;
	[smem:$0x7F5] =	sst s17  }
0x29: {  	s19 =	sadd.s32 $0xB400, s23;
	[smem:$0x7F6] =	sst s18  }
0x2a: {  	s29 =	simm.s32 $0x18600;
	s20 =	sadd.s32 $0xC800, s23;
	[smem:$0x7F7] =	sst s19  }
0x2b: {  	s30 =	simm.s32 $0x19A00;
	s21 =	sadd.s32 $0xDC00, s23;
	[smem:$0x7F8] =	sst s20  }
0x2c: {  	s28 =	simm.s32 $0xB;
	s22 =	sadd.s32 $0xF000, s23;
	[smem:$0x7F9] =	sst s21  }
0x2d: {  	s31 =	simm.s32 $0x3;
	s24 =	sadd.s32 $0x10400, s23;
	[smem:$0x7FA] =	sst s22  }
0x2e: {  	s0 =	simm.s32 $0x2;
	s25 =	sadd.s32 $0x11800, s23;
	[smem:$0x7FB] =	sst s24  }
0x2f: {  	s7 =	simm.s32 $0xC;
	s26 =	sadd.s32 $0x12C00, s23;
	[smem:$0x7FC] =	sst s25  }
0x30: {  	s8 =	simm.s32 $0x0;
	s10 =	simm.s32 $0xD;
	[smem:$0x7FD] =	sst s26  }
0x31: {  	s20 =	simm.s32 $0x14A00;
	s21 =	simm.s32 $0x10;
	s9 =	simm.s32 $0x28  }
0x32: {  	s12 =	simm.s32 $0x15E00;
	s16 =	simm.s32 $0x17200;
	s19 =	simm.s32 $0x9  }
0x33: {  	s26 =	simm.s32 $0xA;
	s25 =	simm.s32 $0x1;
	s13 =	simm.s32 $0x4  }
0x34: {  	v0 =	vimm.f32 $0.0e+00;
	s14 =	simm.s32 $0xE;
	s17 =	simm.s32 $0x5;
	s18 =	simm.s32 $0xF  }
.LBB2_1:
0x35: {  	[smem:$0x7F2] =	sst s8;
	s1 =	simm.s32 $0x0;
	s22 =	simm.s32 $0x200  }
.LBB2_2:
0x36: {  	p0 =	sne.s32 s22, $0x4E00;
	[tilespmem:s1+$0x14A70] =	vst v0  }
0x37: {  	[tilespmem:s1+$0x14A00] =	vst v0  }
0x38: {  	[tilespmem:s1+$0x14A10] =	vst v0  }
.Ltmp0:
0x39: {  	[tilespmem:s1+$0x14A20] =	vst v0;
	(pc) =	sbr.rel @p0 .LBB2_2-.Ltmp0, $4  }
0x3a: {  	[tilespmem:s1+$0x14A30] =	vst v0  }
0x3b: {  	[tilespmem:s1+$0x14A40] =	vst v0  }
0x3c: {  	[tilespmem:s1+$0x14A50] =	vst v0  }
0x3d: {  	[tilespmem:s1+$0x14A60] =	vst v0;
	s1 =	sshra.s32 s22, $0x2;
	s22 =	sadd.s32 $0x200, s22  }
0x3e: {  	[tilespmem:s1+$0x14A70] =	vst v0  }
0x3f: {  	[tilespmem:s1+$0x14A00] =	vst v0  }
0x40: {  	[tilespmem:s1+$0x14A10] =	vst v0  }
0x41: {  	[tilespmem:s1+$0x14A20] =	vst v0  }
0x42: {  	[tilespmem:s1+$0x14A30] =	vst v0  }
0x43: {  	[tilespmem:s1+$0x14A40] =	vst v0  }
0x44: {  	[tilespmem:s1+$0x14A50] =	vst v0  }
0x45: {  	[tilespmem:s1+$0x14A60] =	vst v0  }
0x46: {  	[spmem:s23] =	stream.linear.scatter [tilespmem:s20], [sflag:$0x10], $0x1400, $0x38;
	[tilespmem:$0x1AE00] =	vst v63  }
0x47: {  	_ =	swait.ge [sflag:s21], $0x1400  }
0x48: {  	[sflag:s21] =	ssyncset.done $0x0  }
0x49: {  	s23 =	rddreg [dreg:$0x1c];
	[sflag:s21] =	ssyncadd.s32 $0xFFFFEC00  }
0x4a: {  	[spmem:s23] =	stream.linear.scatter [tilespmem:s20], [sflag:$0x10], $0x1400, $0x38;
	[tilespmem:$0x1AE00] =	vst v63  }
0x4b: {  	_ =	swait.ge [sflag:s21], $0x1400  }
0x4c: {  	[sflag:s21] =	ssyncset.done $0x0  }
0x4d: {  	s24 =	rddreg [dreg:$0x1d];
	[sflag:s21] =	ssyncadd.s32 $0xFFFFEC00  }
0x4e: {  	[spmem:s24] =	stream.linear.scatter [tilespmem:s20], [sflag:$0x10], $0x1400, $0x38;
	[tilespmem:$0x1AE00] =	vst v63  }
0x4f: {  	_ =	swait.ge [sflag:s21], $0x1400  }
0x50: {  	[sflag:s21] =	ssyncset.done $0x0  }
0x51: {  	s8 =	rddreg [dreg:$0x1e];
	[sflag:s21] =	ssyncadd.s32 $0xFFFFEC00  }
0x52: {  	[spmem:s8] =	stream.linear.scatter [tilespmem:s20], [sflag:$0x10], $0x1400, $0x38;
	[tilespmem:$0x1AE00] =	vst v63  }
0x53: {  	_ =	swait.ge [sflag:s21], $0x1400  }
0x54: {  	[sflag:s21] =	ssyncset.done $0x0  }
0x55: {  	s11 =	rddreg [dreg:$0x1f];
	[sflag:s21] =	ssyncadd.s32 $0xFFFFEC00  }
0x56: {  	[spmem:s11] =	stream.linear.scatter [tilespmem:s20], [sflag:$0x10], $0x1400, $0x38;
	[tilespmem:$0x1AE00] =	vst v63  }
0x57: {  	_ =	swait.ge [sflag:s21], $0x1400  }
0x58: {  	s15 =	sld [smem:$0x7F3]  }
0x59: {  	[sflag:s21] =	ssyncset.done $0x0  }
0x5a: {  	[sflag:s21] =	ssyncadd.s32 $0xFFFFEC00  }
0x5b: {  	[spmem:s15] =	stream.linear.scatter [tilespmem:s20], [sflag:$0x10], $0x1400, $0x38;
	[tilespmem:$0x1AE00] =	vst v63  }
0x5c: {  	_ =	swait.ge [sflag:s21], $0x1400  }
0x5d: {  	s22 =	sld [smem:$0x7F4]  }
0x5e: {  	[sflag:s21] =	ssyncset.done $0x0  }
0x5f: {  	[sflag:s21] =	ssyncadd.s32 $0xFFFFEC00  }
0x60: {  	[spmem:s22] =	stream.linear.scatter [tilespmem:s20], [sflag:$0x10], $0x1400, $0x38;
	[tilespmem:$0x1AE00] =	vst v63  }
0x61: {  	_ =	swait.ge [sflag:s21], $0x1400  }
0x62: {  	s23 =	sld [smem:$0x7F5]  }
0x63: {  	[sflag:s21] =	ssyncset.done $0x0  }
0x64: {  	[sflag:s21] =	ssyncadd.s32 $0xFFFFEC00  }
0x65: {  	[spmem:s23] =	stream.linear.scatter [tilespmem:s20], [sflag:$0x10], $0x1400, $0x38;
	[tilespmem:$0x1AE00] =	vst v63  }
0x66: {  	_ =	swait.ge [sflag:s21], $0x1400  }
0x67: {  	s24 =	sld [smem:$0x7F6]  }
0x68: {  	[sflag:s21] =	ssyncset.done $0x0  }
0x69: {  	[sflag:s21] =	ssyncadd.s32 $0xFFFFEC00  }
0x6a: {  	[spmem:s24] =	stream.linear.scatter [tilespmem:s20], [sflag:$0x10], $0x1400, $0x38;
	[tilespmem:$0x1AE00] =	vst v63  }
0x6b: {  	_ =	swait.ge [sflag:s21], $0x1400  }
0x6c: {  	s8 =	sld [smem:$0x7F7]  }
0x6d: {  	[sflag:s21] =	ssyncset.done $0x0  }
0x6e: {  	[sflag:s21] =	ssyncadd.s32 $0xFFFFEC00  }
0x6f: {  	[spmem:s8] =	stream.linear.scatter [tilespmem:s20], [sflag:$0x10], $0x1400, $0x38;
	[tilespmem:$0x1AE00] =	vst v63  }
0x70: {  	_ =	swait.ge [sflag:s21], $0x1400  }
0x71: {  	s11 =	sld [smem:$0x7F8]  }
0x72: {  	[sflag:s21] =	ssyncset.done $0x0  }
0x73: {  	[sflag:s21] =	ssyncadd.s32 $0xFFFFEC00  }
0x74: {  	[spmem:s11] =	stream.linear.scatter [tilespmem:s20], [sflag:$0x10], $0x1400, $0x38;
	[tilespmem:$0x1AE00] =	vst v63  }
0x75: {  	_ =	swait.ge [sflag:s21], $0x1400  }
0x76: {  	s15 =	sld [smem:$0x7F9]  }
0x77: {  	[sflag:s21] =	ssyncset.done $0x0  }
0x78: {  	[sflag:s21] =	ssyncadd.s32 $0xFFFFEC00  }
0x79: {  	[spmem:s15] =	stream.linear.scatter [tilespmem:s20], [sflag:$0x10], $0x1400, $0x38;
	[tilespmem:$0x1AE00] =	vst v63  }
0x7a: {  	_ =	swait.ge [sflag:s21], $0x1400  }
0x7b: {  	s22 =	sld [smem:$0x7FA]  }
0x7c: {  	[sflag:s21] =	ssyncset.done $0x0  }
0x7d: {  	[sflag:s21] =	ssyncadd.s32 $0xFFFFEC00  }
0x7e: {  	[spmem:s22] =	stream.linear.scatter [tilespmem:s20], [sflag:$0x10], $0x1400, $0x38;
	[tilespmem:$0x1AE00] =	vst v63  }
0x7f: {  	_ =	swait.ge [sflag:s21], $0x1400  }
0x80: {  	s23 =	sld [smem:$0x7FB]  }
0x81: {  	[sflag:s21] =	ssyncset.done $0x0  }
0x82: {  	[sflag:s21] =	ssyncadd.s32 $0xFFFFEC00  }
0x83: {  	[spmem:s23] =	stream.linear.scatter [tilespmem:s20], [sflag:$0x10], $0x1400, $0x38;
	[tilespmem:$0x1AE00] =	vst v63  }
0x84: {  	_ =	swait.ge [sflag:s21], $0x1400  }
0x85: {  	s24 =	sld [smem:$0x7FC]  }
0x86: {  	[sflag:s21] =	ssyncset.done $0x0  }
0x87: {  	[sflag:s21] =	ssyncadd.s32 $0xFFFFEC00  }
0x88: {  	[spmem:s24] =	stream.linear.scatter [tilespmem:s20], [sflag:$0x10], $0x1400, $0x38;
	[tilespmem:$0x1AE00] =	vst v63  }
0x89: {  	_ =	swait.ge [sflag:s21], $0x1400  }
0x8a: {  	s8 =	sld [smem:$0x7FD]  }
0x8b: {  	[sflag:s21] =	ssyncset.done $0x0  }
0x8c: {  	[sflag:s21] =	ssyncadd.s32 $0xFFFFEC00  }
0x8d: {  	[spmem:s8] =	stream.linear.scatter [tilespmem:s20], [sflag:$0x10], $0x1400, $0x38;
	[tilespmem:$0x1AE00] =	vst v63  }
0x8e: {  	_ =	swait.ge [sflag:s21], $0x1400  }
0x8f: {  	[sflag:s21] =	ssyncset.done $0x0  }
0x90: {  	[sflag:s21] =	ssyncadd.s32 $0xFFFFEC00  }
0x91: {  	[bflag:$0x0] =	sbarrier.arrive $0xFFFF  }
0x92: {  	s22 =	simm.s32 $0x0;
	s8 =	simm.s32 $0x14000;
	s11 =	rddreg [dreg:$0x4]  }
0x93: {  	[tilespmem:s8], [sflag:$0x6] =	stream.linear.gather [hbm4b:s11+s22], $0x28, $0x38;
	[tilespmem:$0x1AE00] =	vst v63  }
0x94: {  	s15 =	rddreg [dreg:$0x5];
	s11 =	simm.s32 $0x14500  }
0x95: {  	[tilespmem:s11], [sflag:$0x6] =	stream.linear.gather [hbm4b:s15+s22], $0x28, $0x38;
	[tilespmem:$0x1AE00] =	vst v63  }
0x96: {  	s23 =	rddreg [dreg:$0x6];
	s11 =	simm.s32 $0x14080  }
0x97: {  	[tilespmem:s11], [sflag:$0x7] =	stream.linear.gather [hbm4b:s23+s22], $0x28, $0x38;
	[tilespmem:$0x1AE00] =	vst v63  }
0x98: {  	s24 =	rddreg [dreg:$0x7];
	s15 =	simm.s32 $0x14580  }
0x99: {  	[tilespmem:s15], [sflag:$0x7] =	stream.linear.gather [hbm4b:s24+s22], $0x28, $0x38;
	[tilespmem:$0x1AE00] =	vst v63  }
0x9a: {  	s23 =	simm.s32 $0x14100;
	s24 =	rddreg [dreg:$0x8]  }
0x9b: {  	[tilespmem:s23], [sflag:$0x8] =	stream.linear.gather [hbm4b:s24+s22], $0x28, $0x38;
	[tilespmem:$0x1AE00] =	vst v63  }
0x9c: {  	s15 =	rddreg [dreg:$0x9];
	s24 =	simm.s32 $0x14600  }
0x9d: {  	[tilespmem:s24], [sflag:$0x8] =	stream.linear.gather [hbm4b:s15+s22], $0x28, $0x38;
	[tilespmem:$0x1AE00] =	vst v63  }
0x9e: {  	s24 =	rddreg [dreg:$0xa];
	s15 =	simm.s32 $0x14180  }
0x9f: {  	[tilespmem:s15], [sflag:$0x9] =	stream.linear.gather [hbm4b:s24+s22], $0x28, $0x38;
	[tilespmem:$0x1AE00] =	vst v63  }
0xa0: {  	s24 =	rddreg [dreg:$0xb];
	s15 =	simm.s32 $0x14680  }
0xa1: {  	[tilespmem:s15], [sflag:$0x9] =	stream.linear.gather [hbm4b:s24+s22], $0x28, $0x38;
	[tilespmem:$0x1AE00] =	vst v63  }
0xa2: {  	s24 =	rddreg [dreg:$0xc];
	s15 =	simm.s32 $0x14200  }
0xa3: {  	[tilespmem:s15], [sflag:$0xA] =	stream.linear.gather [hbm4b:s24+s22], $0x28, $0x38;
	[tilespmem:$0x1AE00] =	vst v63  }
0xa4: {  	s1 =	rddreg [dreg:$0xd];
	s24 =	simm.s32 $0x14700  }
0xa5: {  	[tilespmem:s24], [sflag:$0xA] =	stream.linear.gather [hbm4b:s1+s22], $0x28, $0x38;
	[tilespmem:$0x1AE00] =	vst v63  }
0xa6: {  	s24 =	simm.s32 $0x6  }
0xa7: {  	_ =	swait.ge [sflag:s24], $0x28  }
0xa8: {  	[sflag:s24] =	ssyncset.done $0x0  }
0xa9: {  	[sflag:s24] =	ssyncadd.s32 $0xFFFFFFD8  }
0xaa: {  	_ =	swait.ge [sflag:s24], $0x28  }
0xab: {  	[sflag:s24] =	ssyncset.done $0x0  }
0xac: {  	[sflag:s24] =	ssyncadd.s32 $0xFFFFFFD8  }
0xad: {  	[tilespmem:s20], [sflag:$0x1] =	stream.indirect.gather [hbm4b:s5+s9], $0x80, s8, s9, $0xb8;
	[tilespmem:$0x1AE00] =	vst v63  }
0xae: {  	s24 =	simm.s32 $0x14280;
	s8 =	rddreg [dreg:$0xe]  }
0xaf: {  	[tilespmem:s24], [sflag:$0xB] =	stream.linear.gather [hbm4b:s8+s22], $0x28, $0x38;
	[tilespmem:$0x1AE00] =	vst v63  }
0xb0: {  	s8 =	rddreg [dreg:$0xf];
	s24 =	simm.s32 $0x14780  }
0xb1: {  	[tilespmem:s24], [sflag:$0xB] =	stream.linear.gather [hbm4b:s8+s22], $0x28, $0x38;
	[tilespmem:$0x1AE00] =	vst v63  }
0xb2: {  	s8 =	simm.s32 $0x7  }
0xb3: {  	_ =	swait.ge [sflag:s8], $0x28  }
0xb4: {  	[sflag:s8] =	ssyncset.done $0x0  }
0xb5: {  	[sflag:s8] =	ssyncadd.s32 $0xFFFFFFD8  }
0xb6: {  	_ =	swait.ge [sflag:s8], $0x28  }
0xb7: {  	[sflag:s8] =	ssyncset.done $0x0  }
0xb8: {  	[sflag:s8] =	ssyncadd.s32 $0xFFFFFFD8  }
0xb9: {  	[tilespmem:s12], [sflag:$0x2] =	stream.indirect.gather [hbm4b:s5+s9], $0x80, s11, s9, $0xb8;
	[tilespmem:$0x1AE00] =	vst v63  }
0xba: {  	s24 =	simm.s32 $0x14300;
	s11 =	rddreg [dreg:$0x10]  }
0xbb: {  	[tilespmem:s24], [sflag:$0xC] =	stream.linear.gather [hbm4b:s11+s22], $0x28, $0x38;
	[tilespmem:$0x1AE00] =	vst v63  }
0xbc: {  	s11 =	rddreg [dreg:$0x11];
	s24 =	simm.s32 $0x14800  }
0xbd: {  	[tilespmem:s24], [sflag:$0xC] =	stream.linear.gather [hbm4b:s11+s22], $0x28, $0x38;
	[tilespmem:$0x1AE00] =	vst v63  }
0xbe: {  	s11 =	simm.s32 $0x8  }
0xbf: {  	_ =	swait.ge [sflag:s11], $0x28  }
0xc0: {  	[sflag:s11] =	ssyncset.done $0x0  }
0xc1: {  	[sflag:s11] =	ssyncadd.s32 $0xFFFFFFD8  }
0xc2: {  	_ =	swait.ge [sflag:s11], $0x28  }
0xc3: {  	[sflag:s11] =	ssyncset.done $0x0  }
0xc4: {  	[sflag:s11] =	ssyncadd.s32 $0xFFFFFFD8  }
0xc5: {  	[tilespmem:s16], [sflag:$0x3] =	stream.indirect.gather [hbm4b:s5+s9], $0x80, s23, s9, $0xb8;
	[tilespmem:$0x1AE00] =	vst v63  }
0xc6: {  	s24 =	simm.s32 $0x14380;
	s23 =	rddreg [dreg:$0x12]  }
0xc7: {  	[tilespmem:s24], [sflag:$0xD] =	stream.linear.gather [hbm4b:s23+s22], $0x28, $0x38;
	[tilespmem:$0x1AE00] =	vst v63  }
0xc8: {  	s11 =	rddreg [dreg:$0x13];
	s23 =	simm.s32 $0x14880  }
0xc9: {  	[tilespmem:s23], [sflag:$0xD] =	stream.linear.gather [hbm4b:s11+s22], $0x28, $0x38;
	[tilespmem:$0x1AE00] =	vst v63  }
0xca: {  	_ =	swait.ge [sflag:s19], $0x28  }
0xcb: {  	[sflag:s19] =	ssyncset.done $0x0  }
0xcc: {  	[sflag:s19] =	ssyncadd.s32 $0xFFFFFFD8  }
0xcd: {  	_ =	swait.ge [sflag:s19], $0x28  }
0xce: {  	[sflag:s19] =	ssyncset.done $0x0  }
0xcf: {  	s24 =	simm.s32 $0x14180;
	[sflag:s19] =	ssyncadd.s32 $0xFFFFFFD8  }
0xd0: {  	[tilespmem:s29], [sflag:$0x4] =	stream.indirect.gather [hbm4b:s5+s9], $0x80, s24, s9, $0xb8;
	[tilespmem:$0x1AE00] =	vst v63  }
0xd1: {  	s11 =	simm.s32 $0x14400;
	s8 =	rddreg [dreg:$0x14]  }
0xd2: {  	[tilespmem:s11], [sflag:$0xE] =	stream.linear.gather [hbm4b:s8+s22], $0x28, $0x38;
	[tilespmem:$0x1AE00] =	vst v63  }
0xd3: {  	s23 =	rddreg [dreg:$0x15];
	s24 =	simm.s32 $0x14900  }
0xd4: {  	[tilespmem:s24], [sflag:$0xE] =	stream.linear.gather [hbm4b:s23+s22], $0x28, $0x38;
	[tilespmem:$0x1AE00] =	vst v63  }
0xd5: {  	_ =	swait.ge [sflag:s26], $0x28  }
0xd6: {  	[sflag:s26] =	ssyncset.done $0x0  }
0xd7: {  	[sflag:s26] =	ssyncadd.s32 $0xFFFFFFD8  }
0xd8: {  	_ =	swait.ge [sflag:s26], $0x28  }
0xd9: {  	[sflag:s26] =	ssyncset.done $0x0  }
0xda: {  	[sflag:s26] =	ssyncadd.s32 $0xFFFFFFD8  }
0xdb: {  	[tilespmem:s30], [sflag:$0x5] =	stream.indirect.gather [hbm4b:s5+s9], $0x80, s15, s9, $0xb8;
	[tilespmem:$0x1AE00] =	vst v63  }
.Ltmp1:
0xdc: {  	s11 =	rddreg [dreg:$0x16];
	s15 =	simm.s32 $0x14480;
	(pc) =	sbr.rel .LBB2_4-.Ltmp1, $4  }
0xdd: {  	[tilespmem:s15], [sflag:$0xF] =	stream.linear.gather [hbm4b:s11+s22], $0x28, $0x38;
	[tilespmem:$0x1AE00] =	vst v63  }
0xde: {  	s24 =	simm.s32 $0x14980;
	s23 =	rddreg [dreg:$0x17]  }
0xdf: {  	[tilespmem:s24], [sflag:$0xF] =	stream.linear.gather [hbm4b:s23+s22], $0x28, $0x38;
	[tilespmem:$0x1AE00] =	vst v63  }
0xe0: {  	s24 =	rddreg [dreg:$0x1b]  }
.LBB2_21:
0xe1: {  	_ =	swait.ge [sflag:s26], $0x28  }
0xe2: {  	[sflag:s26] =	ssyncset.done $0x0  }
0xe3: {  	[sflag:s26] =	ssyncadd.s32 $0xFFFFFFD8  }
0xe4: {  	_ =	swait.ge [sflag:s26], $0x28  }
0xe5: {  	[sflag:s26] =	ssyncset.done $0x0  }
0xe6: {  	s1 =	simm.s32 $0x14200;
	s11 =	simm.s32 $0x14480;
	[sflag:s26] =	ssyncadd.s32 $0xFFFFFFD8  }
0xe7: {  	[tilespmem:s30], [sflag:$0x5] =	stream.indirect.gather [hbm4b:s5+s9], $0x80, s1, s9, $0xb8;
	[tilespmem:$0x1AE00] =	vst v63  }
.LBB2_23:
0xe8: {  	s1 =	sshrl.u32 s24, $0x3  }
0xe9: {  	s23 =	simm.s32 $0x14980;
	s22 =	sadd.s32 $0x1, s22;
	s8 =	sadd.s32 s6, s1  }
0xea: {  	[tilespmem:s11], [sflag:$0xF] =	stream.linear.gather [hbm4b:s8+s4], $0x28, $0x38;
	[tilespmem:$0x1AE00] =	vst v63  }
0xeb: {  	s24 =	sadd.s32 $0x190, s24;
	s15 =	simm.s32 $0x14480;
	s1 =	sadd.s32 s2, s1  }
0xec: {  	[tilespmem:s23], [sflag:$0xF] =	stream.linear.gather [hbm4b:s1+s4], $0x28, $0x38;
	[tilespmem:$0x1AE00] =	vst v63  }
.LBB2_4:
0xed: {  	_ =	swait.ge [sflag:s25], $0x1400  }
0xee: {  	[sflag:s25] =	ssyncset.done $0x0  }
0xef: {  	s1 =	simm.s32 $0x14500;
	[sflag:s25] =	ssyncadd.s32 $0xFFFFEC00  }
0xf0: {  	[spmem:s3] =	stream.indirect.scatter.add.f32 [tilespmem:s20], [sflag:$0x10], $0x80, s1, s9, $0xb8;
	[tilespmem:$0x1AE00] =	vst v63  }
0xf1: {  	_ =	swait.ge [sflag:s21], $0x1400  }
0xf2: {  	[sflag:s21] =	ssyncset.done $0x0  }
0xf3: {  	[sflag:s21] =	ssyncadd.s32 $0xFFFFEC00  }
0xf4: {  	_ =	swait.ge [sflag:s28], $0x28  }
0xf5: {  	[sflag:s28] =	ssyncset.done $0x0  }
0xf6: {  	[sflag:s28] =	ssyncadd.s32 $0xFFFFFFD8  }
0xf7: {  	p0 =	seq.s32 s22, $0x18;
	_ =	swait.ge [sflag:s28], $0x28  }
0xf8: {  	s1 =	sadd.s32 @!p0 $0xFFFFFE98, s24;
	[sflag:s28] =	ssyncset.done $0x0  }
0xf9: {  	s8 =	simm.s32 $0x14280;
	s23 =	sshrl.u32 @!p0 s1, $0x3;
	[sflag:s28] =	ssyncadd.s32 $0xFFFFFFD8  }
0xfa: {  	[tilespmem:s20], [sflag:$0x1] =	stream.indirect.gather [hbm4b:s5+s9], $0x80, s8, s9, $0xb8;
	[tilespmem:$0x1AE00] =	vst v63  }
0xfb: {  	s11 =	simm.s32 @!p0 $0x14000;
	s1 =	simm.s32 @!p0 $0x0;
	s8 =	sadd.s32 @!p0 s6, s23  }
0xfc: {  	[tilespmem:s11], [sflag:$0x6] =	stream.linear.gather @!p0 [hbm4b:s8+s1], $0x28, $0x38;
	[tilespmem:$0x1AE00] =	vst v63  }
0xfd: {  	s8 =	sadd.s32 @!p0 s2, s23;
	s11 =	simm.s32 @!p0 $0x14500  }
0xfe: {  	[tilespmem:s11], [sflag:$0x6] =	stream.linear.gather @!p0 [hbm4b:s8+s1], $0x28, $0x38;
	[tilespmem:$0x1AE00] =	vst v63  }
0xff: {  	_ =	swait.ge [sflag:s0], $0x1400  }
0x100: {  	[sflag:s0] =	ssyncset.done $0x0  }
0x101: {  	s11 =	simm.s32 $0x14580;
	[sflag:s0] =	ssyncadd.s32 $0xFFFFEC00  }
0x102: {  	[spmem:s3] =	stream.indirect.scatter.add.f32 [tilespmem:s12], [sflag:$0x10], $0x80, s11, s9, $0xb8;
	[tilespmem:$0x1AE00] =	vst v63  }
0x103: {  	_ =	swait.ge [sflag:s21], $0x1400  }
0x104: {  	[sflag:s21] =	ssyncset.done $0x0  }
0x105: {  	[sflag:s21] =	ssyncadd.s32 $0xFFFFEC00  }
0x106: {  	_ =	swait.ge [sflag:s7], $0x28  }
0x107: {  	[sflag:s7] =	ssyncset.done $0x0  }
0x108: {  	[sflag:s7] =	ssyncadd.s32 $0xFFFFFFD8  }
0x109: {  	_ =	swait.ge [sflag:s7], $0x28  }
0x10a: {  	s8 =	sadd.s32 @!p0 $0xFFFFFEC0, s24;
	[sflag:s7] =	ssyncset.done $0x0  }
0x10b: {  	s23 =	simm.s32 $0x14300;
	s8 =	sshrl.u32 @!p0 s8, $0x3;
	[sflag:s7] =	ssyncadd.s32 $0xFFFFFFD8  }
0x10c: {  	[tilespmem:s12], [sflag:$0x2] =	stream.indirect.gather [hbm4b:s5+s9], $0x80, s23, s9, $0xb8;
	[tilespmem:$0x1AE00] =	vst v63  }
0x10d: {  	s11 =	sadd.s32 @!p0 s6, s8;
	s23 =	simm.s32 @!p0 $0x14080  }
0x10e: {  	[tilespmem:s23], [sflag:$0x7] =	stream.linear.gather @!p0 [hbm4b:s11+s1], $0x28, $0x38;
	[tilespmem:$0x1AE00] =	vst v63  }
0x10f: {  	s8 =	sadd.s32 @!p0 s2, s8;
	s11 =	simm.s32 @!p0 $0x14580  }
0x110: {  	[tilespmem:s11], [sflag:$0x7] =	stream.linear.gather @!p0 [hbm4b:s8+s1], $0x28, $0x38;
	[tilespmem:$0x1AE00] =	vst v63  }
0x111: {  	_ =	swait.ge [sflag:s31], $0x1400  }
0x112: {  	[sflag:s31] =	ssyncset.done $0x0  }
0x113: {  	s11 =	simm.s32 $0x14600;
	[sflag:s31] =	ssyncadd.s32 $0xFFFFEC00  }
0x114: {  	[spmem:s3] =	stream.indirect.scatter.add.f32 [tilespmem:s16], [sflag:$0x10], $0x80, s11, s9, $0xb8;
	[tilespmem:$0x1AE00] =	vst v63  }
0x115: {  	_ =	swait.ge [sflag:s21], $0x1400  }
0x116: {  	[sflag:s21] =	ssyncset.done $0x0  }
0x117: {  	[sflag:s21] =	ssyncadd.s32 $0xFFFFEC00  }
0x118: {  	_ =	swait.ge [sflag:s10], $0x28  }
0x119: {  	[sflag:s10] =	ssyncset.done $0x0  }
0x11a: {  	[sflag:s10] =	ssyncadd.s32 $0xFFFFFFD8  }
0x11b: {  	_ =	swait.ge [sflag:s10], $0x28  }
0x11c: {  	s8 =	sadd.s32 @!p0 $0xFFFFFEE8, s24;
	[sflag:s10] =	ssyncset.done $0x0  }
0x11d: {  	s23 =	simm.s32 $0x14380;
	s8 =	sshrl.u32 @!p0 s8, $0x3;
	[sflag:s10] =	ssyncadd.s32 $0xFFFFFFD8  }
0x11e: {  	[tilespmem:s16], [sflag:$0x3] =	stream.indirect.gather [hbm4b:s5+s9], $0x80, s23, s9, $0xb8;
	[tilespmem:$0x1AE00] =	vst v63  }
0x11f: {  	s11 =	sadd.s32 @!p0 s6, s8;
	s23 =	simm.s32 @!p0 $0x14100  }
0x120: {  	[tilespmem:s23], [sflag:$0x8] =	stream.linear.gather @!p0 [hbm4b:s11+s1], $0x28, $0x38;
	[tilespmem:$0x1AE00] =	vst v63  }
0x121: {  	s8 =	sadd.s32 @!p0 s2, s8;
	s11 =	simm.s32 @!p0 $0x14600  }
0x122: {  	[tilespmem:s11], [sflag:$0x8] =	stream.linear.gather @!p0 [hbm4b:s8+s1], $0x28, $0x38;
	[tilespmem:$0x1AE00] =	vst v63  }
0x123: {  	_ =	swait.ge [sflag:s13], $0x1400  }
0x124: {  	[sflag:s13] =	ssyncset.done $0x0  }
0x125: {  	s11 =	simm.s32 $0x14680;
	[sflag:s13] =	ssyncadd.s32 $0xFFFFEC00  }
0x126: {  	[spmem:s3] =	stream.indirect.scatter.add.f32 [tilespmem:s29], [sflag:$0x10], $0x80, s11, s9, $0xb8;
	[tilespmem:$0x1AE00] =	vst v63  }
0x127: {  	_ =	swait.ge [sflag:s21], $0x1400  }
0x128: {  	[sflag:s21] =	ssyncset.done $0x0  }
0x129: {  	[sflag:s21] =	ssyncadd.s32 $0xFFFFEC00  }
0x12a: {  	_ =	swait.ge [sflag:s14], $0x28  }
0x12b: {  	[sflag:s14] =	ssyncset.done $0x0  }
0x12c: {  	[sflag:s14] =	ssyncadd.s32 $0xFFFFFFD8  }
0x12d: {  	_ =	swait.ge [sflag:s14], $0x28  }
0x12e: {  	s8 =	sadd.s32 @!p0 $0xFFFFFF10, s24;
	[sflag:s14] =	ssyncset.done $0x0  }
0x12f: {  	s23 =	simm.s32 $0x14400;
	s8 =	sshrl.u32 @!p0 s8, $0x3;
	[sflag:s14] =	ssyncadd.s32 $0xFFFFFFD8  }
0x130: {  	[tilespmem:s29], [sflag:$0x4] =	stream.indirect.gather [hbm4b:s5+s9], $0x80, s23, s9, $0xb8;
	[tilespmem:$0x1AE00] =	vst v63  }
0x131: {  	s11 =	sadd.s32 @!p0 s6, s8;
	s23 =	simm.s32 @!p0 $0x14180  }
0x132: {  	[tilespmem:s23], [sflag:$0x9] =	stream.linear.gather @!p0 [hbm4b:s11+s1], $0x28, $0x38;
	[tilespmem:$0x1AE00] =	vst v63  }
0x133: {  	s8 =	sadd.s32 @!p0 s2, s8;
	s11 =	simm.s32 @!p0 $0x14680  }
0x134: {  	[tilespmem:s11], [sflag:$0x9] =	stream.linear.gather @!p0 [hbm4b:s8+s1], $0x28, $0x38;
	[tilespmem:$0x1AE00] =	vst v63  }
0x135: {  	_ =	swait.ge [sflag:s17], $0x1400  }
0x136: {  	[sflag:s17] =	ssyncset.done $0x0  }
0x137: {  	s11 =	simm.s32 $0x14700;
	[sflag:s17] =	ssyncadd.s32 $0xFFFFEC00  }
0x138: {  	[spmem:s3] =	stream.indirect.scatter.add.f32 [tilespmem:s30], [sflag:$0x10], $0x80, s11, s9, $0xb8;
	[tilespmem:$0x1AE00] =	vst v63  }
0x139: {  	_ =	swait.ge [sflag:s21], $0x1400  }
0x13a: {  	[sflag:s21] =	ssyncset.done $0x0  }
0x13b: {  	[sflag:s21] =	ssyncadd.s32 $0xFFFFEC00  }
0x13c: {  	_ =	swait.ge [sflag:s18], $0x28  }
0x13d: {  	[sflag:s18] =	ssyncset.done $0x0  }
0x13e: {  	[sflag:s18] =	ssyncadd.s32 $0xFFFFFFD8  }
0x13f: {  	_ =	swait.ge [sflag:s18], $0x28  }
0x140: {  	s8 =	sadd.s32 @!p0 $0xFFFFFF38, s24;
	[sflag:s18] =	ssyncset.done $0x0  }
0x141: {  	s8 =	sshrl.u32 @!p0 s8, $0x3;
	[sflag:s18] =	ssyncadd.s32 $0xFFFFFFD8  }
0x142: {  	[tilespmem:s30], [sflag:$0x5] =	stream.indirect.gather [hbm4b:s5+s9], $0x80, s15, s9, $0xb8;
	[tilespmem:$0x1AE00] =	vst v63  }
0x143: {  	s23 =	simm.s32 @!p0 $0x14200;
	s11 =	sadd.s32 @!p0 s6, s8  }
0x144: {  	[tilespmem:s23], [sflag:$0xA] =	stream.linear.gather @!p0 [hbm4b:s11+s1], $0x28, $0x38;
	[tilespmem:$0x1AE00] =	vst v63  }
0x145: {  	s8 =	sadd.s32 @!p0 s2, s8;
	s11 =	simm.s32 @!p0 $0x14700  }
0x146: {  	[tilespmem:s11], [sflag:$0xA] =	stream.linear.gather @!p0 [hbm4b:s8+s1], $0x28, $0x38;
	[tilespmem:$0x1AE00] =	vst v63  }
0x147: {  	_ =	swait.ge [sflag:s25], $0x1400  }
0x148: {  	p1 =	sgt.u32 s22, $0x17;
	[sflag:s25] =	ssyncset.done $0x0  }
.Ltmp2:
0x149: {  	s23 =	simm.s32 $0x14780;
	[sflag:s25] =	ssyncadd.s32 $0xFFFFEC00;
	(pc) =	sbr.rel @p1 .LBB2_6-.Ltmp2, $4  }
0x14a: {  	[spmem:s3] =	stream.indirect.scatter.add.f32 [tilespmem:s20], [sflag:$0x10], $0x80, s23, s9, $0xb8;
	[tilespmem:$0x1AE00] =	vst v63  }
0x14b: {  	_ =	swait.ge [sflag:s21], $0x1400  }
0x14c: {  	[sflag:s21] =	ssyncset.done $0x0  }
0x14d: {  	[sflag:s21] =	ssyncadd.s32 $0xFFFFEC00  }
0x14e: {  	s1 =	simm.s32 $0x6  }
0x14f: {  	_ =	swait.ge [sflag:s1], $0x28  }
0x150: {  	[sflag:s1] =	ssyncset.done $0x0  }
.Ltmp3:
0x151: {  	[sflag:s1] =	ssyncadd.s32 $0xFFFFFFD8;
	(pc) =	sbr.rel .LBB2_7-.Ltmp3, $4  }
0x152: {  	_ =	swait.ge [sflag:s1], $0x28  }
0x153: {  	[sflag:s1] =	ssyncset.done $0x0  }
0x154: {  	s23 =	simm.s32 $0x14000;
	[sflag:s1] =	ssyncadd.s32 $0xFFFFFFD8  }
0x155: {  	[tilespmem:s20], [sflag:$0x1] =	stream.indirect.gather [hbm4b:s5+s9], $0x80, s23, s9, $0xb8;
	[tilespmem:$0x1AE00] =	vst v63  }
.LBB2_6:
.Ltmp4:
0x156: {  	(pc) =	sbr.rel @p0 .LBB2_8-.Ltmp4, $1  }
0x157: {  	_ =	sdelay $0x3  }
.LBB2_7:
0x158: {  	s1 =	sadd.s32 $0xFFFFFF60, s24  }
0x159: {  	s1 =	sshrl.u32 s1, $0x3  }
0x15a: {  	s11 =	simm.s32 $0x14280;
	s8 =	sadd.s32 s6, s1  }
0x15b: {  	[tilespmem:s11], [sflag:$0xB] =	stream.linear.gather [hbm4b:s8+s4], $0x28, $0x38;
	[tilespmem:$0x1AE00] =	vst v63  }
0x15c: {  	s23 =	simm.s32 $0x14780;
	s1 =	sadd.s32 s2, s1  }
0x15d: {  	[tilespmem:s23], [sflag:$0xB] =	stream.linear.gather [hbm4b:s1+s4], $0x28, $0x38;
	[tilespmem:$0x1AE00] =	vst v63  }
.LBB2_8:
0x15e: {  	_ =	swait.ge [sflag:s0], $0x1400  }
0x15f: {  	[sflag:s0] =	ssyncset.done $0x0  }
.Ltmp5:
0x160: {  	s1 =	simm.s32 $0x14800;
	[sflag:s0] =	ssyncadd.s32 $0xFFFFEC00;
	(pc) =	sbr.rel @p1 .LBB2_10-.Ltmp5, $4  }
0x161: {  	[spmem:s3] =	stream.indirect.scatter.add.f32 [tilespmem:s12], [sflag:$0x10], $0x80, s1, s9, $0xb8;
	[tilespmem:$0x1AE00] =	vst v63  }
0x162: {  	_ =	swait.ge [sflag:s21], $0x1400  }
0x163: {  	[sflag:s21] =	ssyncset.done $0x0  }
0x164: {  	[sflag:s21] =	ssyncadd.s32 $0xFFFFEC00  }
0x165: {  	s1 =	simm.s32 $0x7  }
0x166: {  	_ =	swait.ge [sflag:s1], $0x28  }
0x167: {  	[sflag:s1] =	ssyncset.done $0x0  }
.Ltmp6:
0x168: {  	[sflag:s1] =	ssyncadd.s32 $0xFFFFFFD8;
	(pc) =	sbr.rel .LBB2_11-.Ltmp6, $4  }
0x169: {  	_ =	swait.ge [sflag:s1], $0x28  }
0x16a: {  	[sflag:s1] =	ssyncset.done $0x0  }
0x16b: {  	s23 =	simm.s32 $0x14080;
	[sflag:s1] =	ssyncadd.s32 $0xFFFFFFD8  }
0x16c: {  	[tilespmem:s12], [sflag:$0x2] =	stream.indirect.gather [hbm4b:s5+s9], $0x80, s23, s9, $0xb8;
	[tilespmem:$0x1AE00] =	vst v63  }
.LBB2_10:
.Ltmp7:
0x16d: {  	(pc) =	sbr.rel @p0 .LBB2_12-.Ltmp7, $1  }
0x16e: {  	_ =	sdelay $0x3  }
.LBB2_11:
0x16f: {  	s1 =	sadd.s32 $0xFFFFFF88, s24  }
0x170: {  	s1 =	sshrl.u32 s1, $0x3  }
0x171: {  	s11 =	simm.s32 $0x14300;
	s8 =	sadd.s32 s6, s1  }
0x172: {  	[tilespmem:s11], [sflag:$0xC] =	stream.linear.gather [hbm4b:s8+s4], $0x28, $0x38;
	[tilespmem:$0x1AE00] =	vst v63  }
0x173: {  	s23 =	simm.s32 $0x14800;
	s1 =	sadd.s32 s2, s1  }
0x174: {  	[tilespmem:s23], [sflag:$0xC] =	stream.linear.gather [hbm4b:s1+s4], $0x28, $0x38;
	[tilespmem:$0x1AE00] =	vst v63  }
.LBB2_12:
0x175: {  	_ =	swait.ge [sflag:s31], $0x1400  }
0x176: {  	[sflag:s31] =	ssyncset.done $0x0  }
.Ltmp8:
0x177: {  	s1 =	simm.s32 $0x14880;
	[sflag:s31] =	ssyncadd.s32 $0xFFFFEC00;
	(pc) =	sbr.rel @p1 .LBB2_14-.Ltmp8, $4  }
0x178: {  	[spmem:s3] =	stream.indirect.scatter.add.f32 [tilespmem:s16], [sflag:$0x10], $0x80, s1, s9, $0xb8;
	[tilespmem:$0x1AE00] =	vst v63  }
0x179: {  	_ =	swait.ge [sflag:s21], $0x1400  }
0x17a: {  	[sflag:s21] =	ssyncset.done $0x0  }
0x17b: {  	[sflag:s21] =	ssyncadd.s32 $0xFFFFEC00  }
0x17c: {  	s1 =	simm.s32 $0x8  }
0x17d: {  	_ =	swait.ge [sflag:s1], $0x28  }
0x17e: {  	[sflag:s1] =	ssyncset.done $0x0  }
.Ltmp9:
0x17f: {  	[sflag:s1] =	ssyncadd.s32 $0xFFFFFFD8;
	(pc) =	sbr.rel .LBB2_15-.Ltmp9, $4  }
0x180: {  	_ =	swait.ge [sflag:s1], $0x28  }
0x181: {  	[sflag:s1] =	ssyncset.done $0x0  }
0x182: {  	s23 =	simm.s32 $0x14100;
	[sflag:s1] =	ssyncadd.s32 $0xFFFFFFD8  }
0x183: {  	[tilespmem:s16], [sflag:$0x3] =	stream.indirect.gather [hbm4b:s5+s9], $0x80, s23, s9, $0xb8;
	[tilespmem:$0x1AE00] =	vst v63  }
.LBB2_14:
.Ltmp10:
0x184: {  	(pc) =	sbr.rel @p0 .LBB2_16-.Ltmp10, $1  }
0x185: {  	_ =	sdelay $0x3  }
.LBB2_15:
0x186: {  	s1 =	sadd.s32 $0xFFFFFFB0, s24  }
0x187: {  	s1 =	sshrl.u32 s1, $0x3  }
0x188: {  	s11 =	simm.s32 $0x14380;
	s8 =	sadd.s32 s6, s1  }
0x189: {  	[tilespmem:s11], [sflag:$0xD] =	stream.linear.gather [hbm4b:s8+s4], $0x28, $0x38;
	[tilespmem:$0x1AE00] =	vst v63  }
0x18a: {  	s23 =	simm.s32 $0x14880;
	s1 =	sadd.s32 s2, s1  }
0x18b: {  	[tilespmem:s23], [sflag:$0xD] =	stream.linear.gather [hbm4b:s1+s4], $0x28, $0x38;
	[tilespmem:$0x1AE00] =	vst v63  }
.LBB2_16:
0x18c: {  	_ =	swait.ge [sflag:s13], $0x1400  }
0x18d: {  	[sflag:s13] =	ssyncset.done $0x0  }
.Ltmp11:
0x18e: {  	s1 =	simm.s32 $0x14900;
	[sflag:s13] =	ssyncadd.s32 $0xFFFFEC00;
	(pc) =	sbr.rel @p1 .LBB2_18-.Ltmp11, $4  }
0x18f: {  	[spmem:s3] =	stream.indirect.scatter.add.f32 [tilespmem:s29], [sflag:$0x10], $0x80, s1, s9, $0xb8;
	[tilespmem:$0x1AE00] =	vst v63  }
0x190: {  	_ =	swait.ge [sflag:s21], $0x1400  }
0x191: {  	[sflag:s21] =	ssyncset.done $0x0  }
0x192: {  	[sflag:s21] =	ssyncadd.s32 $0xFFFFEC00  }
0x193: {  	_ =	swait.ge [sflag:s19], $0x28  }
0x194: {  	[sflag:s19] =	ssyncset.done $0x0  }
.Ltmp12:
0x195: {  	[sflag:s19] =	ssyncadd.s32 $0xFFFFFFD8;
	(pc) =	sbr.rel .LBB2_19-.Ltmp12, $4  }
0x196: {  	_ =	swait.ge [sflag:s19], $0x28  }
0x197: {  	[sflag:s19] =	ssyncset.done $0x0  }
0x198: {  	s1 =	simm.s32 $0x14180;
	[sflag:s19] =	ssyncadd.s32 $0xFFFFFFD8  }
0x199: {  	[tilespmem:s29], [sflag:$0x4] =	stream.indirect.gather [hbm4b:s5+s9], $0x80, s1, s9, $0xb8;
	[tilespmem:$0x1AE00] =	vst v63  }
.LBB2_18:
.Ltmp13:
0x19a: {  	(pc) =	sbr.rel @p0 .LBB2_20-.Ltmp13, $1  }
0x19b: {  	_ =	sdelay $0x3  }
.LBB2_19:
0x19c: {  	s1 =	sadd.s32 $0xFFFFFFD8, s24  }
0x19d: {  	s1 =	sshrl.u32 s1, $0x3  }
0x19e: {  	s11 =	simm.s32 $0x14400;
	s8 =	sadd.s32 s6, s1  }
0x19f: {  	[tilespmem:s11], [sflag:$0xE] =	stream.linear.gather [hbm4b:s8+s4], $0x28, $0x38;
	[tilespmem:$0x1AE00] =	vst v63  }
0x1a0: {  	s23 =	simm.s32 $0x14900;
	s1 =	sadd.s32 s2, s1  }
0x1a1: {  	[tilespmem:s23], [sflag:$0xE] =	stream.linear.gather [hbm4b:s1+s4], $0x28, $0x38;
	[tilespmem:$0x1AE00] =	vst v63  }
.LBB2_20:
0x1a2: {  	_ =	swait.ge [sflag:s17], $0x1400  }
0x1a3: {  	[sflag:s17] =	ssyncset.done $0x0  }
.Ltmp14:
0x1a4: {  	s1 =	simm.s32 $0x14980;
	[sflag:s17] =	ssyncadd.s32 $0xFFFFEC00;
	(pc) =	sbr.rel @!p1 .LBB2_21-.Ltmp14, $4  }
0x1a5: {  	[spmem:s3] =	stream.indirect.scatter.add.f32 [tilespmem:s30], [sflag:$0x10], $0x80, s1, s9, $0xb8;
	[tilespmem:$0x1AE00] =	vst v63  }
0x1a6: {  	_ =	swait.ge [sflag:s21], $0x1400  }
0x1a7: {  	[sflag:s21] =	ssyncset.done $0x0  }
0x1a8: {  	[sflag:s21] =	ssyncadd.s32 $0xFFFFEC00  }
.Ltmp15:
0x1a9: {  	(pc) =	sbr.rel @!p0 .LBB2_23-.Ltmp15, $2  }
0x1aa: {  	_ =	sdelay $0x2  }
0x1ab: {  	s11 =	simm.s32 $0x14480  }
0x1ac: {  	s1 =	stileid.u32;
	[bflag:$0x0] =	sbarrier.arrive $0xFFFF  }
0x1ad: {  	s1 =	sshll.u32 s1, $0x6;
	s23 =	rddreg [dreg:$0x19]  }
0x1ae: {  	s11 =	rddreg [dreg:$0x18];
	s1 =	sor.u32 $0x1C10, s1;
	s8 =	sshrl.u32 s23, $0x3  }
0x1af: {  	[hbm:s11], [sflag:s1] =	dma.local [spmem:s8], $0x2800  }
0x1b0: {  	_ =	swait.ge [sflag:s21], $0x2800  }
0x1b1: {  	s22 =	sld [smem:$0x7F2];
	_ =	sdelay $0x2  }
0x1b2: {  	s24 =	rddreg [dreg:$0x1a];
	s8 =	sadd.s32 $0x1, s22  }
0x1b3: {  	p0 =	sne.s32 s8, s24  }
.Ltmp16:
0x1b4: {  	_ = 	snop;
	(pc) =	sbr.rel @p0 .LBB2_1-.Ltmp16, $3  }
0x1b5: {  	_ =	sdelay $0x1  }
0x1b6: {  	[sflag:s21] =	ssyncset.done $0x0  }
0x1b7: {  	[sflag:s21] =	ssyncadd.s32 $0xFFFFD800  }
0x1b8: {  	_ =	sfence.sel $0x180000  }
0x1b9: {  	[bflag:$0x0] =	sbarrier.arrive $0xFFFF  }
0x1ba: {  	_ =	strace $0x9000004A  }
0x1bb: {  	s0 =	stileid.u32;
	[bflag:$0x2] =	sbarrier.arrive $0xFFFF  }
0x1bc: {  	p0 =	sne.s32 s0, $0x0;
	s0 =	rddreg [dreg:$0x3]  }
0x1bd: {  	s0 =	sadd.s32 @!p0 $0x100000, s0  }
0x1be: {  	[sflag:s0] =	ssyncadd.tile.s32 @!p0 $0x1;
	_ =	shalt  }
.Lfunc_end2:
_tile_overlayer_lowered:
.L_overlay_start_2:
0x1bf: {  	(tag) =	ssettag $0x2  }
0x1c0: {  	s0 =	rddreg [dreg:$0x0];
	s2 =	stileid.u32  }
0x1c1: {  	s1 =	rddreg [dreg:$0x1];
	p0 =	sne.s32 s2, $0x0  }
0x1c2: {  	s3 =	rddreg [dreg:$0x2];
	[bflag:$0x3] =	sbarrier.arrive $0xFFFF;
	s2 =	simm.s32 @!p0 $0x1C10  }
0x1c3: {  	[timem:s3], [sflag:s2] =	dma.local @!p0 [hbm:s0], s1  }
0x1c4: {  	s0 =	simm.s32 @!p0 $0x10  }
0x1c5: {  	_ =	swait.ge @!p0 [sflag:s0], s1  }
0x1c6: {  	s1 =	ssub.s32 @!p0 $0x0, s1;
	[sflag:s0] =	ssyncset.done @!p0 $0x0  }
0x1c7: {  	[sflag:s0] =	ssyncadd.s32 @!p0 s1  }
0x1c8: {  	[bflag:$0x3] =	sbarrier.arrive $0xFFFF  }
0x1c9: {  	_ =	shalt  }

// kernel: kernel.14.cloned.1.call-start
scs
__scs_entry_jumppad:
0x0: {  	(pc) =	sbr.rel $0x88, $3  }
0x1: {  	(tag) =	ssettag $0x0;
	lr =	simm.s32 $0x1  }
0x2: {  	[smem:$0x3F9B] =	sst lr;
	_ =	strace $0xD0000000  }
0x3: {  	_ = 	snop  }
0x4: {  	_ = 	snop  }
0x5: {  	_ = 	snop  }
0x6: {  	_ = 	snop  }
0x7: {  	_ = 	snop  }
__scs_overlays_trampoline_lowered:
0x8: {  	[smem:$0x3FAA] =	sst s0  }
0x9: {  	[smem:$0x3FAB] =	sst s1  }
0xa: {  	[smem:$0x3FAC] =	sst s2  }
0xb: {  	[smem:$0x3FAD] =	sst s3  }
0xc: {  	[smem:$0x3FAE] =	sst s4  }
0xd: {  	[smem:$0x3FAF] =	sst s5  }
0xe: {  	[smem:$0x3FB0] =	sst s6  }
0xf: {  	[smem:$0x3FB1] =	sst s7  }
0x10: {  	[smem:$0x3FB2] =	sst s8  }
0x11: {  	[smem:$0x3FB3] =	sst s9;
	s0 =	simm.s32 @!p0 $0x0  }
0x12: {  	s1 =	sld [smem:$0x3F99];
	s0 =	simm.s32 @p0 $0x1  }
0x13: {  	[smem:$0x3FB4] =	sst s0;
	s0 =	simm.s32 @!p1 $0x0  }
0x14: {  	s2 =	sld [smem:$0x3F98];
	s0 =	simm.s32 @p1 $0x1  }
0x15: {  	[smem:$0x3FB5] =	sst s0;
	s0 =	simm.s32 @!p2 $0x0  }
0x16: {  	s3 =	sld [smem:$0x3FDB];
	s0 =	simm.s32 @p2 $0x1  }
0x17: {  	s4 =	simm.s32 $0x1BF5;
	[smem:$0x3FB7] =	sst s0  }
0x18: {  	s0 =	sld [smem:$0x3F9A];
	_ =	swait.ge [sflag:s4], $0x0  }
0x19: {  	s7 =	sld [smem:$0x3F9B]  }
0x1a: {  	s8 =	sadd.s32 $0xFFFFE003, lr  }
0x1b: {  	s9 =	sadd.s32 $0xFFFFFEF7, lr;
	s5 =	simm.s32 $0xFFFFFFFF;
	p2 =	slt.u32 s8, $0xFFFFF086  }
0x1c: {  	p1 =	slt.u32 s9, $0xF7A;
	s5 =	simm.s32 @!p2 $0x0  }
0x1d: {  	s5 =	simm.s32 @p1 $0x1;
	p0 =	seq.s32 s7, s2  }
0x1e: {  	s7 =	smul.u32 @!p0 $0xF7A, s2;
	p2 =	seq.s32 @!p0 s5, $0x0  }
0x1f: {  	s9 =	smul.u32 $0xF7A, s1;
	s8 =	simm.s32 @!p0 $0x1BF5;
	p2 =	por !p2, p0  }
0x20: {  	[sflag:s8] =	ssyncset.s32 @!p0 $0xFFFFF086;
	s6 =	sadd.s32 @!p0 s3, s7;
	s7 =	simm.s32 @!p0 $0x108  }
0x21: {  	s3 =	sadd.s32 s3, s9;
	s6 =	sadd.s32 @!p0 $0x88, s6;
	s7 =	simm.s32 @p2 $0x1082  }
0x22: {  	[simem:s7], [sflag:s8] =	dma.local @!p0 [hbm:s6], $0xF7A  }
0x23: {  	s9 =	sor.u32 $0xD0000000, s2;
	s6 =	simm.s32 $0x108;
	_ =	swait.ge @!p0 [sflag:s8], $0x0  }
0x24: {  	s3 =	sadd.s32 $0x88, s3;
	s6 =	simm.s32 @!p1 $0x1082;
	[sflag:s4] =	ssyncset.s32 $0xFFFFF086  }
0x25: {  	[simem:s6], [sflag:s4] =	dma.local [hbm:s3], $0xF7A  }
0x26: {  	[smem:$0x3F9B] =	sst s1;
	(tag) =	ssettag s2;
	_ =	strace s9  }
0x27: {  	s1 =	sld [smem:$0x3FAB]  }
0x28: {  	s2 =	sld [smem:$0x3FAC]  }
0x29: {  	s4 =	sld [smem:$0x3FAE]  }
0x2a: {  	p0 =	seq.s32 s5, $0x0;
	s5 =	sld [smem:$0x3FAF]  }
0x2b: {  	s6 =	sld [smem:$0x3FB0]  }
0x2c: {  	s7 =	sld [smem:$0x3FB1]  }
0x2d: {  	s3 =	simm.s32 $0x108;
	s8 =	sld [smem:$0x3FB2]  }
0x2e: {  	s3 =	simm.s32 @!p0 $0x1082;
	s9 =	sld [smem:$0x3FB3]  }
0x2f: {  	lr =	sadd.s32 s0, s3;
	s0 =	sld [smem:$0x3FAA]  }
0x30: {  	s3 =	sld [smem:$0x3FAD]  }
0x31: {  	[smem:$0x3FB6] =	sst s10  }
0x32: {  	s10 =	sld [smem:$0x3FB4];
	_ =	sdelay $0x3  }
0x33: {  	p0 =	seq.s32 s10, $0x1;
	s10 =	sld [smem:$0x3FB6];
	_ =	sdelay $0x3  }
0x34: {  	[smem:$0x3FB6] =	sst s10  }
0x35: {  	s10 =	sld [smem:$0x3FB5];
	_ =	sdelay $0x3  }
0x36: {  	p1 =	seq.s32 s10, $0x1;
	s10 =	sld [smem:$0x3FB6];
	_ =	sdelay $0x3  }
0x37: {  	[smem:$0x3FB6] =	sst s10  }
0x38: {  	s10 =	sld [smem:$0x3FB7]  }
0x39: {  	_ = 	snop;
	(pc) =	sbr.ind lr, $3  }
0x3a: {  	_ = 	snop  }
0x3b: {  	_ = 	snop  }
0x3c: {  	p2 =	seq.s32 s10, $0x1;
	s10 =	sld [smem:$0x3FB6]  }
0x3d: {  	_ =	shalt  }
0x3e: {  	_ =	shalt  }
0x3f: {  	_ =	shalt  }
0x40: {  	_ =	shalt  }
0x41: {  	_ =	shalt  }
0x42: {  	_ =	shalt  }
0x43: {  	_ =	shalt  }
0x44: {  	_ =	shalt  }
0x45: {  	_ =	shalt  }
0x46: {  	_ =	shalt  }
0x47: {  	_ =	shalt  }
0x48: {  	_ =	shalt  }
0x49: {  	_ =	shalt  }
0x4a: {  	_ =	shalt  }
0x4b: {  	_ =	shalt  }
0x4c: {  	_ =	shalt  }
0x4d: {  	_ =	shalt  }
0x4e: {  	_ =	shalt  }
0x4f: {  	_ =	shalt  }
0x50: {  	_ =	shalt  }
0x51: {  	_ =	shalt  }
0x52: {  	_ =	shalt  }
0x53: {  	_ =	shalt  }
0x54: {  	_ =	shalt  }
0x55: {  	_ =	shalt  }
0x56: {  	_ =	shalt  }
0x57: {  	_ =	shalt  }
0x58: {  	_ =	shalt  }
0x59: {  	_ =	shalt  }
0x5a: {  	_ =	shalt  }
0x5b: {  	_ =	shalt  }
0x5c: {  	_ =	shalt  }
0x5d: {  	_ =	shalt  }
0x5e: {  	_ =	shalt  }
0x5f: {  	_ =	shalt  }
0x60: {  	_ =	shalt  }
0x61: {  	_ =	shalt  }
0x62: {  	_ =	shalt  }
0x63: {  	_ =	shalt  }
0x64: {  	_ =	shalt  }
0x65: {  	_ =	shalt  }
0x66: {  	_ =	shalt  }
0x67: {  	_ =	shalt  }
0x68: {  	_ =	shalt  }
0x69: {  	_ =	shalt  }
0x6a: {  	_ =	shalt  }
0x6b: {  	_ =	shalt  }
0x6c: {  	_ =	shalt  }
0x6d: {  	_ =	shalt  }
0x6e: {  	_ =	shalt  }
0x6f: {  	_ =	shalt  }
0x70: {  	_ =	shalt  }
0x71: {  	_ =	shalt  }
0x72: {  	_ =	shalt  }
0x73: {  	_ =	shalt  }
0x74: {  	_ =	shalt  }
0x75: {  	_ =	shalt  }
0x76: {  	_ =	shalt  }
0x77: {  	_ =	shalt  }
0x78: {  	_ =	shalt  }
0x79: {  	_ =	shalt  }
0x7a: {  	_ =	shalt  }
0x7b: {  	_ =	shalt  }
0x7c: {  	_ =	shalt  }
0x7d: {  	_ =	shalt  }
0x7e: {  	_ =	shalt  }
0x7f: {  	_ =	shalt  }
0x80: {  	_ =	shalt  }
0x81: {  	_ =	shalt  }
0x82: {  	_ =	shalt  }
0x83: {  	_ =	shalt  }
0x84: {  	_ =	shalt  }
0x85: {  	_ =	shalt  }
0x86: {  	_ =	shalt  }
0x87: {  	_ =	shalt  }
.Lfunc_end0:
.L_simem_size_0:
called_computation.2_lowered:
.L_overlay_start_0:
0x88: {  	s2 =	sld [smem:$0x3FD9]  }
0x89: {  	s3 =	sld [smem:$0x3FFE];
	_ =	sdelay $0x1  }
0x8a: {  	s1 =	srdreg.scid  }
0x8b: {  	s0 =	sand.u32 $0x1, s1  }
0x8c: {  	s17 =	sshll.u32 s0, $0xA;
	s2 =	sadd.s32 s3, s2  }
0x8d: {  	s2 =	sadd.s32 s2, s17  }
0x8e: {  	[smem:$0x3FC2] =	sst s2  }
0x8f: {  	_ = 	snop  }
0x90: {  	s2 =	sld [smem:$0x3FD0];
	(tm) =	ssettm $0x1  }
0x91: {  	s18 =	sld [smem:$0x3FFB];
	_ =	sdelay $0x3  }
0x92: {  	_ =	strace s18  }
0x93: {  	s3 =	sld [smem:$0x3FFC];
	_ =	sdelay $0x3  }
0x94: {  	_ =	strace s3  }
0x95: {  	s3 =	sld [smem:$0x3FFD];
	_ =	sdelay $0x3  }
0x96: {  	_ =	strace s3  }
0x97: {  	_ =	strace $0x8FFFFFFF  }
0x98: {  	s19 =	sld [smem:$0x3FDB];
	_ =	sdelay $0x1  }
0x99: {  	s4 =	simm.s32 $_scs_section_size  }
0x9a: {  	s5 =	simm.s32 $_size__tile_overlayer_lowered;
	s6 =	simm.s32 $_tile_overlayer_lowered  }
0x9b: {  	s22 =	simm.s32 $0x1BFF;
	s21 =	sshll.u32 s6, $0x1;
	s3 =	sadd.s32 s4, s19  }
0x9c: {  	s7 =	simm.s32 $0x0;
	s20 =	sshll.u32 s5, $0x1;
	s5 =	sadd.s32 s21, s3  }
0x9d: {  	[timem:s7], [sflag:s22] =	dma.local [hbm:s5], s20  }
0x9e: {  	_ =	swait.ge [sflag:s22], s20  }
0x9f: {  	s4 =	ssub.s32 $0x0, s20;
	[sflag:s22] =	ssyncset.done $0x0  }
0xa0: {  	[sflag:s22] =	ssyncadd.s32 s4;
	_ =	sdelay $0x1  }
0xa1: {  	s23 =	simm.s32 $0x1B8B  }
0xa2: {  	_ =	swait.ge [sflag:s23], $0x1  }
0xa3: {  	[sflag:s23] =	ssyncset.done $0x0  }
0xa4: {  	s25 =	simm.s32 $0x1B8E;
	s24 =	sld [smem:$0x3FFE];
	[sflag:s23] =	ssyncadd.s32 $0xFFFFFFFF  }
0xa5: {  	s26 =	simm.s32 $execute0_lowered;
	[smem:$0x3FD2] =	sst s25  }
0xa6: {  	s5 =	sshll.u32 s26, $0x1;
	_ =	strace $0x8000004C;
	[dreg:$0x1] =	wrdreg $0xFFFFFFFF  }
0xa7: {  	s28 =	simm.s32 $_size_execute0_lowered;
	s3 =	sadd.s32 s3, s5;
	[dreg:$0x0] =	wrdreg $0x0  }
0xa8: {  	s5 =	sshll.u32 s28, $0x1;
	[dreg:$0x2] =	wrdreg s3  }
0xa9: {  	[dreg:$0x3] =	wrdreg s5  }
0xaa: {  	[dreg:$0x4] =	wrdreg $0xC0  }
0xab: {  	_ =	task [dreg:s7], $0x5FFFF  }
0xac: {  	[dreg:$0x1] =	wrdreg $0xFFFFFFFF  }
0xad: {  	[dreg:$0x0] =	wrdreg $0x60  }
0xae: {  	[dreg:$0x2] =	wrdreg s24  }
0xaf: {  	[dreg:$0x3] =	wrdreg s2  }
0xb0: {  	[dreg:$0x4] =	wrdreg $0x0  }
0xb1: {  	[dreg:$0x5] =	wrdreg $0x9  }
0xb2: {  	_ =	task.clear_ibuf [dreg:s7], $0x6FFFF;
	_ =	strace $0x9000004C  }
0xb3: {  	s29 =	simm.s32 $0x9;
	_ =	strace $0x8000004E  }
0xb4: {  	_ =	swait.ge [sflag:s29], $0x1  }
0xb5: {  	[sflag:s29] =	ssyncadd.s32 $0xFFFFFFFF  }
0xb6: {  	_ =	strace $0x9000004E  }
0xb7: {  	_ =	sfence  }
0xb8: {  	s30 =	sld [smem:$0x0];
	_ =	sdelay $0x2  }
0xb9: {  	s31 =	sshll.u32 s1, $0xD;
	s1 =	sshrl.u32 s1, $0x2  }
0xba: {  	s3 =	sand.u32 $0x4000, s31;
	s1 =	sadd.s32 s1, s30  }
0xbb: {  	s0 =	sor.u32 s3, s0;
	s1 =	sshll.u32 s1, $0x11  }
0xbc: {  	s0 =	sor.u32 s1, s0  }
0xbd: {  	s0 =	sadd.s32 $0x8F2B, s0  }
0xbe: {  	[sflag:s0] =	ssyncadd.remote.s32 $0x1  }
0xbf: {  	_ =	sfence.sel $0xFFFF  }
0xc0: {  	[dreg:$0x0] =	wrdreg $0xFFFFFFFF;
	(pc) =	sbr.abs _section_cstart, $3  }
0xc1: {  	[dreg:$0x1] =	wrdreg $0xFFFFFFFF  }
0xc2: {  	_ =	task.clear_ibuf [dreg:s7], $0x2FFFF;
	_ =	strace $0x9FFFFFFF  }
0xc3: {  	(tm) =	ssettm $0x7FFFFFFF  }
tec
execute0_lowered:
.L_overlay_start_1:
0x0: {  	(tag) =	ssettag $0x1  }
0x1: {  	s12 =	stileid.u32  }
0x2: {  	s1 =	srdreg.scid;
	s8 =	smul.u32 $0x14000, s12  }
0x3: {  	s0 =	rddreg [dreg:$0x0];
	s1 =	sand.u32 $0x1, s1;
	s10 =	smul.u32 $0x2710, s12  }
0x4: {  	s2 =	rddreg [dreg:$0x1];
	s7 =	smul.u32 $0x140000, s1  }
0x5: {  	s3 =	rddreg [dreg:$0x2];
	s4 =	simm.s32 $0x0;
	s9 =	smul.u32 $0x27100, s1  }
0x6: {  	[smem:$0x7FF] =	sst s4;
	s5 =	sadd.s32 $0xBA00, s0;
	s7 =	sadd.s32 s8, s7  }
0x7: {  	s6 =	sadd.s32 $0x1C00, s0;
	s8 =	sadd.s32 s10, s9;
	s7 =	sshrl.u32 s7, $0x3  }
0x8: {  	_ =	strace $0x8000004D;
	s0 =	sadd.s32 s7, s0;
	s7 =	sshrl.u32 s8, $0x3  }
0x9: {  	s9 =	sadd.s32 $0x28, s8;
	s24 =	sadd.s32 $0x78, s8;
	s20 =	sadd.s32 s6, s7  }
0xa: {  	s9 =	sshrl.u32 s9, $0x3;
	s21 =	sadd.s32 s2, s7;
	[dreg:$0x4] =	wrdreg s20  }
0xb: {  	s13 =	sadd.s32 $0xC8, s8;
	s22 =	sadd.s32 s6, s9;
	[dreg:$0x5] =	wrdreg s21  }
0xc: {  	s25 =	sshrl.u32 s24, $0x3;
	s9 =	sadd.s32 s2, s9;
	[dreg:$0x6] =	wrdreg s22  }
0xd: {  	s15 =	sshrl.u32 s13, $0x3;
	s10 =	sadd.s32 s6, s25;
	[dreg:$0x7] =	wrdreg s9  }
0xe: {  	s16 =	sadd.s32 s6, s15;
	[dreg:$0xa] =	wrdreg s10  }
0xf: {  	s23 =	sadd.s32 $0xA, s7;
	s0 =	sadd.s32 $0x33A00, s0;
	[dreg:$0xe] =	wrdreg s16  }
0x10: {  	s11 =	sadd.s32 s6, s23;
	[dreg:$0x18] =	wrdreg s0  }
0x11: {  	s26 =	sadd.s32 $0x14, s7;
	s9 =	sadd.s32 s2, s23;
	[dreg:$0x8] =	wrdreg s11  }
0x12: {  	s14 =	sadd.s32 s6, s26;
	[dreg:$0x9] =	wrdreg s9  }
0x13: {  	s17 =	sadd.s32 $0x1E, s7;
	s10 =	sadd.s32 s2, s26;
	[dreg:$0xc] =	wrdreg s14  }
0x14: {  	s7 =	sadd.s32 $0x28, s7;
	s18 =	sadd.s32 s6, s17;
	[dreg:$0xd] =	wrdreg s10  }
0x15: {  	s1 =	ssub.s32 $0x2, s1;
	s24 =	sadd.s32 s6, s7;
	[dreg:$0x10] =	wrdreg s18  }
0x16: {  	s19 =	sshrl.u32 s1, $0x1;
	s7 =	sadd.s32 s2, s7;
	[dreg:$0x14] =	wrdreg s24  }
0x17: {  	s1 =	ssub.s32 s1, s19;
	s9 =	sadd.s32 s2, s25;
	[dreg:$0x15] =	wrdreg s7  }
0x18: {  	s21 =	sadd.s32 $0x168, s8;
	s10 =	sadd.s32 s2, s17;
	[dreg:$0xb] =	wrdreg s9  }
0x19: {  	s23 =	sshrl.u32 s21, $0x3;
	s9 =	sadd.s32 s2, s15;
	[dreg:$0x11] =	wrdreg s10  }
0x1a: {  	s19 =	sadd.s32 $0x118, s8;
	s26 =	sadd.s32 s6, s23;
	[dreg:$0xf] =	wrdreg s9  }
0x1b: {  	s10 =	sadd.s32 $0x2F8, s8;
	s9 =	sshrl.u32 s19, $0x3;
	[dreg:$0x16] =	wrdreg s26  }
0x1c: {  	s22 =	smul.u32 $0x50000, s12;
	[dreg:$0x1b] =	wrdreg s10;
	s20 =	sadd.s32 s6, s9  }
0x1d: {  	s9 =	sadd.s32 s2, s9;
	[dreg:$0x12] =	wrdreg s20  }
0x1e: {  	s25 =	sshrl.u32 s22, $0x2;
	[dreg:$0x13] =	wrdreg s9;
	s9 =	sadd.s32 s2, s23  }
0x1f: {  	s23 =	sadd.s32 s25, s3;
	[dreg:$0x17] =	wrdreg s9  }
0x20: {  	s9 =	smax.u32 s1, $0x1;
	[dreg:$0x19] =	wrdreg s23  }
0x21: {  	s11 =	sadd.s32 $0x1400, s23;
	[dreg:$0x1a] =	wrdreg s9  }
0x22: {  	s12 =	sadd.s32 $0x2800, s23;
	[dreg:$0x1c] =	wrdreg s11  }
0x23: {  	s13 =	sadd.s32 $0x3C00, s23;
	[dreg:$0x1d] =	wrdreg s12  }
0x24: {  	s14 =	sadd.s32 $0x5000, s23;
	[dreg:$0x1e] =	wrdreg s13  }
0x25: {  	s15 =	sadd.s32 $0x6400, s23;
	[dreg:$0x1f] =	wrdreg s14  }
0x26: {  	s16 =	sadd.s32 $0x7800, s23;
	[smem:$0x7F3] =	sst s15  }
0x27: {  	s17 =	sadd.s32 $0x8C00, s23;
	[smem:$0x7F4] =	sst s16  }
0x28: {  	s18 =	sadd.s32 $0xA000, s23;
	[smem:$0x7F5] =	sst s17  }
0x29: {  	s19 =	sadd.s32 $0xB400, s23;
	[smem:$0x7F6] =	sst s18  }
0x2a: {  	s29 =	simm.s32 $0x18600;
	s20 =	sadd.s32 $0xC800, s23;
	[smem:$0x7F7] =	sst s19  }
0x2b: {  	s30 =	simm.s32 $0x19A00;
	s21 =	sadd.s32 $0xDC00, s23;
	[smem:$0x7F8] =	sst s20  }
0x2c: {  	s28 =	simm.s32 $0xB;
	s22 =	sadd.s32 $0xF000, s23;
	[smem:$0x7F9] =	sst s21  }
0x2d: {  	s31 =	simm.s32 $0x3;
	s24 =	sadd.s32 $0x10400, s23;
	[smem:$0x7FA] =	sst s22  }
0x2e: {  	s0 =	simm.s32 $0x2;
	s25 =	sadd.s32 $0x11800, s23;
	[smem:$0x7FB] =	sst s24  }
0x2f: {  	s7 =	simm.s32 $0xC;
	s26 =	sadd.s32 $0x12C00, s23;
	[smem:$0x7FC] =	sst s25  }
0x30: {  	s8 =	simm.s32 $0x0;
	s10 =	simm.s32 $0xD;
	[smem:$0x7FD] =	sst s26  }
0x31: {  	s20 =	simm.s32 $0x14A00;
	s21 =	simm.s32 $0x10;
	s9 =	simm.s32 $0x28  }
0x32: {  	s12 =	simm.s32 $0x15E00;
	s16 =	simm.s32 $0x17200;
	s19 =	simm.s32 $0x9  }
0x33: {  	s26 =	simm.s32 $0xA;
	s25 =	simm.s32 $0x1;
	s13 =	simm.s32 $0x4  }
0x34: {  	v0 =	vimm.f32 $0.0e+00;
	s14 =	simm.s32 $0xE;
	s17 =	simm.s32 $0x5;
	s18 =	simm.s32 $0xF  }
.LBB2_1:
0x35: {  	[smem:$0x7F2] =	sst s8;
	s1 =	simm.s32 $0x0;
	s22 =	simm.s32 $0x200  }
.LBB2_2:
0x36: {  	p0 =	sne.s32 s22, $0x4E00;
	[tilespmem:s1+$0x14A70] =	vst v0  }
0x37: {  	[tilespmem:s1+$0x14A00] =	vst v0  }
0x38: {  	[tilespmem:s1+$0x14A10] =	vst v0  }
.Ltmp0:
0x39: {  	[tilespmem:s1+$0x14A20] =	vst v0;
	(pc) =	sbr.rel @p0 .LBB2_2-.Ltmp0, $4  }
0x3a: {  	[tilespmem:s1+$0x14A30] =	vst v0  }
0x3b: {  	[tilespmem:s1+$0x14A40] =	vst v0  }
0x3c: {  	[tilespmem:s1+$0x14A50] =	vst v0  }
0x3d: {  	[tilespmem:s1+$0x14A60] =	vst v0;
	s1 =	sshra.s32 s22, $0x2;
	s22 =	sadd.s32 $0x200, s22  }
0x3e: {  	[tilespmem:s1+$0x14A70] =	vst v0  }
0x3f: {  	[tilespmem:s1+$0x14A00] =	vst v0  }
0x40: {  	[tilespmem:s1+$0x14A10] =	vst v0  }
0x41: {  	[tilespmem:s1+$0x14A20] =	vst v0  }
0x42: {  	[tilespmem:s1+$0x14A30] =	vst v0  }
0x43: {  	[tilespmem:s1+$0x14A40] =	vst v0  }
0x44: {  	[tilespmem:s1+$0x14A50] =	vst v0  }
0x45: {  	[tilespmem:s1+$0x14A60] =	vst v0  }
0x46: {  	[spmem:s23] =	stream.linear.scatter [tilespmem:s20], [sflag:$0x10], $0x1400, $0x38;
	[tilespmem:$0x1AE00] =	vst v63  }
0x47: {  	_ =	swait.ge [sflag:s21], $0x1400  }
0x48: {  	[sflag:s21] =	ssyncset.done $0x0  }
0x49: {  	s23 =	rddreg [dreg:$0x1c];
	[sflag:s21] =	ssyncadd.s32 $0xFFFFEC00  }
0x4a: {  	[spmem:s23] =	stream.linear.scatter [tilespmem:s20], [sflag:$0x10], $0x1400, $0x38;
	[tilespmem:$0x1AE00] =	vst v63  }
0x4b: {  	_ =	swait.ge [sflag:s21], $0x1400  }
0x4c: {  	[sflag:s21] =	ssyncset.done $0x0  }
0x4d: {  	s24 =	rddreg [dreg:$0x1d];
	[sflag:s21] =	ssyncadd.s32 $0xFFFFEC00  }
0x4e: {  	[spmem:s24] =	stream.linear.scatter [tilespmem:s20], [sflag:$0x10], $0x1400, $0x38;
	[tilespmem:$0x1AE00] =	vst v63  }
0x4f: {  	_ =	swait.ge [sflag:s21], $0x1400  }
0x50: {  	[sflag:s21] =	ssyncset.done $0x0  }
0x51: {  	s8 =	rddreg [dreg:$0x1e];
	[sflag:s21] =	ssyncadd.s32 $0xFFFFEC00  }
0x52: {  	[spmem:s8] =	stream.linear.scatter [tilespmem:s20], [sflag:$0x10], $0x1400, $0x38;
	[tilespmem:$0x1AE00] =	vst v63  }
0x53: {  	_ =	swait.ge [sflag:s21], $0x1400  }
0x54: {  	[sflag:s21] =	ssyncset.done $0x0  }
0x55: {  	s11 =	rddreg [dreg:$0x1f];
	[sflag:s21] =	ssyncadd.s32 $0xFFFFEC00  }
0x56: {  	[spmem:s11] =	stream.linear.scatter [tilespmem:s20], [sflag:$0x10], $0x1400, $0x38;
	[tilespmem:$0x1AE00] =	vst v63  }
0x57: {  	_ =	swait.ge [sflag:s21], $0x1400  }
0x58: {  	s15 =	sld [smem:$0x7F3]  }
0x59: {  	[sflag:s21] =	ssyncset.done $0x0  }
0x5a: {  	[sflag:s21] =	ssyncadd.s32 $0xFFFFEC00  }
0x5b: {  	[spmem:s15] =	stream.linear.scatter [tilespmem:s20], [sflag:$0x10], $0x1400, $0x38;
	[tilespmem:$0x1AE00] =	vst v63  }
0x5c: {  	_ =	swait.ge [sflag:s21], $0x1400  }
0x5d: {  	s22 =	sld [smem:$0x7F4]  }
0x5e: {  	[sflag:s21] =	ssyncset.done $0x0  }
0x5f: {  	[sflag:s21] =	ssyncadd.s32 $0xFFFFEC00  }
0x60: {  	[spmem:s22] =	stream.linear.scatter [tilespmem:s20], [sflag:$0x10], $0x1400, $0x38;
	[tilespmem:$0x1AE00] =	vst v63  }
0x61: {  	_ =	swait.ge [sflag:s21], $0x1400  }
0x62: {  	s23 =	sld [smem:$0x7F5]  }
0x63: {  	[sflag:s21] =	ssyncset.done $0x0  }
0x64: {  	[sflag:s21] =	ssyncadd.s32 $0xFFFFEC00  }
0x65: {  	[spmem:s23] =	stream.linear.scatter [tilespmem:s20], [sflag:$0x10], $0x1400, $0x38;
	[tilespmem:$0x1AE00] =	vst v63  }
0x66: {  	_ =	swait.ge [sflag:s21], $0x1400  }
0x67: {  	s24 =	sld [smem:$0x7F6]  }
0x68: {  	[sflag:s21] =	ssyncset.done $0x0  }
0x69: {  	[sflag:s21] =	ssyncadd.s32 $0xFFFFEC00  }
0x6a: {  	[spmem:s24] =	stream.linear.scatter [tilespmem:s20], [sflag:$0x10], $0x1400, $0x38;
	[tilespmem:$0x1AE00] =	vst v63  }
0x6b: {  	_ =	swait.ge [sflag:s21], $0x1400  }
0x6c: {  	s8 =	sld [smem:$0x7F7]  }
0x6d: {  	[sflag:s21] =	ssyncset.done $0x0  }
0x6e: {  	[sflag:s21] =	ssyncadd.s32 $0xFFFFEC00  }
0x6f: {  	[spmem:s8] =	stream.linear.scatter [tilespmem:s20], [sflag:$0x10], $0x1400, $0x38;
	[tilespmem:$0x1AE00] =	vst v63  }
0x70: {  	_ =	swait.ge [sflag:s21], $0x1400  }
0x71: {  	s11 =	sld [smem:$0x7F8]  }
0x72: {  	[sflag:s21] =	ssyncset.done $0x0  }
0x73: {  	[sflag:s21] =	ssyncadd.s32 $0xFFFFEC00  }
0x74: {  	[spmem:s11] =	stream.linear.scatter [tilespmem:s20], [sflag:$0x10], $0x1400, $0x38;
	[tilespmem:$0x1AE00] =	vst v63  }
0x75: {  	_ =	swait.ge [sflag:s21], $0x1400  }
0x76: {  	s15 =	sld [smem:$0x7F9]  }
0x77: {  	[sflag:s21] =	ssyncset.done $0x0  }
0x78: {  	[sflag:s21] =	ssyncadd.s32 $0xFFFFEC00  }
0x79: {  	[spmem:s15] =	stream.linear.scatter [tilespmem:s20], [sflag:$0x10], $0x1400, $0x38;
	[tilespmem:$0x1AE00] =	vst v63  }
0x7a: {  	_ =	swait.ge [sflag:s21], $0x1400  }
0x7b: {  	s22 =	sld [smem:$0x7FA]  }
0x7c: {  	[sflag:s21] =	ssyncset.done $0x0  }
0x7d: {  	[sflag:s21] =	ssyncadd.s32 $0xFFFFEC00  }
0x7e: {  	[spmem:s22] =	stream.linear.scatter [tilespmem:s20], [sflag:$0x10], $0x1400, $0x38;
	[tilespmem:$0x1AE00] =	vst v63  }
0x7f: {  	_ =	swait.ge [sflag:s21], $0x1400  }
0x80: {  	s23 =	sld [smem:$0x7FB]  }
0x81: {  	[sflag:s21] =	ssyncset.done $0x0  }
0x82: {  	[sflag:s21] =	ssyncadd.s32 $0xFFFFEC00  }
0x83: {  	[spmem:s23] =	stream.linear.scatter [tilespmem:s20], [sflag:$0x10], $0x1400, $0x38;
	[tilespmem:$0x1AE00] =	vst v63  }
0x84: {  	_ =	swait.ge [sflag:s21], $0x1400  }
0x85: {  	s24 =	sld [smem:$0x7FC]  }
0x86: {  	[sflag:s21] =	ssyncset.done $0x0  }
0x87: {  	[sflag:s21] =	ssyncadd.s32 $0xFFFFEC00  }
0x88: {  	[spmem:s24] =	stream.linear.scatter [tilespmem:s20], [sflag:$0x10], $0x1400, $0x38;
	[tilespmem:$0x1AE00] =	vst v63  }
0x89: {  	_ =	swait.ge [sflag:s21], $0x1400  }
0x8a: {  	s8 =	sld [smem:$0x7FD]  }
0x8b: {  	[sflag:s21] =	ssyncset.done $0x0  }
0x8c: {  	[sflag:s21] =	ssyncadd.s32 $0xFFFFEC00  }
0x8d: {  	[spmem:s8] =	stream.linear.scatter [tilespmem:s20], [sflag:$0x10], $0x1400, $0x38;
	[tilespmem:$0x1AE00] =	vst v63  }
0x8e: {  	_ =	swait.ge [sflag:s21], $0x1400  }
0x8f: {  	[sflag:s21] =	ssyncset.done $0x0  }
0x90: {  	[sflag:s21] =	ssyncadd.s32 $0xFFFFEC00  }
0x91: {  	[bflag:$0x0] =	sbarrier.arrive $0xFFFF  }
0x92: {  	s22 =	simm.s32 $0x0;
	s8 =	simm.s32 $0x14000;
	s11 =	rddreg [dreg:$0x4]  }
0x93: {  	[tilespmem:s8], [sflag:$0x6] =	stream.linear.gather [hbm4b:s11+s22], $0x28, $0x38;
	[tilespmem:$0x1AE00] =	vst v63  }
0x94: {  	s15 =	rddreg [dreg:$0x5];
	s11 =	simm.s32 $0x14500  }
0x95: {  	[tilespmem:s11], [sflag:$0x6] =	stream.linear.gather [hbm4b:s15+s22], $0x28, $0x38;
	[tilespmem:$0x1AE00] =	vst v63  }
0x96: {  	s23 =	rddreg [dreg:$0x6];
	s11 =	simm.s32 $0x14080  }
0x97: {  	[tilespmem:s11], [sflag:$0x7] =	stream.linear.gather [hbm4b:s23+s22], $0x28, $0x38;
	[tilespmem:$0x1AE00] =	vst v63  }
0x98: {  	s24 =	rddreg [dreg:$0x7];
	s15 =	simm.s32 $0x14580  }
0x99: {  	[tilespmem:s15], [sflag:$0x7] =	stream.linear.gather [hbm4b:s24+s22], $0x28, $0x38;
	[tilespmem:$0x1AE00] =	vst v63  }
0x9a: {  	s23 =	simm.s32 $0x14100;
	s24 =	rddreg [dreg:$0x8]  }
0x9b: {  	[tilespmem:s23], [sflag:$0x8] =	stream.linear.gather [hbm4b:s24+s22], $0x28, $0x38;
	[tilespmem:$0x1AE00] =	vst v63  }
0x9c: {  	s15 =	rddreg [dreg:$0x9];
	s24 =	simm.s32 $0x14600  }
0x9d: {  	[tilespmem:s24], [sflag:$0x8] =	stream.linear.gather [hbm4b:s15+s22], $0x28, $0x38;
	[tilespmem:$0x1AE00] =	vst v63  }
0x9e: {  	s24 =	rddreg [dreg:$0xa];
	s15 =	simm.s32 $0x14180  }
0x9f: {  	[tilespmem:s15], [sflag:$0x9] =	stream.linear.gather [hbm4b:s24+s22], $0x28, $0x38;
	[tilespmem:$0x1AE00] =	vst v63  }
0xa0: {  	s24 =	rddreg [dreg:$0xb];
	s15 =	simm.s32 $0x14680  }
0xa1: {  	[tilespmem:s15], [sflag:$0x9] =	stream.linear.gather [hbm4b:s24+s22], $0x28, $0x38;
	[tilespmem:$0x1AE00] =	vst v63  }
0xa2: {  	s24 =	rddreg [dreg:$0xc];
	s15 =	simm.s32 $0x14200  }
0xa3: {  	[tilespmem:s15], [sflag:$0xA] =	stream.linear.gather [hbm4b:s24+s22], $0x28, $0x38;
	[tilespmem:$0x1AE00] =	vst v63  }
0xa4: {  	s1 =	rddreg [dreg:$0xd];
	s24 =	simm.s32 $0x14700  }
0xa5: {  	[tilespmem:s24], [sflag:$0xA] =	stream.linear.gather [hbm4b:s1+s22], $0x28, $0x38;
	[tilespmem:$0x1AE00] =	vst v63  }
0xa6: {  	s24 =	simm.s32 $0x6  }
0xa7: {  	_ =	swait.ge [sflag:s24], $0x28  }
0xa8: {  	[sflag:s24] =	ssyncset.done $0x0  }
0xa9: {  	[sflag:s24] =	ssyncadd.s32 $0xFFFFFFD8  }
0xaa: {  	_ =	swait.ge [sflag:s24], $0x28  }
0xab: {  	[sflag:s24] =	ssyncset.done $0x0  }
0xac: {  	[sflag:s24] =	ssyncadd.s32 $0xFFFFFFD8  }
0xad: {  	[tilespmem:s20], [sflag:$0x1] =	stream.indirect.gather [hbm4b:s5+s9], $0x80, s8, s9, $0xb8;
	[tilespmem:$0x1AE00] =	vst v63  }
0xae: {  	s24 =	simm.s32 $0x14280;
	s8 =	rddreg [dreg:$0xe]  }
0xaf: {  	[tilespmem:s24], [sflag:$0xB] =	stream.linear.gather [hbm4b:s8+s22], $0x28, $0x38;
	[tilespmem:$0x1AE00] =	vst v63  }
0xb0: {  	s8 =	rddreg [dreg:$0xf];
	s24 =	simm.s32 $0x14780  }
0xb1: {  	[tilespmem:s24], [sflag:$0xB] =	stream.linear.gather [hbm4b:s8+s22], $0x28, $0x38;
	[tilespmem:$0x1AE00] =	vst v63  }
0xb2: {  	s8 =	simm.s32 $0x7  }
0xb3: {  	_ =	swait.ge [sflag:s8], $0x28  }
0xb4: {  	[sflag:s8] =	ssyncset.done $0x0  }
0xb5: {  	[sflag:s8] =	ssyncadd.s32 $0xFFFFFFD8  }
0xb6: {  	_ =	swait.ge [sflag:s8], $0x28  }
0xb7: {  	[sflag:s8] =	ssyncset.done $0x0  }
0xb8: {  	[sflag:s8] =	ssyncadd.s32 $0xFFFFFFD8  }
0xb9: {  	[tilespmem:s12], [sflag:$0x2] =	stream.indirect.gather [hbm4b:s5+s9], $0x80, s11, s9, $0xb8;
	[tilespmem:$0x1AE00] =	vst v63  }
0xba: {  	s24 =	simm.s32 $0x14300;
	s11 =	rddreg [dreg:$0x10]  }
0xbb: {  	[tilespmem:s24], [sflag:$0xC] =	stream.linear.gather [hbm4b:s11+s22], $0x28, $0x38;
	[tilespmem:$0x1AE00] =	vst v63  }
0xbc: {  	s11 =	rddreg [dreg:$0x11];
	s24 =	simm.s32 $0x14800  }
0xbd: {  	[tilespmem:s24], [sflag:$0xC] =	stream.linear.gather [hbm4b:s11+s22], $0x28, $0x38;
	[tilespmem:$0x1AE00] =	vst v63  }
0xbe: {  	s11 =	simm.s32 $0x8  }
0xbf: {  	_ =	swait.ge [sflag:s11], $0x28  }
0xc0: {  	[sflag:s11] =	ssyncset.done $0x0  }
0xc1: {  	[sflag:s11] =	ssyncadd.s32 $0xFFFFFFD8  }
0xc2: {  	_ =	swait.ge [sflag:s11], $0x28  }
0xc3: {  	[sflag:s11] =	ssyncset.done $0x0  }
0xc4: {  	[sflag:s11] =	ssyncadd.s32 $0xFFFFFFD8  }
0xc5: {  	[tilespmem:s16], [sflag:$0x3] =	stream.indirect.gather [hbm4b:s5+s9], $0x80, s23, s9, $0xb8;
	[tilespmem:$0x1AE00] =	vst v63  }
0xc6: {  	s24 =	simm.s32 $0x14380;
	s23 =	rddreg [dreg:$0x12]  }
0xc7: {  	[tilespmem:s24], [sflag:$0xD] =	stream.linear.gather [hbm4b:s23+s22], $0x28, $0x38;
	[tilespmem:$0x1AE00] =	vst v63  }
0xc8: {  	s11 =	rddreg [dreg:$0x13];
	s23 =	simm.s32 $0x14880  }
0xc9: {  	[tilespmem:s23], [sflag:$0xD] =	stream.linear.gather [hbm4b:s11+s22], $0x28, $0x38;
	[tilespmem:$0x1AE00] =	vst v63  }
0xca: {  	_ =	swait.ge [sflag:s19], $0x28  }
0xcb: {  	[sflag:s19] =	ssyncset.done $0x0  }
0xcc: {  	[sflag:s19] =	ssyncadd.s32 $0xFFFFFFD8  }
0xcd: {  	_ =	swait.ge [sflag:s19], $0x28  }
0xce: {  	[sflag:s19] =	ssyncset.done $0x0  }
0xcf: {  	s24 =	simm.s32 $0x14180;
	[sflag:s19] =	ssyncadd.s32 $0xFFFFFFD8  }
0xd0: {  	[tilespmem:s29], [sflag:$0x4] =	stream.indirect.gather [hbm4b:s5+s9], $0x80, s24, s9, $0xb8;
	[tilespmem:$0x1AE00] =	vst v63  }
0xd1: {  	s11 =	simm.s32 $0x14400;
	s8 =	rddreg [dreg:$0x14]  }
0xd2: {  	[tilespmem:s11], [sflag:$0xE] =	stream.linear.gather [hbm4b:s8+s22], $0x28, $0x38;
	[tilespmem:$0x1AE00] =	vst v63  }
0xd3: {  	s23 =	rddreg [dreg:$0x15];
	s24 =	simm.s32 $0x14900  }
0xd4: {  	[tilespmem:s24], [sflag:$0xE] =	stream.linear.gather [hbm4b:s23+s22], $0x28, $0x38;
	[tilespmem:$0x1AE00] =	vst v63  }
0xd5: {  	_ =	swait.ge [sflag:s26], $0x28  }
0xd6: {  	[sflag:s26] =	ssyncset.done $0x0  }
0xd7: {  	[sflag:s26] =	ssyncadd.s32 $0xFFFFFFD8  }
0xd8: {  	_ =	swait.ge [sflag:s26], $0x28  }
0xd9: {  	[sflag:s26] =	ssyncset.done $0x0  }
0xda: {  	[sflag:s26] =	ssyncadd.s32 $0xFFFFFFD8  }
0xdb: {  	[tilespmem:s30], [sflag:$0x5] =	stream.indirect.gather [hbm4b:s5+s9], $0x80, s15, s9, $0xb8;
	[tilespmem:$0x1AE00] =	vst v63  }
.Ltmp1:
0xdc: {  	s11 =	rddreg [dreg:$0x16];
	s15 =	simm.s32 $0x14480;
	(pc) =	sbr.rel .LBB2_4-.Ltmp1, $4  }
0xdd: {  	[tilespmem:s15], [sflag:$0xF] =	stream.linear.gather [hbm4b:s11+s22], $0x28, $0x38;
	[tilespmem:$0x1AE00] =	vst v63  }
0xde: {  	s24 =	simm.s32 $0x14980;
	s23 =	rddreg [dreg:$0x17]  }
0xdf: {  	[tilespmem:s24], [sflag:$0xF] =	stream.linear.gather [hbm4b:s23+s22], $0x28, $0x38;
	[tilespmem:$0x1AE00] =	vst v63  }
0xe0: {  	s24 =	rddreg [dreg:$0x1b]  }
.LBB2_21:
0xe1: {  	_ =	swait.ge [sflag:s26], $0x28  }
0xe2: {  	[sflag:s26] =	ssyncset.done $0x0  }
0xe3: {  	[sflag:s26] =	ssyncadd.s32 $0xFFFFFFD8  }
0xe4: {  	_ =	swait.ge [sflag:s26], $0x28  }
0xe5: {  	[sflag:s26] =	ssyncset.done $0x0  }
0xe6: {  	s1 =	simm.s32 $0x14200;
	s11 =	simm.s32 $0x14480;
	[sflag:s26] =	ssyncadd.s32 $0xFFFFFFD8  }
0xe7: {  	[tilespmem:s30], [sflag:$0x5] =	stream.indirect.gather [hbm4b:s5+s9], $0x80, s1, s9, $0xb8;
	[tilespmem:$0x1AE00] =	vst v63  }
.LBB2_23:
0xe8: {  	s1 =	sshrl.u32 s24, $0x3  }
0xe9: {  	s23 =	simm.s32 $0x14980;
	s22 =	sadd.s32 $0x1, s22;
	s8 =	sadd.s32 s6, s1  }
0xea: {  	[tilespmem:s11], [sflag:$0xF] =	stream.linear.gather [hbm4b:s8+s4], $0x28, $0x38;
	[tilespmem:$0x1AE00] =	vst v63  }
0xeb: {  	s24 =	sadd.s32 $0x190, s24;
	s15 =	simm.s32 $0x14480;
	s1 =	sadd.s32 s2, s1  }
0xec: {  	[tilespmem:s23], [sflag:$0xF] =	stream.linear.gather [hbm4b:s1+s4], $0x28, $0x38;
	[tilespmem:$0x1AE00] =	vst v63  }
.LBB2_4:
0xed: {  	_ =	swait.ge [sflag:s25], $0x1400  }
0xee: {  	[sflag:s25] =	ssyncset.done $0x0  }
0xef: {  	s1 =	simm.s32 $0x14500;
	[sflag:s25] =	ssyncadd.s32 $0xFFFFEC00  }
0xf0: {  	[spmem:s3] =	stream.indirect.scatter.add.f32 [tilespmem:s20], [sflag:$0x10], $0x80, s1, s9, $0xb8;
	[tilespmem:$0x1AE00] =	vst v63  }
0xf1: {  	_ =	swait.ge [sflag:s21], $0x1400  }
0xf2: {  	[sflag:s21] =	ssyncset.done $0x0  }
0xf3: {  	[sflag:s21] =	ssyncadd.s32 $0xFFFFEC00  }
0xf4: {  	_ =	swait.ge [sflag:s28], $0x28  }
0xf5: {  	[sflag:s28] =	ssyncset.done $0x0  }
0xf6: {  	[sflag:s28] =	ssyncadd.s32 $0xFFFFFFD8  }
0xf7: {  	p0 =	seq.s32 s22, $0x18;
	_ =	swait.ge [sflag:s28], $0x28  }
0xf8: {  	s1 =	sadd.s32 @!p0 $0xFFFFFE98, s24;
	[sflag:s28] =	ssyncset.done $0x0  }
0xf9: {  	s8 =	simm.s32 $0x14280;
	s23 =	sshrl.u32 @!p0 s1, $0x3;
	[sflag:s28] =	ssyncadd.s32 $0xFFFFFFD8  }
0xfa: {  	[tilespmem:s20], [sflag:$0x1] =	stream.indirect.gather [hbm4b:s5+s9], $0x80, s8, s9, $0xb8;
	[tilespmem:$0x1AE00] =	vst v63  }
0xfb: {  	s11 =	simm.s32 @!p0 $0x14000;
	s1 =	simm.s32 @!p0 $0x0;
	s8 =	sadd.s32 @!p0 s6, s23  }
0xfc: {  	[tilespmem:s11], [sflag:$0x6] =	stream.linear.gather @!p0 [hbm4b:s8+s1], $0x28, $0x38;
	[tilespmem:$0x1AE00] =	vst v63  }
0xfd: {  	s8 =	sadd.s32 @!p0 s2, s23;
	s11 =	simm.s32 @!p0 $0x14500  }
0xfe: {  	[tilespmem:s11], [sflag:$0x6] =	stream.linear.gather @!p0 [hbm4b:s8+s1], $0x28, $0x38;
	[tilespmem:$0x1AE00] =	vst v63  }
0xff: {  	_ =	swait.ge [sflag:s0], $0x1400  }
0x100: {  	[sflag:s0] =	ssyncset.done $0x0  }
0x101: {  	s11 =	simm.s32 $0x14580;
	[sflag:s0] =	ssyncadd.s32 $0xFFFFEC00  }
0x102: {  	[spmem:s3] =	stream.indirect.scatter.add.f32 [tilespmem:s12], [sflag:$0x10], $0x80, s11, s9, $0xb8;
	[tilespmem:$0x1AE00] =	vst v63  }
0x103: {  	_ =	swait.ge [sflag:s21], $0x1400  }
0x104: {  	[sflag:s21] =	ssyncset.done $0x0  }
0x105: {  	[sflag:s21] =	ssyncadd.s32 $0xFFFFEC00  }
0x106: {  	_ =	swait.ge [sflag:s7], $0x28  }
0x107: {  	[sflag:s7] =	ssyncset.done $0x0  }
0x108: {  	[sflag:s7] =	ssyncadd.s32 $0xFFFFFFD8  }
0x109: {  	_ =	swait.ge [sflag:s7], $0x28  }
0x10a: {  	s8 =	sadd.s32 @!p0 $0xFFFFFEC0, s24;
	[sflag:s7] =	ssyncset.done $0x0  }
0x10b: {  	s23 =	simm.s32 $0x14300;
	s8 =	sshrl.u32 @!p0 s8, $0x3;
	[sflag:s7] =	ssyncadd.s32 $0xFFFFFFD8  }
0x10c: {  	[tilespmem:s12], [sflag:$0x2] =	stream.indirect.gather [hbm4b:s5+s9], $0x80, s23, s9, $0xb8;
	[tilespmem:$0x1AE00] =	vst v63  }
0x10d: {  	s11 =	sadd.s32 @!p0 s6, s8;
	s23 =	simm.s32 @!p0 $0x14080  }
0x10e: {  	[tilespmem:s23], [sflag:$0x7] =	stream.linear.gather @!p0 [hbm4b:s11+s1], $0x28, $0x38;
	[tilespmem:$0x1AE00] =	vst v63  }
0x10f: {  	s8 =	sadd.s32 @!p0 s2, s8;
	s11 =	simm.s32 @!p0 $0x14580  }
0x110: {  	[tilespmem:s11], [sflag:$0x7] =	stream.linear.gather @!p0 [hbm4b:s8+s1], $0x28, $0x38;
	[tilespmem:$0x1AE00] =	vst v63  }
0x111: {  	_ =	swait.ge [sflag:s31], $0x1400  }
0x112: {  	[sflag:s31] =	ssyncset.done $0x0  }
0x113: {  	s11 =	simm.s32 $0x14600;
	[sflag:s31] =	ssyncadd.s32 $0xFFFFEC00  }
0x114: {  	[spmem:s3] =	stream.indirect.scatter.add.f32 [tilespmem:s16], [sflag:$0x10], $0x80, s11, s9, $0xb8;
	[tilespmem:$0x1AE00] =	vst v63  }
0x115: {  	_ =	swait.ge [sflag:s21], $0x1400  }
0x116: {  	[sflag:s21] =	ssyncset.done $0x0  }
0x117: {  	[sflag:s21] =	ssyncadd.s32 $0xFFFFEC00  }
0x118: {  	_ =	swait.ge [sflag:s10], $0x28  }
0x119: {  	[sflag:s10] =	ssyncset.done $0x0  }
0x11a: {  	[sflag:s10] =	ssyncadd.s32 $0xFFFFFFD8  }
0x11b: {  	_ =	swait.ge [sflag:s10], $0x28  }
0x11c: {  	s8 =	sadd.s32 @!p0 $0xFFFFFEE8, s24;
	[sflag:s10] =	ssyncset.done $0x0  }
0x11d: {  	s23 =	simm.s32 $0x14380;
	s8 =	sshrl.u32 @!p0 s8, $0x3;
	[sflag:s10] =	ssyncadd.s32 $0xFFFFFFD8  }
0x11e: {  	[tilespmem:s16], [sflag:$0x3] =	stream.indirect.gather [hbm4b:s5+s9], $0x80, s23, s9, $0xb8;
	[tilespmem:$0x1AE00] =	vst v63  }
0x11f: {  	s11 =	sadd.s32 @!p0 s6, s8;
	s23 =	simm.s32 @!p0 $0x14100  }
0x120: {  	[tilespmem:s23], [sflag:$0x8] =	stream.linear.gather @!p0 [hbm4b:s11+s1], $0x28, $0x38;
	[tilespmem:$0x1AE00] =	vst v63  }
0x121: {  	s8 =	sadd.s32 @!p0 s2, s8;
	s11 =	simm.s32 @!p0 $0x14600  }
0x122: {  	[tilespmem:s11], [sflag:$0x8] =	stream.linear.gather @!p0 [hbm4b:s8+s1], $0x28, $0x38;
	[tilespmem:$0x1AE00] =	vst v63  }
0x123: {  	_ =	swait.ge [sflag:s13], $0x1400  }
0x124: {  	[sflag:s13] =	ssyncset.done $0x0  }
0x125: {  	s11 =	simm.s32 $0x14680;
	[sflag:s13] =	ssyncadd.s32 $0xFFFFEC00  }
0x126: {  	[spmem:s3] =	stream.indirect.scatter.add.f32 [tilespmem:s29], [sflag:$0x10], $0x80, s11, s9, $0xb8;
	[tilespmem:$0x1AE00] =	vst v63  }
0x127: {  	_ =	swait.ge [sflag:s21], $0x1400  }
0x128: {  	[sflag:s21] =	ssyncset.done $0x0  }
0x129: {  	[sflag:s21] =	ssyncadd.s32 $0xFFFFEC00  }
0x12a: {  	_ =	swait.ge [sflag:s14], $0x28  }
0x12b: {  	[sflag:s14] =	ssyncset.done $0x0  }
0x12c: {  	[sflag:s14] =	ssyncadd.s32 $0xFFFFFFD8  }
0x12d: {  	_ =	swait.ge [sflag:s14], $0x28  }
0x12e: {  	s8 =	sadd.s32 @!p0 $0xFFFFFF10, s24;
	[sflag:s14] =	ssyncset.done $0x0  }
0x12f: {  	s23 =	simm.s32 $0x14400;
	s8 =	sshrl.u32 @!p0 s8, $0x3;
	[sflag:s14] =	ssyncadd.s32 $0xFFFFFFD8  }
0x130: {  	[tilespmem:s29], [sflag:$0x4] =	stream.indirect.gather [hbm4b:s5+s9], $0x80, s23, s9, $0xb8;
	[tilespmem:$0x1AE00] =	vst v63  }
0x131: {  	s11 =	sadd.s32 @!p0 s6, s8;
	s23 =	simm.s32 @!p0 $0x14180  }
0x132: {  	[tilespmem:s23], [sflag:$0x9] =	stream.linear.gather @!p0 [hbm4b:s11+s1], $0x28, $0x38;
	[tilespmem:$0x1AE00] =	vst v63  }
0x133: {  	s8 =	sadd.s32 @!p0 s2, s8;
	s11 =	simm.s32 @!p0 $0x14680  }
0x134: {  	[tilespmem:s11], [sflag:$0x9] =	stream.linear.gather @!p0 [hbm4b:s8+s1], $0x28, $0x38;
	[tilespmem:$0x1AE00] =	vst v63  }
0x135: {  	_ =	swait.ge [sflag:s17], $0x1400  }
0x136: {  	[sflag:s17] =	ssyncset.done $0x0  }
0x137: {  	s11 =	simm.s32 $0x14700;
	[sflag:s17] =	ssyncadd.s32 $0xFFFFEC00  }
0x138: {  	[spmem:s3] =	stream.indirect.scatter.add.f32 [tilespmem:s30], [sflag:$0x10], $0x80, s11, s9, $0xb8;
	[tilespmem:$0x1AE00] =	vst v63  }
0x139: {  	_ =	swait.ge [sflag:s21], $0x1400  }
0x13a: {  	[sflag:s21] =	ssyncset.done $0x0  }
0x13b: {  	[sflag:s21] =	ssyncadd.s32 $0xFFFFEC00  }
0x13c: {  	_ =	swait.ge [sflag:s18], $0x28  }
0x13d: {  	[sflag:s18] =	ssyncset.done $0x0  }
0x13e: {  	[sflag:s18] =	ssyncadd.s32 $0xFFFFFFD8  }
0x13f: {  	_ =	swait.ge [sflag:s18], $0x28  }
0x140: {  	s8 =	sadd.s32 @!p0 $0xFFFFFF38, s24;
	[sflag:s18] =	ssyncset.done $0x0  }
0x141: {  	s8 =	sshrl.u32 @!p0 s8, $0x3;
	[sflag:s18] =	ssyncadd.s32 $0xFFFFFFD8  }
0x142: {  	[tilespmem:s30], [sflag:$0x5] =	stream.indirect.gather [hbm4b:s5+s9], $0x80, s15, s9, $0xb8;
	[tilespmem:$0x1AE00] =	vst v63  }
0x143: {  	s23 =	simm.s32 @!p0 $0x14200;
	s11 =	sadd.s32 @!p0 s6, s8  }
0x144: {  	[tilespmem:s23], [sflag:$0xA] =	stream.linear.gather @!p0 [hbm4b:s11+s1], $0x28, $0x38;
	[tilespmem:$0x1AE00] =	vst v63  }
0x145: {  	s8 =	sadd.s32 @!p0 s2, s8;
	s11 =	simm.s32 @!p0 $0x14700  }
0x146: {  	[tilespmem:s11], [sflag:$0xA] =	stream.linear.gather @!p0 [hbm4b:s8+s1], $0x28, $0x38;
	[tilespmem:$0x1AE00] =	vst v63  }
0x147: {  	_ =	swait.ge [sflag:s25], $0x1400  }
0x148: {  	p1 =	sgt.u32 s22, $0x17;
	[sflag:s25] =	ssyncset.done $0x0  }
.Ltmp2:
0x149: {  	s23 =	simm.s32 $0x14780;
	[sflag:s25] =	ssyncadd.s32 $0xFFFFEC00;
	(pc) =	sbr.rel @p1 .LBB2_6-.Ltmp2, $4  }
0x14a: {  	[spmem:s3] =	stream.indirect.scatter.add.f32 [tilespmem:s20], [sflag:$0x10], $0x80, s23, s9, $0xb8;
	[tilespmem:$0x1AE00] =	vst v63  }
0x14b: {  	_ =	swait.ge [sflag:s21], $0x1400  }
0x14c: {  	[sflag:s21] =	ssyncset.done $0x0  }
0x14d: {  	[sflag:s21] =	ssyncadd.s32 $0xFFFFEC00  }
0x14e: {  	s1 =	simm.s32 $0x6  }
0x14f: {  	_ =	swait.ge [sflag:s1], $0x28  }
0x150: {  	[sflag:s1] =	ssyncset.done $0x0  }
.Ltmp3:
0x151: {  	[sflag:s1] =	ssyncadd.s32 $0xFFFFFFD8;
	(pc) =	sbr.rel .LBB2_7-.Ltmp3, $4  }
0x152: {  	_ =	swait.ge [sflag:s1], $0x28  }
0x153: {  	[sflag:s1] =	ssyncset.done $0x0  }
0x154: {  	s23 =	simm.s32 $0x14000;
	[sflag:s1] =	ssyncadd.s32 $0xFFFFFFD8  }
0x155: {  	[tilespmem:s20], [sflag:$0x1] =	stream.indirect.gather [hbm4b:s5+s9], $0x80, s23, s9, $0xb8;
	[tilespmem:$0x1AE00] =	vst v63  }
.LBB2_6:
.Ltmp4:
0x156: {  	(pc) =	sbr.rel @p0 .LBB2_8-.Ltmp4, $1  }
0x157: {  	_ =	sdelay $0x3  }
.LBB2_7:
0x158: {  	s1 =	sadd.s32 $0xFFFFFF60, s24  }
0x159: {  	s1 =	sshrl.u32 s1, $0x3  }
0x15a: {  	s11 =	simm.s32 $0x14280;
	s8 =	sadd.s32 s6, s1  }
0x15b: {  	[tilespmem:s11], [sflag:$0xB] =	stream.linear.gather [hbm4b:s8+s4], $0x28, $0x38;
	[tilespmem:$0x1AE00] =	vst v63  }
0x15c: {  	s23 =	simm.s32 $0x14780;
	s1 =	sadd.s32 s2, s1  }
0x15d: {  	[tilespmem:s23], [sflag:$0xB] =	stream.linear.gather [hbm4b:s1+s4], $0x28, $0x38;
	[tilespmem:$0x1AE00] =	vst v63  }
.LBB2_8:
0x15e: {  	_ =	swait.ge [sflag:s0], $0x1400  }
0x15f: {  	[sflag:s0] =	ssyncset.done $0x0  }
.Ltmp5:
0x160: {  	s1 =	simm.s32 $0x14800;
	[sflag:s0] =	ssyncadd.s32 $0xFFFFEC00;
	(pc) =	sbr.rel @p1 .LBB2_10-.Ltmp5, $4  }
0x161: {  	[spmem:s3] =	stream.indirect.scatter.add.f32 [tilespmem:s12], [sflag:$0x10], $0x80, s1, s9, $0xb8;
	[tilespmem:$0x1AE00] =	vst v63  }
0x162: {  	_ =	swait.ge [sflag:s21], $0x1400  }
0x163: {  	[sflag:s21] =	ssyncset.done $0x0  }
0x164: {  	[sflag:s21] =	ssyncadd.s32 $0xFFFFEC00  }
0x165: {  	s1 =	simm.s32 $0x7  }
0x166: {  	_ =	swait.ge [sflag:s1], $0x28  }
0x167: {  	[sflag:s1] =	ssyncset.done $0x0  }
.Ltmp6:
0x168: {  	[sflag:s1] =	ssyncadd.s32 $0xFFFFFFD8;
	(pc) =	sbr.rel .LBB2_11-.Ltmp6, $4  }
0x169: {  	_ =	swait.ge [sflag:s1], $0x28  }
0x16a: {  	[sflag:s1] =	ssyncset.done $0x0  }
0x16b: {  	s23 =	simm.s32 $0x14080;
	[sflag:s1] =	ssyncadd.s32 $0xFFFFFFD8  }
0x16c: {  	[tilespmem:s12], [sflag:$0x2] =	stream.indirect.gather [hbm4b:s5+s9], $0x80, s23, s9, $0xb8;
	[tilespmem:$0x1AE00] =	vst v63  }
.LBB2_10:
.Ltmp7:
0x16d: {  	(pc) =	sbr.rel @p0 .LBB2_12-.Ltmp7, $1  }
0x16e: {  	_ =	sdelay $0x3  }
.LBB2_11:
0x16f: {  	s1 =	sadd.s32 $0xFFFFFF88, s24  }
0x170: {  	s1 =	sshrl.u32 s1, $0x3  }
0x171: {  	s11 =	simm.s32 $0x14300;
	s8 =	sadd.s32 s6, s1  }
0x172: {  	[tilespmem:s11], [sflag:$0xC] =	stream.linear.gather [hbm4b:s8+s4], $0x28, $0x38;
	[tilespmem:$0x1AE00] =	vst v63  }
0x173: {  	s23 =	simm.s32 $0x14800;
	s1 =	sadd.s32 s2, s1  }
0x174: {  	[tilespmem:s23], [sflag:$0xC] =	stream.linear.gather [hbm4b:s1+s4], $0x28, $0x38;
	[tilespmem:$0x1AE00] =	vst v63  }
.LBB2_12:
0x175: {  	_ =	swait.ge [sflag:s31], $0x1400  }
0x176: {  	[sflag:s31] =	ssyncset.done $0x0  }
.Ltmp8:
0x177: {  	s1 =	simm.s32 $0x14880;
	[sflag:s31] =	ssyncadd.s32 $0xFFFFEC00;
	(pc) =	sbr.rel @p1 .LBB2_14-.Ltmp8, $4  }
0x178: {  	[spmem:s3] =	stream.indirect.scatter.add.f32 [tilespmem:s16], [sflag:$0x10], $0x80, s1, s9, $0xb8;
	[tilespmem:$0x1AE00] =	vst v63  }
0x179: {  	_ =	swait.ge [sflag:s21], $0x1400  }
0x17a: {  	[sflag:s21] =	ssyncset.done $0x0  }
0x17b: {  	[sflag:s21] =	ssyncadd.s32 $0xFFFFEC00  }
0x17c: {  	s1 =	simm.s32 $0x8  }
0x17d: {  	_ =	swait.ge [sflag:s1], $0x28  }
0x17e: {  	[sflag:s1] =	ssyncset.done $0x0  }
.Ltmp9:
0x17f: {  	[sflag:s1] =	ssyncadd.s32 $0xFFFFFFD8;
	(pc) =	sbr.rel .LBB2_15-.Ltmp9, $4  }
0x180: {  	_ =	swait.ge [sflag:s1], $0x28  }
0x181: {  	[sflag:s1] =	ssyncset.done $0x0  }
0x182: {  	s23 =	simm.s32 $0x14100;
	[sflag:s1] =	ssyncadd.s32 $0xFFFFFFD8  }
0x183: {  	[tilespmem:s16], [sflag:$0x3] =	stream.indirect.gather [hbm4b:s5+s9], $0x80, s23, s9, $0xb8;
	[tilespmem:$0x1AE00] =	vst v63  }
.LBB2_14:
.Ltmp10:
0x184: {  	(pc) =	sbr.rel @p0 .LBB2_16-.Ltmp10, $1  }
0x185: {  	_ =	sdelay $0x3  }
.LBB2_15:
0x186: {  	s1 =	sadd.s32 $0xFFFFFFB0, s24  }
0x187: {  	s1 =	sshrl.u32 s1, $0x3  }
0x188: {  	s11 =	simm.s32 $0x14380;
	s8 =	sadd.s32 s6, s1  }
0x189: {  	[tilespmem:s11], [sflag:$0xD] =	stream.linear.gather [hbm4b:s8+s4], $0x28, $0x38;
	[tilespmem:$0x1AE00] =	vst v63  }
0x18a: {  	s23 =	simm.s32 $0x14880;
	s1 =	sadd.s32 s2, s1  }
0x18b: {  	[tilespmem:s23], [sflag:$0xD] =	stream.linear.gather [hbm4b:s1+s4], $0x28, $0x38;
	[tilespmem:$0x1AE00] =	vst v63  }
.LBB2_16:
0x18c: {  	_ =	swait.ge [sflag:s13], $0x1400  }
0x18d: {  	[sflag:s13] =	ssyncset.done $0x0  }
.Ltmp11:
0x18e: {  	s1 =	simm.s32 $0x14900;
	[sflag:s13] =	ssyncadd.s32 $0xFFFFEC00;
	(pc) =	sbr.rel @p1 .LBB2_18-.Ltmp11, $4  }
0x18f: {  	[spmem:s3] =	stream.indirect.scatter.add.f32 [tilespmem:s29], [sflag:$0x10], $0x80, s1, s9, $0xb8;
	[tilespmem:$0x1AE00] =	vst v63  }
0x190: {  	_ =	swait.ge [sflag:s21], $0x1400  }
0x191: {  	[sflag:s21] =	ssyncset.done $0x0  }
0x192: {  	[sflag:s21] =	ssyncadd.s32 $0xFFFFEC00  }
0x193: {  	_ =	swait.ge [sflag:s19], $0x28  }
0x194: {  	[sflag:s19] =	ssyncset.done $0x0  }
.Ltmp12:
0x195: {  	[sflag:s19] =	ssyncadd.s32 $0xFFFFFFD8;
	(pc) =	sbr.rel .LBB2_19-.Ltmp12, $4  }
0x196: {  	_ =	swait.ge [sflag:s19], $0x28  }
0x197: {  	[sflag:s19] =	ssyncset.done $0x0  }
0x198: {  	s1 =	simm.s32 $0x14180;
	[sflag:s19] =	ssyncadd.s32 $0xFFFFFFD8  }
0x199: {  	[tilespmem:s29], [sflag:$0x4] =	stream.indirect.gather [hbm4b:s5+s9], $0x80, s1, s9, $0xb8;
	[tilespmem:$0x1AE00] =	vst v63  }
.LBB2_18:
.Ltmp13:
0x19a: {  	(pc) =	sbr.rel @p0 .LBB2_20-.Ltmp13, $1  }
0x19b: {  	_ =	sdelay $0x3  }
.LBB2_19:
0x19c: {  	s1 =	sadd.s32 $0xFFFFFFD8, s24  }
0x19d: {  	s1 =	sshrl.u32 s1, $0x3  }
0x19e: {  	s11 =	simm.s32 $0x14400;
	s8 =	sadd.s32 s6, s1  }
0x19f: {  	[tilespmem:s11], [sflag:$0xE] =	stream.linear.gather [hbm4b:s8+s4], $0x28, $0x38;
	[tilespmem:$0x1AE00] =	vst v63  }
0x1a0: {  	s23 =	simm.s32 $0x14900;
	s1 =	sadd.s32 s2, s1  }
0x1a1: {  	[tilespmem:s23], [sflag:$0xE] =	stream.linear.gather [hbm4b:s1+s4], $0x28, $0x38;
	[tilespmem:$0x1AE00] =	vst v63  }
.LBB2_20:
0x1a2: {  	_ =	swait.ge [sflag:s17], $0x1400  }
0x1a3: {  	[sflag:s17] =	ssyncset.done $0x0  }
.Ltmp14:
0x1a4: {  	s1 =	simm.s32 $0x14980;
	[sflag:s17] =	ssyncadd.s32 $0xFFFFEC00;
	(pc) =	sbr.rel @!p1 .LBB2_21-.Ltmp14, $4  }
0x1a5: {  	[spmem:s3] =	stream.indirect.scatter.add.f32 [tilespmem:s30], [sflag:$0x10], $0x80, s1, s9, $0xb8;
	[tilespmem:$0x1AE00] =	vst v63  }
0x1a6: {  	_ =	swait.ge [sflag:s21], $0x1400  }
0x1a7: {  	[sflag:s21] =	ssyncset.done $0x0  }
0x1a8: {  	[sflag:s21] =	ssyncadd.s32 $0xFFFFEC00  }
.Ltmp15:
0x1a9: {  	(pc) =	sbr.rel @!p0 .LBB2_23-.Ltmp15, $2  }
0x1aa: {  	_ =	sdelay $0x2  }
0x1ab: {  	s11 =	simm.s32 $0x14480  }
0x1ac: {  	s1 =	stileid.u32;
	[bflag:$0x0] =	sbarrier.arrive $0xFFFF  }
0x1ad: {  	s1 =	sshll.u32 s1, $0x6;
	s23 =	rddreg [dreg:$0x19]  }
0x1ae: {  	s11 =	rddreg [dreg:$0x18];
	s1 =	sor.u32 $0x1C10, s1;
	s8 =	sshrl.u32 s23, $0x3  }
0x1af: {  	[hbm:s11], [sflag:s1] =	dma.local [spmem:s8], $0x2800  }
0x1b0: {  	_ =	swait.ge [sflag:s21], $0x2800  }
0x1b1: {  	s22 =	sld [smem:$0x7F2];
	_ =	sdelay $0x2  }
0x1b2: {  	s24 =	rddreg [dreg:$0x1a];
	s8 =	sadd.s32 $0x1, s22  }
0x1b3: {  	p0 =	sne.s32 s8, s24  }
.Ltmp16:
0x1b4: {  	_ = 	snop;
	(pc) =	sbr.rel @p0 .LBB2_1-.Ltmp16, $3  }
0x1b5: {  	_ =	sdelay $0x1  }
0x1b6: {  	[sflag:s21] =	ssyncset.done $0x0  }
0x1b7: {  	[sflag:s21] =	ssyncadd.s32 $0xFFFFD800  }
0x1b8: {  	_ =	sfence.sel $0x180000  }
0x1b9: {  	[bflag:$0x0] =	sbarrier.arrive $0xFFFF  }
0x1ba: {  	_ =	strace $0x9000004D  }
0x1bb: {  	s0 =	stileid.u32;
	[bflag:$0x2] =	sbarrier.arrive $0xFFFF  }
0x1bc: {  	p0 =	sne.s32 s0, $0x0;
	s0 =	rddreg [dreg:$0x3]  }
0x1bd: {  	s0 =	sadd.s32 @!p0 $0x100000, s0  }
0x1be: {  	[sflag:s0] =	ssyncadd.tile.s32 @!p0 $0x1;
	_ =	shalt  }
.Lfunc_end2:
_tile_overlayer_lowered:
.L_overlay_start_2:
0x1bf: {  	(tag) =	ssettag $0x2  }
0x1c0: {  	s0 =	rddreg [dreg:$0x0];
	s2 =	stileid.u32  }
0x1c1: {  	s1 =	rddreg [dreg:$0x1];
	p0 =	sne.s32 s2, $0x0  }
0x1c2: {  	s3 =	rddreg [dreg:$0x2];
	[bflag:$0x3] =	sbarrier.arrive $0xFFFF;
	s2 =	simm.s32 @!p0 $0x1C10  }
0x1c3: {  	[timem:s3], [sflag:s2] =	dma.local @!p0 [hbm:s0], s1  }
0x1c4: {  	s0 =	simm.s32 @!p0 $0x10  }
0x1c5: {  	_ =	swait.ge @!p0 [sflag:s0], s1  }
0x1c6: {  	s1 =	ssub.s32 @!p0 $0x0, s1;
	[sflag:s0] =	ssyncset.done @!p0 $0x0  }
0x1c7: {  	[sflag:s0] =	ssyncadd.s32 @!p0 s1  }
0x1c8: {  	[bflag:$0x3] =	sbarrier.arrive $0xFFFF  }
0x1c9: {  	_ =	shalt  }

// kernel: kernel.8.cloned.1.call-start
scs
__scs_entry_jumppad:
0x0: {  	(pc) =	sbr.rel $0x88, $3  }
0x1: {  	(tag) =	ssettag $0x0;
	lr =	simm.s32 $0x1  }
0x2: {  	[smem:$0x3F9B] =	sst lr;
	_ =	strace $0xD0000000  }
0x3: {  	_ = 	snop  }
0x4: {  	_ = 	snop  }
0x5: {  	_ = 	snop  }
0x6: {  	_ = 	snop  }
0x7: {  	_ = 	snop  }
__scs_overlays_trampoline_lowered:
0x8: {  	[smem:$0x3FAA] =	sst s0  }
0x9: {  	[smem:$0x3FAB] =	sst s1  }
0xa: {  	[smem:$0x3FAC] =	sst s2  }
0xb: {  	[smem:$0x3FAD] =	sst s3  }
0xc: {  	[smem:$0x3FAE] =	sst s4  }
0xd: {  	[smem:$0x3FAF] =	sst s5  }
0xe: {  	[smem:$0x3FB0] =	sst s6  }
0xf: {  	[smem:$0x3FB1] =	sst s7  }
0x10: {  	[smem:$0x3FB2] =	sst s8  }
0x11: {  	[smem:$0x3FB3] =	sst s9;
	s0 =	simm.s32 @!p0 $0x0  }
0x12: {  	s1 =	sld [smem:$0x3F99];
	s0 =	simm.s32 @p0 $0x1  }
0x13: {  	[smem:$0x3FB4] =	sst s0;
	s0 =	simm.s32 @!p1 $0x0  }
0x14: {  	s2 =	sld [smem:$0x3F98];
	s0 =	simm.s32 @p1 $0x1  }
0x15: {  	[smem:$0x3FB5] =	sst s0;
	s0 =	simm.s32 @!p2 $0x0  }
0x16: {  	s3 =	sld [smem:$0x3FDB];
	s0 =	simm.s32 @p2 $0x1  }
0x17: {  	s4 =	simm.s32 $0x1BF5;
	[smem:$0x3FB7] =	sst s0  }
0x18: {  	s0 =	sld [smem:$0x3F9A];
	_ =	swait.ge [sflag:s4], $0x0  }
0x19: {  	s7 =	sld [smem:$0x3F9B]  }
0x1a: {  	s8 =	sadd.s32 $0xFFFFE003, lr  }
0x1b: {  	s9 =	sadd.s32 $0xFFFFFEF7, lr;
	s5 =	simm.s32 $0xFFFFFFFF;
	p2 =	slt.u32 s8, $0xFFFFF086  }
0x1c: {  	p1 =	slt.u32 s9, $0xF7A;
	s5 =	simm.s32 @!p2 $0x0  }
0x1d: {  	s5 =	simm.s32 @p1 $0x1;
	p0 =	seq.s32 s7, s2  }
0x1e: {  	s7 =	smul.u32 @!p0 $0xF7A, s2;
	p2 =	seq.s32 @!p0 s5, $0x0  }
0x1f: {  	s9 =	smul.u32 $0xF7A, s1;
	s8 =	simm.s32 @!p0 $0x1BF5;
	p2 =	por !p2, p0  }
0x20: {  	[sflag:s8] =	ssyncset.s32 @!p0 $0xFFFFF086;
	s6 =	sadd.s32 @!p0 s3, s7;
	s7 =	simm.s32 @!p0 $0x108  }
0x21: {  	s3 =	sadd.s32 s3, s9;
	s6 =	sadd.s32 @!p0 $0x88, s6;
	s7 =	simm.s32 @p2 $0x1082  }
0x22: {  	[simem:s7], [sflag:s8] =	dma.local @!p0 [hbm:s6], $0xF7A  }
0x23: {  	s9 =	sor.u32 $0xD0000000, s2;
	s6 =	simm.s32 $0x108;
	_ =	swait.ge @!p0 [sflag:s8], $0x0  }
0x24: {  	s3 =	sadd.s32 $0x88, s3;
	s6 =	simm.s32 @!p1 $0x1082;
	[sflag:s4] =	ssyncset.s32 $0xFFFFF086  }
0x25: {  	[simem:s6], [sflag:s4] =	dma.local [hbm:s3], $0xF7A  }
0x26: {  	[smem:$0x3F9B] =	sst s1;
	(tag) =	ssettag s2;
	_ =	strace s9  }
0x27: {  	s1 =	sld [smem:$0x3FAB]  }
0x28: {  	s2 =	sld [smem:$0x3FAC]  }
0x29: {  	s4 =	sld [smem:$0x3FAE]  }
0x2a: {  	p0 =	seq.s32 s5, $0x0;
	s5 =	sld [smem:$0x3FAF]  }
0x2b: {  	s6 =	sld [smem:$0x3FB0]  }
0x2c: {  	s7 =	sld [smem:$0x3FB1]  }
0x2d: {  	s3 =	simm.s32 $0x108;
	s8 =	sld [smem:$0x3FB2]  }
0x2e: {  	s3 =	simm.s32 @!p0 $0x1082;
	s9 =	sld [smem:$0x3FB3]  }
0x2f: {  	lr =	sadd.s32 s0, s3;
	s0 =	sld [smem:$0x3FAA]  }
0x30: {  	s3 =	sld [smem:$0x3FAD]  }
0x31: {  	[smem:$0x3FB6] =	sst s10  }
0x32: {  	s10 =	sld [smem:$0x3FB4];
	_ =	sdelay $0x3  }
0x33: {  	p0 =	seq.s32 s10, $0x1;
	s10 =	sld [smem:$0x3FB6];
	_ =	sdelay $0x3  }
0x34: {  	[smem:$0x3FB6] =	sst s10  }
0x35: {  	s10 =	sld [smem:$0x3FB5];
	_ =	sdelay $0x3  }
0x36: {  	p1 =	seq.s32 s10, $0x1;
	s10 =	sld [smem:$0x3FB6];
	_ =	sdelay $0x3  }
0x37: {  	[smem:$0x3FB6] =	sst s10  }
0x38: {  	s10 =	sld [smem:$0x3FB7]  }
0x39: {  	_ = 	snop;
	(pc) =	sbr.ind lr, $3  }
0x3a: {  	_ = 	snop  }
0x3b: {  	_ = 	snop  }
0x3c: {  	p2 =	seq.s32 s10, $0x1;
	s10 =	sld [smem:$0x3FB6]  }
0x3d: {  	_ =	shalt  }
0x3e: {  	_ =	shalt  }
0x3f: {  	_ =	shalt  }
0x40: {  	_ =	shalt  }
0x41: {  	_ =	shalt  }
0x42: {  	_ =	shalt  }
0x43: {  	_ =	shalt  }
0x44: {  	_ =	shalt  }
0x45: {  	_ =	shalt  }
0x46: {  	_ =	shalt  }
0x47: {  	_ =	shalt  }
0x48: {  	_ =	shalt  }
0x49: {  	_ =	shalt  }
0x4a: {  	_ =	shalt  }
0x4b: {  	_ =	shalt  }
0x4c: {  	_ =	shalt  }
0x4d: {  	_ =	shalt  }
0x4e: {  	_ =	shalt  }
0x4f: {  	_ =	shalt  }
0x50: {  	_ =	shalt  }
0x51: {  	_ =	shalt  }
0x52: {  	_ =	shalt  }
0x53: {  	_ =	shalt  }
0x54: {  	_ =	shalt  }
0x55: {  	_ =	shalt  }
0x56: {  	_ =	shalt  }
0x57: {  	_ =	shalt  }
0x58: {  	_ =	shalt  }
0x59: {  	_ =	shalt  }
0x5a: {  	_ =	shalt  }
0x5b: {  	_ =	shalt  }
0x5c: {  	_ =	shalt  }
0x5d: {  	_ =	shalt  }
0x5e: {  	_ =	shalt  }
0x5f: {  	_ =	shalt  }
0x60: {  	_ =	shalt  }
0x61: {  	_ =	shalt  }
0x62: {  	_ =	shalt  }
0x63: {  	_ =	shalt  }
0x64: {  	_ =	shalt  }
0x65: {  	_ =	shalt  }
0x66: {  	_ =	shalt  }
0x67: {  	_ =	shalt  }
0x68: {  	_ =	shalt  }
0x69: {  	_ =	shalt  }
0x6a: {  	_ =	shalt  }
0x6b: {  	_ =	shalt  }
0x6c: {  	_ =	shalt  }
0x6d: {  	_ =	shalt  }
0x6e: {  	_ =	shalt  }
0x6f: {  	_ =	shalt  }
0x70: {  	_ =	shalt  }
0x71: {  	_ =	shalt  }
0x72: {  	_ =	shalt  }
0x73: {  	_ =	shalt  }
0x74: {  	_ =	shalt  }
0x75: {  	_ =	shalt  }
0x76: {  	_ =	shalt  }
0x77: {  	_ =	shalt  }
0x78: {  	_ =	shalt  }
0x79: {  	_ =	shalt  }
0x7a: {  	_ =	shalt  }
0x7b: {  	_ =	shalt  }
0x7c: {  	_ =	shalt  }
0x7d: {  	_ =	shalt  }
0x7e: {  	_ =	shalt  }
0x7f: {  	_ =	shalt  }
0x80: {  	_ =	shalt  }
0x81: {  	_ =	shalt  }
0x82: {  	_ =	shalt  }
0x83: {  	_ =	shalt  }
0x84: {  	_ =	shalt  }
0x85: {  	_ =	shalt  }
0x86: {  	_ =	shalt  }
0x87: {  	_ =	shalt  }
.Lfunc_end0:
.L_simem_size_0:
called_computation_lowered:
.L_overlay_start_0:
0x88: {  	s2 =	sld [smem:$0x3FD9]  }
0x89: {  	s3 =	sld [smem:$0x3FFE];
	_ =	sdelay $0x1  }
0x8a: {  	s1 =	srdreg.scid  }
0x8b: {  	s0 =	sand.u32 $0x1, s1  }
0x8c: {  	s17 =	sshll.u32 s0, $0xA;
	s2 =	sadd.s32 s3, s2  }
0x8d: {  	s2 =	sadd.s32 s2, s17  }
0x8e: {  	[smem:$0x3FC2] =	sst s2  }
0x8f: {  	_ = 	snop  }
0x90: {  	s2 =	sld [smem:$0x3FD0];
	(tm) =	ssettm $0x1  }
0x91: {  	s18 =	sld [smem:$0x3FFB];
	_ =	sdelay $0x3  }
0x92: {  	_ =	strace s18  }
0x93: {  	s3 =	sld [smem:$0x3FFC];
	_ =	sdelay $0x3  }
0x94: {  	_ =	strace s3  }
0x95: {  	s3 =	sld [smem:$0x3FFD];
	_ =	sdelay $0x3  }
0x96: {  	_ =	strace s3  }
0x97: {  	_ =	strace $0x8FFFFFFF  }
0x98: {  	s19 =	sld [smem:$0x3FDB];
	_ =	sdelay $0x1  }
0x99: {  	s4 =	simm.s32 $_scs_section_size  }
0x9a: {  	s5 =	simm.s32 $_size__tile_overlayer_lowered;
	s6 =	simm.s32 $_tile_overlayer_lowered  }
0x9b: {  	s22 =	simm.s32 $0x1BFF;
	s21 =	sshll.u32 s6, $0x1;
	s3 =	sadd.s32 s4, s19  }
0x9c: {  	s7 =	simm.s32 $0x0;
	s20 =	sshll.u32 s5, $0x1;
	s5 =	sadd.s32 s21, s3  }
0x9d: {  	[timem:s7], [sflag:s22] =	dma.local [hbm:s5], s20  }
0x9e: {  	_ =	swait.ge [sflag:s22], s20  }
0x9f: {  	s4 =	ssub.s32 $0x0, s20;
	[sflag:s22] =	ssyncset.done $0x0  }
0xa0: {  	[sflag:s22] =	ssyncadd.s32 s4;
	_ =	sdelay $0x1  }
0xa1: {  	s23 =	simm.s32 $0x1B8B  }
0xa2: {  	_ =	swait.ge [sflag:s23], $0x1  }
0xa3: {  	[sflag:s23] =	ssyncset.done $0x0  }
0xa4: {  	s25 =	simm.s32 $0x1B8E;
	s24 =	sld [smem:$0x3FFE];
	[sflag:s23] =	ssyncadd.s32 $0xFFFFFFFF  }
0xa5: {  	s26 =	simm.s32 $execute0_lowered;
	[smem:$0x3FD2] =	sst s25  }
0xa6: {  	s5 =	sshll.u32 s26, $0x1;
	_ =	strace $0x80000046;
	[dreg:$0x1] =	wrdreg $0xFFFFFFFF  }
0xa7: {  	s28 =	simm.s32 $_size_execute0_lowered;
	s3 =	sadd.s32 s3, s5;
	[dreg:$0x0] =	wrdreg $0x0  }
0xa8: {  	s5 =	sshll.u32 s28, $0x1;
	[dreg:$0x2] =	wrdreg s3  }
0xa9: {  	[dreg:$0x3] =	wrdreg s5  }
0xaa: {  	[dreg:$0x4] =	wrdreg $0xC0  }
0xab: {  	_ =	task [dreg:s7], $0x5FFFF  }
0xac: {  	[dreg:$0x1] =	wrdreg $0xFFFFFFFF  }
0xad: {  	[dreg:$0x0] =	wrdreg $0x60  }
0xae: {  	[dreg:$0x2] =	wrdreg s24  }
0xaf: {  	[dreg:$0x3] =	wrdreg s2  }
0xb0: {  	[dreg:$0x4] =	wrdreg $0x0  }
0xb1: {  	[dreg:$0x5] =	wrdreg $0x2800  }
0xb2: {  	[dreg:$0x6] =	wrdreg $0x9  }
0xb3: {  	_ =	task.clear_ibuf [dreg:s7], $0x7FFFF;
	_ =	strace $0x90000046  }
0xb4: {  	s29 =	simm.s32 $0x9;
	_ =	strace $0x80000048  }
0xb5: {  	_ =	swait.ge [sflag:s29], $0x1  }
0xb6: {  	[sflag:s29] =	ssyncadd.s32 $0xFFFFFFFF  }
0xb7: {  	_ =	strace $0x90000048  }
0xb8: {  	_ =	sfence  }
0xb9: {  	s30 =	sld [smem:$0x0];
	_ =	sdelay $0x2  }
0xba: {  	s31 =	sshll.u32 s1, $0xD;
	s1 =	sshrl.u32 s1, $0x2  }
0xbb: {  	s3 =	sand.u32 $0x4000, s31;
	s1 =	sadd.s32 s1, s30  }
0xbc: {  	s0 =	sor.u32 s3, s0;
	s1 =	sshll.u32 s1, $0x11  }
0xbd: {  	s0 =	sor.u32 s1, s0  }
0xbe: {  	s0 =	sadd.s32 $0x8F2B, s0  }
0xbf: {  	[sflag:s0] =	ssyncadd.remote.s32 $0x1  }
0xc0: {  	_ =	sfence.sel $0xFFFF  }
0xc1: {  	[dreg:$0x0] =	wrdreg $0xFFFFFFFF;
	(pc) =	sbr.abs _section_cstart, $3  }
0xc2: {  	[dreg:$0x1] =	wrdreg $0xFFFFFFFF  }
0xc3: {  	_ =	task.clear_ibuf [dreg:s7], $0x2FFFF;
	_ =	strace $0x9FFFFFFF  }
0xc4: {  	(tm) =	ssettm $0x7FFFFFFF  }
0xc5: {  	_ =	shalt  }
tec
execute0_lowered:
.L_overlay_start_1:
0x0: {  	(tag) =	ssettag $0x1  }
0x1: {  	s0 =	rddreg [dreg:$0x0]  }
0x2: {  	s10 =	rddreg [dreg:$0x1]  }
0x3: {  	s2 =	rddreg [dreg:$0x2];
	s9 =	stileid.u32  }
0x4: {  	s3 =	rddreg [dreg:$0x3];
	s7 =	smul.u32 $0x500, s9  }
0x5: {  	s1 =	srdreg.scid;
	s13 =	smul.u32 $0x2710, s9  }
0x6: {  	s5 =	simm.s32 $0x0;
	s1 =	sand.u32 $0x1, s1;
	s9 =	smul.u32 $0x280, s9  }
0x7: {  	[smem:$0x7FF] =	sst s5;
	s6 =	sadd.s32 $0x1C00, s0;
	s4 =	smul.u32 $0x5000, s1  }
0x8: {  	_ =	strace $0x80000047;
	s8 =	smul.u32 $0x27100, s1;
	s1 =	ssub.s32 $0x2, s1  }
0x9: {  	[dreg:$0x1a] =	wrdreg s6;
	s14 =	sshrl.u32 s1, $0x1;
	s21 =	sadd.s32 s9, s2  }
0xa: {  	s22 =	sadd.s32 s9, s3;
	s4 =	sadd.s32 s7, s4;
	[dreg:$0x5] =	wrdreg s21  }
0xb: {  	s7 =	sadd.s32 s13, s8;
	s1 =	ssub.s32 s1, s14;
	[dreg:$0x6] =	wrdreg s22  }
0xc: {  	s4 =	sshrl.u32 s4, $0x3;
	s15 =	sshrl.u32 s7, $0x3;
	s1 =	smax.u32 s1, $0x1  }
0xd: {  	s0 =	sadd.s32 s4, s0;
	s16 =	sadd.s32 s6, s15;
	[dreg:$0x17] =	wrdreg s1  }
0xe: {  	s17 =	sadd.s32 $0x10, s15;
	s18 =	sadd.s32 s10, s15;
	[dreg:$0x7] =	wrdreg s16  }
0xf: {  	s20 =	sadd.s32 $0x20, s15;
	[dreg:$0x8] =	wrdreg s18;
	s19 =	sadd.s32 s6, s17  }
0x10: {  	s24 =	sadd.s32 $0x30, s15;
	s8 =	sadd.s32 s10, s17;
	[dreg:$0x9] =	wrdreg s19  }
0x11: {  	s26 =	sadd.s32 $0x40, s15;
	s23 =	sadd.s32 s6, s20;
	[dreg:$0xa] =	wrdreg s8  }
0x12: {  	s12 =	sadd.s32 $0x50, s15;
	s9 =	sadd.s32 s10, s20;
	[dreg:$0xb] =	wrdreg s23  }
0x13: {  	s4 =	sadd.s32 $0x4E0, s15;
	s25 =	sadd.s32 s6, s24;
	[dreg:$0xc] =	wrdreg s9  }
0x14: {  	s11 =	sadd.s32 s6, s26;
	s13 =	sadd.s32 s6, s12;
	[dreg:$0xd] =	wrdreg s25  }
0x15: {  	s14 =	sadd.s32 s6, s4;
	s4 =	sadd.s32 s10, s4;
	[dreg:$0xf] =	wrdreg s11  }
0x16: {  	s15 =	sadd.s32 $0xBA00, s0;
	s0 =	sadd.s32 $0xBA10, s0;
	[dreg:$0x11] =	wrdreg s13  }
0x17: {  	s16 =	sadd.s32 $0x580, s7;
	s17 =	sadd.s32 $0x500, s7;
	[dreg:$0x13] =	wrdreg s14  }
0x18: {  	s18 =	sadd.s32 $0x480, s7;
	s20 =	sadd.s32 $0x400, s7;
	[dreg:$0x14] =	wrdreg s4  }
0x19: {  	s8 =	sadd.s32 s10, s24;
	s9 =	sadd.s32 s10, s26;
	[dreg:$0x15] =	wrdreg s15  }
0x1a: {  	[dreg:$0x16] =	wrdreg s0;
	s0 =	sshrl.u32 s16, $0x3;
	s1 =	sshrl.u32 s17, $0x3  }
0x1b: {  	s19 =	sshrl.u32 s18, $0x3;
	s23 =	sadd.s32 $0x380, s7;
	s25 =	sadd.s32 $0x300, s7  }
0x1c: {  	s14 =	simm.s32 $0x7;
	s13 =	simm.s32 $0xA80;
	s7 =	simm.s32 $0x80  }
0x1d: {  	s15 =	simm.s32 $0x3;
	s16 =	simm.s32 $0x4;
	[dreg:$0xe] =	wrdreg s8  }
0x1e: {  	s17 =	simm.s32 $0x5;
	s18 =	simm.s32 $0x6;
	[dreg:$0x10] =	wrdreg s9  }
0x1f: {  	s8 =	sadd.s32 s10, s12;
	s26 =	sadd.s32 s0, s10;
	s28 =	sadd.s32 s0, s6  }
0x20: {  	s29 =	sadd.s32 s1, s10;
	s30 =	sadd.s32 s1, s6;
	s31 =	sadd.s32 s19, s10  }
.Ltmp0:
0x21: {  	s0 =	sadd.s32 s19, s6;
	s1 =	sshrl.u32 s20, $0x3;
	(pc) =	sbr.rel .LBB2_1-.Ltmp0, $4  }
0x22: {  	s24 =	sshrl.u32 s23, $0x3;
	[dreg:$0x18] =	wrdreg s25;
	s25 =	simm.s32 $0x780  }
0x23: {  	s12 =	simm.s32 $0x1;
	s20 =	simm.s32 $0x0;
	[dreg:$0x12] =	wrdreg s8  }
0x24: {  	s4 =	sadd.s32 s1, s10;
	s9 =	sadd.s32 s1, s6;
	s10 =	sadd.s32 s24, s10  }
0x25: {  	v0 =	vimm.f32 $0.0e+00;
	v1 =	vimm.f32 $1.000000000e+00;
	s11 =	sadd.s32 s24, s6;
	s8 =	simm.s32 $0xE80;
	s1 =	simm.s32 $0x2  }
.LBB2_4:
0x26: {  	s19 =	rddreg [dreg:$0x13];
	s20 =	simm.s32 $0xB00  }
0x27: {  	[tilespmem:s20], [sflag:$0x7] =	stream.linear.gather [hbm4b:s19+s5], $0x10, $0x38;
	[tilespmem:$0xF00] =	vst v63  }
0x28: {  	_ =	swait.ge [sflag:s14], $0x10  }
0x29: {  	[sflag:s14] =	ssyncset.done $0x0  }
0x2a: {  	s21 =	simm.s32 $0xB80;
	s22 =	rddreg [dreg:$0x14];
	[sflag:s14] =	ssyncadd.s32 $0xFFFFFFF0  }
0x2b: {  	[tilespmem:s21], [sflag:$0x7] =	stream.linear.gather [hbm4b:s22+s5], $0x10, $0x38;
	[tilespmem:$0xF00] =	vst v63  }
0x2c: {  	_ =	swait.ge [sflag:s14], $0x10  }
0x2d: {  	[sflag:s14] =	ssyncset.done $0x0  }
0x2e: {  	s24 =	simm.s32 $0x10;
	[sflag:s14] =	ssyncadd.s32 $0xFFFFFFF0  }
0x2f: {  	[spmem:s2] =	stream.indirect.scatter.add.f32 [tilespmem:s8], [sflag:$0x7], $0x1, s20, s24, $0xb8;
	[tilespmem:$0xF00] =	vst v63  }
0x30: {  	_ =	swait.ge [sflag:s14], $0x10  }
0x31: {  	[sflag:s14] =	ssyncset.done $0x0  }
0x32: {  	[sflag:s14] =	ssyncadd.s32 $0xFFFFFFF0  }
0x33: {  	[spmem:s3] =	stream.indirect.scatter.add.f32 [tilespmem:s8], [sflag:$0x7], $0x1, s21, s24, $0xb8;
	[tilespmem:$0xF00] =	vst v63  }
0x34: {  	_ =	swait.ge [sflag:s14], $0x10  }
0x35: {  	[sflag:s14] =	ssyncset.done $0x0  }
0x36: {  	[sflag:s14] =	ssyncadd.s32 $0xFFFFFFF0  }
0x37: {  	s23 =	stileid.u32;
	[bflag:$0x0] =	sbarrier.arrive $0xFFFF  }
0x38: {  	s19 =	sshll.u32 s23, $0x6;
	s23 =	simm.s32 $0x20;
	s21 =	rddreg [dreg:$0x5]  }
0x39: {  	s19 =	sor.u32 $0x1C07, s19;
	s22 =	rddreg [dreg:$0x15];
	s6 =	sshrl.u32 s21, $0x3  }
0x3a: {  	[hbm:s22@s23], [sflag:s19] =	dma.strided [spmem:s6@s24], $0x50, s12, $0x10   }
0x3b: {  	s22 =	simm.s32 $0x20;
	_ =	swait.ge [sflag:s14], $0x50  }
0x3c: {  	s24 =	simm.s32 $0x10;
	[sflag:s14] =	ssyncset.done $0x0;
	s6 =	rddreg [dreg:$0x6]  }
0x3d: {  	s23 =	rddreg [dreg:$0x16];
	[sflag:s14] =	ssyncadd.s32 $0xFFFFFFB0;
	s20 =	sshrl.u32 s6, $0x3  }
0x3e: {  	[hbm:s23@s22], [sflag:s19] =	dma.strided [spmem:s20@s24], $0x50, s12, $0x10   }
0x3f: {  	s22 =	smov.u32 s6;
	s6 =	rddreg [dreg:$0x1a];
	_ =	swait.ge [sflag:s14], $0x50  }
0x40: {  	s23 =	rddreg [dreg:$0x19]  }
0x41: {  	s24 =	rddreg [dreg:$0x17];
	s20 =	sadd.s32 $0x1, s23  }
0x42: {  	p0 =	sne.s32 s20, s24  }
.Ltmp1:
0x43: {  	_ = 	snop;
	(pc) =	sbr.rel @!p0 .LBB2_5-.Ltmp1, $3  }
0x44: {  	_ =	sdelay $0x1  }
0x45: {  	[sflag:s14] =	ssyncset.done $0x0  }
0x46: {  	[sflag:s14] =	ssyncadd.s32 $0xFFFFFFB0  }
.LBB2_1:
0x47: {  	[tilespmem:$0xC00] =	vst v0  }
0x48: {  	[tilespmem:$0xC10] =	vst v0  }
0x49: {  	[tilespmem:$0xC20] =	vst v0  }
0x4a: {  	[tilespmem:$0xC30] =	vst v0  }
0x4b: {  	[tilespmem:$0xC40] =	vst v0  }
0x4c: {  	[tilespmem:$0xC50] =	vst v0  }
0x4d: {  	[tilespmem:$0xC60] =	vst v0  }
0x4e: {  	[tilespmem:$0xC70] =	vst v0  }
0x4f: {  	[tilespmem:$0xC80] =	vst v0  }
0x50: {  	[tilespmem:$0xC90] =	vst v0  }
0x51: {  	[tilespmem:$0xCA0] =	vst v0  }
0x52: {  	[tilespmem:$0xCB0] =	vst v0  }
0x53: {  	[tilespmem:$0xCC0] =	vst v0  }
0x54: {  	[tilespmem:$0xCD0] =	vst v0  }
0x55: {  	[tilespmem:$0xCE0] =	vst v0  }
0x56: {  	[tilespmem:$0xCF0] =	vst v0  }
0x57: {  	[tilespmem:$0xD00] =	vst v0  }
0x58: {  	[tilespmem:$0xD10] =	vst v0  }
0x59: {  	[tilespmem:$0xD20] =	vst v0  }
0x5a: {  	[tilespmem:$0xD30] =	vst v0  }
0x5b: {  	[tilespmem:$0xD40] =	vst v0  }
0x5c: {  	[tilespmem:$0xD50] =	vst v0  }
0x5d: {  	[tilespmem:$0xD60] =	vst v0  }
0x5e: {  	[tilespmem:$0xD70] =	vst v0  }
0x5f: {  	[tilespmem:$0xD80] =	vst v0  }
0x60: {  	[tilespmem:$0xD90] =	vst v0  }
0x61: {  	[tilespmem:$0xDA0] =	vst v0  }
0x62: {  	[tilespmem:$0xDB0] =	vst v0  }
0x63: {  	[tilespmem:$0xDC0] =	vst v0  }
0x64: {  	[tilespmem:$0xDD0] =	vst v0  }
0x65: {  	[tilespmem:$0xDE0] =	vst v0  }
0x66: {  	[tilespmem:$0xDF0] =	vst v0  }
0x67: {  	[tilespmem:$0xE00] =	vst v0  }
0x68: {  	[tilespmem:$0xE10] =	vst v0  }
0x69: {  	[tilespmem:$0xE20] =	vst v0  }
0x6a: {  	[tilespmem:$0xE30] =	vst v0  }
0x6b: {  	[tilespmem:$0xE40] =	vst v0  }
0x6c: {  	[tilespmem:$0xE50] =	vst v0  }
0x6d: {  	[tilespmem:$0xE60] =	vst v0  }
0x6e: {  	[tilespmem:$0xE70] =	vst v0  }
0x6f: {  	[tilespmem:$0xE80] =	vst v1  }
0x70: {  	[tilespmem:$0xE90] =	vst v1  }
0x71: {  	[tilespmem:$0xEA0] =	vst v1  }
0x72: {  	[tilespmem:$0xEB0] =	vst v1  }
0x73: {  	[tilespmem:$0xEC0] =	vst v1  }
0x74: {  	[tilespmem:$0xED0] =	vst v1  }
0x75: {  	[tilespmem:$0xEE0] =	vst v1  }
0x76: {  	[dreg:$0x19] =	wrdreg s20;
	[tilespmem:$0xEF0] =	vst v1;
	s19 =	simm.s32 $0xC00  }
0x77: {  	[spmem:s21] =	stream.linear.scatter [tilespmem:s19], [sflag:$0x7], $0x280, $0x38;
	[tilespmem:$0xF00] =	vst v63  }
0x78: {  	_ =	swait.ge [sflag:s14], $0x280  }
0x79: {  	[sflag:s14] =	ssyncset.done $0x0  }
0x7a: {  	[sflag:s14] =	ssyncadd.s32 $0xFFFFFD80  }
0x7b: {  	[spmem:s22] =	stream.linear.scatter [tilespmem:s19], [sflag:$0x7], $0x280, $0x38;
	[tilespmem:$0xF00] =	vst v63  }
0x7c: {  	_ =	swait.ge [sflag:s14], $0x280  }
0x7d: {  	[sflag:s14] =	ssyncset.done $0x0  }
0x7e: {  	[sflag:s14] =	ssyncadd.s32 $0xFFFFFD80  }
0x7f: {  	[bflag:$0x0] =	sbarrier.arrive $0xFFFF  }
0x80: {  	s23 =	rddreg [dreg:$0x7]  }
0x81: {  	s24 =	simm.s32 $0x500;
	s21 =	rddreg [dreg:$0x8]  }
0x82: {  	[tilespmem:s24], [sflag:$0x1] =	stream.linear.gather [hbm4b:s23+s5], $0x80, $0x38;
	[tilespmem:$0xF00] =	vst v63  }
0x83: {  	s22 =	simm.s32 $0x800;
	s19 =	rddreg [dreg:$0x18]  }
0x84: {  	[tilespmem:s22], [sflag:$0x1] =	stream.linear.gather [hbm4b:s21+s5], $0x80, $0x38;
	[tilespmem:$0xF00] =	vst v63  }
0x85: {  	s23 =	rddreg [dreg:$0x9];
	s24 =	simm.s32 $0x580  }
0x86: {  	[tilespmem:s24], [sflag:$0x2] =	stream.linear.gather [hbm4b:s23+s5], $0x80, $0x38;
	[tilespmem:$0xF00] =	vst v63  }
0x87: {  	s21 =	rddreg [dreg:$0xa];
	s22 =	simm.s32 $0x880  }
0x88: {  	[tilespmem:s22], [sflag:$0x2] =	stream.linear.gather [hbm4b:s21+s5], $0x80, $0x38;
	[tilespmem:$0xF00] =	vst v63  }
0x89: {  	s23 =	rddreg [dreg:$0xb];
	s24 =	simm.s32 $0x600  }
0x8a: {  	[tilespmem:s24], [sflag:$0x3] =	stream.linear.gather [hbm4b:s23+s5], $0x80, $0x38;
	[tilespmem:$0xF00] =	vst v63  }
0x8b: {  	s21 =	rddreg [dreg:$0xc];
	s22 =	simm.s32 $0x900  }
0x8c: {  	[tilespmem:s22], [sflag:$0x3] =	stream.linear.gather [hbm4b:s21+s5], $0x80, $0x38;
	[tilespmem:$0xF00] =	vst v63  }
0x8d: {  	s23 =	rddreg [dreg:$0xd];
	s24 =	simm.s32 $0x680  }
0x8e: {  	[tilespmem:s24], [sflag:$0x4] =	stream.linear.gather [hbm4b:s23+s5], $0x80, $0x38;
	[tilespmem:$0xF00] =	vst v63  }
0x8f: {  	s21 =	rddreg [dreg:$0xe];
	s22 =	simm.s32 $0x980  }
0x90: {  	[tilespmem:s22], [sflag:$0x4] =	stream.linear.gather [hbm4b:s21+s5], $0x80, $0x38;
	[tilespmem:$0xF00] =	vst v63  }
0x91: {  	s23 =	rddreg [dreg:$0xf];
	s24 =	simm.s32 $0x700  }
0x92: {  	[tilespmem:s24], [sflag:$0x5] =	stream.linear.gather [hbm4b:s23+s5], $0x80, $0x38;
	[tilespmem:$0xF00] =	vst v63  }
0x93: {  	s21 =	rddreg [dreg:$0x10];
	s22 =	simm.s32 $0xA00  }
0x94: {  	[tilespmem:s22], [sflag:$0x5] =	stream.linear.gather [hbm4b:s21+s5], $0x80, $0x38;
	[tilespmem:$0xF00] =	vst v63  }
0x95: {  	s23 =	rddreg [dreg:$0x11]  }
0x96: {  	[tilespmem:s25], [sflag:$0x6] =	stream.linear.gather [hbm4b:s23+s5], $0x80, $0x38;
	[tilespmem:$0xF00] =	vst v63  }
0x97: {  	s20 =	simm.s32 $0x0;
	s24 =	rddreg [dreg:$0x12]  }
0x98: {  	[tilespmem:s13], [sflag:$0x6] =	stream.linear.gather [hbm4b:s24+s5], $0x80, $0x38;
	[tilespmem:$0xF00] =	vst v63  }
.LBB2_2:
0x99: {  	_ =	swait.ge [sflag:s12], $0x80  }
0x9a: {  	[sflag:s12] =	ssyncset.done $0x0  }
0x9b: {  	[sflag:s12] =	ssyncadd.s32 $0xFFFFFF80  }
0x9c: {  	_ =	swait.ge [sflag:s12], $0x80  }
0x9d: {  	[sflag:s12] =	ssyncset.done $0x0  }
0x9e: {  	s21 =	simm.s32 $0x500;
	[sflag:s12] =	ssyncadd.s32 $0xFFFFFF80  }
0x9f: {  	[spmem:s2] =	stream.indirect.scatter.add.f32 [tilespmem:s8], [sflag:$0x7], $0x1, s21, s7, $0xb8;
	[tilespmem:$0xF00] =	vst v63  }
0xa0: {  	_ =	swait.ge [sflag:s14], $0x80  }
0xa1: {  	[sflag:s14] =	ssyncset.done $0x0  }
0xa2: {  	s22 =	simm.s32 $0x800;
	[sflag:s14] =	ssyncadd.s32 $0xFFFFFF80  }
0xa3: {  	[spmem:s3] =	stream.indirect.scatter.add.f32 [tilespmem:s8], [sflag:$0x7], $0x1, s22, s7, $0xb8;
	[tilespmem:$0xF00] =	vst v63  }
0xa4: {  	p0 =	seq.s32 s20, $0x480;
	_ =	swait.ge [sflag:s14], $0x80  }
0xa5: {  	s24 =	simm.s32 @!p0 $0x500;
	s22 =	sshrl.u32 @!p0 s19, $0x3;
	[sflag:s14] =	ssyncset.done $0x0  }
0xa6: {  	s21 =	simm.s32 @!p0 $0x0;
	s23 =	sadd.s32 @!p0 s6, s22;
	[sflag:s14] =	ssyncadd.s32 $0xFFFFFF80  }
0xa7: {  	[tilespmem:s24], [sflag:$0x1] =	stream.linear.gather @!p0 [hbm4b:s23+s21], $0x80, $0x38;
	[tilespmem:$0xF00] =	vst v63  }
0xa8: {  	s23 =	rddreg [dreg:$0x1]  }
0xa9: {  	s22 =	sadd.s32 @!p0 s23, s22;
	s23 =	simm.s32 @!p0 $0x800  }
0xaa: {  	[tilespmem:s23], [sflag:$0x1] =	stream.linear.gather @!p0 [hbm4b:s22+s21], $0x80, $0x38;
	[tilespmem:$0xF00] =	vst v63  }
0xab: {  	_ =	swait.ge [sflag:s1], $0x80  }
0xac: {  	[sflag:s1] =	ssyncset.done $0x0  }
0xad: {  	[sflag:s1] =	ssyncadd.s32 $0xFFFFFF80  }
0xae: {  	_ =	swait.ge [sflag:s1], $0x80  }
0xaf: {  	[sflag:s1] =	ssyncset.done $0x0  }
0xb0: {  	s23 =	simm.s32 $0x580;
	[sflag:s1] =	ssyncadd.s32 $0xFFFFFF80  }
0xb1: {  	[spmem:s2] =	stream.indirect.scatter.add.f32 [tilespmem:s8], [sflag:$0x7], $0x1, s23, s7, $0xb8;
	[tilespmem:$0xF00] =	vst v63  }
0xb2: {  	_ =	swait.ge [sflag:s14], $0x80  }
0xb3: {  	[sflag:s14] =	ssyncset.done $0x0  }
0xb4: {  	s24 =	simm.s32 $0x880;
	[sflag:s14] =	ssyncadd.s32 $0xFFFFFF80  }
0xb5: {  	[spmem:s3] =	stream.indirect.scatter.add.f32 [tilespmem:s8], [sflag:$0x7], $0x1, s24, s7, $0xb8;
	[tilespmem:$0xF00] =	vst v63  }
0xb6: {  	_ =	swait.ge [sflag:s14], $0x80  }
0xb7: {  	[sflag:s14] =	ssyncset.done $0x0  }
0xb8: {  	s22 =	sadd.s32 @!p0 s20, s11;
	s23 =	simm.s32 @!p0 $0x580;
	[sflag:s14] =	ssyncadd.s32 $0xFFFFFF80  }
0xb9: {  	[tilespmem:s23], [sflag:$0x2] =	stream.linear.gather @!p0 [hbm4b:s22+s21], $0x80, $0x38;
	[tilespmem:$0xF00] =	vst v63  }
0xba: {  	s22 =	sadd.s32 @!p0 s20, s10;
	s23 =	simm.s32 @!p0 $0x880  }
0xbb: {  	[tilespmem:s23], [sflag:$0x2] =	stream.linear.gather @!p0 [hbm4b:s22+s21], $0x80, $0x38;
	[tilespmem:$0xF00] =	vst v63  }
0xbc: {  	_ =	swait.ge [sflag:s15], $0x80  }
0xbd: {  	[sflag:s15] =	ssyncset.done $0x0  }
0xbe: {  	[sflag:s15] =	ssyncadd.s32 $0xFFFFFF80  }
0xbf: {  	_ =	swait.ge [sflag:s15], $0x80  }
0xc0: {  	[sflag:s15] =	ssyncset.done $0x0  }
0xc1: {  	s23 =	simm.s32 $0x600;
	[sflag:s15] =	ssyncadd.s32 $0xFFFFFF80  }
0xc2: {  	[spmem:s2] =	stream.indirect.scatter.add.f32 [tilespmem:s8], [sflag:$0x7], $0x1, s23, s7, $0xb8;
	[tilespmem:$0xF00] =	vst v63  }
0xc3: {  	_ =	swait.ge [sflag:s14], $0x80  }
0xc4: {  	[sflag:s14] =	ssyncset.done $0x0  }
0xc5: {  	s24 =	simm.s32 $0x900;
	[sflag:s14] =	ssyncadd.s32 $0xFFFFFF80  }
0xc6: {  	[spmem:s3] =	stream.indirect.scatter.add.f32 [tilespmem:s8], [sflag:$0x7], $0x1, s24, s7, $0xb8;
	[tilespmem:$0xF00] =	vst v63  }
0xc7: {  	_ =	swait.ge [sflag:s14], $0x80  }
0xc8: {  	[sflag:s14] =	ssyncset.done $0x0  }
0xc9: {  	s22 =	sadd.s32 @!p0 s20, s9;
	s23 =	simm.s32 @!p0 $0x600;
	[sflag:s14] =	ssyncadd.s32 $0xFFFFFF80  }
0xca: {  	[tilespmem:s23], [sflag:$0x3] =	stream.linear.gather @!p0 [hbm4b:s22+s21], $0x80, $0x38;
	[tilespmem:$0xF00] =	vst v63  }
0xcb: {  	s22 =	sadd.s32 @!p0 s20, s4;
	s23 =	simm.s32 @!p0 $0x900  }
0xcc: {  	[tilespmem:s23], [sflag:$0x3] =	stream.linear.gather @!p0 [hbm4b:s22+s21], $0x80, $0x38;
	[tilespmem:$0xF00] =	vst v63  }
0xcd: {  	_ =	swait.ge [sflag:s16], $0x80  }
0xce: {  	[sflag:s16] =	ssyncset.done $0x0  }
0xcf: {  	[sflag:s16] =	ssyncadd.s32 $0xFFFFFF80  }
0xd0: {  	_ =	swait.ge [sflag:s16], $0x80  }
0xd1: {  	[sflag:s16] =	ssyncset.done $0x0  }
0xd2: {  	s23 =	simm.s32 $0x680;
	[sflag:s16] =	ssyncadd.s32 $0xFFFFFF80  }
0xd3: {  	[spmem:s2] =	stream.indirect.scatter.add.f32 [tilespmem:s8], [sflag:$0x7], $0x1, s23, s7, $0xb8;
	[tilespmem:$0xF00] =	vst v63  }
0xd4: {  	_ =	swait.ge [sflag:s14], $0x80  }
0xd5: {  	[sflag:s14] =	ssyncset.done $0x0  }
0xd6: {  	s24 =	simm.s32 $0x980;
	[sflag:s14] =	ssyncadd.s32 $0xFFFFFF80  }
0xd7: {  	[spmem:s3] =	stream.indirect.scatter.add.f32 [tilespmem:s8], [sflag:$0x7], $0x1, s24, s7, $0xb8;
	[tilespmem:$0xF00] =	vst v63  }
0xd8: {  	_ =	swait.ge [sflag:s14], $0x80  }
0xd9: {  	[sflag:s14] =	ssyncset.done $0x0  }
0xda: {  	s22 =	sadd.s32 @!p0 s20, s0;
	s23 =	simm.s32 @!p0 $0x680;
	[sflag:s14] =	ssyncadd.s32 $0xFFFFFF80  }
0xdb: {  	[tilespmem:s23], [sflag:$0x4] =	stream.linear.gather @!p0 [hbm4b:s22+s21], $0x80, $0x38;
	[tilespmem:$0xF00] =	vst v63  }
0xdc: {  	s22 =	sadd.s32 @!p0 s20, s31;
	s23 =	simm.s32 @!p0 $0x980  }
0xdd: {  	[tilespmem:s23], [sflag:$0x4] =	stream.linear.gather @!p0 [hbm4b:s22+s21], $0x80, $0x38;
	[tilespmem:$0xF00] =	vst v63  }
0xde: {  	_ =	swait.ge [sflag:s17], $0x80  }
0xdf: {  	[sflag:s17] =	ssyncset.done $0x0  }
0xe0: {  	[sflag:s17] =	ssyncadd.s32 $0xFFFFFF80  }
0xe1: {  	_ =	swait.ge [sflag:s17], $0x80  }
0xe2: {  	[sflag:s17] =	ssyncset.done $0x0  }
0xe3: {  	s23 =	simm.s32 $0x700;
	[sflag:s17] =	ssyncadd.s32 $0xFFFFFF80  }
0xe4: {  	[spmem:s2] =	stream.indirect.scatter.add.f32 [tilespmem:s8], [sflag:$0x7], $0x1, s23, s7, $0xb8;
	[tilespmem:$0xF00] =	vst v63  }
0xe5: {  	_ =	swait.ge [sflag:s14], $0x80  }
0xe6: {  	[sflag:s14] =	ssyncset.done $0x0  }
0xe7: {  	s24 =	simm.s32 $0xA00;
	[sflag:s14] =	ssyncadd.s32 $0xFFFFFF80  }
0xe8: {  	[spmem:s3] =	stream.indirect.scatter.add.f32 [tilespmem:s8], [sflag:$0x7], $0x1, s24, s7, $0xb8;
	[tilespmem:$0xF00] =	vst v63  }
0xe9: {  	_ =	swait.ge [sflag:s14], $0x80  }
0xea: {  	[sflag:s14] =	ssyncset.done $0x0  }
0xeb: {  	s22 =	sadd.s32 @!p0 s20, s30;
	s23 =	simm.s32 @!p0 $0x700;
	[sflag:s14] =	ssyncadd.s32 $0xFFFFFF80  }
0xec: {  	[tilespmem:s23], [sflag:$0x5] =	stream.linear.gather @!p0 [hbm4b:s22+s21], $0x80, $0x38;
	[tilespmem:$0xF00] =	vst v63  }
0xed: {  	s22 =	sadd.s32 @!p0 s20, s29;
	s23 =	simm.s32 @!p0 $0xA00  }
0xee: {  	[tilespmem:s23], [sflag:$0x5] =	stream.linear.gather @!p0 [hbm4b:s22+s21], $0x80, $0x38;
	[tilespmem:$0xF00] =	vst v63  }
0xef: {  	_ =	swait.ge [sflag:s18], $0x80  }
0xf0: {  	[sflag:s18] =	ssyncset.done $0x0  }
0xf1: {  	[sflag:s18] =	ssyncadd.s32 $0xFFFFFF80  }
0xf2: {  	_ =	swait.ge [sflag:s18], $0x80  }
0xf3: {  	[sflag:s18] =	ssyncset.done $0x0  }
0xf4: {  	[sflag:s18] =	ssyncadd.s32 $0xFFFFFF80  }
0xf5: {  	[spmem:s2] =	stream.indirect.scatter.add.f32 [tilespmem:s8], [sflag:$0x7], $0x1, s25, s7, $0xb8;
	[tilespmem:$0xF00] =	vst v63  }
0xf6: {  	_ =	swait.ge [sflag:s14], $0x80  }
0xf7: {  	[sflag:s14] =	ssyncset.done $0x0  }
.Ltmp2:
0xf8: {  	[sflag:s14] =	ssyncadd.s32 $0xFFFFFF80;
	(pc) =	sbr.rel @p0 .LBB2_4-.Ltmp2, $4  }
0xf9: {  	[spmem:s3] =	stream.indirect.scatter.add.f32 [tilespmem:s8], [sflag:$0x7], $0x1, s13, s7, $0xb8;
	[tilespmem:$0xF00] =	vst v63  }
0xfa: {  	_ =	swait.ge [sflag:s14], $0x80  }
0xfb: {  	[sflag:s14] =	ssyncset.done $0x0  }
0xfc: {  	[sflag:s14] =	ssyncadd.s32 $0xFFFFFF80  }
.Ltmp3:
0xfd: {  	(pc) =	sbr.rel .LBB2_2-.Ltmp3, $4  }
0xfe: {  	s21 =	sadd.s32 s20, s28  }
0xff: {  	[tilespmem:s25], [sflag:$0x6] =	stream.linear.gather [hbm4b:s21+s5], $0x80, $0x38;
	[tilespmem:$0xF00] =	vst v63  }
0x100: {  	s24 =	sadd.s32 s20, s26;
	s20 =	sadd.s32 $0x60, s20;
	s19 =	sadd.s32 $0x300, s19  }
0x101: {  	[tilespmem:s13], [sflag:$0x6] =	stream.linear.gather [hbm4b:s24+s5], $0x80, $0x38;
	[tilespmem:$0xF00] =	vst v63  }
.LBB2_5:
0x102: {  	_ =	sfence.sel $0x180000  }
0x103: {  	[bflag:$0x0] =	sbarrier.arrive $0xFFFF  }
0x104: {  	_ =	strace $0x90000047  }
0x105: {  	s0 =	stileid.u32;
	[bflag:$0x2] =	sbarrier.arrive $0xFFFF  }
0x106: {  	p0 =	sne.s32 s0, $0x0;
	s0 =	rddreg [dreg:$0x4]  }
0x107: {  	s0 =	sadd.s32 @!p0 $0x100000, s0  }
0x108: {  	[sflag:s0] =	ssyncadd.tile.s32 @!p0 $0x1;
	_ =	shalt  }
.Lfunc_end2:
_tile_overlayer_lowered:
.L_overlay_start_2:
0x109: {  	(tag) =	ssettag $0x2  }
0x10a: {  	s0 =	rddreg [dreg:$0x0];
	s2 =	stileid.u32  }
0x10b: {  	s1 =	rddreg [dreg:$0x1];
	p0 =	sne.s32 s2, $0x0  }
0x10c: {  	s3 =	rddreg [dreg:$0x2];
	[bflag:$0x3] =	sbarrier.arrive $0xFFFF;
	s2 =	simm.s32 @!p0 $0x1C07  }
0x10d: {  	[timem:s3], [sflag:s2] =	dma.local @!p0 [hbm:s0], s1  }
0x10e: {  	s0 =	simm.s32 @!p0 $0x7  }
0x10f: {  	_ =	swait.ge @!p0 [sflag:s0], s1  }
0x110: {  	s1 =	ssub.s32 @!p0 $0x0, s1;
	[sflag:s0] =	ssyncset.done @!p0 $0x0  }
0x111: {  	[sflag:s0] =	ssyncadd.s32 @!p0 s1  }
0x112: {  	[bflag:$0x3] =	sbarrier.arrive $0xFFFF  }
0x113: {  	_ =	shalt  }

</sc_bundles>
